<compile_context>
chip_gen: v7x
topology: tpu7x:2x2x1
jax: 0.10.2.dev20260603
libtpu: 0.0.44.dev20260713+nightly
codegen_flags: <defaults>
</compile_context>

<pallas_src>
import functools

import jax
import jax.numpy as jnp
from jax import lax
from jax.experimental import pallas as pl
from jax.experimental.pallas import tpu as pltpu
from jax.experimental.pallas import tpu_sc as plsc

N = 10000
E = 320000
D = 128
G = 64
N2 = 10240
NC = 2
NS = 16
CHUNK = 80
CPS = E // (NC * NS) // CHUNK


def _f32(*shape):
    return jax.ShapeDtypeStruct(shape, jnp.float32)


def _tc1_body(ea_ref, ew1_ref, eb1_ref, ew2_ref, eb2_ref, p1_ref, p2_ref):
    ea = ea_ref[...]
    p1_ref[...] = jnp.dot(ea, ew1_ref[...], preferred_element_type=jnp.float32) + eb1_ref[...]
    p2_ref[...] = jnp.dot(ea, ew2_ref[...], preferred_element_type=jnp.float32) + eb2_ref[...]


def _tc1(edge_attr, eW1, eb1, eW2p, eb2p):
    BE = 640
    grid = (E // BE,)
    return pl.pallas_call(
        _tc1_body,
        grid=grid,
        in_specs=[
            pl.BlockSpec((BE, 16), lambda i: (i, 0)),
            pl.BlockSpec((16, 128), lambda i: (0, 0)),
            pl.BlockSpec((1, 128), lambda i: (0, 0)),
            pl.BlockSpec((16, 16), lambda i: (0, 0)),
            pl.BlockSpec((1, 16), lambda i: (0, 0)),
        ],
        out_specs=[
            pl.BlockSpec((BE, 128), lambda i: (i, 0)),
            pl.BlockSpec((BE, 16), lambda i: (i, 0)),
        ],
        out_shape=[_f32(E, 128), _f32(E, 16)],
    )(edge_attr, eW1, eb1, eW2p, eb2p)


def _sc_seg_body(width, tab_hbm, p_hbm, src_hbm, dst_hbm, out_hbm,
                 trows, prow, sidx, didx, acc, gsem, psem, isem):
    c = lax.axis_index("c")
    s = lax.axis_index("s")
    w16 = width // 16

    def _zrow(r, _):
        for cc in range(128 // 16):
            trows[0, r, pl.ds(cc * 16, 16)] = jnp.zeros((16,), jnp.float32)
        return _
    lax.fori_loop(0, CHUNK, _zrow, 0)
    row0 = s * (N2 // NS)
    for j in range(N2 // NS // CHUNK):
        pltpu.sync_copy(trows.at[0], acc.at[pl.ds(row0 + j * CHUNK, CHUNK), :])
    plsc.subcore_barrier()

    base = (c * NS + s) * CPS

    def _issue_idx(cid, slot):
        ebase = cid * CHUNK
        pltpu.async_copy(src_hbm.at[pl.ds(ebase, CHUNK)], sidx.at[slot], isem.at[slot])
        pltpu.async_copy(dst_hbm.at[pl.ds(ebase, CHUNK)], didx.at[slot], isem.at[slot])

    def _wait_idx(slot):
        pltpu.make_async_copy(src_hbm.at[pl.ds(0, CHUNK)], sidx.at[slot], isem.at[slot]).wait()
        pltpu.make_async_copy(dst_hbm.at[pl.ds(0, CHUNK)], didx.at[slot], isem.at[slot]).wait()

    def _pslice(cid):
        return p_hbm.at[pl.ds(cid * CHUNK, CHUNK), :]

    def _issue_gp(cid, dslot, islot):
        pltpu.async_copy(tab_hbm.at[sidx.at[islot]], trows.at[dslot], gsem.at[dslot])
        pltpu.async_copy(_pslice(cid), prow.at[dslot], psem.at[dslot])

    def _wait_gp(dslot):
        pltpu.make_async_copy(tab_hbm.at[sidx.at[0]], trows.at[dslot], gsem.at[dslot]).wait()
        pltpu.make_async_copy(_pslice(0), prow.at[dslot], psem.at[dslot]).wait()

    def _compute_scatter(dslot, islot):
        def _row(r, _):
            for cc in range(w16):
                sl = pl.ds(cc * 16, 16)
                trows[dslot, r, sl] = jnp.maximum(
                    trows[dslot, r, sl] + prow[dslot, r, sl], 0.0)
            return _
        lax.fori_loop(0, CHUNK, _row, 0)
        pltpu.sync_copy(trows.at[dslot], acc.at[didx.at[islot]], add=True)

    _issue_idx(base + 0, 0)
    _issue_idx(base + 1, 1)
    _wait_idx(0)
    _issue_gp(base + 0, 0, 0)

    def _group(g, carry):
        for k in range(4):
            i = g * 4 + k

            @pl.when(i + 1 < CPS)
            def _():
                _wait_idx((k + 1) % 4)
                _issue_gp(base + i + 1, (k + 1) % 2, (k + 1) % 4)

            @pl.when(i + 2 < CPS)
            def _():
                _issue_idx(base + i + 2, (k + 2) % 4)

            _wait_gp(k % 2)
            _compute_scatter(k % 2, k)
        return carry

    lax.fori_loop(0, (CPS - 1) // 4, _group, 0)
    _wait_gp((CPS - 1) % 2)
    _compute_scatter((CPS - 1) % 2, (CPS - 1) % 4)

    plsc.subcore_barrier()
    for j in range(N2 // NS // CHUNK):
        r0 = row0 + j * CHUNK
        pltpu.sync_copy(acc.at[pl.ds(r0, CHUNK), :],
                        out_hbm.at[pl.ds(c * N2 + r0, CHUNK), :])


def _sc_seg(table, p, src, dst, width):
    mesh = plsc.VectorSubcoreMesh(core_axis_name="c", subcore_axis_name="s")
    f = pl.kernel(
        functools.partial(_sc_seg_body, width),
        out_type=_f32(NC * N2, 128),
        mesh=mesh,
        scratch_types=[
            pltpu.VMEM((2, CHUNK, 128), jnp.float32),
            pltpu.VMEM((2, CHUNK, width), jnp.float32),
            pltpu.VMEM((4, CHUNK), jnp.int32),
            pltpu.VMEM((4, CHUNK), jnp.int32),
            pltpu.VMEM_SHARED((N2, 128), jnp.float32),
            pltpu.SemaphoreType.DMA((2,)),
            pltpu.SemaphoreType.DMA((2,)),
            pltpu.SemaphoreType.DMA((4,)),
        ],
    )
    return f(table, p, src, dst)


def _tc2_body(x_ref, a0_ref, a1_ref, bi_ref, w1_ref, b1_ref, gw_ref, gb_ref,
              gm_ref, w2_ref, e1_ref, e2_ref, b2_ref, h8_ref, hw_ref):
    x = x_ref[...]
    agg = a0_ref[...] + a1_ref[...]
    eps1 = e1_ref[0, 0]
    xe = (1.0 + eps1) * x + agg
    h1 = jnp.dot(xe, w1_ref[...], preferred_element_type=jnp.float32) + b1_ref[...]

    bi = bi_ref[...]
    gid = lax.broadcasted_iota(jnp.int32, (N, G), 1)
    oh = (bi == gid).astype(jnp.float32)
    cnt = jnp.maximum(jnp.sum(oh, axis=0, keepdims=True), 1.0)
    ssum = jnp.dot(oh.T, h1, preferred_element_type=jnp.float32)
    mean = ssum / cnt.T
    sub = h1 - gm_ref[...] * jnp.dot(oh, mean, preferred_element_type=jnp.float32)
    svar = jnp.dot(oh.T, sub * sub, preferred_element_type=jnp.float32) / cnt.T
    var = jnp.dot(oh, svar, preferred_element_type=jnp.float32)
    h = gw_ref[...] * sub * lax.rsqrt(var + 1e-5) + gb_ref[...]
    h = jnp.maximum(h, 0.0)
    h8_ref[...] = h
    eps2 = e2_ref[0, 0]
    hw_ref[...] = (1.0 + eps2) * jnp.dot(h, w2_ref[...], preferred_element_type=jnp.float32) + b2_ref[...]


def _tc2(x, a0, a1, bi, W1p, b1p, gwp, gbp, gmp, W2p, eps1, eps2, b2p):
    return pl.pallas_call(
        _tc2_body,
        out_shape=[_f32(N, 128), _f32(N, 16)],
    )(x, a0, a1, bi, W1p, b1p, gwp, gbp, gmp, W2p, eps1, eps2, b2p)


def _tc3_body(hw_ref, g0_ref, g1_ref, w2_ref, o_ref):
    agg = g0_ref[...] + g1_ref[...]
    z = hw_ref[...] + jnp.dot(agg, w2_ref[...], preferred_element_type=jnp.float32)
    o_ref[...] = jax.nn.sigmoid(z)[:, 0:1]


def _tc3(hw2e, g0, g1, W2p):
    return pl.pallas_call(
        _tc3_body,
        out_shape=_f32(N, 1),
    )(hw2e, g0, g1, W2p)


def kernel(x, edge_index, edge_attr, batch_idx, eps1, eW1, eb1, W1, b1,
           gn_w, gn_b, gn_ms, eps2, eW2, eb2, W2, b2):
    f32 = jnp.float32
    src = edge_index[0]
    dst = edge_index[1]

    eW2p = jnp.zeros((16, 16), f32).at[:, :5].set(eW2)
    eb2p = jnp.zeros((1, 16), f32).at[0, :5].set(eb2)
    W1p = jnp.zeros((128, 128), f32).at[:, :5].set(W1)
    b1p = jnp.zeros((1, 128), f32).at[0, :5].set(b1)
    W2p = jnp.zeros((128, 16), f32).at[:5, 0].set(W2[:, 0])
    W2q = jnp.zeros((16, 16), f32).at[:5, 0].set(W2[:, 0])
    b2p = jnp.zeros((1, 16), f32).at[0, 0].set(b2[0])
    gwp = jnp.zeros((1, 128), f32).at[0, :5].set(gn_w)
    gbp = jnp.zeros((1, 128), f32).at[0, :5].set(gn_b)
    gmp = jnp.zeros((1, 128), f32).at[0, :5].set(gn_ms)

    p1, p2 = _tc1(edge_attr, eW1, eb1.reshape(1, 128), eW2p, eb2p)

    part = _sc_seg(x, p1, src, dst, 128)
    a0 = part[:N]
    a1 = part[N2:N2 + N]

    h128, hw2e = _tc2(x, a0, a1, batch_idx.reshape(N, 1), W1p, b1p, gwp, gbp, gmp,
                      W2p, eps1.reshape(1, 1), eps2.reshape(1, 1), b2p)

    part2 = _sc_seg(h128, p2, src, dst, 16)
    g0 = part2[:N, :16]
    g1 = part2[N2:N2 + N, :16]

    return _tc3(hw2e, g0, g1, W2q)

# --- scband reference (transcript-rebuilt; emitter-appended) ---
"""Pipeline reference for scband-gineconv-61237643706859 (READ-ONLY COPY).

The authoritative reference and input builder live on the scoring server;
editing this copy changes nothing except your own understanding.
"""

import jax, jax.numpy as jnp
import numpy as np

N = 10000
E = 320000
D = 128
ED = 16
G = 64
H = 5

def setup_inputs(seed: int = 0) -> dict:
    key = jax.random.key(seed)
    ks = jax.random.split(key, 20)
    x = jax.random.normal(ks[0], (N, D), dtype=jnp.float32)
    edge_index = jax.random.randint(ks[1], (2, E), 0, N, dtype=jnp.int32)
    edge_attr = jax.random.normal(ks[2], (E, ED), dtype=jnp.float32)
    batch_idx = jnp.sort(jax.random.randint(ks[3], (N,), 0, G, dtype=jnp.int32))
    # conv1: GINEConv(nn=Linear(D->5), edge lin: ED->D, train_eps)
    eW1 = jax.random.normal(ks[4], (ED, D), dtype=jnp.float32) / np.sqrt(ED)
    eb1 = jnp.zeros((D,), dtype=jnp.float32)
    W1 = jax.random.normal(ks[5], (D, H), dtype=jnp.float32) / np.sqrt(D)
    b1 = jnp.zeros((H,), dtype=jnp.float32)
    eps1 = jnp.zeros((), dtype=jnp.float32)
    # GraphNorm(5)
    gn_w = jnp.ones((H,), dtype=jnp.float32)
    gn_b = jnp.zeros((H,), dtype=jnp.float32)
    gn_ms = jnp.ones((H,), dtype=jnp.float32)
    # conv2: GINEConv(nn=Linear(5->1), edge lin: ED->5, train_eps)
    eW2 = jax.random.normal(ks[6], (ED, H), dtype=jnp.float32) / np.sqrt(ED)
    eb2 = jnp.zeros((H,), dtype=jnp.float32)
    W2 = jax.random.normal(ks[7], (H, 1), dtype=jnp.float32) / np.sqrt(H)
    b2 = jnp.zeros((1,), dtype=jnp.float32)
    eps2 = jnp.zeros((), dtype=jnp.float32)
    return {"x": x, "edge_index": edge_index, "edge_attr": edge_attr, "batch_idx": batch_idx,
            "eps1": eps1, "eW1": eW1, "eb1": eb1, "W1": W1, "b1": b1,
            "gn_w": gn_w, "gn_b": gn_b, "gn_ms": gn_ms,
            "eps2": eps2, "eW2": eW2, "eb2": eb2, "W2": W2, "b2": b2}

def _gine_conv(x, edge_index, edge_attr, eps, eW, eb, W, b):
    src = edge_index[0]
    dst = edge_index[1]
    msg = jax.nn.relu(x[src] + edge_attr @ eW + eb)
    agg = jax.ops.segment_sum(msg, dst, num_segments=x.shape[0])
    out = ((1.0 + eps) * x + agg) @ W + b
    return out

def _graph_norm(x, batch_idx, gn_w, gn_b, gn_ms):
    ones = jnp.ones((x.shape[0],), dtype=x.dtype)
    counts = jax.ops.segment_sum(ones, batch_idx, num_segments=G)
    counts = jnp.maximum(counts, 1.0)[:, None]
    mean = jax.ops.segment_sum(x, batch_idx, num_segments=G) / counts
    sub = x - gn_ms * mean[batch_idx]
    var = jax.ops.segment_sum(sub * sub, batch_idx, num_segments=G) / counts
    std = jnp.sqrt(var[batch_idx] + 1e-5)
    return gn_w * sub / std + gn_b

def reference(x, edge_index, edge_attr, batch_idx, eps1, eW1, eb1, W1, b1, gn_w, gn_b, gn_ms, eps2, eW2, eb2, W2, b2):
    h = _gine_conv(x, edge_index, edge_attr, eps1, eW1, eb1, W1, b1)
    h = _graph_norm(h, batch_idx, gn_w, gn_b, gn_ms)
    h = jax.nn.relu(h)
    h = _gine_conv(h, edge_index, edge_attr, eps2, eW2, eb2, W2, b2)
    return jax.nn.sigmoid(h)

if __name__ == "__main__":
    import jax
    _d = setup_inputs()
    print(jax.jit(kernel)(*tuple(_d.values())))

</pallas_src>

<mosaic_0001>
#map = affine_map<(d0, d1) -> (0, 0)>
#map1 = affine_map<(d0, d1) -> (0)>
module attributes {stable_mosaic.version = 14 : i64} {
  func.func @_sc_seg_body(%arg0: i32, %arg1: i32, %arg2: memref<10000x128xf32, #tpu.memory_space<hbm>>, %arg3: memref<320000x16xf32, #tpu.memory_space<hbm>>, %arg4: memref<320000xi32, #tpu.memory_space<hbm>>, %arg5: memref<320000xi32, #tpu.memory_space<hbm>>, %arg6: memref<20480x128xf32, #tpu.memory_space<hbm>>, %arg7: memref<2x80x128xf32, #tpu.memory_space<vmem>>, %arg8: memref<2x80x16xf32, #tpu.memory_space<vmem>>, %arg9: memref<4x80xi32, #tpu.memory_space<vmem>>, %arg10: memref<4x80xi32, #tpu.memory_space<vmem>>, %arg11: memref<10240x128xf32, #tpu.memory_space<vmem_shared>>, %arg12: memref<2x!tpu.dma_semaphore, #tpu.memory_space<semaphore_mem>>, %arg13: memref<2x!tpu.dma_semaphore, #tpu.memory_space<semaphore_mem>>, %arg14: memref<4x!tpu.dma_semaphore, #tpu.memory_space<semaphore_mem>>) attributes {dimension_semantics = [#tpu.dimension_semantics<core_parallel>, #tpu.dimension_semantics<subcore_parallel>], iteration_bounds = array<i64: 2, 16>, scalar_prefetch = 0 : i64, scratch_operands = 8 : i64, tpu.core_type = #tpu.core_type<sc_vector_subcore>, window_params = [{transform_indices = #map}, {transform_indices = #map}, {transform_indices = #map1}, {transform_indices = #map1}, {transform_indices = #map}]} {
    %scan3A = arith.constant 0 : i32
    %scan3A_0 = arith.constant 0 : i32
    %scan3A_1 = arith.constant 80 : i32
    %scan3A_2 = arith.addi %scan3A_0, %scan3A_1 : i32
    %scan3A_3 = arith.constant 1 : i32
    scf.for %scan3A_238 = %scan3A_0 to %scan3A_2 step %scan3A_3  : i32 {
      %broadcast_in_dim3A = arith.constant 0.000000e+00 : f32
      %broadcast_in_dim3A_239 = vector.broadcast %broadcast_in_dim3A : f32 to vector<16xf32>
      %swap3A = arith.constant 0 : i32
      %swap3A_240 = arith.index_cast %swap3A : i32 to index
      %swap3A_241 = arith.index_cast %scan3A_238 : i32 to index
      %swap3A_242 = arith.constant 0 : index
      %swap3A_243 = tpu.vector_load %arg7[%swap3A_240, %swap3A_241, %swap3A_242] {strides = array<i32>} : memref<2x80x128xf32, #tpu.memory_space<vmem>>, vector<1x1x16xf32>,
      %swap3A_244 = vector.shape_cast %swap3A_243 : vector<1x1x16xf32> to vector<16xf32>
      %swap3A_245 = vector.shape_cast %broadcast_in_dim3A_239 : vector<16xf32> to vector<1x1x16xf32>
      tpu.vector_store %arg7[%swap3A_240, %swap3A_241, %swap3A_242], %swap3A_245 {strides = array<i32>} : memref<2x80x128xf32, #tpu.memory_space<vmem>>, vector<1x1x16xf32>,
      %broadcast_in_dim3A_246 = arith.constant 0.000000e+00 : f32
      %broadcast_in_dim3A_247 = vector.broadcast %broadcast_in_dim3A_246 : f32 to vector<16xf32>
      %swap3A_248 = arith.constant 0 : i32
      %swap3A_249 = arith.index_cast %swap3A_248 : i32 to index
      %swap3A_250 = arith.index_cast %scan3A_238 : i32 to index
      %swap3A_251 = arith.constant 16 : index
      %swap3A_252 = tpu.vector_load %arg7[%swap3A_249, %swap3A_250, %swap3A_251] {strides = array<i32>} : memref<2x80x128xf32, #tpu.memory_space<vmem>>, vector<1x1x16xf32>,
      %swap3A_253 = vector.shape_cast %swap3A_252 : vector<1x1x16xf32> to vector<16xf32>
      %swap3A_254 = vector.shape_cast %broadcast_in_dim3A_247 : vector<16xf32> to vector<1x1x16xf32>
      tpu.vector_store %arg7[%swap3A_249, %swap3A_250, %swap3A_251], %swap3A_254 {strides = array<i32>} : memref<2x80x128xf32, #tpu.memory_space<vmem>>, vector<1x1x16xf32>,
      %broadcast_in_dim3A_255 = arith.constant 0.000000e+00 : f32
      %broadcast_in_dim3A_256 = vector.broadcast %broadcast_in_dim3A_255 : f32 to vector<16xf32>
      %swap3A_257 = arith.constant 0 : i32
      %swap3A_258 = arith.index_cast %swap3A_257 : i32 to index
      %swap3A_259 = arith.index_cast %scan3A_238 : i32 to index
      %swap3A_260 = arith.constant 32 : index
      %swap3A_261 = tpu.vector_load %arg7[%swap3A_258, %swap3A_259, %swap3A_260] {strides = array<i32>} : memref<2x80x128xf32, #tpu.memory_space<vmem>>, vector<1x1x16xf32>,
      %swap3A_262 = vector.shape_cast %swap3A_261 : vector<1x1x16xf32> to vector<16xf32>
      %swap3A_263 = vector.shape_cast %broadcast_in_dim3A_256 : vector<16xf32> to vector<1x1x16xf32>
      tpu.vector_store %arg7[%swap3A_258, %swap3A_259, %swap3A_260], %swap3A_263 {strides = array<i32>} : memref<2x80x128xf32, #tpu.memory_space<vmem>>, vector<1x1x16xf32>,
      %broadcast_in_dim3A_264 = arith.constant 0.000000e+00 : f32
      %broadcast_in_dim3A_265 = vector.broadcast %broadcast_in_dim3A_264 : f32 to vector<16xf32>
      %swap3A_266 = arith.constant 0 : i32
      %swap3A_267 = arith.index_cast %swap3A_266 : i32 to index
      %swap3A_268 = arith.index_cast %scan3A_238 : i32 to index
      %swap3A_269 = arith.constant 48 : index
      %swap3A_270 = tpu.vector_load %arg7[%swap3A_267, %swap3A_268, %swap3A_269] {strides = array<i32>} : memref<2x80x128xf32, #tpu.memory_space<vmem>>, vector<1x1x16xf32>,
      %swap3A_271 = vector.shape_cast %swap3A_270 : vector<1x1x16xf32> to vector<16xf32>
      %swap3A_272 = vector.shape_cast %broadcast_in_dim3A_265 : vector<16xf32> to vector<1x1x16xf32>
      tpu.vector_store %arg7[%swap3A_267, %swap3A_268, %swap3A_269], %swap3A_272 {strides = array<i32>} : memref<2x80x128xf32, #tpu.memory_space<vmem>>, vector<1x1x16xf32>,
      %broadcast_in_dim3A_273 = arith.constant 0.000000e+00 : f32
      %broadcast_in_dim3A_274 = vector.broadcast %broadcast_in_dim3A_273 : f32 to vector<16xf32>
      %swap3A_275 = arith.constant 0 : i32
      %swap3A_276 = arith.index_cast %swap3A_275 : i32 to index
      %swap3A_277 = arith.index_cast %scan3A_238 : i32 to index
      %swap3A_278 = arith.constant 64 : index
      %swap3A_279 = tpu.vector_load %arg7[%swap3A_276, %swap3A_277, %swap3A_278] {strides = array<i32>} : memref<2x80x128xf32, #tpu.memory_space<vmem>>, vector<1x1x16xf32>,
      %swap3A_280 = vector.shape_cast %swap3A_279 : vector<1x1x16xf32> to vector<16xf32>
      %swap3A_281 = vector.shape_cast %broadcast_in_dim3A_274 : vector<16xf32> to vector<1x1x16xf32>
      tpu.vector_store %arg7[%swap3A_276, %swap3A_277, %swap3A_278], %swap3A_281 {strides = array<i32>} : memref<2x80x128xf32, #tpu.memory_space<vmem>>, vector<1x1x16xf32>,
      %broadcast_in_dim3A_282 = arith.constant 0.000000e+00 : f32
      %broadcast_in_dim3A_283 = vector.broadcast %broadcast_in_dim3A_282 : f32 to vector<16xf32>
      %swap3A_284 = arith.constant 0 : i32
      %swap3A_285 = arith.index_cast %swap3A_284 : i32 to index
      %swap3A_286 = arith.index_cast %scan3A_238 : i32 to index
      %swap3A_287 = arith.constant 80 : index
      %swap3A_288 = tpu.vector_load %arg7[%swap3A_285, %swap3A_286, %swap3A_287] {strides = array<i32>} : memref<2x80x128xf32, #tpu.memory_space<vmem>>, vector<1x1x16xf32>,
      %swap3A_289 = vector.shape_cast %swap3A_288 : vector<1x1x16xf32> to vector<16xf32>
      %swap3A_290 = vector.shape_cast %broadcast_in_dim3A_283 : vector<16xf32> to vector<1x1x16xf32>
      tpu.vector_store %arg7[%swap3A_285, %swap3A_286, %swap3A_287], %swap3A_290 {strides = array<i32>} : memref<2x80x128xf32, #tpu.memory_space<vmem>>, vector<1x1x16xf32>,
      %broadcast_in_dim3A_291 = arith.constant 0.000000e+00 : f32
      %broadcast_in_dim3A_292 = vector.broadcast %broadcast_in_dim3A_291 : f32 to vector<16xf32>
      %swap3A_293 = arith.constant 0 : i32
      %swap3A_294 = arith.index_cast %swap3A_293 : i32 to index
      %swap3A_295 = arith.index_cast %scan3A_238 : i32 to index
      %swap3A_296 = arith.constant 96 : index
      %swap3A_297 = tpu.vector_load %arg7[%swap3A_294, %swap3A_295, %swap3A_296] {strides = array<i32>} : memref<2x80x128xf32, #tpu.memory_space<vmem>>, vector<1x1x16xf32>,
      %swap3A_298 = vector.shape_cast %swap3A_297 : vector<1x1x16xf32> to vector<16xf32>
      %swap3A_299 = vector.shape_cast %broadcast_in_dim3A_292 : vector<16xf32> to vector<1x1x16xf32>
      tpu.vector_store %arg7[%swap3A_294, %swap3A_295, %swap3A_296], %swap3A_299 {strides = array<i32>} : memref<2x80x128xf32, #tpu.memory_space<vmem>>, vector<1x1x16xf32>,
      %broadcast_in_dim3A_300 = arith.constant 0.000000e+00 : f32
      %broadcast_in_dim3A_301 = vector.broadcast %broadcast_in_dim3A_300 : f32 to vector<16xf32>
      %swap3A_302 = arith.constant 0 : i32
      %swap3A_303 = arith.index_cast %swap3A_302 : i32 to index
      %swap3A_304 = arith.index_cast %scan3A_238 : i32 to index
      %swap3A_305 = arith.constant 112 : index
      %swap3A_306 = tpu.vector_load %arg7[%swap3A_303, %swap3A_304, %swap3A_305] {strides = array<i32>} : memref<2x80x128xf32, #tpu.memory_space<vmem>>, vector<1x1x16xf32>,
      %swap3A_307 = vector.shape_cast %swap3A_306 : vector<1x1x16xf32> to vector<16xf32>
      %swap3A_308 = vector.shape_cast %broadcast_in_dim3A_301 : vector<16xf32> to vector<1x1x16xf32>
      tpu.vector_store %arg7[%swap3A_303, %swap3A_304, %swap3A_305], %swap3A_308 {strides = array<i32>} : memref<2x80x128xf32, #tpu.memory_space<vmem>>, vector<1x1x16xf32>,
    }
    %scan3A_4 = arith.constant 80 : i32
    %mul3A = arith.constant 640 : i32
    %mul3A_5 = arith.muli %arg1, %mul3A : i32
    %add3A = arith.constant 0 : i32
    %add3A_6 = arith.addi %mul3A_5, %add3A : i32
    %run_scoped3A = arith.constant 0 : i32
    "tpu.region"() ({
      %run_scoped3A_238 = tpu.sem_alloc : memref<!tpu.dma_semaphore, #tpu.memory_space<semaphore_mem>>
      %dma_start3A_239 = arith.constant 0 : i32
      %dma_start3A_240 = arith.constant 0 : i32
      %dma_start3A_241 = tpu.memref_slice %arg7[%run_scoped3A, %dma_start3A_239, %dma_start3A_240] : memref<2x80x128xf32, #tpu.memory_space<vmem>> -> memref<1x80x128xf32, #tpu.memory_space<vmem>>
      %dma_start3A_242 = tpu.memref_squeeze %dma_start3A_241 : memref<1x80x128xf32, #tpu.memory_space<vmem>> -> memref<80x128xf32, #tpu.memory_space<vmem>>
      %dma_start3A_243 = arith.constant 0 : i32
      %dma_start3A_244 = tpu.memref_slice %arg11[%add3A_6, %dma_start3A_243] : memref<10240x128xf32, #tpu.memory_space<vmem_shared>> -> memref<80x128xf32, #tpu.memory_space<vmem_shared>>
      %dma_start3A_245 = arith.constant 0 : i32
      %dma_start3A_246 = tpu.memref_slice %arg11[%add3A_6, %dma_start3A_245] : memref<10240x128xf32, #tpu.memory_space<vmem_shared>> -> memref<80x128xf32, #tpu.memory_space<vmem_shared>>
      %dma_start3A_247 = arith.constant 0 : i32
      %dma_start3A_248 = arith.constant 0 : i32
      %dma_start3A_249 = tpu.memref_slice %arg7[%run_scoped3A, %dma_start3A_247, %dma_start3A_248] : memref<2x80x128xf32, #tpu.memory_space<vmem>> -> memref<1x80x128xf32, #tpu.memory_space<vmem>>
      %dma_start3A_250 = tpu.memref_squeeze %dma_start3A_249 : memref<1x80x128xf32, #tpu.memory_space<vmem>> -> memref<80x128xf32, #tpu.memory_space<vmem>>
      tpu.enqueue_dma source(%dma_start3A_250 : memref<80x128xf32, #tpu.memory_space<vmem>>) target(%dma_start3A_246 : memref<80x128xf32, #tpu.memory_space<vmem_shared>>) target_semaphore(%run_scoped3A_238 : memref<!tpu.dma_semaphore, #tpu.memory_space<semaphore_mem>>)
      %dma_wait3A_251 = arith.constant 0 : i32
      %dma_wait3A_252 = arith.constant 0 : i32
      %dma_wait3A_253 = tpu.memref_slice %arg7[%run_scoped3A, %dma_wait3A_251, %dma_wait3A_252] : memref<2x80x128xf32, #tpu.memory_space<vmem>> -> memref<1x80x128xf32, #tpu.memory_space<vmem>>
      %dma_wait3A_254 = tpu.memref_squeeze %dma_wait3A_253 : memref<1x80x128xf32, #tpu.memory_space<vmem>> -> memref<80x128xf32, #tpu.memory_space<vmem>>
      %dma_wait3A_255 = arith.constant 0 : i32
      %dma_wait3A_256 = tpu.memref_slice %arg11[%add3A_6, %dma_wait3A_255] : memref<10240x128xf32, #tpu.memory_space<vmem_shared>> -> memref<80x128xf32, #tpu.memory_space<vmem_shared>>
      %dma_wait3A_257 = arith.constant 0 : i32
      %dma_wait3A_258 = tpu.memref_slice %arg11[%add3A_6, %dma_wait3A_257] : memref<10240x128xf32, #tpu.memory_space<vmem_shared>> -> memref<80x128xf32, #tpu.memory_space<vmem_shared>>
      %dma_wait3A_259 = arith.constant 0 : i32
      %dma_wait3A_260 = arith.constant 0 : i32
      %dma_wait3A_261 = tpu.memref_slice %arg7[%run_scoped3A, %dma_wait3A_259, %dma_wait3A_260] : memref<2x80x128xf32, #tpu.memory_space<vmem>> -> memref<1x80x128xf32, #tpu.memory_space<vmem>>
      %dma_wait3A_262 = tpu.memref_squeeze %dma_wait3A_261 : memref<1x80x128xf32, #tpu.memory_space<vmem>> -> memref<80x128xf32, #tpu.memory_space<vmem>>
      tpu.wait_dma2 semaphore(%run_scoped3A_238 : memref<!tpu.dma_semaphore, #tpu.memory_space<semaphore_mem>>) src(%dma_wait3A_262 : memref<80x128xf32, #tpu.memory_space<vmem>>) dst(%dma_wait3A_258 : memref<80x128xf32, #tpu.memory_space<vmem_shared>>)
      tpu.yield
    }) : () -> ()
    %add3A_7 = arith.constant 80 : i32
    %add3A_8 = arith.addi %mul3A_5, %add3A_7 : i32
    %run_scoped3A_9 = arith.constant 0 : i32
    "tpu.region"() ({
      %run_scoped3A_238 = tpu.sem_alloc : memref<!tpu.dma_semaphore, #tpu.memory_space<semaphore_mem>>
      %dma_start3A_239 = arith.constant 0 : i32
      %dma_start3A_240 = arith.constant 0 : i32
      %dma_start3A_241 = tpu.memref_slice %arg7[%run_scoped3A_9, %dma_start3A_239, %dma_start3A_240] : memref<2x80x128xf32, #tpu.memory_space<vmem>> -> memref<1x80x128xf32, #tpu.memory_space<vmem>>
      %dma_start3A_242 = tpu.memref_squeeze %dma_start3A_241 : memref<1x80x128xf32, #tpu.memory_space<vmem>> -> memref<80x128xf32, #tpu.memory_space<vmem>>
      %dma_start3A_243 = arith.constant 0 : i32
      %dma_start3A_244 = tpu.memref_slice %arg11[%add3A_8, %dma_start3A_243] : memref<10240x128xf32, #tpu.memory_space<vmem_shared>> -> memref<80x128xf32, #tpu.memory_space<vmem_shared>>
      %dma_start3A_245 = arith.constant 0 : i32
      %dma_start3A_246 = tpu.memref_slice %arg11[%add3A_8, %dma_start3A_245] : memref<10240x128xf32, #tpu.memory_space<vmem_shared>> -> memref<80x128xf32, #tpu.memory_space<vmem_shared>>
      %dma_start3A_247 = arith.constant 0 : i32
      %dma_start3A_248 = arith.constant 0 : i32
      %dma_start3A_249 = tpu.memref_slice %arg7[%run_scoped3A_9, %dma_start3A_247, %dma_start3A_248] : memref<2x80x128xf32, #tpu.memory_space<vmem>> -> memref<1x80x128xf32, #tpu.memory_space<vmem>>
      %dma_start3A_250 = tpu.memref_squeeze %dma_start3A_249 : memref<1x80x128xf32, #tpu.memory_space<vmem>> -> memref<80x128xf32, #tpu.memory_space<vmem>>
      tpu.enqueue_dma source(%dma_start3A_250 : memref<80x128xf32, #tpu.memory_space<vmem>>) target(%dma_start3A_246 : memref<80x128xf32, #tpu.memory_space<vmem_shared>>) target_semaphore(%run_scoped3A_238 : memref<!tpu.dma_semaphore, #tpu.memory_space<semaphore_mem>>)
      %dma_wait3A_251 = arith.constant 0 : i32
      %dma_wait3A_252 = arith.constant 0 : i32
      %dma_wait3A_253 = tpu.memref_slice %arg7[%run_scoped3A_9, %dma_wait3A_251, %dma_wait3A_252] : memref<2x80x128xf32, #tpu.memory_space<vmem>> -> memref<1x80x128xf32, #tpu.memory_space<vmem>>
      %dma_wait3A_254 = tpu.memref_squeeze %dma_wait3A_253 : memref<1x80x128xf32, #tpu.memory_space<vmem>> -> memref<80x128xf32, #tpu.memory_space<vmem>>
      %dma_wait3A_255 = arith.constant 0 : i32
      %dma_wait3A_256 = tpu.memref_slice %arg11[%add3A_8, %dma_wait3A_255] : memref<10240x128xf32, #tpu.memory_space<vmem_shared>> -> memref<80x128xf32, #tpu.memory_space<vmem_shared>>
      %dma_wait3A_257 = arith.constant 0 : i32
      %dma_wait3A_258 = tpu.memref_slice %arg11[%add3A_8, %dma_wait3A_257] : memref<10240x128xf32, #tpu.memory_space<vmem_shared>> -> memref<80x128xf32, #tpu.memory_space<vmem_shared>>
      %dma_wait3A_259 = arith.constant 0 : i32
      %dma_wait3A_260 = arith.constant 0 : i32
      %dma_wait3A_261 = tpu.memref_slice %arg7[%run_scoped3A_9, %dma_wait3A_259, %dma_wait3A_260] : memref<2x80x128xf32, #tpu.memory_space<vmem>> -> memref<1x80x128xf32, #tpu.memory_space<vmem>>
      %dma_wait3A_262 = tpu.memref_squeeze %dma_wait3A_261 : memref<1x80x128xf32, #tpu.memory_space<vmem>> -> memref<80x128xf32, #tpu.memory_space<vmem>>
      tpu.wait_dma2 semaphore(%run_scoped3A_238 : memref<!tpu.dma_semaphore, #tpu.memory_space<semaphore_mem>>) src(%dma_wait3A_262 : memref<80x128xf32, #tpu.memory_space<vmem>>) dst(%dma_wait3A_258 : memref<80x128xf32, #tpu.memory_space<vmem_shared>>)
      tpu.yield
    }) : () -> ()
    %add3A_10 = arith.constant 160 : i32
    %add3A_11 = arith.addi %mul3A_5, %add3A_10 : i32
    %run_scoped3A_12 = arith.constant 0 : i32
    "tpu.region"() ({
      %run_scoped3A_238 = tpu.sem_alloc : memref<!tpu.dma_semaphore, #tpu.memory_space<semaphore_mem>>
      %dma_start3A_239 = arith.constant 0 : i32
      %dma_start3A_240 = arith.constant 0 : i32
      %dma_start3A_241 = tpu.memref_slice %arg7[%run_scoped3A_12, %dma_start3A_239, %dma_start3A_240] : memref<2x80x128xf32, #tpu.memory_space<vmem>> -> memref<1x80x128xf32, #tpu.memory_space<vmem>>
      %dma_start3A_242 = tpu.memref_squeeze %dma_start3A_241 : memref<1x80x128xf32, #tpu.memory_space<vmem>> -> memref<80x128xf32, #tpu.memory_space<vmem>>
      %dma_start3A_243 = arith.constant 0 : i32
      %dma_start3A_244 = tpu.memref_slice %arg11[%add3A_11, %dma_start3A_243] : memref<10240x128xf32, #tpu.memory_space<vmem_shared>> -> memref<80x128xf32, #tpu.memory_space<vmem_shared>>
      %dma_start3A_245 = arith.constant 0 : i32
      %dma_start3A_246 = tpu.memref_slice %arg11[%add3A_11, %dma_start3A_245] : memref<10240x128xf32, #tpu.memory_space<vmem_shared>> -> memref<80x128xf32, #tpu.memory_space<vmem_shared>>
      %dma_start3A_247 = arith.constant 0 : i32
      %dma_start3A_248 = arith.constant 0 : i32
      %dma_start3A_249 = tpu.memref_slice %arg7[%run_scoped3A_12, %dma_start3A_247, %dma_start3A_248] : memref<2x80x128xf32, #tpu.memory_space<vmem>> -> memref<1x80x128xf32, #tpu.memory_space<vmem>>
      %dma_start3A_250 = tpu.memref_squeeze %dma_start3A_249 : memref<1x80x128xf32, #tpu.memory_space<vmem>> -> memref<80x128xf32, #tpu.memory_space<vmem>>
      tpu.enqueue_dma source(%dma_start3A_250 : memref<80x128xf32, #tpu.memory_space<vmem>>) target(%dma_start3A_246 : memref<80x128xf32, #tpu.memory_space<vmem_shared>>) target_semaphore(%run_scoped3A_238 : memref<!tpu.dma_semaphore, #tpu.memory_space<semaphore_mem>>)
      %dma_wait3A_251 = arith.constant 0 : i32
      %dma_wait3A_252 = arith.constant 0 : i32
      %dma_wait3A_253 = tpu.memref_slice %arg7[%run_scoped3A_12, %dma_wait3A_251, %dma_wait3A_252] : memref<2x80x128xf32, #tpu.memory_space<vmem>> -> memref<1x80x128xf32, #tpu.memory_space<vmem>>
      %dma_wait3A_254 = tpu.memref_squeeze %dma_wait3A_253 : memref<1x80x128xf32, #tpu.memory_space<vmem>> -> memref<80x128xf32, #tpu.memory_space<vmem>>
      %dma_wait3A_255 = arith.constant 0 : i32
      %dma_wait3A_256 = tpu.memref_slice %arg11[%add3A_11, %dma_wait3A_255] : memref<10240x128xf32, #tpu.memory_space<vmem_shared>> -> memref<80x128xf32, #tpu.memory_space<vmem_shared>>
      %dma_wait3A_257 = arith.constant 0 : i32
      %dma_wait3A_258 = tpu.memref_slice %arg11[%add3A_11, %dma_wait3A_257] : memref<10240x128xf32, #tpu.memory_space<vmem_shared>> -> memref<80x128xf32, #tpu.memory_space<vmem_shared>>
      %dma_wait3A_259 = arith.constant 0 : i32
      %dma_wait3A_260 = arith.constant 0 : i32
      %dma_wait3A_261 = tpu.memref_slice %arg7[%run_scoped3A_12, %dma_wait3A_259, %dma_wait3A_260] : memref<2x80x128xf32, #tpu.memory_space<vmem>> -> memref<1x80x128xf32, #tpu.memory_space<vmem>>
      %dma_wait3A_262 = tpu.memref_squeeze %dma_wait3A_261 : memref<1x80x128xf32, #tpu.memory_space<vmem>> -> memref<80x128xf32, #tpu.memory_space<vmem>>
      tpu.wait_dma2 semaphore(%run_scoped3A_238 : memref<!tpu.dma_semaphore, #tpu.memory_space<semaphore_mem>>) src(%dma_wait3A_262 : memref<80x128xf32, #tpu.memory_space<vmem>>) dst(%dma_wait3A_258 : memref<80x128xf32, #tpu.memory_space<vmem_shared>>)
      tpu.yield
    }) : () -> ()
    %add3A_13 = arith.constant 240 : i32
    %add3A_14 = arith.addi %mul3A_5, %add3A_13 : i32
    %run_scoped3A_15 = arith.constant 0 : i32
    "tpu.region"() ({
      %run_scoped3A_238 = tpu.sem_alloc : memref<!tpu.dma_semaphore, #tpu.memory_space<semaphore_mem>>
      %dma_start3A_239 = arith.constant 0 : i32
      %dma_start3A_240 = arith.constant 0 : i32
      %dma_start3A_241 = tpu.memref_slice %arg7[%run_scoped3A_15, %dma_start3A_239, %dma_start3A_240] : memref<2x80x128xf32, #tpu.memory_space<vmem>> -> memref<1x80x128xf32, #tpu.memory_space<vmem>>
      %dma_start3A_242 = tpu.memref_squeeze %dma_start3A_241 : memref<1x80x128xf32, #tpu.memory_space<vmem>> -> memref<80x128xf32, #tpu.memory_space<vmem>>
      %dma_start3A_243 = arith.constant 0 : i32
      %dma_start3A_244 = tpu.memref_slice %arg11[%add3A_14, %dma_start3A_243] : memref<10240x128xf32, #tpu.memory_space<vmem_shared>> -> memref<80x128xf32, #tpu.memory_space<vmem_shared>>
      %dma_start3A_245 = arith.constant 0 : i32
      %dma_start3A_246 = tpu.memref_slice %arg11[%add3A_14, %dma_start3A_245] : memref<10240x128xf32, #tpu.memory_space<vmem_shared>> -> memref<80x128xf32, #tpu.memory_space<vmem_shared>>
      %dma_start3A_247 = arith.constant 0 : i32
      %dma_start3A_248 = arith.constant 0 : i32
      %dma_start3A_249 = tpu.memref_slice %arg7[%run_scoped3A_15, %dma_start3A_247, %dma_start3A_248] : memref<2x80x128xf32, #tpu.memory_space<vmem>> -> memref<1x80x128xf32, #tpu.memory_space<vmem>>
      %dma_start3A_250 = tpu.memref_squeeze %dma_start3A_249 : memref<1x80x128xf32, #tpu.memory_space<vmem>> -> memref<80x128xf32, #tpu.memory_space<vmem>>
      tpu.enqueue_dma source(%dma_start3A_250 : memref<80x128xf32, #tpu.memory_space<vmem>>) target(%dma_start3A_246 : memref<80x128xf32, #tpu.memory_space<vmem_shared>>) target_semaphore(%run_scoped3A_238 : memref<!tpu.dma_semaphore, #tpu.memory_space<semaphore_mem>>)
      %dma_wait3A_251 = arith.constant 0 : i32
      %dma_wait3A_252 = arith.constant 0 : i32
      %dma_wait3A_253 = tpu.memref_slice %arg7[%run_scoped3A_15, %dma_wait3A_251, %dma_wait3A_252] : memref<2x80x128xf32, #tpu.memory_space<vmem>> -> memref<1x80x128xf32, #tpu.memory_space<vmem>>
      %dma_wait3A_254 = tpu.memref_squeeze %dma_wait3A_253 : memref<1x80x128xf32, #tpu.memory_space<vmem>> -> memref<80x128xf32, #tpu.memory_space<vmem>>
      %dma_wait3A_255 = arith.constant 0 : i32
      %dma_wait3A_256 = tpu.memref_slice %arg11[%add3A_14, %dma_wait3A_255] : memref<10240x128xf32, #tpu.memory_space<vmem_shared>> -> memref<80x128xf32, #tpu.memory_space<vmem_shared>>
      %dma_wait3A_257 = arith.constant 0 : i32
      %dma_wait3A_258 = tpu.memref_slice %arg11[%add3A_14, %dma_wait3A_257] : memref<10240x128xf32, #tpu.memory_space<vmem_shared>> -> memref<80x128xf32, #tpu.memory_space<vmem_shared>>
      %dma_wait3A_259 = arith.constant 0 : i32
      %dma_wait3A_260 = arith.constant 0 : i32
      %dma_wait3A_261 = tpu.memref_slice %arg7[%run_scoped3A_15, %dma_wait3A_259, %dma_wait3A_260] : memref<2x80x128xf32, #tpu.memory_space<vmem>> -> memref<1x80x128xf32, #tpu.memory_space<vmem>>
      %dma_wait3A_262 = tpu.memref_squeeze %dma_wait3A_261 : memref<1x80x128xf32, #tpu.memory_space<vmem>> -> memref<80x128xf32, #tpu.memory_space<vmem>>
      tpu.wait_dma2 semaphore(%run_scoped3A_238 : memref<!tpu.dma_semaphore, #tpu.memory_space<semaphore_mem>>) src(%dma_wait3A_262 : memref<80x128xf32, #tpu.memory_space<vmem>>) dst(%dma_wait3A_258 : memref<80x128xf32, #tpu.memory_space<vmem_shared>>)
      tpu.yield
    }) : () -> ()
    %add3A_16 = arith.constant 320 : i32
    %add3A_17 = arith.addi %mul3A_5, %add3A_16 : i32
    %run_scoped3A_18 = arith.constant 0 : i32
    "tpu.region"() ({
      %run_scoped3A_238 = tpu.sem_alloc : memref<!tpu.dma_semaphore, #tpu.memory_space<semaphore_mem>>
      %dma_start3A_239 = arith.constant 0 : i32
      %dma_start3A_240 = arith.constant 0 : i32
      %dma_start3A_241 = tpu.memref_slice %arg7[%run_scoped3A_18, %dma_start3A_239, %dma_start3A_240] : memref<2x80x128xf32, #tpu.memory_space<vmem>> -> memref<1x80x128xf32, #tpu.memory_space<vmem>>
      %dma_start3A_242 = tpu.memref_squeeze %dma_start3A_241 : memref<1x80x128xf32, #tpu.memory_space<vmem>> -> memref<80x128xf32, #tpu.memory_space<vmem>>
      %dma_start3A_243 = arith.constant 0 : i32
      %dma_start3A_244 = tpu.memref_slice %arg11[%add3A_17, %dma_start3A_243] : memref<10240x128xf32, #tpu.memory_space<vmem_shared>> -> memref<80x128xf32, #tpu.memory_space<vmem_shared>>
      %dma_start3A_245 = arith.constant 0 : i32
      %dma_start3A_246 = tpu.memref_slice %arg11[%add3A_17, %dma_start3A_245] : memref<10240x128xf32, #tpu.memory_space<vmem_shared>> -> memref<80x128xf32, #tpu.memory_space<vmem_shared>>
      %dma_start3A_247 = arith.constant 0 : i32
      %dma_start3A_248 = arith.constant 0 : i32
      %dma_start3A_249 = tpu.memref_slice %arg7[%run_scoped3A_18, %dma_start3A_247, %dma_start3A_248] : memref<2x80x128xf32, #tpu.memory_space<vmem>> -> memref<1x80x128xf32, #tpu.memory_space<vmem>>
      %dma_start3A_250 = tpu.memref_squeeze %dma_start3A_249 : memref<1x80x128xf32, #tpu.memory_space<vmem>> -> memref<80x128xf32, #tpu.memory_space<vmem>>
      tpu.enqueue_dma source(%dma_start3A_250 : memref<80x128xf32, #tpu.memory_space<vmem>>) target(%dma_start3A_246 : memref<80x128xf32, #tpu.memory_space<vmem_shared>>) target_semaphore(%run_scoped3A_238 : memref<!tpu.dma_semaphore, #tpu.memory_space<semaphore_mem>>)
      %dma_wait3A_251 = arith.constant 0 : i32
      %dma_wait3A_252 = arith.constant 0 : i32
      %dma_wait3A_253 = tpu.memref_slice %arg7[%run_scoped3A_18, %dma_wait3A_251, %dma_wait3A_252] : memref<2x80x128xf32, #tpu.memory_space<vmem>> -> memref<1x80x128xf32, #tpu.memory_space<vmem>>
      %dma_wait3A_254 = tpu.memref_squeeze %dma_wait3A_253 : memref<1x80x128xf32, #tpu.memory_space<vmem>> -> memref<80x128xf32, #tpu.memory_space<vmem>>
      %dma_wait3A_255 = arith.constant 0 : i32
      %dma_wait3A_256 = tpu.memref_slice %arg11[%add3A_17, %dma_wait3A_255] : memref<10240x128xf32, #tpu.memory_space<vmem_shared>> -> memref<80x128xf32, #tpu.memory_space<vmem_shared>>
      %dma_wait3A_257 = arith.constant 0 : i32
      %dma_wait3A_258 = tpu.memref_slice %arg11[%add3A_17, %dma_wait3A_257] : memref<10240x128xf32, #tpu.memory_space<vmem_shared>> -> memref<80x128xf32, #tpu.memory_space<vmem_shared>>
      %dma_wait3A_259 = arith.constant 0 : i32
      %dma_wait3A_260 = arith.constant 0 : i32
      %dma_wait3A_261 = tpu.memref_slice %arg7[%run_scoped3A_18, %dma_wait3A_259, %dma_wait3A_260] : memref<2x80x128xf32, #tpu.memory_space<vmem>> -> memref<1x80x128xf32, #tpu.memory_space<vmem>>
      %dma_wait3A_262 = tpu.memref_squeeze %dma_wait3A_261 : memref<1x80x128xf32, #tpu.memory_space<vmem>> -> memref<80x128xf32, #tpu.memory_space<vmem>>
      tpu.wait_dma2 semaphore(%run_scoped3A_238 : memref<!tpu.dma_semaphore, #tpu.memory_space<semaphore_mem>>) src(%dma_wait3A_262 : memref<80x128xf32, #tpu.memory_space<vmem>>) dst(%dma_wait3A_258 : memref<80x128xf32, #tpu.memory_space<vmem_shared>>)
      tpu.yield
    }) : () -> ()
    %add3A_19 = arith.constant 400 : i32
    %add3A_20 = arith.addi %mul3A_5, %add3A_19 : i32
    %run_scoped3A_21 = arith.constant 0 : i32
    "tpu.region"() ({
      %run_scoped3A_238 = tpu.sem_alloc : memref<!tpu.dma_semaphore, #tpu.memory_space<semaphore_mem>>
      %dma_start3A_239 = arith.constant 0 : i32
      %dma_start3A_240 = arith.constant 0 : i32
      %dma_start3A_241 = tpu.memref_slice %arg7[%run_scoped3A_21, %dma_start3A_239, %dma_start3A_240] : memref<2x80x128xf32, #tpu.memory_space<vmem>> -> memref<1x80x128xf32, #tpu.memory_space<vmem>>
      %dma_start3A_242 = tpu.memref_squeeze %dma_start3A_241 : memref<1x80x128xf32, #tpu.memory_space<vmem>> -> memref<80x128xf32, #tpu.memory_space<vmem>>
      %dma_start3A_243 = arith.constant 0 : i32
      %dma_start3A_244 = tpu.memref_slice %arg11[%add3A_20, %dma_start3A_243] : memref<10240x128xf32, #tpu.memory_space<vmem_shared>> -> memref<80x128xf32, #tpu.memory_space<vmem_shared>>
      %dma_start3A_245 = arith.constant 0 : i32
      %dma_start3A_246 = tpu.memref_slice %arg11[%add3A_20, %dma_start3A_245] : memref<10240x128xf32, #tpu.memory_space<vmem_shared>> -> memref<80x128xf32, #tpu.memory_space<vmem_shared>>
      %dma_start3A_247 = arith.constant 0 : i32
      %dma_start3A_248 = arith.constant 0 : i32
      %dma_start3A_249 = tpu.memref_slice %arg7[%run_scoped3A_21, %dma_start3A_247, %dma_start3A_248] : memref<2x80x128xf32, #tpu.memory_space<vmem>> -> memref<1x80x128xf32, #tpu.memory_space<vmem>>
      %dma_start3A_250 = tpu.memref_squeeze %dma_start3A_249 : memref<1x80x128xf32, #tpu.memory_space<vmem>> -> memref<80x128xf32, #tpu.memory_space<vmem>>
      tpu.enqueue_dma source(%dma_start3A_250 : memref<80x128xf32, #tpu.memory_space<vmem>>) target(%dma_start3A_246 : memref<80x128xf32, #tpu.memory_space<vmem_shared>>) target_semaphore(%run_scoped3A_238 : memref<!tpu.dma_semaphore, #tpu.memory_space<semaphore_mem>>)
      %dma_wait3A_251 = arith.constant 0 : i32
      %dma_wait3A_252 = arith.constant 0 : i32
      %dma_wait3A_253 = tpu.memref_slice %arg7[%run_scoped3A_21, %dma_wait3A_251, %dma_wait3A_252] : memref<2x80x128xf32, #tpu.memory_space<vmem>> -> memref<1x80x128xf32, #tpu.memory_space<vmem>>
      %dma_wait3A_254 = tpu.memref_squeeze %dma_wait3A_253 : memref<1x80x128xf32, #tpu.memory_space<vmem>> -> memref<80x128xf32, #tpu.memory_space<vmem>>
      %dma_wait3A_255 = arith.constant 0 : i32
      %dma_wait3A_256 = tpu.memref_slice %arg11[%add3A_20, %dma_wait3A_255] : memref<10240x128xf32, #tpu.memory_space<vmem_shared>> -> memref<80x128xf32, #tpu.memory_space<vmem_shared>>
      %dma_wait3A_257 = arith.constant 0 : i32
      %dma_wait3A_258 = tpu.memref_slice %arg11[%add3A_20, %dma_wait3A_257] : memref<10240x128xf32, #tpu.memory_space<vmem_shared>> -> memref<80x128xf32, #tpu.memory_space<vmem_shared>>
      %dma_wait3A_259 = arith.constant 0 : i32
      %dma_wait3A_260 = arith.constant 0 : i32
      %dma_wait3A_261 = tpu.memref_slice %arg7[%run_scoped3A_21, %dma_wait3A_259, %dma_wait3A_260] : memref<2x80x128xf32, #tpu.memory_space<vmem>> -> memref<1x80x128xf32, #tpu.memory_space<vmem>>
      %dma_wait3A_262 = tpu.memref_squeeze %dma_wait3A_261 : memref<1x80x128xf32, #tpu.memory_space<vmem>> -> memref<80x128xf32, #tpu.memory_space<vmem>>
      tpu.wait_dma2 semaphore(%run_scoped3A_238 : memref<!tpu.dma_semaphore, #tpu.memory_space<semaphore_mem>>) src(%dma_wait3A_262 : memref<80x128xf32, #tpu.memory_space<vmem>>) dst(%dma_wait3A_258 : memref<80x128xf32, #tpu.memory_space<vmem_shared>>)
      tpu.yield
    }) : () -> ()
    %add3A_22 = arith.constant 480 : i32
    %add3A_23 = arith.addi %mul3A_5, %add3A_22 : i32
    %run_scoped3A_24 = arith.constant 0 : i32
    "tpu.region"() ({
      %run_scoped3A_238 = tpu.sem_alloc : memref<!tpu.dma_semaphore, #tpu.memory_space<semaphore_mem>>
      %dma_start3A_239 = arith.constant 0 : i32
      %dma_start3A_240 = arith.constant 0 : i32
      %dma_start3A_241 = tpu.memref_slice %arg7[%run_scoped3A_24, %dma_start3A_239, %dma_start3A_240] : memref<2x80x128xf32, #tpu.memory_space<vmem>> -> memref<1x80x128xf32, #tpu.memory_space<vmem>>
      %dma_start3A_242 = tpu.memref_squeeze %dma_start3A_241 : memref<1x80x128xf32, #tpu.memory_space<vmem>> -> memref<80x128xf32, #tpu.memory_space<vmem>>
      %dma_start3A_243 = arith.constant 0 : i32
      %dma_start3A_244 = tpu.memref_slice %arg11[%add3A_23, %dma_start3A_243] : memref<10240x128xf32, #tpu.memory_space<vmem_shared>> -> memref<80x128xf32, #tpu.memory_space<vmem_shared>>
      %dma_start3A_245 = arith.constant 0 : i32
      %dma_start3A_246 = tpu.memref_slice %arg11[%add3A_23, %dma_start3A_245] : memref<10240x128xf32, #tpu.memory_space<vmem_shared>> -> memref<80x128xf32, #tpu.memory_space<vmem_shared>>
      %dma_start3A_247 = arith.constant 0 : i32
      %dma_start3A_248 = arith.constant 0 : i32
      %dma_start3A_249 = tpu.memref_slice %arg7[%run_scoped3A_24, %dma_start3A_247, %dma_start3A_248] : memref<2x80x128xf32, #tpu.memory_space<vmem>> -> memref<1x80x128xf32, #tpu.memory_space<vmem>>
      %dma_start3A_250 = tpu.memref_squeeze %dma_start3A_249 : memref<1x80x128xf32, #tpu.memory_space<vmem>> -> memref<80x128xf32, #tpu.memory_space<vmem>>
      tpu.enqueue_dma source(%dma_start3A_250 : memref<80x128xf32, #tpu.memory_space<vmem>>) target(%dma_start3A_246 : memref<80x128xf32, #tpu.memory_space<vmem_shared>>) target_semaphore(%run_scoped3A_238 : memref<!tpu.dma_semaphore, #tpu.memory_space<semaphore_mem>>)
      %dma_wait3A_251 = arith.constant 0 : i32
      %dma_wait3A_252 = arith.constant 0 : i32
      %dma_wait3A_253 = tpu.memref_slice %arg7[%run_scoped3A_24, %dma_wait3A_251, %dma_wait3A_252] : memref<2x80x128xf32, #tpu.memory_space<vmem>> -> memref<1x80x128xf32, #tpu.memory_space<vmem>>
      %dma_wait3A_254 = tpu.memref_squeeze %dma_wait3A_253 : memref<1x80x128xf32, #tpu.memory_space<vmem>> -> memref<80x128xf32, #tpu.memory_space<vmem>>
      %dma_wait3A_255 = arith.constant 0 : i32
      %dma_wait3A_256 = tpu.memref_slice %arg11[%add3A_23, %dma_wait3A_255] : memref<10240x128xf32, #tpu.memory_space<vmem_shared>> -> memref<80x128xf32, #tpu.memory_space<vmem_shared>>
      %dma_wait3A_257 = arith.constant 0 : i32
      %dma_wait3A_258 = tpu.memref_slice %arg11[%add3A_23, %dma_wait3A_257] : memref<10240x128xf32, #tpu.memory_space<vmem_shared>> -> memref<80x128xf32, #tpu.memory_space<vmem_shared>>
      %dma_wait3A_259 = arith.constant 0 : i32
      %dma_wait3A_260 = arith.constant 0 : i32
      %dma_wait3A_261 = tpu.memref_slice %arg7[%run_scoped3A_24, %dma_wait3A_259, %dma_wait3A_260] : memref<2x80x128xf32, #tpu.memory_space<vmem>> -> memref<1x80x128xf32, #tpu.memory_space<vmem>>
      %dma_wait3A_262 = tpu.memref_squeeze %dma_wait3A_261 : memref<1x80x128xf32, #tpu.memory_space<vmem>> -> memref<80x128xf32, #tpu.memory_space<vmem>>
      tpu.wait_dma2 semaphore(%run_scoped3A_238 : memref<!tpu.dma_semaphore, #tpu.memory_space<semaphore_mem>>) src(%dma_wait3A_262 : memref<80x128xf32, #tpu.memory_space<vmem>>) dst(%dma_wait3A_258 : memref<80x128xf32, #tpu.memory_space<vmem_shared>>)
      tpu.yield
    }) : () -> ()
    %add3A_25 = arith.constant 560 : i32
    %add3A_26 = arith.addi %mul3A_5, %add3A_25 : i32
    %run_scoped3A_27 = arith.constant 0 : i32
    "tpu.region"() ({
      %run_scoped3A_238 = tpu.sem_alloc : memref<!tpu.dma_semaphore, #tpu.memory_space<semaphore_mem>>
      %dma_start3A_239 = arith.constant 0 : i32
      %dma_start3A_240 = arith.constant 0 : i32
      %dma_start3A_241 = tpu.memref_slice %arg7[%run_scoped3A_27, %dma_start3A_239, %dma_start3A_240] : memref<2x80x128xf32, #tpu.memory_space<vmem>> -> memref<1x80x128xf32, #tpu.memory_space<vmem>>
      %dma_start3A_242 = tpu.memref_squeeze %dma_start3A_241 : memref<1x80x128xf32, #tpu.memory_space<vmem>> -> memref<80x128xf32, #tpu.memory_space<vmem>>
      %dma_start3A_243 = arith.constant 0 : i32
      %dma_start3A_244 = tpu.memref_slice %arg11[%add3A_26, %dma_start3A_243] : memref<10240x128xf32, #tpu.memory_space<vmem_shared>> -> memref<80x128xf32, #tpu.memory_space<vmem_shared>>
      %dma_start3A_245 = arith.constant 0 : i32
      %dma_start3A_246 = tpu.memref_slice %arg11[%add3A_26, %dma_start3A_245] : memref<10240x128xf32, #tpu.memory_space<vmem_shared>> -> memref<80x128xf32, #tpu.memory_space<vmem_shared>>
      %dma_start3A_247 = arith.constant 0 : i32
      %dma_start3A_248 = arith.constant 0 : i32
      %dma_start3A_249 = tpu.memref_slice %arg7[%run_scoped3A_27, %dma_start3A_247, %dma_start3A_248] : memref<2x80x128xf32, #tpu.memory_space<vmem>> -> memref<1x80x128xf32, #tpu.memory_space<vmem>>
      %dma_start3A_250 = tpu.memref_squeeze %dma_start3A_249 : memref<1x80x128xf32, #tpu.memory_space<vmem>> -> memref<80x128xf32, #tpu.memory_space<vmem>>
      tpu.enqueue_dma source(%dma_start3A_250 : memref<80x128xf32, #tpu.memory_space<vmem>>) target(%dma_start3A_246 : memref<80x128xf32, #tpu.memory_space<vmem_shared>>) target_semaphore(%run_scoped3A_238 : memref<!tpu.dma_semaphore, #tpu.memory_space<semaphore_mem>>)
      %dma_wait3A_251 = arith.constant 0 : i32
      %dma_wait3A_252 = arith.constant 0 : i32
      %dma_wait3A_253 = tpu.memref_slice %arg7[%run_scoped3A_27, %dma_wait3A_251, %dma_wait3A_252] : memref<2x80x128xf32, #tpu.memory_space<vmem>> -> memref<1x80x128xf32, #tpu.memory_space<vmem>>
      %dma_wait3A_254 = tpu.memref_squeeze %dma_wait3A_253 : memref<1x80x128xf32, #tpu.memory_space<vmem>> -> memref<80x128xf32, #tpu.memory_space<vmem>>
      %dma_wait3A_255 = arith.constant 0 : i32
      %dma_wait3A_256 = tpu.memref_slice %arg11[%add3A_26, %dma_wait3A_255] : memref<10240x128xf32, #tpu.memory_space<vmem_shared>> -> memref<80x128xf32, #tpu.memory_space<vmem_shared>>
      %dma_wait3A_257 = arith.constant 0 : i32
      %dma_wait3A_258 = tpu.memref_slice %arg11[%add3A_26, %dma_wait3A_257] : memref<10240x128xf32, #tpu.memory_space<vmem_shared>> -> memref<80x128xf32, #tpu.memory_space<vmem_shared>>
      %dma_wait3A_259 = arith.constant 0 : i32
      %dma_wait3A_260 = arith.constant 0 : i32
      %dma_wait3A_261 = tpu.memref_slice %arg7[%run_scoped3A_27, %dma_wait3A_259, %dma_wait3A_260] : memref<2x80x128xf32, #tpu.memory_space<vmem>> -> memref<1x80x128xf32, #tpu.memory_space<vmem>>
      %dma_wait3A_262 = tpu.memref_squeeze %dma_wait3A_261 : memref<1x80x128xf32, #tpu.memory_space<vmem>> -> memref<80x128xf32, #tpu.memory_space<vmem>>
      tpu.wait_dma2 semaphore(%run_scoped3A_238 : memref<!tpu.dma_semaphore, #tpu.memory_space<semaphore_mem>>) src(%dma_wait3A_262 : memref<80x128xf32, #tpu.memory_space<vmem>>) dst(%dma_wait3A_258 : memref<80x128xf32, #tpu.memory_space<vmem_shared>>)
      tpu.yield
    }) : () -> ()
    %barrier3A = arith.constant 0 : index
    tpu.barrier barrier_id(%barrier3A)
    %mul3A_28 = arith.constant 16 : i32
    %mul3A_29 = arith.muli %arg0, %mul3A_28 : i32
    %add3A_30 = arith.addi %mul3A_29, %arg1 : i32
    %mul3A_31 = arith.constant 125 : i32
    %mul3A_32 = arith.muli %add3A_30, %mul3A_31 : i32
    %add3A_33 = arith.constant 0 : i32
    %add3A_34 = arith.addi %mul3A_32, %add3A_33 : i32
    %mul3A_35 = arith.constant 80 : i32
    %mul3A_36 = arith.muli %add3A_34, %mul3A_35 : i32
    %dma_start3A = arith.constant 0 : i32
    %dma_start3A_37 = arith.constant 0 : i32
    %dma_start3A_38 = arith.constant 0 : i32
    %dma_start3A_39 = tpu.memref_slice %arg9[%dma_start3A, %dma_start3A_38] : memref<4x80xi32, #tpu.memory_space<vmem>> -> memref<1x80xi32, #tpu.memory_space<vmem>>
    %dma_start3A_40 = tpu.memref_squeeze %dma_start3A_39 : memref<1x80xi32, #tpu.memory_space<vmem>> -> memref<80xi32, #tpu.memory_space<vmem>>
    %dma_start3A_41 = tpu.memref_slice %arg4[%mul3A_36] : memref<320000xi32, #tpu.memory_space<hbm>> -> memref<80xi32, #tpu.memory_space<hbm>>
    %dma_start3A_42 = tpu.memref_slice %arg14[%dma_start3A_37] : memref<4x!tpu.dma_semaphore, #tpu.memory_space<semaphore_mem>> -> memref<1x!tpu.dma_semaphore, #tpu.memory_space<semaphore_mem>>
    %dma_start3A_43 = tpu.memref_squeeze %dma_start3A_42 : memref<1x!tpu.dma_semaphore, #tpu.memory_space<semaphore_mem>> -> memref<!tpu.dma_semaphore, #tpu.memory_space<semaphore_mem>>
    %dma_start3A_44 = arith.constant 0 : i32
    %dma_start3A_45 = tpu.memref_slice %arg9[%dma_start3A, %dma_start3A_44] : memref<4x80xi32, #tpu.memory_space<vmem>> -> memref<1x80xi32, #tpu.memory_space<vmem>>
    %dma_start3A_46 = tpu.memref_squeeze %dma_start3A_45 : memref<1x80xi32, #tpu.memory_space<vmem>> -> memref<80xi32, #tpu.memory_space<vmem>>
    %dma_start3A_47 = tpu.memref_slice %arg4[%mul3A_36] : memref<320000xi32, #tpu.memory_space<hbm>> -> memref<80xi32, #tpu.memory_space<hbm>>
    tpu.enqueue_dma source(%dma_start3A_47 : memref<80xi32, #tpu.memory_space<hbm>>) target(%dma_start3A_46 : memref<80xi32, #tpu.memory_space<vmem>>) target_semaphore(%dma_start3A_43 : memref<!tpu.dma_semaphore, #tpu.memory_space<semaphore_mem>>)
    %dma_start3A_48 = arith.constant 0 : i32
    %dma_start3A_49 = arith.constant 0 : i32
    %dma_start3A_50 = arith.constant 0 : i32
    %dma_start3A_51 = tpu.memref_slice %arg10[%dma_start3A_48, %dma_start3A_50] : memref<4x80xi32, #tpu.memory_space<vmem>> -> memref<1x80xi32, #tpu.memory_space<vmem>>
    %dma_start3A_52 = tpu.memref_squeeze %dma_start3A_51 : memref<1x80xi32, #tpu.memory_space<vmem>> -> memref<80xi32, #tpu.memory_space<vmem>>
    %dma_start3A_53 = tpu.memref_slice %arg5[%mul3A_36] : memref<320000xi32, #tpu.memory_space<hbm>> -> memref<80xi32, #tpu.memory_space<hbm>>
    %dma_start3A_54 = tpu.memref_slice %arg14[%dma_start3A_49] : memref<4x!tpu.dma_semaphore, #tpu.memory_space<semaphore_mem>> -> memref<1x!tpu.dma_semaphore, #tpu.memory_space<semaphore_mem>>
    %dma_start3A_55 = tpu.memref_squeeze %dma_start3A_54 : memref<1x!tpu.dma_semaphore, #tpu.memory_space<semaphore_mem>> -> memref<!tpu.dma_semaphore, #tpu.memory_space<semaphore_mem>>
    %dma_start3A_56 = arith.constant 0 : i32
    %dma_start3A_57 = tpu.memref_slice %arg10[%dma_start3A_48, %dma_start3A_56] : memref<4x80xi32, #tpu.memory_space<vmem>> -> memref<1x80xi32, #tpu.memory_space<vmem>>
    %dma_start3A_58 = tpu.memref_squeeze %dma_start3A_57 : memref<1x80xi32, #tpu.memory_space<vmem>> -> memref<80xi32, #tpu.memory_space<vmem>>
    %dma_start3A_59 = tpu.memref_slice %arg5[%mul3A_36] : memref<320000xi32, #tpu.memory_space<hbm>> -> memref<80xi32, #tpu.memory_space<hbm>>
    tpu.enqueue_dma source(%dma_start3A_59 : memref<80xi32, #tpu.memory_space<hbm>>) target(%dma_start3A_58 : memref<80xi32, #tpu.memory_space<vmem>>) target_semaphore(%dma_start3A_55 : memref<!tpu.dma_semaphore, #tpu.memory_space<semaphore_mem>>)
    %add3A_60 = arith.constant 1 : i32
    %add3A_61 = arith.addi %mul3A_32, %add3A_60 : i32
    %mul3A_62 = arith.constant 80 : i32
    %mul3A_63 = arith.muli %add3A_61, %mul3A_62 : i32
    %dma_start3A_64 = arith.constant 1 : i32
    %dma_start3A_65 = arith.constant 1 : i32
    %dma_start3A_66 = arith.constant 0 : i32
    %dma_start3A_67 = tpu.memref_slice %arg9[%dma_start3A_64, %dma_start3A_66] : memref<4x80xi32, #tpu.memory_space<vmem>> -> memref<1x80xi32, #tpu.memory_space<vmem>>
    %dma_start3A_68 = tpu.memref_squeeze %dma_start3A_67 : memref<1x80xi32, #tpu.memory_space<vmem>> -> memref<80xi32, #tpu.memory_space<vmem>>
    %dma_start3A_69 = tpu.memref_slice %arg4[%mul3A_63] : memref<320000xi32, #tpu.memory_space<hbm>> -> memref<80xi32, #tpu.memory_space<hbm>>
    %dma_start3A_70 = tpu.memref_slice %arg14[%dma_start3A_65] : memref<4x!tpu.dma_semaphore, #tpu.memory_space<semaphore_mem>> -> memref<1x!tpu.dma_semaphore, #tpu.memory_space<semaphore_mem>>
    %dma_start3A_71 = tpu.memref_squeeze %dma_start3A_70 : memref<1x!tpu.dma_semaphore, #tpu.memory_space<semaphore_mem>> -> memref<!tpu.dma_semaphore, #tpu.memory_space<semaphore_mem>>
    %dma_start3A_72 = arith.constant 0 : i32
    %dma_start3A_73 = tpu.memref_slice %arg9[%dma_start3A_64, %dma_start3A_72] : memref<4x80xi32, #tpu.memory_space<vmem>> -> memref<1x80xi32, #tpu.memory_space<vmem>>
    %dma_start3A_74 = tpu.memref_squeeze %dma_start3A_73 : memref<1x80xi32, #tpu.memory_space<vmem>> -> memref<80xi32, #tpu.memory_space<vmem>>
    %dma_start3A_75 = tpu.memref_slice %arg4[%mul3A_63] : memref<320000xi32, #tpu.memory_space<hbm>> -> memref<80xi32, #tpu.memory_space<hbm>>
    tpu.enqueue_dma source(%dma_start3A_75 : memref<80xi32, #tpu.memory_space<hbm>>) target(%dma_start3A_74 : memref<80xi32, #tpu.memory_space<vmem>>) target_semaphore(%dma_start3A_71 : memref<!tpu.dma_semaphore, #tpu.memory_space<semaphore_mem>>)
    %dma_start3A_76 = arith.constant 1 : i32
    %dma_start3A_77 = arith.constant 1 : i32
    %dma_start3A_78 = arith.constant 0 : i32
    %dma_start3A_79 = tpu.memref_slice %arg10[%dma_start3A_76, %dma_start3A_78] : memref<4x80xi32, #tpu.memory_space<vmem>> -> memref<1x80xi32, #tpu.memory_space<vmem>>
    %dma_start3A_80 = tpu.memref_squeeze %dma_start3A_79 : memref<1x80xi32, #tpu.memory_space<vmem>> -> memref<80xi32, #tpu.memory_space<vmem>>
    %dma_start3A_81 = tpu.memref_slice %arg5[%mul3A_63] : memref<320000xi32, #tpu.memory_space<hbm>> -> memref<80xi32, #tpu.memory_space<hbm>>
    %dma_start3A_82 = tpu.memref_slice %arg14[%dma_start3A_77] : memref<4x!tpu.dma_semaphore, #tpu.memory_space<semaphore_mem>> -> memref<1x!tpu.dma_semaphore, #tpu.memory_space<semaphore_mem>>
    %dma_start3A_83 = tpu.memref_squeeze %dma_start3A_82 : memref<1x!tpu.dma_semaphore, #tpu.memory_space<semaphore_mem>> -> memref<!tpu.dma_semaphore, #tpu.memory_space<semaphore_mem>>
    %dma_start3A_84 = arith.constant 0 : i32
    %dma_start3A_85 = tpu.memref_slice %arg10[%dma_start3A_76, %dma_start3A_84] : memref<4x80xi32, #tpu.memory_space<vmem>> -> memref<1x80xi32, #tpu.memory_space<vmem>>
    %dma_start3A_86 = tpu.memref_squeeze %dma_start3A_85 : memref<1x80xi32, #tpu.memory_space<vmem>> -> memref<80xi32, #tpu.memory_space<vmem>>
    %dma_start3A_87 = tpu.memref_slice %arg5[%mul3A_63] : memref<320000xi32, #tpu.memory_space<hbm>> -> memref<80xi32, #tpu.memory_space<hbm>>
    tpu.enqueue_dma source(%dma_start3A_87 : memref<80xi32, #tpu.memory_space<hbm>>) target(%dma_start3A_86 : memref<80xi32, #tpu.memory_space<vmem>>) target_semaphore(%dma_start3A_83 : memref<!tpu.dma_semaphore, #tpu.memory_space<semaphore_mem>>)
    %dma_wait3A = arith.constant 0 : i32
    %dma_wait3A_88 = arith.constant 0 : i32
    %dma_wait3A_89 = arith.constant 0 : i32
    %dma_wait3A_90 = tpu.memref_slice %arg9[%dma_wait3A, %dma_wait3A_89] : memref<4x80xi32, #tpu.memory_space<vmem>> -> memref<1x80xi32, #tpu.memory_space<vmem>>
    %dma_wait3A_91 = tpu.memref_squeeze %dma_wait3A_90 : memref<1x80xi32, #tpu.memory_space<vmem>> -> memref<80xi32, #tpu.memory_space<vmem>>
    %dma_wait3A_92 = arith.constant 0 : i32
    %dma_wait3A_93 = tpu.memref_slice %arg4[%dma_wait3A_92] : memref<320000xi32, #tpu.memory_space<hbm>> -> memref<80xi32, #tpu.memory_space<hbm>>
    %dma_wait3A_94 = tpu.memref_slice %arg14[%dma_wait3A_88] : memref<4x!tpu.dma_semaphore, #tpu.memory_space<semaphore_mem>> -> memref<1x!tpu.dma_semaphore, #tpu.memory_space<semaphore_mem>>
    %dma_wait3A_95 = tpu.memref_squeeze %dma_wait3A_94 : memref<1x!tpu.dma_semaphore, #tpu.memory_space<semaphore_mem>> -> memref<!tpu.dma_semaphore, #tpu.memory_space<semaphore_mem>>
    %dma_wait3A_96 = arith.constant 0 : i32
    %dma_wait3A_97 = tpu.memref_slice %arg9[%dma_wait3A, %dma_wait3A_96] : memref<4x80xi32, #tpu.memory_space<vmem>> -> memref<1x80xi32, #tpu.memory_space<vmem>>
    %dma_wait3A_98 = tpu.memref_squeeze %dma_wait3A_97 : memref<1x80xi32, #tpu.memory_space<vmem>> -> memref<80xi32, #tpu.memory_space<vmem>>
    %dma_wait3A_99 = arith.constant 0 : i32
    %dma_wait3A_100 = tpu.memref_slice %arg4[%dma_wait3A_99] : memref<320000xi32, #tpu.memory_space<hbm>> -> memref<80xi32, #tpu.memory_space<hbm>>
    tpu.wait_dma2 semaphore(%dma_wait3A_95 : memref<!tpu.dma_semaphore, #tpu.memory_space<semaphore_mem>>) src(%dma_wait3A_100 : memref<80xi32, #tpu.memory_space<hbm>>) dst(%dma_wait3A_98 : memref<80xi32, #tpu.memory_space<vmem>>)
    %dma_wait3A_101 = arith.constant 0 : i32
    %dma_wait3A_102 = arith.constant 0 : i32
    %dma_wait3A_103 = arith.constant 0 : i32
    %dma_wait3A_104 = tpu.memref_slice %arg10[%dma_wait3A_101, %dma_wait3A_103] : memref<4x80xi32, #tpu.memory_space<vmem>> -> memref<1x80xi32, #tpu.memory_space<vmem>>
    %dma_wait3A_105 = tpu.memref_squeeze %dma_wait3A_104 : memref<1x80xi32, #tpu.memory_space<vmem>> -> memref<80xi32, #tpu.memory_space<vmem>>
    %dma_wait3A_106 = arith.constant 0 : i32
    %dma_wait3A_107 = tpu.memref_slice %arg5[%dma_wait3A_106] : memref<320000xi32, #tpu.memory_space<hbm>> -> memref<80xi32, #tpu.memory_space<hbm>>
    %dma_wait3A_108 = tpu.memref_slice %arg14[%dma_wait3A_102] : memref<4x!tpu.dma_semaphore, #tpu.memory_space<semaphore_mem>> -> memref<1x!tpu.dma_semaphore, #tpu.memory_space<semaphore_mem>>
    %dma_wait3A_109 = tpu.memref_squeeze %dma_wait3A_108 : memref<1x!tpu.dma_semaphore, #tpu.memory_space<semaphore_mem>> -> memref<!tpu.dma_semaphore, #tpu.memory_space<semaphore_mem>>
    %dma_wait3A_110 = arith.constant 0 : i32
    %dma_wait3A_111 = tpu.memref_slice %arg10[%dma_wait3A_101, %dma_wait3A_110] : memref<4x80xi32, #tpu.memory_space<vmem>> -> memref<1x80xi32, #tpu.memory_space<vmem>>
    %dma_wait3A_112 = tpu.memref_squeeze %dma_wait3A_111 : memref<1x80xi32, #tpu.memory_space<vmem>> -> memref<80xi32, #tpu.memory_space<vmem>>
    %dma_wait3A_113 = arith.constant 0 : i32
    %dma_wait3A_114 = tpu.memref_slice %arg5[%dma_wait3A_113] : memref<320000xi32, #tpu.memory_space<hbm>> -> memref<80xi32, #tpu.memory_space<hbm>>
    tpu.wait_dma2 semaphore(%dma_wait3A_109 : memref<!tpu.dma_semaphore, #tpu.memory_space<semaphore_mem>>) src(%dma_wait3A_114 : memref<80xi32, #tpu.memory_space<hbm>>) dst(%dma_wait3A_112 : memref<80xi32, #tpu.memory_space<vmem>>)
    %add3A_115 = arith.constant 0 : i32
    %add3A_116 = arith.addi %mul3A_32, %add3A_115 : i32
    %dma_start3A_117 = arith.constant 0 : i32
    %dma_start3A_118 = arith.constant 0 : i32
    %dma_start3A_119 = arith.constant 0 : i32
    %dma_start3A_120 = arith.constant 0 : i32
    %dma_start3A_121 = arith.constant 0 : i32
    %dma_start3A_122 = tpu.memref_slice %arg7[%dma_start3A_118, %dma_start3A_120, %dma_start3A_121] : memref<2x80x128xf32, #tpu.memory_space<vmem>> -> memref<1x80x128xf32, #tpu.memory_space<vmem>>
    %dma_start3A_123 = tpu.memref_squeeze %dma_start3A_122 : memref<1x80x128xf32, #tpu.memory_space<vmem>> -> memref<80x128xf32, #tpu.memory_space<vmem>>
    %dma_start3A_124 = arith.constant 0 : i32
    %dma_start3A_125 = tpu.memref_slice %arg9[%dma_start3A_117, %dma_start3A_124] : memref<4x80xi32, #tpu.memory_space<vmem>> -> memref<1x80xi32, #tpu.memory_space<vmem>>
    %dma_start3A_126 = tpu.memref_squeeze %dma_start3A_125 : memref<1x80xi32, #tpu.memory_space<vmem>> -> memref<80xi32, #tpu.memory_space<vmem>>
    %dma_start3A_127 = arith.constant 0 : i32
    %dma_start3A_128 = arith.constant 0 : i32
    %dma_start3A_129 = tpu.memref_slice %arg2[%dma_start3A_127, %dma_start3A_128] : memref<10000x128xf32, #tpu.memory_space<hbm>> -> memref<10000x128xf32, #tpu.memory_space<hbm>>
    %dma_start3A_130 = tpu.memref_slice %arg12[%dma_start3A_119] : memref<2x!tpu.dma_semaphore, #tpu.memory_space<semaphore_mem>> -> memref<1x!tpu.dma_semaphore, #tpu.memory_space<semaphore_mem>>
    %dma_start3A_131 = tpu.memref_squeeze %dma_start3A_130 : memref<1x!tpu.dma_semaphore, #tpu.memory_space<semaphore_mem>> -> memref<!tpu.dma_semaphore, #tpu.memory_space<semaphore_mem>>
    tpu.enqueue_indirect_dma source(%dma_start3A_129 : memref<10000x128xf32, #tpu.memory_space<hbm>>) target(%dma_start3A_123 : memref<80x128xf32, #tpu.memory_space<vmem>>) offsets(%dma_start3A_126 : memref<80xi32, #tpu.memory_space<vmem>>) semaphore(%dma_start3A_131 : memref<!tpu.dma_semaphore, #tpu.memory_space<semaphore_mem>>)
    %mul3A_132 = arith.constant 80 : i32
    %mul3A_133 = arith.muli %add3A_116, %mul3A_132 : i32
    %dma_start3A_134 = arith.constant 0 : i32
    %dma_start3A_135 = arith.constant 0 : i32
    %dma_start3A_136 = arith.constant 0 : i32
    %dma_start3A_137 = arith.constant 0 : i32
    %dma_start3A_138 = tpu.memref_slice %arg8[%dma_start3A_134, %dma_start3A_136, %dma_start3A_137] : memref<2x80x16xf32, #tpu.memory_space<vmem>> -> memref<1x80x16xf32, #tpu.memory_space<vmem>>
    %dma_start3A_139 = tpu.memref_squeeze %dma_start3A_138 : memref<1x80x16xf32, #tpu.memory_space<vmem>> -> memref<80x16xf32, #tpu.memory_space<vmem>>
    %dma_start3A_140 = arith.constant 0 : i32
    %dma_start3A_141 = tpu.memref_slice %arg3[%mul3A_133, %dma_start3A_140] : memref<320000x16xf32, #tpu.memory_space<hbm>> -> memref<80x16xf32, #tpu.memory_space<hbm>>
    %dma_start3A_142 = tpu.memref_slice %arg13[%dma_start3A_135] : memref<2x!tpu.dma_semaphore, #tpu.memory_space<semaphore_mem>> -> memref<1x!tpu.dma_semaphore, #tpu.memory_space<semaphore_mem>>
    %dma_start3A_143 = tpu.memref_squeeze %dma_start3A_142 : memref<1x!tpu.dma_semaphore, #tpu.memory_space<semaphore_mem>> -> memref<!tpu.dma_semaphore, #tpu.memory_space<semaphore_mem>>
    %dma_start3A_144 = arith.constant 0 : i32
    %dma_start3A_145 = arith.constant 0 : i32
    %dma_start3A_146 = tpu.memref_slice %arg8[%dma_start3A_134, %dma_start3A_144, %dma_start3A_145] : memref<2x80x16xf32, #tpu.memory_space<vmem>> -> memref<1x80x16xf32, #tpu.memory_space<vmem>>
    %dma_start3A_147 = tpu.memref_squeeze %dma_start3A_146 : memref<1x80x16xf32, #tpu.memory_space<vmem>> -> memref<80x16xf32, #tpu.memory_space<vmem>>
    %dma_start3A_148 = arith.constant 0 : i32
    %dma_start3A_149 = tpu.memref_slice %arg3[%mul3A_133, %dma_start3A_148] : memref<320000x16xf32, #tpu.memory_space<hbm>> -> memref<80x16xf32, #tpu.memory_space<hbm>>
    tpu.enqueue_dma source(%dma_start3A_149 : memref<80x16xf32, #tpu.memory_space<hbm>>) target(%dma_start3A_147 : memref<80x16xf32, #tpu.memory_space<vmem>>) target_semaphore(%dma_start3A_143 : memref<!tpu.dma_semaphore, #tpu.memory_space<semaphore_mem>>)
    %scan3A_150 = arith.constant 0 : i32
    %scan3A_151 = arith.constant 0 : i32
    %scan3A_152 = arith.constant 31 : i32
    %scan3A_153 = arith.addi %scan3A_151, %scan3A_152 : i32
    %scan3A_154 = arith.constant 1 : i32
    scf.for %scan3A_238 = %scan3A_151 to %scan3A_153 step %scan3A_154  : i32 {
      %mul3A_239 = arith.constant 4 : i32
      %mul3A_240 = arith.muli %scan3A_238, %mul3A_239 : i32
      %add3A_241 = arith.constant 0 : i32
      %add3A_242 = arith.addi %mul3A_240, %add3A_241 : i32
      %add3A_243 = arith.constant 1 : i32
      %add3A_244 = arith.addi %add3A_242, %add3A_243 : i32
      %lt3A = arith.constant 125 : i32
      %lt3A_245 = arith.cmpi slt, %add3A_244, %lt3A : i32
      %convert_element_type3A = arith.extui %lt3A_245 : i1 to i32
      %cond3A = arith.constant 0 : i32
      %cond3A_246 = arith.cmpi ne, %convert_element_type3A, %cond3A : i32
      scf.if %cond3A_246 {
        %dma_wait3A_472 = arith.constant 1 : i32
        %dma_wait3A_473 = arith.constant 1 : i32
        %dma_wait3A_474 = arith.constant 0 : i32
        %dma_wait3A_475 = tpu.memref_slice %arg9[%dma_wait3A_472, %dma_wait3A_474] : memref<4x80xi32, #tpu.memory_space<vmem>> -> memref<1x80xi32, #tpu.memory_space<vmem>>
        %dma_wait3A_476 = tpu.memref_squeeze %dma_wait3A_475 : memref<1x80xi32, #tpu.memory_space<vmem>> -> memref<80xi32, #tpu.memory_space<vmem>>
        %dma_wait3A_477 = arith.constant 0 : i32
        %dma_wait3A_478 = tpu.memref_slice %arg4[%dma_wait3A_477] : memref<320000xi32, #tpu.memory_space<hbm>> -> memref<80xi32, #tpu.memory_space<hbm>>
        %dma_wait3A_479 = tpu.memref_slice %arg14[%dma_wait3A_473] : memref<4x!tpu.dma_semaphore, #tpu.memory_space<semaphore_mem>> -> memref<1x!tpu.dma_semaphore, #tpu.memory_space<semaphore_mem>>
        %dma_wait3A_480 = tpu.memref_squeeze %dma_wait3A_479 : memref<1x!tpu.dma_semaphore, #tpu.memory_space<semaphore_mem>> -> memref<!tpu.dma_semaphore, #tpu.memory_space<semaphore_mem>>
        %dma_wait3A_481 = arith.constant 0 : i32
        %dma_wait3A_482 = tpu.memref_slice %arg9[%dma_wait3A_472, %dma_wait3A_481] : memref<4x80xi32, #tpu.memory_space<vmem>> -> memref<1x80xi32, #tpu.memory_space<vmem>>
        %dma_wait3A_483 = tpu.memref_squeeze %dma_wait3A_482 : memref<1x80xi32, #tpu.memory_space<vmem>> -> memref<80xi32, #tpu.memory_space<vmem>>
        %dma_wait3A_484 = arith.constant 0 : i32
        %dma_wait3A_485 = tpu.memref_slice %arg4[%dma_wait3A_484] : memref<320000xi32, #tpu.memory_space<hbm>> -> memref<80xi32, #tpu.memory_space<hbm>>
        tpu.wait_dma2 semaphore(%dma_wait3A_480 : memref<!tpu.dma_semaphore, #tpu.memory_space<semaphore_mem>>) src(%dma_wait3A_485 : memref<80xi32, #tpu.memory_space<hbm>>) dst(%dma_wait3A_483 : memref<80xi32, #tpu.memory_space<vmem>>)
        %dma_wait3A_486 = arith.constant 1 : i32
        %dma_wait3A_487 = arith.constant 1 : i32
        %dma_wait3A_488 = arith.constant 0 : i32
        %dma_wait3A_489 = tpu.memref_slice %arg10[%dma_wait3A_486, %dma_wait3A_488] : memref<4x80xi32, #tpu.memory_space<vmem>> -> memref<1x80xi32, #tpu.memory_space<vmem>>
        %dma_wait3A_490 = tpu.memref_squeeze %dma_wait3A_489 : memref<1x80xi32, #tpu.memory_space<vmem>> -> memref<80xi32, #tpu.memory_space<vmem>>
        %dma_wait3A_491 = arith.constant 0 : i32
        %dma_wait3A_492 = tpu.memref_slice %arg5[%dma_wait3A_491] : memref<320000xi32, #tpu.memory_space<hbm>> -> memref<80xi32, #tpu.memory_space<hbm>>
        %dma_wait3A_493 = tpu.memref_slice %arg14[%dma_wait3A_487] : memref<4x!tpu.dma_semaphore, #tpu.memory_space<semaphore_mem>> -> memref<1x!tpu.dma_semaphore, #tpu.memory_space<semaphore_mem>>
        %dma_wait3A_494 = tpu.memref_squeeze %dma_wait3A_493 : memref<1x!tpu.dma_semaphore, #tpu.memory_space<semaphore_mem>> -> memref<!tpu.dma_semaphore, #tpu.memory_space<semaphore_mem>>
        %dma_wait3A_495 = arith.constant 0 : i32
        %dma_wait3A_496 = tpu.memref_slice %arg10[%dma_wait3A_486, %dma_wait3A_495] : memref<4x80xi32, #tpu.memory_space<vmem>> -> memref<1x80xi32, #tpu.memory_space<vmem>>
        %dma_wait3A_497 = tpu.memref_squeeze %dma_wait3A_496 : memref<1x80xi32, #tpu.memory_space<vmem>> -> memref<80xi32, #tpu.memory_space<vmem>>
        %dma_wait3A_498 = arith.constant 0 : i32
        %dma_wait3A_499 = tpu.memref_slice %arg5[%dma_wait3A_498] : memref<320000xi32, #tpu.memory_space<hbm>> -> memref<80xi32, #tpu.memory_space<hbm>>
        tpu.wait_dma2 semaphore(%dma_wait3A_494 : memref<!tpu.dma_semaphore, #tpu.memory_space<semaphore_mem>>) src(%dma_wait3A_499 : memref<80xi32, #tpu.memory_space<hbm>>) dst(%dma_wait3A_497 : memref<80xi32, #tpu.memory_space<vmem>>)
        %add3A_500 = arith.addi %mul3A_32, %add3A_242 : i32
        %add3A_501 = arith.constant 1 : i32
        %add3A_502 = arith.addi %add3A_500, %add3A_501 : i32
        %dma_start3A_503 = arith.constant 1 : i32
        %dma_start3A_504 = arith.constant 1 : i32
        %dma_start3A_505 = arith.constant 1 : i32
        %dma_start3A_506 = arith.constant 0 : i32
        %dma_start3A_507 = arith.constant 0 : i32
        %dma_start3A_508 = tpu.memref_slice %arg7[%dma_start3A_504, %dma_start3A_506, %dma_start3A_507] : memref<2x80x128xf32, #tpu.memory_space<vmem>> -> memref<1x80x128xf32, #tpu.memory_space<vmem>>
        %dma_start3A_509 = tpu.memref_squeeze %dma_start3A_508 : memref<1x80x128xf32, #tpu.memory_space<vmem>> -> memref<80x128xf32, #tpu.memory_space<vmem>>
        %dma_start3A_510 = arith.constant 0 : i32
        %dma_start3A_511 = tpu.memref_slice %arg9[%dma_start3A_503, %dma_start3A_510] : memref<4x80xi32, #tpu.memory_space<vmem>> -> memref<1x80xi32, #tpu.memory_space<vmem>>
        %dma_start3A_512 = tpu.memref_squeeze %dma_start3A_511 : memref<1x80xi32, #tpu.memory_space<vmem>> -> memref<80xi32, #tpu.memory_space<vmem>>
        %dma_start3A_513 = arith.constant 0 : i32
        %dma_start3A_514 = arith.constant 0 : i32
        %dma_start3A_515 = tpu.memref_slice %arg2[%dma_start3A_513, %dma_start3A_514] : memref<10000x128xf32, #tpu.memory_space<hbm>> -> memref<10000x128xf32, #tpu.memory_space<hbm>>
        %dma_start3A_516 = tpu.memref_slice %arg12[%dma_start3A_505] : memref<2x!tpu.dma_semaphore, #tpu.memory_space<semaphore_mem>> -> memref<1x!tpu.dma_semaphore, #tpu.memory_space<semaphore_mem>>
        %dma_start3A_517 = tpu.memref_squeeze %dma_start3A_516 : memref<1x!tpu.dma_semaphore, #tpu.memory_space<semaphore_mem>> -> memref<!tpu.dma_semaphore, #tpu.memory_space<semaphore_mem>>
        tpu.enqueue_indirect_dma source(%dma_start3A_515 : memref<10000x128xf32, #tpu.memory_space<hbm>>) target(%dma_start3A_509 : memref<80x128xf32, #tpu.memory_space<vmem>>) offsets(%dma_start3A_512 : memref<80xi32, #tpu.memory_space<vmem>>) semaphore(%dma_start3A_517 : memref<!tpu.dma_semaphore, #tpu.memory_space<semaphore_mem>>)
        %mul3A_518 = arith.constant 80 : i32
        %mul3A_519 = arith.muli %add3A_502, %mul3A_518 : i32
        %dma_start3A_520 = arith.constant 1 : i32
        %dma_start3A_521 = arith.constant 1 : i32
        %dma_start3A_522 = arith.constant 0 : i32
        %dma_start3A_523 = arith.constant 0 : i32
        %dma_start3A_524 = tpu.memref_slice %arg8[%dma_start3A_520, %dma_start3A_522, %dma_start3A_523] : memref<2x80x16xf32, #tpu.memory_space<vmem>> -> memref<1x80x16xf32, #tpu.memory_space<vmem>>
        %dma_start3A_525 = tpu.memref_squeeze %dma_start3A_524 : memref<1x80x16xf32, #tpu.memory_space<vmem>> -> memref<80x16xf32, #tpu.memory_space<vmem>>
        %dma_start3A_526 = arith.constant 0 : i32
        %dma_start3A_527 = tpu.memref_slice %arg3[%mul3A_519, %dma_start3A_526] : memref<320000x16xf32, #tpu.memory_space<hbm>> -> memref<80x16xf32, #tpu.memory_space<hbm>>
        %dma_start3A_528 = tpu.memref_slice %arg13[%dma_start3A_521] : memref<2x!tpu.dma_semaphore, #tpu.memory_space<semaphore_mem>> -> memref<1x!tpu.dma_semaphore, #tpu.memory_space<semaphore_mem>>
        %dma_start3A_529 = tpu.memref_squeeze %dma_start3A_528 : memref<1x!tpu.dma_semaphore, #tpu.memory_space<semaphore_mem>> -> memref<!tpu.dma_semaphore, #tpu.memory_space<semaphore_mem>>
        %dma_start3A_530 = arith.constant 0 : i32
        %dma_start3A_531 = arith.constant 0 : i32
        %dma_start3A_532 = tpu.memref_slice %arg8[%dma_start3A_520, %dma_start3A_530, %dma_start3A_531] : memref<2x80x16xf32, #tpu.memory_space<vmem>> -> memref<1x80x16xf32, #tpu.memory_space<vmem>>
        %dma_start3A_533 = tpu.memref_squeeze %dma_start3A_532 : memref<1x80x16xf32, #tpu.memory_space<vmem>> -> memref<80x16xf32, #tpu.memory_space<vmem>>
        %dma_start3A_534 = arith.constant 0 : i32
        %dma_start3A_535 = tpu.memref_slice %arg3[%mul3A_519, %dma_start3A_534] : memref<320000x16xf32, #tpu.memory_space<hbm>> -> memref<80x16xf32, #tpu.memory_space<hbm>>
        tpu.enqueue_dma source(%dma_start3A_535 : memref<80x16xf32, #tpu.memory_space<hbm>>) target(%dma_start3A_533 : memref<80x16xf32, #tpu.memory_space<vmem>>) target_semaphore(%dma_start3A_529 : memref<!tpu.dma_semaphore, #tpu.memory_space<semaphore_mem>>)
      } else {
      }
      %add3A_247 = arith.constant 2 : i32
      %add3A_248 = arith.addi %add3A_242, %add3A_247 : i32
      %lt3A_249 = arith.constant 125 : i32
      %lt3A_250 = arith.cmpi slt, %add3A_248, %lt3A_249 : i32
      %convert_element_type3A_251 = arith.extui %lt3A_250 : i1 to i32
      %cond3A_252 = arith.constant 0 : i32
      %cond3A_253 = arith.cmpi ne, %convert_element_type3A_251, %cond3A_252 : i32
      scf.if %cond3A_253 {
        %add3A_472 = arith.addi %mul3A_32, %add3A_242 : i32
        %add3A_473 = arith.constant 2 : i32
        %add3A_474 = arith.addi %add3A_472, %add3A_473 : i32
        %mul3A_475 = arith.constant 80 : i32
        %mul3A_476 = arith.muli %add3A_474, %mul3A_475 : i32
        %dma_start3A_477 = arith.constant 2 : i32
        %dma_start3A_478 = arith.constant 2 : i32
        %dma_start3A_479 = arith.constant 0 : i32
        %dma_start3A_480 = tpu.memref_slice %arg9[%dma_start3A_477, %dma_start3A_479] : memref<4x80xi32, #tpu.memory_space<vmem>> -> memref<1x80xi32, #tpu.memory_space<vmem>>
        %dma_start3A_481 = tpu.memref_squeeze %dma_start3A_480 : memref<1x80xi32, #tpu.memory_space<vmem>> -> memref<80xi32, #tpu.memory_space<vmem>>
        %dma_start3A_482 = tpu.memref_slice %arg4[%mul3A_476] : memref<320000xi32, #tpu.memory_space<hbm>> -> memref<80xi32, #tpu.memory_space<hbm>>
        %dma_start3A_483 = tpu.memref_slice %arg14[%dma_start3A_478] : memref<4x!tpu.dma_semaphore, #tpu.memory_space<semaphore_mem>> -> memref<1x!tpu.dma_semaphore, #tpu.memory_space<semaphore_mem>>
        %dma_start3A_484 = tpu.memref_squeeze %dma_start3A_483 : memref<1x!tpu.dma_semaphore, #tpu.memory_space<semaphore_mem>> -> memref<!tpu.dma_semaphore, #tpu.memory_space<semaphore_mem>>
        %dma_start3A_485 = arith.constant 0 : i32
        %dma_start3A_486 = tpu.memref_slice %arg9[%dma_start3A_477, %dma_start3A_485] : memref<4x80xi32, #tpu.memory_space<vmem>> -> memref<1x80xi32, #tpu.memory_space<vmem>>
        %dma_start3A_487 = tpu.memref_squeeze %dma_start3A_486 : memref<1x80xi32, #tpu.memory_space<vmem>> -> memref<80xi32, #tpu.memory_space<vmem>>
        %dma_start3A_488 = tpu.memref_slice %arg4[%mul3A_476] : memref<320000xi32, #tpu.memory_space<hbm>> -> memref<80xi32, #tpu.memory_space<hbm>>
        tpu.enqueue_dma source(%dma_start3A_488 : memref<80xi32, #tpu.memory_space<hbm>>) target(%dma_start3A_487 : memref<80xi32, #tpu.memory_space<vmem>>) target_semaphore(%dma_start3A_484 : memref<!tpu.dma_semaphore, #tpu.memory_space<semaphore_mem>>)
        %dma_start3A_489 = arith.constant 2 : i32
        %dma_start3A_490 = arith.constant 2 : i32
        %dma_start3A_491 = arith.constant 0 : i32
        %dma_start3A_492 = tpu.memref_slice %arg10[%dma_start3A_489, %dma_start3A_491] : memref<4x80xi32, #tpu.memory_space<vmem>> -> memref<1x80xi32, #tpu.memory_space<vmem>>
        %dma_start3A_493 = tpu.memref_squeeze %dma_start3A_492 : memref<1x80xi32, #tpu.memory_space<vmem>> -> memref<80xi32, #tpu.memory_space<vmem>>
        %dma_start3A_494 = tpu.memref_slice %arg5[%mul3A_476] : memref<320000xi32, #tpu.memory_space<hbm>> -> memref<80xi32, #tpu.memory_space<hbm>>
        %dma_start3A_495 = tpu.memref_slice %arg14[%dma_start3A_490] : memref<4x!tpu.dma_semaphore, #tpu.memory_space<semaphore_mem>> -> memref<1x!tpu.dma_semaphore, #tpu.memory_space<semaphore_mem>>
        %dma_start3A_496 = tpu.memref_squeeze %dma_start3A_495 : memref<1x!tpu.dma_semaphore, #tpu.memory_space<semaphore_mem>> -> memref<!tpu.dma_semaphore, #tpu.memory_space<semaphore_mem>>
        %dma_start3A_497 = arith.constant 0 : i32
        %dma_start3A_498 = tpu.memref_slice %arg10[%dma_start3A_489, %dma_start3A_497] : memref<4x80xi32, #tpu.memory_space<vmem>> -> memref<1x80xi32, #tpu.memory_space<vmem>>
        %dma_start3A_499 = tpu.memref_squeeze %dma_start3A_498 : memref<1x80xi32, #tpu.memory_space<vmem>> -> memref<80xi32, #tpu.memory_space<vmem>>
        %dma_start3A_500 = tpu.memref_slice %arg5[%mul3A_476] : memref<320000xi32, #tpu.memory_space<hbm>> -> memref<80xi32, #tpu.memory_space<hbm>>
        tpu.enqueue_dma source(%dma_start3A_500 : memref<80xi32, #tpu.memory_space<hbm>>) target(%dma_start3A_499 : memref<80xi32, #tpu.memory_space<vmem>>) target_semaphore(%dma_start3A_496 : memref<!tpu.dma_semaphore, #tpu.memory_space<semaphore_mem>>)
      } else {
      }
      %dma_wait3A_254 = arith.constant 0 : i32
      %dma_wait3A_255 = arith.constant 0 : i32
      %dma_wait3A_256 = arith.constant 0 : i32
      %dma_wait3A_257 = arith.constant 0 : i32
      %dma_wait3A_258 = arith.constant 0 : i32
      %dma_wait3A_259 = tpu.memref_slice %arg7[%dma_wait3A_255, %dma_wait3A_257, %dma_wait3A_258] : memref<2x80x128xf32, #tpu.memory_space<vmem>> -> memref<1x80x128xf32, #tpu.memory_space<vmem>>
      %dma_wait3A_260 = tpu.memref_squeeze %dma_wait3A_259 : memref<1x80x128xf32, #tpu.memory_space<vmem>> -> memref<80x128xf32, #tpu.memory_space<vmem>>
      %dma_wait3A_261 = arith.constant 0 : i32
      %dma_wait3A_262 = tpu.memref_slice %arg9[%dma_wait3A_254, %dma_wait3A_261] : memref<4x80xi32, #tpu.memory_space<vmem>> -> memref<1x80xi32, #tpu.memory_space<vmem>>
      %dma_wait3A_263 = tpu.memref_squeeze %dma_wait3A_262 : memref<1x80xi32, #tpu.memory_space<vmem>> -> memref<80xi32, #tpu.memory_space<vmem>>
      %dma_wait3A_264 = arith.constant 0 : i32
      %dma_wait3A_265 = arith.constant 0 : i32
      %dma_wait3A_266 = tpu.memref_slice %arg2[%dma_wait3A_264, %dma_wait3A_265] : memref<10000x128xf32, #tpu.memory_space<hbm>> -> memref<10000x128xf32, #tpu.memory_space<hbm>>
      %dma_wait3A_267 = tpu.memref_slice %arg12[%dma_wait3A_256] : memref<2x!tpu.dma_semaphore, #tpu.memory_space<semaphore_mem>> -> memref<1x!tpu.dma_semaphore, #tpu.memory_space<semaphore_mem>>
      %dma_wait3A_268 = tpu.memref_squeeze %dma_wait3A_267 : memref<1x!tpu.dma_semaphore, #tpu.memory_space<semaphore_mem>> -> memref<!tpu.dma_semaphore, #tpu.memory_space<semaphore_mem>>
      tpu.wait_indirect_dma semaphore(%dma_wait3A_268 : memref<!tpu.dma_semaphore, #tpu.memory_space<semaphore_mem>>) src(%dma_wait3A_266 : memref<10000x128xf32, #tpu.memory_space<hbm>>) dst(%dma_wait3A_260 : memref<80x128xf32, #tpu.memory_space<vmem>>)
      %dma_wait3A_269 = arith.constant 0 : i32
      %dma_wait3A_270 = arith.constant 0 : i32
      %dma_wait3A_271 = arith.constant 0 : i32
      %dma_wait3A_272 = arith.constant 0 : i32
      %dma_wait3A_273 = tpu.memref_slice %arg8[%dma_wait3A_269, %dma_wait3A_271, %dma_wait3A_272] : memref<2x80x16xf32, #tpu.memory_space<vmem>> -> memref<1x80x16xf32, #tpu.memory_space<vmem>>
      %dma_wait3A_274 = tpu.memref_squeeze %dma_wait3A_273 : memref<1x80x16xf32, #tpu.memory_space<vmem>> -> memref<80x16xf32, #tpu.memory_space<vmem>>
      %dma_wait3A_275 = arith.constant 0 : i32
      %dma_wait3A_276 = arith.constant 0 : i32
      %dma_wait3A_277 = tpu.memref_slice %arg3[%dma_wait3A_275, %dma_wait3A_276] : memref<320000x16xf32, #tpu.memory_space<hbm>> -> memref<80x16xf32, #tpu.memory_space<hbm>>
      %dma_wait3A_278 = tpu.memref_slice %arg13[%dma_wait3A_270] : memref<2x!tpu.dma_semaphore, #tpu.memory_space<semaphore_mem>> -> memref<1x!tpu.dma_semaphore, #tpu.memory_space<semaphore_mem>>
      %dma_wait3A_279 = tpu.memref_squeeze %dma_wait3A_278 : memref<1x!tpu.dma_semaphore, #tpu.memory_space<semaphore_mem>> -> memref<!tpu.dma_semaphore, #tpu.memory_space<semaphore_mem>>
      %dma_wait3A_280 = arith.constant 0 : i32
      %dma_wait3A_281 = arith.constant 0 : i32
      %dma_wait3A_282 = tpu.memref_slice %arg8[%dma_wait3A_269, %dma_wait3A_280, %dma_wait3A_281] : memref<2x80x16xf32, #tpu.memory_space<vmem>> -> memref<1x80x16xf32, #tpu.memory_space<vmem>>
      %dma_wait3A_283 = tpu.memref_squeeze %dma_wait3A_282 : memref<1x80x16xf32, #tpu.memory_space<vmem>> -> memref<80x16xf32, #tpu.memory_space<vmem>>
      %dma_wait3A_284 = arith.constant 0 : i32
      %dma_wait3A_285 = arith.constant 0 : i32
      %dma_wait3A_286 = tpu.memref_slice %arg3[%dma_wait3A_284, %dma_wait3A_285] : memref<320000x16xf32, #tpu.memory_space<hbm>> -> memref<80x16xf32, #tpu.memory_space<hbm>>
      tpu.wait_dma2 semaphore(%dma_wait3A_279 : memref<!tpu.dma_semaphore, #tpu.memory_space<semaphore_mem>>) src(%dma_wait3A_286 : memref<80x16xf32, #tpu.memory_space<hbm>>) dst(%dma_wait3A_283 : memref<80x16xf32, #tpu.memory_space<vmem>>)
      %scan3A_287 = arith.constant 0 : i32
      %scan3A_288 = arith.constant 0 : i32
      %scan3A_289 = arith.constant 80 : i32
      %scan3A_290 = arith.addi %scan3A_288, %scan3A_289 : i32
      %scan3A_291 = arith.constant 1 : i32
      scf.for %scan3A_472 = %scan3A_288 to %scan3A_290 step %scan3A_291  : i32 {
        %get3A = arith.constant 0 : i32
        %get3A_473 = arith.index_cast %get3A : i32 to index
        %get3A_474 = arith.index_cast %scan3A_472 : i32 to index
        %get3A_475 = arith.constant 0 : index
        %get3A_476 = tpu.vector_load %arg7[%get3A_473, %get3A_474, %get3A_475] {strides = array<i32>} : memref<2x80x128xf32, #tpu.memory_space<vmem>>, vector<1x1x16xf32>,
        %get3A_477 = vector.shape_cast %get3A_476 : vector<1x1x16xf32> to vector<16xf32>
        %get3A_478 = arith.constant 0 : i32
        %get3A_479 = arith.index_cast %get3A_478 : i32 to index
        %get3A_480 = arith.index_cast %scan3A_472 : i32 to index
        %get3A_481 = arith.constant 0 : index
        %get3A_482 = tpu.vector_load %arg8[%get3A_479, %get3A_480, %get3A_481] {strides = array<i32>} : memref<2x80x16xf32, #tpu.memory_space<vmem>>, vector<1x1x16xf32>,
        %get3A_483 = vector.shape_cast %get3A_482 : vector<1x1x16xf32> to vector<16xf32>
        %add3A_484 = arith.addf %get3A_477, %get3A_483 : vector<16xf32>
        %max3A = arith.constant 0.000000e+00 : f32
        %max3A_485 = vector.broadcast %max3A : f32 to vector<16xf32>
        %max3A_486 = arith.maximumf %add3A_484, %max3A_485 : vector<16xf32>
        %swap3A = arith.constant 0 : i32
        %swap3A_487 = arith.index_cast %swap3A : i32 to index
        %swap3A_488 = arith.index_cast %scan3A_472 : i32 to index
        %swap3A_489 = arith.constant 0 : index
        %swap3A_490 = tpu.vector_load %arg7[%swap3A_487, %swap3A_488, %swap3A_489] {strides = array<i32>} : memref<2x80x128xf32, #tpu.memory_space<vmem>>, vector<1x1x16xf32>,
        %swap3A_491 = vector.shape_cast %swap3A_490 : vector<1x1x16xf32> to vector<16xf32>
        %swap3A_492 = vector.shape_cast %max3A_486 : vector<16xf32> to vector<1x1x16xf32>
        tpu.vector_store %arg7[%swap3A_487, %swap3A_488, %swap3A_489], %swap3A_492 {strides = array<i32>} : memref<2x80x128xf32, #tpu.memory_space<vmem>>, vector<1x1x16xf32>,
      }
      %scan3A_292 = arith.constant 80 : i32
      %run_scoped3A_293 = arith.constant 0 : i32
      %run_scoped3A_294 = arith.constant 0 : i32
      "tpu.region"() ({
        %run_scoped3A_472 = tpu.sem_alloc : memref<!tpu.dma_semaphore, #tpu.memory_space<semaphore_mem>>
        %dma_start3A_473 = arith.constant 0 : i32
        %dma_start3A_474 = arith.constant 0 : i32
        %dma_start3A_475 = tpu.memref_slice %arg7[%run_scoped3A_293, %dma_start3A_473, %dma_start3A_474] : memref<2x80x128xf32, #tpu.memory_space<vmem>> -> memref<1x80x128xf32, #tpu.memory_space<vmem>>
        %dma_start3A_476 = tpu.memref_squeeze %dma_start3A_475 : memref<1x80x128xf32, #tpu.memory_space<vmem>> -> memref<80x128xf32, #tpu.memory_space<vmem>>
        %dma_start3A_477 = arith.constant 0 : i32
        %dma_start3A_478 = tpu.memref_slice %arg10[%run_scoped3A_294, %dma_start3A_477] : memref<4x80xi32, #tpu.memory_space<vmem>> -> memref<1x80xi32, #tpu.memory_space<vmem>>
        %dma_start3A_479 = tpu.memref_squeeze %dma_start3A_478 : memref<1x80xi32, #tpu.memory_space<vmem>> -> memref<80xi32, #tpu.memory_space<vmem>>
        %dma_start3A_480 = arith.constant 0 : i32
        %dma_start3A_481 = arith.constant 0 : i32
        %dma_start3A_482 = tpu.memref_slice %arg11[%dma_start3A_480, %dma_start3A_481] : memref<10240x128xf32, #tpu.memory_space<vmem_shared>> -> memref<10240x128xf32, #tpu.memory_space<vmem_shared>>
        tpu.enqueue_indirect_dma source(%dma_start3A_476 : memref<80x128xf32, #tpu.memory_space<vmem>>) target(%dma_start3A_482 : memref<10240x128xf32, #tpu.memory_space<vmem_shared>>) offsets(%dma_start3A_479 : memref<80xi32, #tpu.memory_space<vmem>>) semaphore(%run_scoped3A_472 : memref<!tpu.dma_semaphore, #tpu.memory_space<semaphore_mem>>) {add = true}
        %dma_wait3A_483 = arith.constant 0 : i32
        %dma_wait3A_484 = arith.constant 0 : i32
        %dma_wait3A_485 = tpu.memref_slice %arg7[%run_scoped3A_293, %dma_wait3A_483, %dma_wait3A_484] : memref<2x80x128xf32, #tpu.memory_space<vmem>> -> memref<1x80x128xf32, #tpu.memory_space<vmem>>
        %dma_wait3A_486 = tpu.memref_squeeze %dma_wait3A_485 : memref<1x80x128xf32, #tpu.memory_space<vmem>> -> memref<80x128xf32, #tpu.memory_space<vmem>>
        %dma_wait3A_487 = arith.constant 0 : i32
        %dma_wait3A_488 = tpu.memref_slice %arg10[%run_scoped3A_294, %dma_wait3A_487] : memref<4x80xi32, #tpu.memory_space<vmem>> -> memref<1x80xi32, #tpu.memory_space<vmem>>
        %dma_wait3A_489 = tpu.memref_squeeze %dma_wait3A_488 : memref<1x80xi32, #tpu.memory_space<vmem>> -> memref<80xi32, #tpu.memory_space<vmem>>
        %dma_wait3A_490 = arith.constant 0 : i32
        %dma_wait3A_491 = arith.constant 0 : i32
        %dma_wait3A_492 = tpu.memref_slice %arg11[%dma_wait3A_490, %dma_wait3A_491] : memref<10240x128xf32, #tpu.memory_space<vmem_shared>> -> memref<10240x128xf32, #tpu.memory_space<vmem_shared>>
        tpu.wait_indirect_dma semaphore(%run_scoped3A_472 : memref<!tpu.dma_semaphore, #tpu.memory_space<semaphore_mem>>) src(%dma_wait3A_486 : memref<80x128xf32, #tpu.memory_space<vmem>>) dst(%dma_wait3A_492 : memref<10240x128xf32, #tpu.memory_space<vmem_shared>>)
        tpu.yield
      }) : () -> ()
      %mul3A_295 = arith.constant 4 : i32
      %mul3A_296 = arith.muli %scan3A_238, %mul3A_295 : i32
      %add3A_297 = arith.constant 1 : i32
      %add3A_298 = arith.addi %mul3A_296, %add3A_297 : i32
      %add3A_299 = arith.constant 1 : i32
      %add3A_300 = arith.addi %add3A_298, %add3A_299 : i32
      %lt3A_301 = arith.constant 125 : i32
      %lt3A_302 = arith.cmpi slt, %add3A_300, %lt3A_301 : i32
      %convert_element_type3A_303 = arith.extui %lt3A_302 : i1 to i32
      %cond3A_304 = arith.constant 0 : i32
      %cond3A_305 = arith.cmpi ne, %convert_element_type3A_303, %cond3A_304 : i32
      scf.if %cond3A_305 {
        %dma_wait3A_472 = arith.constant 2 : i32
        %dma_wait3A_473 = arith.constant 2 : i32
        %dma_wait3A_474 = arith.constant 0 : i32
        %dma_wait3A_475 = tpu.memref_slice %arg9[%dma_wait3A_472, %dma_wait3A_474] : memref<4x80xi32, #tpu.memory_space<vmem>> -> memref<1x80xi32, #tpu.memory_space<vmem>>
        %dma_wait3A_476 = tpu.memref_squeeze %dma_wait3A_475 : memref<1x80xi32, #tpu.memory_space<vmem>> -> memref<80xi32, #tpu.memory_space<vmem>>
        %dma_wait3A_477 = arith.constant 0 : i32
        %dma_wait3A_478 = tpu.memref_slice %arg4[%dma_wait3A_477] : memref<320000xi32, #tpu.memory_space<hbm>> -> memref<80xi32, #tpu.memory_space<hbm>>
        %dma_wait3A_479 = tpu.memref_slice %arg14[%dma_wait3A_473] : memref<4x!tpu.dma_semaphore, #tpu.memory_space<semaphore_mem>> -> memref<1x!tpu.dma_semaphore, #tpu.memory_space<semaphore_mem>>
        %dma_wait3A_480 = tpu.memref_squeeze %dma_wait3A_479 : memref<1x!tpu.dma_semaphore, #tpu.memory_space<semaphore_mem>> -> memref<!tpu.dma_semaphore, #tpu.memory_space<semaphore_mem>>
        %dma_wait3A_481 = arith.constant 0 : i32
        %dma_wait3A_482 = tpu.memref_slice %arg9[%dma_wait3A_472, %dma_wait3A_481] : memref<4x80xi32, #tpu.memory_space<vmem>> -> memref<1x80xi32, #tpu.memory_space<vmem>>
        %dma_wait3A_483 = tpu.memref_squeeze %dma_wait3A_482 : memref<1x80xi32, #tpu.memory_space<vmem>> -> memref<80xi32, #tpu.memory_space<vmem>>
        %dma_wait3A_484 = arith.constant 0 : i32
        %dma_wait3A_485 = tpu.memref_slice %arg4[%dma_wait3A_484] : memref<320000xi32, #tpu.memory_space<hbm>> -> memref<80xi32, #tpu.memory_space<hbm>>
        tpu.wait_dma2 semaphore(%dma_wait3A_480 : memref<!tpu.dma_semaphore, #tpu.memory_space<semaphore_mem>>) src(%dma_wait3A_485 : memref<80xi32, #tpu.memory_space<hbm>>) dst(%dma_wait3A_483 : memref<80xi32, #tpu.memory_space<vmem>>)
        %dma_wait3A_486 = arith.constant 2 : i32
        %dma_wait3A_487 = arith.constant 2 : i32
        %dma_wait3A_488 = arith.constant 0 : i32
        %dma_wait3A_489 = tpu.memref_slice %arg10[%dma_wait3A_486, %dma_wait3A_488] : memref<4x80xi32, #tpu.memory_space<vmem>> -> memref<1x80xi32, #tpu.memory_space<vmem>>
        %dma_wait3A_490 = tpu.memref_squeeze %dma_wait3A_489 : memref<1x80xi32, #tpu.memory_space<vmem>> -> memref<80xi32, #tpu.memory_space<vmem>>
        %dma_wait3A_491 = arith.constant 0 : i32
        %dma_wait3A_492 = tpu.memref_slice %arg5[%dma_wait3A_491] : memref<320000xi32, #tpu.memory_space<hbm>> -> memref<80xi32, #tpu.memory_space<hbm>>
        %dma_wait3A_493 = tpu.memref_slice %arg14[%dma_wait3A_487] : memref<4x!tpu.dma_semaphore, #tpu.memory_space<semaphore_mem>> -> memref<1x!tpu.dma_semaphore, #tpu.memory_space<semaphore_mem>>
        %dma_wait3A_494 = tpu.memref_squeeze %dma_wait3A_493 : memref<1x!tpu.dma_semaphore, #tpu.memory_space<semaphore_mem>> -> memref<!tpu.dma_semaphore, #tpu.memory_space<semaphore_mem>>
        %dma_wait3A_495 = arith.constant 0 : i32
        %dma_wait3A_496 = tpu.memref_slice %arg10[%dma_wait3A_486, %dma_wait3A_495] : memref<4x80xi32, #tpu.memory_space<vmem>> -> memref<1x80xi32, #tpu.memory_space<vmem>>
        %dma_wait3A_497 = tpu.memref_squeeze %dma_wait3A_496 : memref<1x80xi32, #tpu.memory_space<vmem>> -> memref<80xi32, #tpu.memory_space<vmem>>
        %dma_wait3A_498 = arith.constant 0 : i32
        %dma_wait3A_499 = tpu.memref_slice %arg5[%dma_wait3A_498] : memref<320000xi32, #tpu.memory_space<hbm>> -> memref<80xi32, #tpu.memory_space<hbm>>
        tpu.wait_dma2 semaphore(%dma_wait3A_494 : memref<!tpu.dma_semaphore, #tpu.memory_space<semaphore_mem>>) src(%dma_wait3A_499 : memref<80xi32, #tpu.memory_space<hbm>>) dst(%dma_wait3A_497 : memref<80xi32, #tpu.memory_space<vmem>>)
        %add3A_500 = arith.addi %mul3A_32, %add3A_298 : i32
        %add3A_501 = arith.constant 1 : i32
        %add3A_502 = arith.addi %add3A_500, %add3A_501 : i32
        %dma_start3A_503 = arith.constant 2 : i32
        %dma_start3A_504 = arith.constant 0 : i32
        %dma_start3A_505 = arith.constant 0 : i32
        %dma_start3A_506 = arith.constant 0 : i32
        %dma_start3A_507 = arith.constant 0 : i32
        %dma_start3A_508 = tpu.memref_slice %arg7[%dma_start3A_504, %dma_start3A_506, %dma_start3A_507] : memref<2x80x128xf32, #tpu.memory_space<vmem>> -> memref<1x80x128xf32, #tpu.memory_space<vmem>>
        %dma_start3A_509 = tpu.memref_squeeze %dma_start3A_508 : memref<1x80x128xf32, #tpu.memory_space<vmem>> -> memref<80x128xf32, #tpu.memory_space<vmem>>
        %dma_start3A_510 = arith.constant 0 : i32
        %dma_start3A_511 = tpu.memref_slice %arg9[%dma_start3A_503, %dma_start3A_510] : memref<4x80xi32, #tpu.memory_space<vmem>> -> memref<1x80xi32, #tpu.memory_space<vmem>>
        %dma_start3A_512 = tpu.memref_squeeze %dma_start3A_511 : memref<1x80xi32, #tpu.memory_space<vmem>> -> memref<80xi32, #tpu.memory_space<vmem>>
        %dma_start3A_513 = arith.constant 0 : i32
        %dma_start3A_514 = arith.constant 0 : i32
        %dma_start3A_515 = tpu.memref_slice %arg2[%dma_start3A_513, %dma_start3A_514] : memref<10000x128xf32, #tpu.memory_space<hbm>> -> memref<10000x128xf32, #tpu.memory_space<hbm>>
        %dma_start3A_516 = tpu.memref_slice %arg12[%dma_start3A_505] : memref<2x!tpu.dma_semaphore, #tpu.memory_space<semaphore_mem>> -> memref<1x!tpu.dma_semaphore, #tpu.memory_space<semaphore_mem>>
        %dma_start3A_517 = tpu.memref_squeeze %dma_start3A_516 : memref<1x!tpu.dma_semaphore, #tpu.memory_space<semaphore_mem>> -> memref<!tpu.dma_semaphore, #tpu.memory_space<semaphore_mem>>
        tpu.enqueue_indirect_dma source(%dma_start3A_515 : memref<10000x128xf32, #tpu.memory_space<hbm>>) target(%dma_start3A_509 : memref<80x128xf32, #tpu.memory_space<vmem>>) offsets(%dma_start3A_512 : memref<80xi32, #tpu.memory_space<vmem>>) semaphore(%dma_start3A_517 : memref<!tpu.dma_semaphore, #tpu.memory_space<semaphore_mem>>)
        %mul3A_518 = arith.constant 80 : i32
        %mul3A_519 = arith.muli %add3A_502, %mul3A_518 : i32
        %dma_start3A_520 = arith.constant 0 : i32
        %dma_start3A_521 = arith.constant 0 : i32
        %dma_start3A_522 = arith.constant 0 : i32
        %dma_start3A_523 = arith.constant 0 : i32
        %dma_start3A_524 = tpu.memref_slice %arg8[%dma_start3A_520, %dma_start3A_522, %dma_start3A_523] : memref<2x80x16xf32, #tpu.memory_space<vmem>> -> memref<1x80x16xf32, #tpu.memory_space<vmem>>
        %dma_start3A_525 = tpu.memref_squeeze %dma_start3A_524 : memref<1x80x16xf32, #tpu.memory_space<vmem>> -> memref<80x16xf32, #tpu.memory_space<vmem>>
        %dma_start3A_526 = arith.constant 0 : i32
        %dma_start3A_527 = tpu.memref_slice %arg3[%mul3A_519, %dma_start3A_526] : memref<320000x16xf32, #tpu.memory_space<hbm>> -> memref<80x16xf32, #tpu.memory_space<hbm>>
        %dma_start3A_528 = tpu.memref_slice %arg13[%dma_start3A_521] : memref<2x!tpu.dma_semaphore, #tpu.memory_space<semaphore_mem>> -> memref<1x!tpu.dma_semaphore, #tpu.memory_space<semaphore_mem>>
        %dma_start3A_529 = tpu.memref_squeeze %dma_start3A_528 : memref<1x!tpu.dma_semaphore, #tpu.memory_space<semaphore_mem>> -> memref<!tpu.dma_semaphore, #tpu.memory_space<semaphore_mem>>
        %dma_start3A_530 = arith.constant 0 : i32
        %dma_start3A_531 = arith.constant 0 : i32
        %dma_start3A_532 = tpu.memref_slice %arg8[%dma_start3A_520, %dma_start3A_530, %dma_start3A_531] : memref<2x80x16xf32, #tpu.memory_space<vmem>> -> memref<1x80x16xf32, #tpu.memory_space<vmem>>
        %dma_start3A_533 = tpu.memref_squeeze %dma_start3A_532 : memref<1x80x16xf32, #tpu.memory_space<vmem>> -> memref<80x16xf32, #tpu.memory_space<vmem>>
        %dma_start3A_534 = arith.constant 0 : i32
        %dma_start3A_535 = tpu.memref_slice %arg3[%mul3A_519, %dma_start3A_534] : memref<320000x16xf32, #tpu.memory_space<hbm>> -> memref<80x16xf32, #tpu.memory_space<hbm>>
        tpu.enqueue_dma source(%dma_start3A_535 : memref<80x16xf32, #tpu.memory_space<hbm>>) target(%dma_start3A_533 : memref<80x16xf32, #tpu.memory_space<vmem>>) target_semaphore(%dma_start3A_529 : memref<!tpu.dma_semaphore, #tpu.memory_space<semaphore_mem>>)
      } else {
      }
      %add3A_306 = arith.constant 2 : i32
      %add3A_307 = arith.addi %add3A_298, %add3A_306 : i32
      %lt3A_308 = arith.constant 125 : i32
      %lt3A_309 = arith.cmpi slt, %add3A_307, %lt3A_308 : i32
      %convert_element_type3A_310 = arith.extui %lt3A_309 : i1 to i32
      %cond3A_311 = arith.constant 0 : i32
      %cond3A_312 = arith.cmpi ne, %convert_element_type3A_310, %cond3A_311 : i32
      scf.if %cond3A_312 {
        %add3A_472 = arith.addi %mul3A_32, %add3A_298 : i32
        %add3A_473 = arith.constant 2 : i32
        %add3A_474 = arith.addi %add3A_472, %add3A_473 : i32
        %mul3A_475 = arith.constant 80 : i32
        %mul3A_476 = arith.muli %add3A_474, %mul3A_475 : i32
        %dma_start3A_477 = arith.constant 3 : i32
        %dma_start3A_478 = arith.constant 3 : i32
        %dma_start3A_479 = arith.constant 0 : i32
        %dma_start3A_480 = tpu.memref_slice %arg9[%dma_start3A_477, %dma_start3A_479] : memref<4x80xi32, #tpu.memory_space<vmem>> -> memref<1x80xi32, #tpu.memory_space<vmem>>
        %dma_start3A_481 = tpu.memref_squeeze %dma_start3A_480 : memref<1x80xi32, #tpu.memory_space<vmem>> -> memref<80xi32, #tpu.memory_space<vmem>>
        %dma_start3A_482 = tpu.memref_slice %arg4[%mul3A_476] : memref<320000xi32, #tpu.memory_space<hbm>> -> memref<80xi32, #tpu.memory_space<hbm>>
        %dma_start3A_483 = tpu.memref_slice %arg14[%dma_start3A_478] : memref<4x!tpu.dma_semaphore, #tpu.memory_space<semaphore_mem>> -> memref<1x!tpu.dma_semaphore, #tpu.memory_space<semaphore_mem>>
        %dma_start3A_484 = tpu.memref_squeeze %dma_start3A_483 : memref<1x!tpu.dma_semaphore, #tpu.memory_space<semaphore_mem>> -> memref<!tpu.dma_semaphore, #tpu.memory_space<semaphore_mem>>
        %dma_start3A_485 = arith.constant 0 : i32
        %dma_start3A_486 = tpu.memref_slice %arg9[%dma_start3A_477, %dma_start3A_485] : memref<4x80xi32, #tpu.memory_space<vmem>> -> memref<1x80xi32, #tpu.memory_space<vmem>>
        %dma_start3A_487 = tpu.memref_squeeze %dma_start3A_486 : memref<1x80xi32, #tpu.memory_space<vmem>> -> memref<80xi32, #tpu.memory_space<vmem>>
        %dma_start3A_488 = tpu.memref_slice %arg4[%mul3A_476] : memref<320000xi32, #tpu.memory_space<hbm>> -> memref<80xi32, #tpu.memory_space<hbm>>
        tpu.enqueue_dma source(%dma_start3A_488 : memref<80xi32, #tpu.memory_space<hbm>>) target(%dma_start3A_487 : memref<80xi32, #tpu.memory_space<vmem>>) target_semaphore(%dma_start3A_484 : memref<!tpu.dma_semaphore, #tpu.memory_space<semaphore_mem>>)
        %dma_start3A_489 = arith.constant 3 : i32
        %dma_start3A_490 = arith.constant 3 : i32
        %dma_start3A_491 = arith.constant 0 : i32
        %dma_start3A_492 = tpu.memref_slice %arg10[%dma_start3A_489, %dma_start3A_491] : memref<4x80xi32, #tpu.memory_space<vmem>> -> memref<1x80xi32, #tpu.memory_space<vmem>>
        %dma_start3A_493 = tpu.memref_squeeze %dma_start3A_492 : memref<1x80xi32, #tpu.memory_space<vmem>> -> memref<80xi32, #tpu.memory_space<vmem>>
        %dma_start3A_494 = tpu.memref_slice %arg5[%mul3A_476] : memref<320000xi32, #tpu.memory_space<hbm>> -> memref<80xi32, #tpu.memory_space<hbm>>
        %dma_start3A_495 = tpu.memref_slice %arg14[%dma_start3A_490] : memref<4x!tpu.dma_semaphore, #tpu.memory_space<semaphore_mem>> -> memref<1x!tpu.dma_semaphore, #tpu.memory_space<semaphore_mem>>
        %dma_start3A_496 = tpu.memref_squeeze %dma_start3A_495 : memref<1x!tpu.dma_semaphore, #tpu.memory_space<semaphore_mem>> -> memref<!tpu.dma_semaphore, #tpu.memory_space<semaphore_mem>>
        %dma_start3A_497 = arith.constant 0 : i32
        %dma_start3A_498 = tpu.memref_slice %arg10[%dma_start3A_489, %dma_start3A_497] : memref<4x80xi32, #tpu.memory_space<vmem>> -> memref<1x80xi32, #tpu.memory_space<vmem>>
        %dma_start3A_499 = tpu.memref_squeeze %dma_start3A_498 : memref<1x80xi32, #tpu.memory_space<vmem>> -> memref<80xi32, #tpu.memory_space<vmem>>
        %dma_start3A_500 = tpu.memref_slice %arg5[%mul3A_476] : memref<320000xi32, #tpu.memory_space<hbm>> -> memref<80xi32, #tpu.memory_space<hbm>>
        tpu.enqueue_dma source(%dma_start3A_500 : memref<80xi32, #tpu.memory_space<hbm>>) target(%dma_start3A_499 : memref<80xi32, #tpu.memory_space<vmem>>) target_semaphore(%dma_start3A_496 : memref<!tpu.dma_semaphore, #tpu.memory_space<semaphore_mem>>)
      } else {
      }
      %dma_wait3A_313 = arith.constant 0 : i32
      %dma_wait3A_314 = arith.constant 1 : i32
      %dma_wait3A_315 = arith.constant 1 : i32
      %dma_wait3A_316 = arith.constant 0 : i32
      %dma_wait3A_317 = arith.constant 0 : i32
      %dma_wait3A_318 = tpu.memref_slice %arg7[%dma_wait3A_314, %dma_wait3A_316, %dma_wait3A_317] : memref<2x80x128xf32, #tpu.memory_space<vmem>> -> memref<1x80x128xf32, #tpu.memory_space<vmem>>
      %dma_wait3A_319 = tpu.memref_squeeze %dma_wait3A_318 : memref<1x80x128xf32, #tpu.memory_space<vmem>> -> memref<80x128xf32, #tpu.memory_space<vmem>>
      %dma_wait3A_320 = arith.constant 0 : i32
      %dma_wait3A_321 = tpu.memref_slice %arg9[%dma_wait3A_313, %dma_wait3A_320] : memref<4x80xi32, #tpu.memory_space<vmem>> -> memref<1x80xi32, #tpu.memory_space<vmem>>
      %dma_wait3A_322 = tpu.memref_squeeze %dma_wait3A_321 : memref<1x80xi32, #tpu.memory_space<vmem>> -> memref<80xi32, #tpu.memory_space<vmem>>
      %dma_wait3A_323 = arith.constant 0 : i32
      %dma_wait3A_324 = arith.constant 0 : i32
      %dma_wait3A_325 = tpu.memref_slice %arg2[%dma_wait3A_323, %dma_wait3A_324] : memref<10000x128xf32, #tpu.memory_space<hbm>> -> memref<10000x128xf32, #tpu.memory_space<hbm>>
      %dma_wait3A_326 = tpu.memref_slice %arg12[%dma_wait3A_315] : memref<2x!tpu.dma_semaphore, #tpu.memory_space<semaphore_mem>> -> memref<1x!tpu.dma_semaphore, #tpu.memory_space<semaphore_mem>>
      %dma_wait3A_327 = tpu.memref_squeeze %dma_wait3A_326 : memref<1x!tpu.dma_semaphore, #tpu.memory_space<semaphore_mem>> -> memref<!tpu.dma_semaphore, #tpu.memory_space<semaphore_mem>>
      tpu.wait_indirect_dma semaphore(%dma_wait3A_327 : memref<!tpu.dma_semaphore, #tpu.memory_space<semaphore_mem>>) src(%dma_wait3A_325 : memref<10000x128xf32, #tpu.memory_space<hbm>>) dst(%dma_wait3A_319 : memref<80x128xf32, #tpu.memory_space<vmem>>)
      %dma_wait3A_328 = arith.constant 1 : i32
      %dma_wait3A_329 = arith.constant 1 : i32
      %dma_wait3A_330 = arith.constant 0 : i32
      %dma_wait3A_331 = arith.constant 0 : i32
      %dma_wait3A_332 = tpu.memref_slice %arg8[%dma_wait3A_328, %dma_wait3A_330, %dma_wait3A_331] : memref<2x80x16xf32, #tpu.memory_space<vmem>> -> memref<1x80x16xf32, #tpu.memory_space<vmem>>
      %dma_wait3A_333 = tpu.memref_squeeze %dma_wait3A_332 : memref<1x80x16xf32, #tpu.memory_space<vmem>> -> memref<80x16xf32, #tpu.memory_space<vmem>>
      %dma_wait3A_334 = arith.constant 0 : i32
      %dma_wait3A_335 = arith.constant 0 : i32
      %dma_wait3A_336 = tpu.memref_slice %arg3[%dma_wait3A_334, %dma_wait3A_335] : memref<320000x16xf32, #tpu.memory_space<hbm>> -> memref<80x16xf32, #tpu.memory_space<hbm>>
      %dma_wait3A_337 = tpu.memref_slice %arg13[%dma_wait3A_329] : memref<2x!tpu.dma_semaphore, #tpu.memory_space<semaphore_mem>> -> memref<1x!tpu.dma_semaphore, #tpu.memory_space<semaphore_mem>>
      %dma_wait3A_338 = tpu.memref_squeeze %dma_wait3A_337 : memref<1x!tpu.dma_semaphore, #tpu.memory_space<semaphore_mem>> -> memref<!tpu.dma_semaphore, #tpu.memory_space<semaphore_mem>>
      %dma_wait3A_339 = arith.constant 0 : i32
      %dma_wait3A_340 = arith.constant 0 : i32
      %dma_wait3A_341 = tpu.memref_slice %arg8[%dma_wait3A_328, %dma_wait3A_339, %dma_wait3A_340] : memref<2x80x16xf32, #tpu.memory_space<vmem>> -> memref<1x80x16xf32, #tpu.memory_space<vmem>>
      %dma_wait3A_342 = tpu.memref_squeeze %dma_wait3A_341 : memref<1x80x16xf32, #tpu.memory_space<vmem>> -> memref<80x16xf32, #tpu.memory_space<vmem>>
      %dma_wait3A_343 = arith.constant 0 : i32
      %dma_wait3A_344 = arith.constant 0 : i32
      %dma_wait3A_345 = tpu.memref_slice %arg3[%dma_wait3A_343, %dma_wait3A_344] : memref<320000x16xf32, #tpu.memory_space<hbm>> -> memref<80x16xf32, #tpu.memory_space<hbm>>
      tpu.wait_dma2 semaphore(%dma_wait3A_338 : memref<!tpu.dma_semaphore, #tpu.memory_space<semaphore_mem>>) src(%dma_wait3A_345 : memref<80x16xf32, #tpu.memory_space<hbm>>) dst(%dma_wait3A_342 : memref<80x16xf32, #tpu.memory_space<vmem>>)
      %scan3A_346 = arith.constant 0 : i32
      %scan3A_347 = arith.constant 0 : i32
      %scan3A_348 = arith.constant 80 : i32
      %scan3A_349 = arith.addi %scan3A_347, %scan3A_348 : i32
      %scan3A_350 = arith.constant 1 : i32
      scf.for %scan3A_472 = %scan3A_347 to %scan3A_349 step %scan3A_350  : i32 {
        %get3A = arith.constant 1 : i32
        %get3A_473 = arith.index_cast %get3A : i32 to index
        %get3A_474 = arith.index_cast %scan3A_472 : i32 to index
        %get3A_475 = arith.constant 0 : index
        %get3A_476 = tpu.vector_load %arg7[%get3A_473, %get3A_474, %get3A_475] {strides = array<i32>} : memref<2x80x128xf32, #tpu.memory_space<vmem>>, vector<1x1x16xf32>,
        %get3A_477 = vector.shape_cast %get3A_476 : vector<1x1x16xf32> to vector<16xf32>
        %get3A_478 = arith.constant 1 : i32
        %get3A_479 = arith.index_cast %get3A_478 : i32 to index
        %get3A_480 = arith.index_cast %scan3A_472 : i32 to index
        %get3A_481 = arith.constant 0 : index
        %get3A_482 = tpu.vector_load %arg8[%get3A_479, %get3A_480, %get3A_481] {strides = array<i32>} : memref<2x80x16xf32, #tpu.memory_space<vmem>>, vector<1x1x16xf32>,
        %get3A_483 = vector.shape_cast %get3A_482 : vector<1x1x16xf32> to vector<16xf32>
        %add3A_484 = arith.addf %get3A_477, %get3A_483 : vector<16xf32>
        %max3A = arith.constant 0.000000e+00 : f32
        %max3A_485 = vector.broadcast %max3A : f32 to vector<16xf32>
        %max3A_486 = arith.maximumf %add3A_484, %max3A_485 : vector<16xf32>
        %swap3A = arith.constant 1 : i32
        %swap3A_487 = arith.index_cast %swap3A : i32 to index
        %swap3A_488 = arith.index_cast %scan3A_472 : i32 to index
        %swap3A_489 = arith.constant 0 : index
        %swap3A_490 = tpu.vector_load %arg7[%swap3A_487, %swap3A_488, %swap3A_489] {strides = array<i32>} : memref<2x80x128xf32, #tpu.memory_space<vmem>>, vector<1x1x16xf32>,
        %swap3A_491 = vector.shape_cast %swap3A_490 : vector<1x1x16xf32> to vector<16xf32>
        %swap3A_492 = vector.shape_cast %max3A_486 : vector<16xf32> to vector<1x1x16xf32>
        tpu.vector_store %arg7[%swap3A_487, %swap3A_488, %swap3A_489], %swap3A_492 {strides = array<i32>} : memref<2x80x128xf32, #tpu.memory_space<vmem>>, vector<1x1x16xf32>,
      }
      %scan3A_351 = arith.constant 80 : i32
      %run_scoped3A_352 = arith.constant 1 : i32
      %run_scoped3A_353 = arith.constant 1 : i32
      "tpu.region"() ({
        %run_scoped3A_472 = tpu.sem_alloc : memref<!tpu.dma_semaphore, #tpu.memory_space<semaphore_mem>>
        %dma_start3A_473 = arith.constant 0 : i32
        %dma_start3A_474 = arith.constant 0 : i32
        %dma_start3A_475 = tpu.memref_slice %arg7[%run_scoped3A_352, %dma_start3A_473, %dma_start3A_474] : memref<2x80x128xf32, #tpu.memory_space<vmem>> -> memref<1x80x128xf32, #tpu.memory_space<vmem>>
        %dma_start3A_476 = tpu.memref_squeeze %dma_start3A_475 : memref<1x80x128xf32, #tpu.memory_space<vmem>> -> memref<80x128xf32, #tpu.memory_space<vmem>>
        %dma_start3A_477 = arith.constant 0 : i32
        %dma_start3A_478 = tpu.memref_slice %arg10[%run_scoped3A_353, %dma_start3A_477] : memref<4x80xi32, #tpu.memory_space<vmem>> -> memref<1x80xi32, #tpu.memory_space<vmem>>
        %dma_start3A_479 = tpu.memref_squeeze %dma_start3A_478 : memref<1x80xi32, #tpu.memory_space<vmem>> -> memref<80xi32, #tpu.memory_space<vmem>>
        %dma_start3A_480 = arith.constant 0 : i32
        %dma_start3A_481 = arith.constant 0 : i32
        %dma_start3A_482 = tpu.memref_slice %arg11[%dma_start3A_480, %dma_start3A_481] : memref<10240x128xf32, #tpu.memory_space<vmem_shared>> -> memref<10240x128xf32, #tpu.memory_space<vmem_shared>>
        tpu.enqueue_indirect_dma source(%dma_start3A_476 : memref<80x128xf32, #tpu.memory_space<vmem>>) target(%dma_start3A_482 : memref<10240x128xf32, #tpu.memory_space<vmem_shared>>) offsets(%dma_start3A_479 : memref<80xi32, #tpu.memory_space<vmem>>) semaphore(%run_scoped3A_472 : memref<!tpu.dma_semaphore, #tpu.memory_space<semaphore_mem>>) {add = true}
        %dma_wait3A_483 = arith.constant 0 : i32
        %dma_wait3A_484 = arith.constant 0 : i32
        %dma_wait3A_485 = tpu.memref_slice %arg7[%run_scoped3A_352, %dma_wait3A_483, %dma_wait3A_484] : memref<2x80x128xf32, #tpu.memory_space<vmem>> -> memref<1x80x128xf32, #tpu.memory_space<vmem>>
        %dma_wait3A_486 = tpu.memref_squeeze %dma_wait3A_485 : memref<1x80x128xf32, #tpu.memory_space<vmem>> -> memref<80x128xf32, #tpu.memory_space<vmem>>
        %dma_wait3A_487 = arith.constant 0 : i32
        %dma_wait3A_488 = tpu.memref_slice %arg10[%run_scoped3A_353, %dma_wait3A_487] : memref<4x80xi32, #tpu.memory_space<vmem>> -> memref<1x80xi32, #tpu.memory_space<vmem>>
        %dma_wait3A_489 = tpu.memref_squeeze %dma_wait3A_488 : memref<1x80xi32, #tpu.memory_space<vmem>> -> memref<80xi32, #tpu.memory_space<vmem>>
        %dma_wait3A_490 = arith.constant 0 : i32
        %dma_wait3A_491 = arith.constant 0 : i32
        %dma_wait3A_492 = tpu.memref_slice %arg11[%dma_wait3A_490, %dma_wait3A_491] : memref<10240x128xf32, #tpu.memory_space<vmem_shared>> -> memref<10240x128xf32, #tpu.memory_space<vmem_shared>>
        tpu.wait_indirect_dma semaphore(%run_scoped3A_472 : memref<!tpu.dma_semaphore, #tpu.memory_space<semaphore_mem>>) src(%dma_wait3A_486 : memref<80x128xf32, #tpu.memory_space<vmem>>) dst(%dma_wait3A_492 : memref<10240x128xf32, #tpu.memory_space<vmem_shared>>)
        tpu.yield
      }) : () -> ()
      %mul3A_354 = arith.constant 4 : i32
      %mul3A_355 = arith.muli %scan3A_238, %mul3A_354 : i32
      %add3A_356 = arith.constant 2 : i32
      %add3A_357 = arith.addi %mul3A_355, %add3A_356 : i32
      %add3A_358 = arith.constant 1 : i32
      %add3A_359 = arith.addi %add3A_357, %add3A_358 : i32
      %lt3A_360 = arith.constant 125 : i32
      %lt3A_361 = arith.cmpi slt, %add3A_359, %lt3A_360 : i32
      %convert_element_type3A_362 = arith.extui %lt3A_361 : i1 to i32
      %cond3A_363 = arith.constant 0 : i32
      %cond3A_364 = arith.cmpi ne, %convert_element_type3A_362, %cond3A_363 : i32
      scf.if %cond3A_364 {
        %dma_wait3A_472 = arith.constant 3 : i32
        %dma_wait3A_473 = arith.constant 3 : i32
        %dma_wait3A_474 = arith.constant 0 : i32
        %dma_wait3A_475 = tpu.memref_slice %arg9[%dma_wait3A_472, %dma_wait3A_474] : memref<4x80xi32, #tpu.memory_space<vmem>> -> memref<1x80xi32, #tpu.memory_space<vmem>>
        %dma_wait3A_476 = tpu.memref_squeeze %dma_wait3A_475 : memref<1x80xi32, #tpu.memory_space<vmem>> -> memref<80xi32, #tpu.memory_space<vmem>>
        %dma_wait3A_477 = arith.constant 0 : i32
        %dma_wait3A_478 = tpu.memref_slice %arg4[%dma_wait3A_477] : memref<320000xi32, #tpu.memory_space<hbm>> -> memref<80xi32, #tpu.memory_space<hbm>>
        %dma_wait3A_479 = tpu.memref_slice %arg14[%dma_wait3A_473] : memref<4x!tpu.dma_semaphore, #tpu.memory_space<semaphore_mem>> -> memref<1x!tpu.dma_semaphore, #tpu.memory_space<semaphore_mem>>
        %dma_wait3A_480 = tpu.memref_squeeze %dma_wait3A_479 : memref<1x!tpu.dma_semaphore, #tpu.memory_space<semaphore_mem>> -> memref<!tpu.dma_semaphore, #tpu.memory_space<semaphore_mem>>
        %dma_wait3A_481 = arith.constant 0 : i32
        %dma_wait3A_482 = tpu.memref_slice %arg9[%dma_wait3A_472, %dma_wait3A_481] : memref<4x80xi32, #tpu.memory_space<vmem>> -> memref<1x80xi32, #tpu.memory_space<vmem>>
        %dma_wait3A_483 = tpu.memref_squeeze %dma_wait3A_482 : memref<1x80xi32, #tpu.memory_space<vmem>> -> memref<80xi32, #tpu.memory_space<vmem>>
        %dma_wait3A_484 = arith.constant 0 : i32
        %dma_wait3A_485 = tpu.memref_slice %arg4[%dma_wait3A_484] : memref<320000xi32, #tpu.memory_space<hbm>> -> memref<80xi32, #tpu.memory_space<hbm>>
        tpu.wait_dma2 semaphore(%dma_wait3A_480 : memref<!tpu.dma_semaphore, #tpu.memory_space<semaphore_mem>>) src(%dma_wait3A_485 : memref<80xi32, #tpu.memory_space<hbm>>) dst(%dma_wait3A_483 : memref<80xi32, #tpu.memory_space<vmem>>)
        %dma_wait3A_486 = arith.constant 3 : i32
        %dma_wait3A_487 = arith.constant 3 : i32
        %dma_wait3A_488 = arith.constant 0 : i32
        %dma_wait3A_489 = tpu.memref_slice %arg10[%dma_wait3A_486, %dma_wait3A_488] : memref<4x80xi32, #tpu.memory_space<vmem>> -> memref<1x80xi32, #tpu.memory_space<vmem>>
        %dma_wait3A_490 = tpu.memref_squeeze %dma_wait3A_489 : memref<1x80xi32, #tpu.memory_space<vmem>> -> memref<80xi32, #tpu.memory_space<vmem>>
        %dma_wait3A_491 = arith.constant 0 : i32
        %dma_wait3A_492 = tpu.memref_slice %arg5[%dma_wait3A_491] : memref<320000xi32, #tpu.memory_space<hbm>> -> memref<80xi32, #tpu.memory_space<hbm>>
        %dma_wait3A_493 = tpu.memref_slice %arg14[%dma_wait3A_487] : memref<4x!tpu.dma_semaphore, #tpu.memory_space<semaphore_mem>> -> memref<1x!tpu.dma_semaphore, #tpu.memory_space<semaphore_mem>>
        %dma_wait3A_494 = tpu.memref_squeeze %dma_wait3A_493 : memref<1x!tpu.dma_semaphore, #tpu.memory_space<semaphore_mem>> -> memref<!tpu.dma_semaphore, #tpu.memory_space<semaphore_mem>>
        %dma_wait3A_495 = arith.constant 0 : i32
        %dma_wait3A_496 = tpu.memref_slice %arg10[%dma_wait3A_486, %dma_wait3A_495] : memref<4x80xi32, #tpu.memory_space<vmem>> -> memref<1x80xi32, #tpu.memory_space<vmem>>
        %dma_wait3A_497 = tpu.memref_squeeze %dma_wait3A_496 : memref<1x80xi32, #tpu.memory_space<vmem>> -> memref<80xi32, #tpu.memory_space<vmem>>
        %dma_wait3A_498 = arith.constant 0 : i32
        %dma_wait3A_499 = tpu.memref_slice %arg5[%dma_wait3A_498] : memref<320000xi32, #tpu.memory_space<hbm>> -> memref<80xi32, #tpu.memory_space<hbm>>
        tpu.wait_dma2 semaphore(%dma_wait3A_494 : memref<!tpu.dma_semaphore, #tpu.memory_space<semaphore_mem>>) src(%dma_wait3A_499 : memref<80xi32, #tpu.memory_space<hbm>>) dst(%dma_wait3A_497 : memref<80xi32, #tpu.memory_space<vmem>>)
        %add3A_500 = arith.addi %mul3A_32, %add3A_357 : i32
        %add3A_501 = arith.constant 1 : i32
        %add3A_502 = arith.addi %add3A_500, %add3A_501 : i32
        %dma_start3A_503 = arith.constant 3 : i32
        %dma_start3A_504 = arith.constant 1 : i32
        %dma_start3A_505 = arith.constant 1 : i32
        %dma_start3A_506 = arith.constant 0 : i32
        %dma_start3A_507 = arith.constant 0 : i32
        %dma_start3A_508 = tpu.memref_slice %arg7[%dma_start3A_504, %dma_start3A_506, %dma_start3A_507] : memref<2x80x128xf32, #tpu.memory_space<vmem>> -> memref<1x80x128xf32, #tpu.memory_space<vmem>>
        %dma_start3A_509 = tpu.memref_squeeze %dma_start3A_508 : memref<1x80x128xf32, #tpu.memory_space<vmem>> -> memref<80x128xf32, #tpu.memory_space<vmem>>
        %dma_start3A_510 = arith.constant 0 : i32
        %dma_start3A_511 = tpu.memref_slice %arg9[%dma_start3A_503, %dma_start3A_510] : memref<4x80xi32, #tpu.memory_space<vmem>> -> memref<1x80xi32, #tpu.memory_space<vmem>>
        %dma_start3A_512 = tpu.memref_squeeze %dma_start3A_511 : memref<1x80xi32, #tpu.memory_space<vmem>> -> memref<80xi32, #tpu.memory_space<vmem>>
        %dma_start3A_513 = arith.constant 0 : i32
        %dma_start3A_514 = arith.constant 0 : i32
        %dma_start3A_515 = tpu.memref_slice %arg2[%dma_start3A_513, %dma_start3A_514] : memref<10000x128xf32, #tpu.memory_space<hbm>> -> memref<10000x128xf32, #tpu.memory_space<hbm>>
        %dma_start3A_516 = tpu.memref_slice %arg12[%dma_start3A_505] : memref<2x!tpu.dma_semaphore, #tpu.memory_space<semaphore_mem>> -> memref<1x!tpu.dma_semaphore, #tpu.memory_space<semaphore_mem>>
        %dma_start3A_517 = tpu.memref_squeeze %dma_start3A_516 : memref<1x!tpu.dma_semaphore, #tpu.memory_space<semaphore_mem>> -> memref<!tpu.dma_semaphore, #tpu.memory_space<semaphore_mem>>
        tpu.enqueue_indirect_dma source(%dma_start3A_515 : memref<10000x128xf32, #tpu.memory_space<hbm>>) target(%dma_start3A_509 : memref<80x128xf32, #tpu.memory_space<vmem>>) offsets(%dma_start3A_512 : memref<80xi32, #tpu.memory_space<vmem>>) semaphore(%dma_start3A_517 : memref<!tpu.dma_semaphore, #tpu.memory_space<semaphore_mem>>)
        %mul3A_518 = arith.constant 80 : i32
        %mul3A_519 = arith.muli %add3A_502, %mul3A_518 : i32
        %dma_start3A_520 = arith.constant 1 : i32
        %dma_start3A_521 = arith.constant 1 : i32
        %dma_start3A_522 = arith.constant 0 : i32
        %dma_start3A_523 = arith.constant 0 : i32
        %dma_start3A_524 = tpu.memref_slice %arg8[%dma_start3A_520, %dma_start3A_522, %dma_start3A_523] : memref<2x80x16xf32, #tpu.memory_space<vmem>> -> memref<1x80x16xf32, #tpu.memory_space<vmem>>
        %dma_start3A_525 = tpu.memref_squeeze %dma_start3A_524 : memref<1x80x16xf32, #tpu.memory_space<vmem>> -> memref<80x16xf32, #tpu.memory_space<vmem>>
        %dma_start3A_526 = arith.constant 0 : i32
        %dma_start3A_527 = tpu.memref_slice %arg3[%mul3A_519, %dma_start3A_526] : memref<320000x16xf32, #tpu.memory_space<hbm>> -> memref<80x16xf32, #tpu.memory_space<hbm>>
        %dma_start3A_528 = tpu.memref_slice %arg13[%dma_start3A_521] : memref<2x!tpu.dma_semaphore, #tpu.memory_space<semaphore_mem>> -> memref<1x!tpu.dma_semaphore, #tpu.memory_space<semaphore_mem>>
        %dma_start3A_529 = tpu.memref_squeeze %dma_start3A_528 : memref<1x!tpu.dma_semaphore, #tpu.memory_space<semaphore_mem>> -> memref<!tpu.dma_semaphore, #tpu.memory_space<semaphore_mem>>
        %dma_start3A_530 = arith.constant 0 : i32
        %dma_start3A_531 = arith.constant 0 : i32
        %dma_start3A_532 = tpu.memref_slice %arg8[%dma_start3A_520, %dma_start3A_530, %dma_start3A_531] : memref<2x80x16xf32, #tpu.memory_space<vmem>> -> memref<1x80x16xf32, #tpu.memory_space<vmem>>
        %dma_start3A_533 = tpu.memref_squeeze %dma_start3A_532 : memref<1x80x16xf32, #tpu.memory_space<vmem>> -> memref<80x16xf32, #tpu.memory_space<vmem>>
        %dma_start3A_534 = arith.constant 0 : i32
        %dma_start3A_535 = tpu.memref_slice %arg3[%mul3A_519, %dma_start3A_534] : memref<320000x16xf32, #tpu.memory_space<hbm>> -> memref<80x16xf32, #tpu.memory_space<hbm>>
        tpu.enqueue_dma source(%dma_start3A_535 : memref<80x16xf32, #tpu.memory_space<hbm>>) target(%dma_start3A_533 : memref<80x16xf32, #tpu.memory_space<vmem>>) target_semaphore(%dma_start3A_529 : memref<!tpu.dma_semaphore, #tpu.memory_space<semaphore_mem>>)
      } else {
      }
      %add3A_365 = arith.constant 2 : i32
      %add3A_366 = arith.addi %add3A_357, %add3A_365 : i32
      %lt3A_367 = arith.constant 125 : i32
      %lt3A_368 = arith.cmpi slt, %add3A_366, %lt3A_367 : i32
      %convert_element_type3A_369 = arith.extui %lt3A_368 : i1 to i32
      %cond3A_370 = arith.constant 0 : i32
      %cond3A_371 = arith.cmpi ne, %convert_element_type3A_369, %cond3A_370 : i32
      scf.if %cond3A_371 {
        %add3A_472 = arith.addi %mul3A_32, %add3A_357 : i32
        %add3A_473 = arith.constant 2 : i32
        %add3A_474 = arith.addi %add3A_472, %add3A_473 : i32
        %mul3A_475 = arith.constant 80 : i32
        %mul3A_476 = arith.muli %add3A_474, %mul3A_475 : i32
        %dma_start3A_477 = arith.constant 0 : i32
        %dma_start3A_478 = arith.constant 0 : i32
        %dma_start3A_479 = arith.constant 0 : i32
        %dma_start3A_480 = tpu.memref_slice %arg9[%dma_start3A_477, %dma_start3A_479] : memref<4x80xi32, #tpu.memory_space<vmem>> -> memref<1x80xi32, #tpu.memory_space<vmem>>
        %dma_start3A_481 = tpu.memref_squeeze %dma_start3A_480 : memref<1x80xi32, #tpu.memory_space<vmem>> -> memref<80xi32, #tpu.memory_space<vmem>>
        %dma_start3A_482 = tpu.memref_slice %arg4[%mul3A_476] : memref<320000xi32, #tpu.memory_space<hbm>> -> memref<80xi32, #tpu.memory_space<hbm>>
        %dma_start3A_483 = tpu.memref_slice %arg14[%dma_start3A_478] : memref<4x!tpu.dma_semaphore, #tpu.memory_space<semaphore_mem>> -> memref<1x!tpu.dma_semaphore, #tpu.memory_space<semaphore_mem>>
        %dma_start3A_484 = tpu.memref_squeeze %dma_start3A_483 : memref<1x!tpu.dma_semaphore, #tpu.memory_space<semaphore_mem>> -> memref<!tpu.dma_semaphore, #tpu.memory_space<semaphore_mem>>
        %dma_start3A_485 = arith.constant 0 : i32
        %dma_start3A_486 = tpu.memref_slice %arg9[%dma_start3A_477, %dma_start3A_485] : memref<4x80xi32, #tpu.memory_space<vmem>> -> memref<1x80xi32, #tpu.memory_space<vmem>>
        %dma_start3A_487 = tpu.memref_squeeze %dma_start3A_486 : memref<1x80xi32, #tpu.memory_space<vmem>> -> memref<80xi32, #tpu.memory_space<vmem>>
        %dma_start3A_488 = tpu.memref_slice %arg4[%mul3A_476] : memref<320000xi32, #tpu.memory_space<hbm>> -> memref<80xi32, #tpu.memory_space<hbm>>
        tpu.enqueue_dma source(%dma_start3A_488 : memref<80xi32, #tpu.memory_space<hbm>>) target(%dma_start3A_487 : memref<80xi32, #tpu.memory_space<vmem>>) target_semaphore(%dma_start3A_484 : memref<!tpu.dma_semaphore, #tpu.memory_space<semaphore_mem>>)
        %dma_start3A_489 = arith.constant 0 : i32
        %dma_start3A_490 = arith.constant 0 : i32
        %dma_start3A_491 = arith.constant 0 : i32
        %dma_start3A_492 = tpu.memref_slice %arg10[%dma_start3A_489, %dma_start3A_491] : memref<4x80xi32, #tpu.memory_space<vmem>> -> memref<1x80xi32, #tpu.memory_space<vmem>>
        %dma_start3A_493 = tpu.memref_squeeze %dma_start3A_492 : memref<1x80xi32, #tpu.memory_space<vmem>> -> memref<80xi32, #tpu.memory_space<vmem>>
        %dma_start3A_494 = tpu.memref_slice %arg5[%mul3A_476] : memref<320000xi32, #tpu.memory_space<hbm>> -> memref<80xi32, #tpu.memory_space<hbm>>
        %dma_start3A_495 = tpu.memref_slice %arg14[%dma_start3A_490] : memref<4x!tpu.dma_semaphore, #tpu.memory_space<semaphore_mem>> -> memref<1x!tpu.dma_semaphore, #tpu.memory_space<semaphore_mem>>
        %dma_start3A_496 = tpu.memref_squeeze %dma_start3A_495 : memref<1x!tpu.dma_semaphore, #tpu.memory_space<semaphore_mem>> -> memref<!tpu.dma_semaphore, #tpu.memory_space<semaphore_mem>>
        %dma_start3A_497 = arith.constant 0 : i32
        %dma_start3A_498 = tpu.memref_slice %arg10[%dma_start3A_489, %dma_start3A_497] : memref<4x80xi32, #tpu.memory_space<vmem>> -> memref<1x80xi32, #tpu.memory_space<vmem>>
        %dma_start3A_499 = tpu.memref_squeeze %dma_start3A_498 : memref<1x80xi32, #tpu.memory_space<vmem>> -> memref<80xi32, #tpu.memory_space<vmem>>
        %dma_start3A_500 = tpu.memref_slice %arg5[%mul3A_476] : memref<320000xi32, #tpu.memory_space<hbm>> -> memref<80xi32, #tpu.memory_space<hbm>>
        tpu.enqueue_dma source(%dma_start3A_500 : memref<80xi32, #tpu.memory_space<hbm>>) target(%dma_start3A_499 : memref<80xi32, #tpu.memory_space<vmem>>) target_semaphore(%dma_start3A_496 : memref<!tpu.dma_semaphore, #tpu.memory_space<semaphore_mem>>)
      } else {
      }
      %dma_wait3A_372 = arith.constant 0 : i32
      %dma_wait3A_373 = arith.constant 0 : i32
      %dma_wait3A_374 = arith.constant 0 : i32
      %dma_wait3A_375 = arith.constant 0 : i32
      %dma_wait3A_376 = arith.constant 0 : i32
      %dma_wait3A_377 = tpu.memref_slice %arg7[%dma_wait3A_373, %dma_wait3A_375, %dma_wait3A_376] : memref<2x80x128xf32, #tpu.memory_space<vmem>> -> memref<1x80x128xf32, #tpu.memory_space<vmem>>
      %dma_wait3A_378 = tpu.memref_squeeze %dma_wait3A_377 : memref<1x80x128xf32, #tpu.memory_space<vmem>> -> memref<80x128xf32, #tpu.memory_space<vmem>>
      %dma_wait3A_379 = arith.constant 0 : i32
      %dma_wait3A_380 = tpu.memref_slice %arg9[%dma_wait3A_372, %dma_wait3A_379] : memref<4x80xi32, #tpu.memory_space<vmem>> -> memref<1x80xi32, #tpu.memory_space<vmem>>
      %dma_wait3A_381 = tpu.memref_squeeze %dma_wait3A_380 : memref<1x80xi32, #tpu.memory_space<vmem>> -> memref<80xi32, #tpu.memory_space<vmem>>
      %dma_wait3A_382 = arith.constant 0 : i32
      %dma_wait3A_383 = arith.constant 0 : i32
      %dma_wait3A_384 = tpu.memref_slice %arg2[%dma_wait3A_382, %dma_wait3A_383] : memref<10000x128xf32, #tpu.memory_space<hbm>> -> memref<10000x128xf32, #tpu.memory_space<hbm>>
      %dma_wait3A_385 = tpu.memref_slice %arg12[%dma_wait3A_374] : memref<2x!tpu.dma_semaphore, #tpu.memory_space<semaphore_mem>> -> memref<1x!tpu.dma_semaphore, #tpu.memory_space<semaphore_mem>>
      %dma_wait3A_386 = tpu.memref_squeeze %dma_wait3A_385 : memref<1x!tpu.dma_semaphore, #tpu.memory_space<semaphore_mem>> -> memref<!tpu.dma_semaphore, #tpu.memory_space<semaphore_mem>>
      tpu.wait_indirect_dma semaphore(%dma_wait3A_386 : memref<!tpu.dma_semaphore, #tpu.memory_space<semaphore_mem>>) src(%dma_wait3A_384 : memref<10000x128xf32, #tpu.memory_space<hbm>>) dst(%dma_wait3A_378 : memref<80x128xf32, #tpu.memory_space<vmem>>)
      %dma_wait3A_387 = arith.constant 0 : i32
      %dma_wait3A_388 = arith.constant 0 : i32
      %dma_wait3A_389 = arith.constant 0 : i32
      %dma_wait3A_390 = arith.constant 0 : i32
      %dma_wait3A_391 = tpu.memref_slice %arg8[%dma_wait3A_387, %dma_wait3A_389, %dma_wait3A_390] : memref<2x80x16xf32, #tpu.memory_space<vmem>> -> memref<1x80x16xf32, #tpu.memory_space<vmem>>
      %dma_wait3A_392 = tpu.memref_squeeze %dma_wait3A_391 : memref<1x80x16xf32, #tpu.memory_space<vmem>> -> memref<80x16xf32, #tpu.memory_space<vmem>>
      %dma_wait3A_393 = arith.constant 0 : i32
      %dma_wait3A_394 = arith.constant 0 : i32
      %dma_wait3A_395 = tpu.memref_slice %arg3[%dma_wait3A_393, %dma_wait3A_394] : memref<320000x16xf32, #tpu.memory_space<hbm>> -> memref<80x16xf32, #tpu.memory_space<hbm>>
      %dma_wait3A_396 = tpu.memref_slice %arg13[%dma_wait3A_388] : memref<2x!tpu.dma_semaphore, #tpu.memory_space<semaphore_mem>> -> memref<1x!tpu.dma_semaphore, #tpu.memory_space<semaphore_mem>>
      %dma_wait3A_397 = tpu.memref_squeeze %dma_wait3A_396 : memref<1x!tpu.dma_semaphore, #tpu.memory_space<semaphore_mem>> -> memref<!tpu.dma_semaphore, #tpu.memory_space<semaphore_mem>>
      %dma_wait3A_398 = arith.constant 0 : i32
      %dma_wait3A_399 = arith.constant 0 : i32
      %dma_wait3A_400 = tpu.memref_slice %arg8[%dma_wait3A_387, %dma_wait3A_398, %dma_wait3A_399] : memref<2x80x16xf32, #tpu.memory_space<vmem>> -> memref<1x80x16xf32, #tpu.memory_space<vmem>>
      %dma_wait3A_401 = tpu.memref_squeeze %dma_wait3A_400 : memref<1x80x16xf32, #tpu.memory_space<vmem>> -> memref<80x16xf32, #tpu.memory_space<vmem>>
      %dma_wait3A_402 = arith.constant 0 : i32
      %dma_wait3A_403 = arith.constant 0 : i32
      %dma_wait3A_404 = tpu.memref_slice %arg3[%dma_wait3A_402, %dma_wait3A_403] : memref<320000x16xf32, #tpu.memory_space<hbm>> -> memref<80x16xf32, #tpu.memory_space<hbm>>
      tpu.wait_dma2 semaphore(%dma_wait3A_397 : memref<!tpu.dma_semaphore, #tpu.memory_space<semaphore_mem>>) src(%dma_wait3A_404 : memref<80x16xf32, #tpu.memory_space<hbm>>) dst(%dma_wait3A_401 : memref<80x16xf32, #tpu.memory_space<vmem>>)
      %scan3A_405 = arith.constant 0 : i32
      %scan3A_406 = arith.constant 0 : i32
      %scan3A_407 = arith.constant 80 : i32
      %scan3A_408 = arith.addi %scan3A_406, %scan3A_407 : i32
      %scan3A_409 = arith.constant 1 : i32
      scf.for %scan3A_472 = %scan3A_406 to %scan3A_408 step %scan3A_409  : i32 {
        %get3A = arith.constant 0 : i32
        %get3A_473 = arith.index_cast %get3A : i32 to index
        %get3A_474 = arith.index_cast %scan3A_472 : i32 to index
        %get3A_475 = arith.constant 0 : index
        %get3A_476 = tpu.vector_load %arg7[%get3A_473, %get3A_474, %get3A_475] {strides = array<i32>} : memref<2x80x128xf32, #tpu.memory_space<vmem>>, vector<1x1x16xf32>,
        %get3A_477 = vector.shape_cast %get3A_476 : vector<1x1x16xf32> to vector<16xf32>
        %get3A_478 = arith.constant 0 : i32
        %get3A_479 = arith.index_cast %get3A_478 : i32 to index
        %get3A_480 = arith.index_cast %scan3A_472 : i32 to index
        %get3A_481 = arith.constant 0 : index
        %get3A_482 = tpu.vector_load %arg8[%get3A_479, %get3A_480, %get3A_481] {strides = array<i32>} : memref<2x80x16xf32, #tpu.memory_space<vmem>>, vector<1x1x16xf32>,
        %get3A_483 = vector.shape_cast %get3A_482 : vector<1x1x16xf32> to vector<16xf32>
        %add3A_484 = arith.addf %get3A_477, %get3A_483 : vector<16xf32>
        %max3A = arith.constant 0.000000e+00 : f32
        %max3A_485 = vector.broadcast %max3A : f32 to vector<16xf32>
        %max3A_486 = arith.maximumf %add3A_484, %max3A_485 : vector<16xf32>
        %swap3A = arith.constant 0 : i32
        %swap3A_487 = arith.index_cast %swap3A : i32 to index
        %swap3A_488 = arith.index_cast %scan3A_472 : i32 to index
        %swap3A_489 = arith.constant 0 : index
        %swap3A_490 = tpu.vector_load %arg7[%swap3A_487, %swap3A_488, %swap3A_489] {strides = array<i32>} : memref<2x80x128xf32, #tpu.memory_space<vmem>>, vector<1x1x16xf32>,
        %swap3A_491 = vector.shape_cast %swap3A_490 : vector<1x1x16xf32> to vector<16xf32>
        %swap3A_492 = vector.shape_cast %max3A_486 : vector<16xf32> to vector<1x1x16xf32>
        tpu.vector_store %arg7[%swap3A_487, %swap3A_488, %swap3A_489], %swap3A_492 {strides = array<i32>} : memref<2x80x128xf32, #tpu.memory_space<vmem>>, vector<1x1x16xf32>,
      }
      %scan3A_410 = arith.constant 80 : i32
      %run_scoped3A_411 = arith.constant 0 : i32
      %run_scoped3A_412 = arith.constant 2 : i32
      "tpu.region"() ({
        %run_scoped3A_472 = tpu.sem_alloc : memref<!tpu.dma_semaphore, #tpu.memory_space<semaphore_mem>>
        %dma_start3A_473 = arith.constant 0 : i32
        %dma_start3A_474 = arith.constant 0 : i32
        %dma_start3A_475 = tpu.memref_slice %arg7[%run_scoped3A_411, %dma_start3A_473, %dma_start3A_474] : memref<2x80x128xf32, #tpu.memory_space<vmem>> -> memref<1x80x128xf32, #tpu.memory_space<vmem>>
        %dma_start3A_476 = tpu.memref_squeeze %dma_start3A_475 : memref<1x80x128xf32, #tpu.memory_space<vmem>> -> memref<80x128xf32, #tpu.memory_space<vmem>>
        %dma_start3A_477 = arith.constant 0 : i32
        %dma_start3A_478 = tpu.memref_slice %arg10[%run_scoped3A_412, %dma_start3A_477] : memref<4x80xi32, #tpu.memory_space<vmem>> -> memref<1x80xi32, #tpu.memory_space<vmem>>
        %dma_start3A_479 = tpu.memref_squeeze %dma_start3A_478 : memref<1x80xi32, #tpu.memory_space<vmem>> -> memref<80xi32, #tpu.memory_space<vmem>>
        %dma_start3A_480 = arith.constant 0 : i32
        %dma_start3A_481 = arith.constant 0 : i32
        %dma_start3A_482 = tpu.memref_slice %arg11[%dma_start3A_480, %dma_start3A_481] : memref<10240x128xf32, #tpu.memory_space<vmem_shared>> -> memref<10240x128xf32, #tpu.memory_space<vmem_shared>>
        tpu.enqueue_indirect_dma source(%dma_start3A_476 : memref<80x128xf32, #tpu.memory_space<vmem>>) target(%dma_start3A_482 : memref<10240x128xf32, #tpu.memory_space<vmem_shared>>) offsets(%dma_start3A_479 : memref<80xi32, #tpu.memory_space<vmem>>) semaphore(%run_scoped3A_472 : memref<!tpu.dma_semaphore, #tpu.memory_space<semaphore_mem>>) {add = true}
        %dma_wait3A_483 = arith.constant 0 : i32
        %dma_wait3A_484 = arith.constant 0 : i32
        %dma_wait3A_485 = tpu.memref_slice %arg7[%run_scoped3A_411, %dma_wait3A_483, %dma_wait3A_484] : memref<2x80x128xf32, #tpu.memory_space<vmem>> -> memref<1x80x128xf32, #tpu.memory_space<vmem>>
        %dma_wait3A_486 = tpu.memref_squeeze %dma_wait3A_485 : memref<1x80x128xf32, #tpu.memory_space<vmem>> -> memref<80x128xf32, #tpu.memory_space<vmem>>
        %dma_wait3A_487 = arith.constant 0 : i32
        %dma_wait3A_488 = tpu.memref_slice %arg10[%run_scoped3A_412, %dma_wait3A_487] : memref<4x80xi32, #tpu.memory_space<vmem>> -> memref<1x80xi32, #tpu.memory_space<vmem>>
        %dma_wait3A_489 = tpu.memref_squeeze %dma_wait3A_488 : memref<1x80xi32, #tpu.memory_space<vmem>> -> memref<80xi32, #tpu.memory_space<vmem>>
        %dma_wait3A_490 = arith.constant 0 : i32
        %dma_wait3A_491 = arith.constant 0 : i32
        %dma_wait3A_492 = tpu.memref_slice %arg11[%dma_wait3A_490, %dma_wait3A_491] : memref<10240x128xf32, #tpu.memory_space<vmem_shared>> -> memref<10240x128xf32, #tpu.memory_space<vmem_shared>>
        tpu.wait_indirect_dma semaphore(%run_scoped3A_472 : memref<!tpu.dma_semaphore, #tpu.memory_space<semaphore_mem>>) src(%dma_wait3A_486 : memref<80x128xf32, #tpu.memory_space<vmem>>) dst(%dma_wait3A_492 : memref<10240x128xf32, #tpu.memory_space<vmem_shared>>)
        tpu.yield
      }) : () -> ()
      %mul3A_413 = arith.constant 4 : i32
      %mul3A_414 = arith.muli %scan3A_238, %mul3A_413 : i32
      %add3A_415 = arith.constant 3 : i32
      %add3A_416 = arith.addi %mul3A_414, %add3A_415 : i32
      %add3A_417 = arith.constant 1 : i32
      %add3A_418 = arith.addi %add3A_416, %add3A_417 : i32
      %lt3A_419 = arith.constant 125 : i32
      %lt3A_420 = arith.cmpi slt, %add3A_418, %lt3A_419 : i32
      %convert_element_type3A_421 = arith.extui %lt3A_420 : i1 to i32
      %cond3A_422 = arith.constant 0 : i32
      %cond3A_423 = arith.cmpi ne, %convert_element_type3A_421, %cond3A_422 : i32
      scf.if %cond3A_423 {
        %dma_wait3A_472 = arith.constant 0 : i32
        %dma_wait3A_473 = arith.constant 0 : i32
        %dma_wait3A_474 = arith.constant 0 : i32
        %dma_wait3A_475 = tpu.memref_slice %arg9[%dma_wait3A_472, %dma_wait3A_474] : memref<4x80xi32, #tpu.memory_space<vmem>> -> memref<1x80xi32, #tpu.memory_space<vmem>>
        %dma_wait3A_476 = tpu.memref_squeeze %dma_wait3A_475 : memref<1x80xi32, #tpu.memory_space<vmem>> -> memref<80xi32, #tpu.memory_space<vmem>>
        %dma_wait3A_477 = arith.constant 0 : i32
        %dma_wait3A_478 = tpu.memref_slice %arg4[%dma_wait3A_477] : memref<320000xi32, #tpu.memory_space<hbm>> -> memref<80xi32, #tpu.memory_space<hbm>>
        %dma_wait3A_479 = tpu.memref_slice %arg14[%dma_wait3A_473] : memref<4x!tpu.dma_semaphore, #tpu.memory_space<semaphore_mem>> -> memref<1x!tpu.dma_semaphore, #tpu.memory_space<semaphore_mem>>
        %dma_wait3A_480 = tpu.memref_squeeze %dma_wait3A_479 : memref<1x!tpu.dma_semaphore, #tpu.memory_space<semaphore_mem>> -> memref<!tpu.dma_semaphore, #tpu.memory_space<semaphore_mem>>
        %dma_wait3A_481 = arith.constant 0 : i32
        %dma_wait3A_482 = tpu.memref_slice %arg9[%dma_wait3A_472, %dma_wait3A_481] : memref<4x80xi32, #tpu.memory_space<vmem>> -> memref<1x80xi32, #tpu.memory_space<vmem>>
        %dma_wait3A_483 = tpu.memref_squeeze %dma_wait3A_482 : memref<1x80xi32, #tpu.memory_space<vmem>> -> memref<80xi32, #tpu.memory_space<vmem>>
        %dma_wait3A_484 = arith.constant 0 : i32
        %dma_wait3A_485 = tpu.memref_slice %arg4[%dma_wait3A_484] : memref<320000xi32, #tpu.memory_space<hbm>> -> memref<80xi32, #tpu.memory_space<hbm>>
        tpu.wait_dma2 semaphore(%dma_wait3A_480 : memref<!tpu.dma_semaphore, #tpu.memory_space<semaphore_mem>>) src(%dma_wait3A_485 : memref<80xi32, #tpu.memory_space<hbm>>) dst(%dma_wait3A_483 : memref<80xi32, #tpu.memory_space<vmem>>)
        %dma_wait3A_486 = arith.constant 0 : i32
        %dma_wait3A_487 = arith.constant 0 : i32
        %dma_wait3A_488 = arith.constant 0 : i32
        %dma_wait3A_489 = tpu.memref_slice %arg10[%dma_wait3A_486, %dma_wait3A_488] : memref<4x80xi32, #tpu.memory_space<vmem>> -> memref<1x80xi32, #tpu.memory_space<vmem>>
        %dma_wait3A_490 = tpu.memref_squeeze %dma_wait3A_489 : memref<1x80xi32, #tpu.memory_space<vmem>> -> memref<80xi32, #tpu.memory_space<vmem>>
        %dma_wait3A_491 = arith.constant 0 : i32
        %dma_wait3A_492 = tpu.memref_slice %arg5[%dma_wait3A_491] : memref<320000xi32, #tpu.memory_space<hbm>> -> memref<80xi32, #tpu.memory_space<hbm>>
        %dma_wait3A_493 = tpu.memref_slice %arg14[%dma_wait3A_487] : memref<4x!tpu.dma_semaphore, #tpu.memory_space<semaphore_mem>> -> memref<1x!tpu.dma_semaphore, #tpu.memory_space<semaphore_mem>>
        %dma_wait3A_494 = tpu.memref_squeeze %dma_wait3A_493 : memref<1x!tpu.dma_semaphore, #tpu.memory_space<semaphore_mem>> -> memref<!tpu.dma_semaphore, #tpu.memory_space<semaphore_mem>>
        %dma_wait3A_495 = arith.constant 0 : i32
        %dma_wait3A_496 = tpu.memref_slice %arg10[%dma_wait3A_486, %dma_wait3A_495] : memref<4x80xi32, #tpu.memory_space<vmem>> -> memref<1x80xi32, #tpu.memory_space<vmem>>
        %dma_wait3A_497 = tpu.memref_squeeze %dma_wait3A_496 : memref<1x80xi32, #tpu.memory_space<vmem>> -> memref<80xi32, #tpu.memory_space<vmem>>
        %dma_wait3A_498 = arith.constant 0 : i32
        %dma_wait3A_499 = tpu.memref_slice %arg5[%dma_wait3A_498] : memref<320000xi32, #tpu.memory_space<hbm>> -> memref<80xi32, #tpu.memory_space<hbm>>
        tpu.wait_dma2 semaphore(%dma_wait3A_494 : memref<!tpu.dma_semaphore, #tpu.memory_space<semaphore_mem>>) src(%dma_wait3A_499 : memref<80xi32, #tpu.memory_space<hbm>>) dst(%dma_wait3A_497 : memref<80xi32, #tpu.memory_space<vmem>>)
        %add3A_500 = arith.addi %mul3A_32, %add3A_416 : i32
        %add3A_501 = arith.constant 1 : i32
        %add3A_502 = arith.addi %add3A_500, %add3A_501 : i32
        %dma_start3A_503 = arith.constant 0 : i32
        %dma_start3A_504 = arith.constant 0 : i32
        %dma_start3A_505 = arith.constant 0 : i32
        %dma_start3A_506 = arith.constant 0 : i32
        %dma_start3A_507 = arith.constant 0 : i32
        %dma_start3A_508 = tpu.memref_slice %arg7[%dma_start3A_504, %dma_start3A_506, %dma_start3A_507] : memref<2x80x128xf32, #tpu.memory_space<vmem>> -> memref<1x80x128xf32, #tpu.memory_space<vmem>>
        %dma_start3A_509 = tpu.memref_squeeze %dma_start3A_508 : memref<1x80x128xf32, #tpu.memory_space<vmem>> -> memref<80x128xf32, #tpu.memory_space<vmem>>
        %dma_start3A_510 = arith.constant 0 : i32
        %dma_start3A_511 = tpu.memref_slice %arg9[%dma_start3A_503, %dma_start3A_510] : memref<4x80xi32, #tpu.memory_space<vmem>> -> memref<1x80xi32, #tpu.memory_space<vmem>>
        %dma_start3A_512 = tpu.memref_squeeze %dma_start3A_511 : memref<1x80xi32, #tpu.memory_space<vmem>> -> memref<80xi32, #tpu.memory_space<vmem>>
        %dma_start3A_513 = arith.constant 0 : i32
        %dma_start3A_514 = arith.constant 0 : i32
        %dma_start3A_515 = tpu.memref_slice %arg2[%dma_start3A_513, %dma_start3A_514] : memref<10000x128xf32, #tpu.memory_space<hbm>> -> memref<10000x128xf32, #tpu.memory_space<hbm>>
        %dma_start3A_516 = tpu.memref_slice %arg12[%dma_start3A_505] : memref<2x!tpu.dma_semaphore, #tpu.memory_space<semaphore_mem>> -> memref<1x!tpu.dma_semaphore, #tpu.memory_space<semaphore_mem>>
        %dma_start3A_517 = tpu.memref_squeeze %dma_start3A_516 : memref<1x!tpu.dma_semaphore, #tpu.memory_space<semaphore_mem>> -> memref<!tpu.dma_semaphore, #tpu.memory_space<semaphore_mem>>
        tpu.enqueue_indirect_dma source(%dma_start3A_515 : memref<10000x128xf32, #tpu.memory_space<hbm>>) target(%dma_start3A_509 : memref<80x128xf32, #tpu.memory_space<vmem>>) offsets(%dma_start3A_512 : memref<80xi32, #tpu.memory_space<vmem>>) semaphore(%dma_start3A_517 : memref<!tpu.dma_semaphore, #tpu.memory_space<semaphore_mem>>)
        %mul3A_518 = arith.constant 80 : i32
        %mul3A_519 = arith.muli %add3A_502, %mul3A_518 : i32
        %dma_start3A_520 = arith.constant 0 : i32
        %dma_start3A_521 = arith.constant 0 : i32
        %dma_start3A_522 = arith.constant 0 : i32
        %dma_start3A_523 = arith.constant 0 : i32
        %dma_start3A_524 = tpu.memref_slice %arg8[%dma_start3A_520, %dma_start3A_522, %dma_start3A_523] : memref<2x80x16xf32, #tpu.memory_space<vmem>> -> memref<1x80x16xf32, #tpu.memory_space<vmem>>
        %dma_start3A_525 = tpu.memref_squeeze %dma_start3A_524 : memref<1x80x16xf32, #tpu.memory_space<vmem>> -> memref<80x16xf32, #tpu.memory_space<vmem>>
        %dma_start3A_526 = arith.constant 0 : i32
        %dma_start3A_527 = tpu.memref_slice %arg3[%mul3A_519, %dma_start3A_526] : memref<320000x16xf32, #tpu.memory_space<hbm>> -> memref<80x16xf32, #tpu.memory_space<hbm>>
        %dma_start3A_528 = tpu.memref_slice %arg13[%dma_start3A_521] : memref<2x!tpu.dma_semaphore, #tpu.memory_space<semaphore_mem>> -> memref<1x!tpu.dma_semaphore, #tpu.memory_space<semaphore_mem>>
        %dma_start3A_529 = tpu.memref_squeeze %dma_start3A_528 : memref<1x!tpu.dma_semaphore, #tpu.memory_space<semaphore_mem>> -> memref<!tpu.dma_semaphore, #tpu.memory_space<semaphore_mem>>
        %dma_start3A_530 = arith.constant 0 : i32
        %dma_start3A_531 = arith.constant 0 : i32
        %dma_start3A_532 = tpu.memref_slice %arg8[%dma_start3A_520, %dma_start3A_530, %dma_start3A_531] : memref<2x80x16xf32, #tpu.memory_space<vmem>> -> memref<1x80x16xf32, #tpu.memory_space<vmem>>
        %dma_start3A_533 = tpu.memref_squeeze %dma_start3A_532 : memref<1x80x16xf32, #tpu.memory_space<vmem>> -> memref<80x16xf32, #tpu.memory_space<vmem>>
        %dma_start3A_534 = arith.constant 0 : i32
        %dma_start3A_535 = tpu.memref_slice %arg3[%mul3A_519, %dma_start3A_534] : memref<320000x16xf32, #tpu.memory_space<hbm>> -> memref<80x16xf32, #tpu.memory_space<hbm>>
        tpu.enqueue_dma source(%dma_start3A_535 : memref<80x16xf32, #tpu.memory_space<hbm>>) target(%dma_start3A_533 : memref<80x16xf32, #tpu.memory_space<vmem>>) target_semaphore(%dma_start3A_529 : memref<!tpu.dma_semaphore, #tpu.memory_space<semaphore_mem>>)
      } else {
      }
      %add3A_424 = arith.constant 2 : i32
      %add3A_425 = arith.addi %add3A_416, %add3A_424 : i32
      %lt3A_426 = arith.constant 125 : i32
      %lt3A_427 = arith.cmpi slt, %add3A_425, %lt3A_426 : i32
      %convert_element_type3A_428 = arith.extui %lt3A_427 : i1 to i32
      %cond3A_429 = arith.constant 0 : i32
      %cond3A_430 = arith.cmpi ne, %convert_element_type3A_428, %cond3A_429 : i32
      scf.if %cond3A_430 {
        %add3A_472 = arith.addi %mul3A_32, %add3A_416 : i32
        %add3A_473 = arith.constant 2 : i32
        %add3A_474 = arith.addi %add3A_472, %add3A_473 : i32
        %mul3A_475 = arith.constant 80 : i32
        %mul3A_476 = arith.muli %add3A_474, %mul3A_475 : i32
        %dma_start3A_477 = arith.constant 1 : i32
        %dma_start3A_478 = arith.constant 1 : i32
        %dma_start3A_479 = arith.constant 0 : i32
        %dma_start3A_480 = tpu.memref_slice %arg9[%dma_start3A_477, %dma_start3A_479] : memref<4x80xi32, #tpu.memory_space<vmem>> -> memref<1x80xi32, #tpu.memory_space<vmem>>
        %dma_start3A_481 = tpu.memref_squeeze %dma_start3A_480 : memref<1x80xi32, #tpu.memory_space<vmem>> -> memref<80xi32, #tpu.memory_space<vmem>>
        %dma_start3A_482 = tpu.memref_slice %arg4[%mul3A_476] : memref<320000xi32, #tpu.memory_space<hbm>> -> memref<80xi32, #tpu.memory_space<hbm>>
        %dma_start3A_483 = tpu.memref_slice %arg14[%dma_start3A_478] : memref<4x!tpu.dma_semaphore, #tpu.memory_space<semaphore_mem>> -> memref<1x!tpu.dma_semaphore, #tpu.memory_space<semaphore_mem>>
        %dma_start3A_484 = tpu.memref_squeeze %dma_start3A_483 : memref<1x!tpu.dma_semaphore, #tpu.memory_space<semaphore_mem>> -> memref<!tpu.dma_semaphore, #tpu.memory_space<semaphore_mem>>
        %dma_start3A_485 = arith.constant 0 : i32
        %dma_start3A_486 = tpu.memref_slice %arg9[%dma_start3A_477, %dma_start3A_485] : memref<4x80xi32, #tpu.memory_space<vmem>> -> memref<1x80xi32, #tpu.memory_space<vmem>>
        %dma_start3A_487 = tpu.memref_squeeze %dma_start3A_486 : memref<1x80xi32, #tpu.memory_space<vmem>> -> memref<80xi32, #tpu.memory_space<vmem>>
        %dma_start3A_488 = tpu.memref_slice %arg4[%mul3A_476] : memref<320000xi32, #tpu.memory_space<hbm>> -> memref<80xi32, #tpu.memory_space<hbm>>
        tpu.enqueue_dma source(%dma_start3A_488 : memref<80xi32, #tpu.memory_space<hbm>>) target(%dma_start3A_487 : memref<80xi32, #tpu.memory_space<vmem>>) target_semaphore(%dma_start3A_484 : memref<!tpu.dma_semaphore, #tpu.memory_space<semaphore_mem>>)
        %dma_start3A_489 = arith.constant 1 : i32
        %dma_start3A_490 = arith.constant 1 : i32
        %dma_start3A_491 = arith.constant 0 : i32
        %dma_start3A_492 = tpu.memref_slice %arg10[%dma_start3A_489, %dma_start3A_491] : memref<4x80xi32, #tpu.memory_space<vmem>> -> memref<1x80xi32, #tpu.memory_space<vmem>>
        %dma_start3A_493 = tpu.memref_squeeze %dma_start3A_492 : memref<1x80xi32, #tpu.memory_space<vmem>> -> memref<80xi32, #tpu.memory_space<vmem>>
        %dma_start3A_494 = tpu.memref_slice %arg5[%mul3A_476] : memref<320000xi32, #tpu.memory_space<hbm>> -> memref<80xi32, #tpu.memory_space<hbm>>
        %dma_start3A_495 = tpu.memref_slice %arg14[%dma_start3A_490] : memref<4x!tpu.dma_semaphore, #tpu.memory_space<semaphore_mem>> -> memref<1x!tpu.dma_semaphore, #tpu.memory_space<semaphore_mem>>
        %dma_start3A_496 = tpu.memref_squeeze %dma_start3A_495 : memref<1x!tpu.dma_semaphore, #tpu.memory_space<semaphore_mem>> -> memref<!tpu.dma_semaphore, #tpu.memory_space<semaphore_mem>>
        %dma_start3A_497 = arith.constant 0 : i32
        %dma_start3A_498 = tpu.memref_slice %arg10[%dma_start3A_489, %dma_start3A_497] : memref<4x80xi32, #tpu.memory_space<vmem>> -> memref<1x80xi32, #tpu.memory_space<vmem>>
        %dma_start3A_499 = tpu.memref_squeeze %dma_start3A_498 : memref<1x80xi32, #tpu.memory_space<vmem>> -> memref<80xi32, #tpu.memory_space<vmem>>
        %dma_start3A_500 = tpu.memref_slice %arg5[%mul3A_476] : memref<320000xi32, #tpu.memory_space<hbm>> -> memref<80xi32, #tpu.memory_space<hbm>>
        tpu.enqueue_dma source(%dma_start3A_500 : memref<80xi32, #tpu.memory_space<hbm>>) target(%dma_start3A_499 : memref<80xi32, #tpu.memory_space<vmem>>) target_semaphore(%dma_start3A_496 : memref<!tpu.dma_semaphore, #tpu.memory_space<semaphore_mem>>)
      } else {
      }
      %dma_wait3A_431 = arith.constant 0 : i32
      %dma_wait3A_432 = arith.constant 1 : i32
      %dma_wait3A_433 = arith.constant 1 : i32
      %dma_wait3A_434 = arith.constant 0 : i32
      %dma_wait3A_435 = arith.constant 0 : i32
      %dma_wait3A_436 = tpu.memref_slice %arg7[%dma_wait3A_432, %dma_wait3A_434, %dma_wait3A_435] : memref<2x80x128xf32, #tpu.memory_space<vmem>> -> memref<1x80x128xf32, #tpu.memory_space<vmem>>
      %dma_wait3A_437 = tpu.memref_squeeze %dma_wait3A_436 : memref<1x80x128xf32, #tpu.memory_space<vmem>> -> memref<80x128xf32, #tpu.memory_space<vmem>>
      %dma_wait3A_438 = arith.constant 0 : i32
      %dma_wait3A_439 = tpu.memref_slice %arg9[%dma_wait3A_431, %dma_wait3A_438] : memref<4x80xi32, #tpu.memory_space<vmem>> -> memref<1x80xi32, #tpu.memory_space<vmem>>
      %dma_wait3A_440 = tpu.memref_squeeze %dma_wait3A_439 : memref<1x80xi32, #tpu.memory_space<vmem>> -> memref<80xi32, #tpu.memory_space<vmem>>
      %dma_wait3A_441 = arith.constant 0 : i32
      %dma_wait3A_442 = arith.constant 0 : i32
      %dma_wait3A_443 = tpu.memref_slice %arg2[%dma_wait3A_441, %dma_wait3A_442] : memref<10000x128xf32, #tpu.memory_space<hbm>> -> memref<10000x128xf32, #tpu.memory_space<hbm>>
      %dma_wait3A_444 = tpu.memref_slice %arg12[%dma_wait3A_433] : memref<2x!tpu.dma_semaphore, #tpu.memory_space<semaphore_mem>> -> memref<1x!tpu.dma_semaphore, #tpu.memory_space<semaphore_mem>>
      %dma_wait3A_445 = tpu.memref_squeeze %dma_wait3A_444 : memref<1x!tpu.dma_semaphore, #tpu.memory_space<semaphore_mem>> -> memref<!tpu.dma_semaphore, #tpu.memory_space<semaphore_mem>>
      tpu.wait_indirect_dma semaphore(%dma_wait3A_445 : memref<!tpu.dma_semaphore, #tpu.memory_space<semaphore_mem>>) src(%dma_wait3A_443 : memref<10000x128xf32, #tpu.memory_space<hbm>>) dst(%dma_wait3A_437 : memref<80x128xf32, #tpu.memory_space<vmem>>)
      %dma_wait3A_446 = arith.constant 1 : i32
      %dma_wait3A_447 = arith.constant 1 : i32
      %dma_wait3A_448 = arith.constant 0 : i32
      %dma_wait3A_449 = arith.constant 0 : i32
      %dma_wait3A_450 = tpu.memref_slice %arg8[%dma_wait3A_446, %dma_wait3A_448, %dma_wait3A_449] : memref<2x80x16xf32, #tpu.memory_space<vmem>> -> memref<1x80x16xf32, #tpu.memory_space<vmem>>
      %dma_wait3A_451 = tpu.memref_squeeze %dma_wait3A_450 : memref<1x80x16xf32, #tpu.memory_space<vmem>> -> memref<80x16xf32, #tpu.memory_space<vmem>>
      %dma_wait3A_452 = arith.constant 0 : i32
      %dma_wait3A_453 = arith.constant 0 : i32
      %dma_wait3A_454 = tpu.memref_slice %arg3[%dma_wait3A_452, %dma_wait3A_453] : memref<320000x16xf32, #tpu.memory_space<hbm>> -> memref<80x16xf32, #tpu.memory_space<hbm>>
      %dma_wait3A_455 = tpu.memref_slice %arg13[%dma_wait3A_447] : memref<2x!tpu.dma_semaphore, #tpu.memory_space<semaphore_mem>> -> memref<1x!tpu.dma_semaphore, #tpu.memory_space<semaphore_mem>>
      %dma_wait3A_456 = tpu.memref_squeeze %dma_wait3A_455 : memref<1x!tpu.dma_semaphore, #tpu.memory_space<semaphore_mem>> -> memref<!tpu.dma_semaphore, #tpu.memory_space<semaphore_mem>>
      %dma_wait3A_457 = arith.constant 0 : i32
      %dma_wait3A_458 = arith.constant 0 : i32
      %dma_wait3A_459 = tpu.memref_slice %arg8[%dma_wait3A_446, %dma_wait3A_457, %dma_wait3A_458] : memref<2x80x16xf32, #tpu.memory_space<vmem>> -> memref<1x80x16xf32, #tpu.memory_space<vmem>>
      %dma_wait3A_460 = tpu.memref_squeeze %dma_wait3A_459 : memref<1x80x16xf32, #tpu.memory_space<vmem>> -> memref<80x16xf32, #tpu.memory_space<vmem>>
      %dma_wait3A_461 = arith.constant 0 : i32
      %dma_wait3A_462 = arith.constant 0 : i32
      %dma_wait3A_463 = tpu.memref_slice %arg3[%dma_wait3A_461, %dma_wait3A_462] : memref<320000x16xf32, #tpu.memory_space<hbm>> -> memref<80x16xf32, #tpu.memory_space<hbm>>
      tpu.wait_dma2 semaphore(%dma_wait3A_456 : memref<!tpu.dma_semaphore, #tpu.memory_space<semaphore_mem>>) src(%dma_wait3A_463 : memref<80x16xf32, #tpu.memory_space<hbm>>) dst(%dma_wait3A_460 : memref<80x16xf32, #tpu.memory_space<vmem>>)
      %scan3A_464 = arith.constant 0 : i32
      %scan3A_465 = arith.constant 0 : i32
      %scan3A_466 = arith.constant 80 : i32
      %scan3A_467 = arith.addi %scan3A_465, %scan3A_466 : i32
      %scan3A_468 = arith.constant 1 : i32
      scf.for %scan3A_472 = %scan3A_465 to %scan3A_467 step %scan3A_468  : i32 {
        %get3A = arith.constant 1 : i32
        %get3A_473 = arith.index_cast %get3A : i32 to index
        %get3A_474 = arith.index_cast %scan3A_472 : i32 to index
        %get3A_475 = arith.constant 0 : index
        %get3A_476 = tpu.vector_load %arg7[%get3A_473, %get3A_474, %get3A_475] {strides = array<i32>} : memref<2x80x128xf32, #tpu.memory_space<vmem>>, vector<1x1x16xf32>,
        %get3A_477 = vector.shape_cast %get3A_476 : vector<1x1x16xf32> to vector<16xf32>
        %get3A_478 = arith.constant 1 : i32
        %get3A_479 = arith.index_cast %get3A_478 : i32 to index
        %get3A_480 = arith.index_cast %scan3A_472 : i32 to index
        %get3A_481 = arith.constant 0 : index
        %get3A_482 = tpu.vector_load %arg8[%get3A_479, %get3A_480, %get3A_481] {strides = array<i32>} : memref<2x80x16xf32, #tpu.memory_space<vmem>>, vector<1x1x16xf32>,
        %get3A_483 = vector.shape_cast %get3A_482 : vector<1x1x16xf32> to vector<16xf32>
        %add3A_484 = arith.addf %get3A_477, %get3A_483 : vector<16xf32>
        %max3A = arith.constant 0.000000e+00 : f32
        %max3A_485 = vector.broadcast %max3A : f32 to vector<16xf32>
        %max3A_486 = arith.maximumf %add3A_484, %max3A_485 : vector<16xf32>
        %swap3A = arith.constant 1 : i32
        %swap3A_487 = arith.index_cast %swap3A : i32 to index
        %swap3A_488 = arith.index_cast %scan3A_472 : i32 to index
        %swap3A_489 = arith.constant 0 : index
        %swap3A_490 = tpu.vector_load %arg7[%swap3A_487, %swap3A_488, %swap3A_489] {strides = array<i32>} : memref<2x80x128xf32, #tpu.memory_space<vmem>>, vector<1x1x16xf32>,
        %swap3A_491 = vector.shape_cast %swap3A_490 : vector<1x1x16xf32> to vector<16xf32>
        %swap3A_492 = vector.shape_cast %max3A_486 : vector<16xf32> to vector<1x1x16xf32>
        tpu.vector_store %arg7[%swap3A_487, %swap3A_488, %swap3A_489], %swap3A_492 {strides = array<i32>} : memref<2x80x128xf32, #tpu.memory_space<vmem>>, vector<1x1x16xf32>,
      }
      %scan3A_469 = arith.constant 80 : i32
      %run_scoped3A_470 = arith.constant 1 : i32
      %run_scoped3A_471 = arith.constant 3 : i32
      "tpu.region"() ({
        %run_scoped3A_472 = tpu.sem_alloc : memref<!tpu.dma_semaphore, #tpu.memory_space<semaphore_mem>>
        %dma_start3A_473 = arith.constant 0 : i32
        %dma_start3A_474 = arith.constant 0 : i32
        %dma_start3A_475 = tpu.memref_slice %arg7[%run_scoped3A_470, %dma_start3A_473, %dma_start3A_474] : memref<2x80x128xf32, #tpu.memory_space<vmem>> -> memref<1x80x128xf32, #tpu.memory_space<vmem>>
        %dma_start3A_476 = tpu.memref_squeeze %dma_start3A_475 : memref<1x80x128xf32, #tpu.memory_space<vmem>> -> memref<80x128xf32, #tpu.memory_space<vmem>>
        %dma_start3A_477 = arith.constant 0 : i32
        %dma_start3A_478 = tpu.memref_slice %arg10[%run_scoped3A_471, %dma_start3A_477] : memref<4x80xi32, #tpu.memory_space<vmem>> -> memref<1x80xi32, #tpu.memory_space<vmem>>
        %dma_start3A_479 = tpu.memref_squeeze %dma_start3A_478 : memref<1x80xi32, #tpu.memory_space<vmem>> -> memref<80xi32, #tpu.memory_space<vmem>>
        %dma_start3A_480 = arith.constant 0 : i32
        %dma_start3A_481 = arith.constant 0 : i32
        %dma_start3A_482 = tpu.memref_slice %arg11[%dma_start3A_480, %dma_start3A_481] : memref<10240x128xf32, #tpu.memory_space<vmem_shared>> -> memref<10240x128xf32, #tpu.memory_space<vmem_shared>>
        tpu.enqueue_indirect_dma source(%dma_start3A_476 : memref<80x128xf32, #tpu.memory_space<vmem>>) target(%dma_start3A_482 : memref<10240x128xf32, #tpu.memory_space<vmem_shared>>) offsets(%dma_start3A_479 : memref<80xi32, #tpu.memory_space<vmem>>) semaphore(%run_scoped3A_472 : memref<!tpu.dma_semaphore, #tpu.memory_space<semaphore_mem>>) {add = true}
        %dma_wait3A_483 = arith.constant 0 : i32
        %dma_wait3A_484 = arith.constant 0 : i32
        %dma_wait3A_485 = tpu.memref_slice %arg7[%run_scoped3A_470, %dma_wait3A_483, %dma_wait3A_484] : memref<2x80x128xf32, #tpu.memory_space<vmem>> -> memref<1x80x128xf32, #tpu.memory_space<vmem>>
        %dma_wait3A_486 = tpu.memref_squeeze %dma_wait3A_485 : memref<1x80x128xf32, #tpu.memory_space<vmem>> -> memref<80x128xf32, #tpu.memory_space<vmem>>
        %dma_wait3A_487 = arith.constant 0 : i32
        %dma_wait3A_488 = tpu.memref_slice %arg10[%run_scoped3A_471, %dma_wait3A_487] : memref<4x80xi32, #tpu.memory_space<vmem>> -> memref<1x80xi32, #tpu.memory_space<vmem>>
        %dma_wait3A_489 = tpu.memref_squeeze %dma_wait3A_488 : memref<1x80xi32, #tpu.memory_space<vmem>> -> memref<80xi32, #tpu.memory_space<vmem>>
        %dma_wait3A_490 = arith.constant 0 : i32
        %dma_wait3A_491 = arith.constant 0 : i32
        %dma_wait3A_492 = tpu.memref_slice %arg11[%dma_wait3A_490, %dma_wait3A_491] : memref<10240x128xf32, #tpu.memory_space<vmem_shared>> -> memref<10240x128xf32, #tpu.memory_space<vmem_shared>>
        tpu.wait_indirect_dma semaphore(%run_scoped3A_472 : memref<!tpu.dma_semaphore, #tpu.memory_space<semaphore_mem>>) src(%dma_wait3A_486 : memref<80x128xf32, #tpu.memory_space<vmem>>) dst(%dma_wait3A_492 : memref<10240x128xf32, #tpu.memory_space<vmem_shared>>)
        tpu.yield
      }) : () -> ()
    }
    %scan3A_155 = arith.constant 31 : i32
    %dma_wait3A_156 = arith.constant 0 : i32
    %dma_wait3A_157 = arith.constant 0 : i32
    %dma_wait3A_158 = arith.constant 0 : i32
    %dma_wait3A_159 = arith.constant 0 : i32
    %dma_wait3A_160 = arith.constant 0 : i32
    %dma_wait3A_161 = tpu.memref_slice %arg7[%dma_wait3A_157, %dma_wait3A_159, %dma_wait3A_160] : memref<2x80x128xf32, #tpu.memory_space<vmem>> -> memref<1x80x128xf32, #tpu.memory_space<vmem>>
    %dma_wait3A_162 = tpu.memref_squeeze %dma_wait3A_161 : memref<1x80x128xf32, #tpu.memory_space<vmem>> -> memref<80x128xf32, #tpu.memory_space<vmem>>
    %dma_wait3A_163 = arith.constant 0 : i32
    %dma_wait3A_164 = tpu.memref_slice %arg9[%dma_wait3A_156, %dma_wait3A_163] : memref<4x80xi32, #tpu.memory_space<vmem>> -> memref<1x80xi32, #tpu.memory_space<vmem>>
    %dma_wait3A_165 = tpu.memref_squeeze %dma_wait3A_164 : memref<1x80xi32, #tpu.memory_space<vmem>> -> memref<80xi32, #tpu.memory_space<vmem>>
    %dma_wait3A_166 = arith.constant 0 : i32
    %dma_wait3A_167 = arith.constant 0 : i32
    %dma_wait3A_168 = tpu.memref_slice %arg2[%dma_wait3A_166, %dma_wait3A_167] : memref<10000x128xf32, #tpu.memory_space<hbm>> -> memref<10000x128xf32, #tpu.memory_space<hbm>>
    %dma_wait3A_169 = tpu.memref_slice %arg12[%dma_wait3A_158] : memref<2x!tpu.dma_semaphore, #tpu.memory_space<semaphore_mem>> -> memref<1x!tpu.dma_semaphore, #tpu.memory_space<semaphore_mem>>
    %dma_wait3A_170 = tpu.memref_squeeze %dma_wait3A_169 : memref<1x!tpu.dma_semaphore, #tpu.memory_space<semaphore_mem>> -> memref<!tpu.dma_semaphore, #tpu.memory_space<semaphore_mem>>
    tpu.wait_indirect_dma semaphore(%dma_wait3A_170 : memref<!tpu.dma_semaphore, #tpu.memory_space<semaphore_mem>>) src(%dma_wait3A_168 : memref<10000x128xf32, #tpu.memory_space<hbm>>) dst(%dma_wait3A_162 : memref<80x128xf32, #tpu.memory_space<vmem>>)
    %dma_wait3A_171 = arith.constant 0 : i32
    %dma_wait3A_172 = arith.constant 0 : i32
    %dma_wait3A_173 = arith.constant 0 : i32
    %dma_wait3A_174 = arith.constant 0 : i32
    %dma_wait3A_175 = tpu.memref_slice %arg8[%dma_wait3A_171, %dma_wait3A_173, %dma_wait3A_174] : memref<2x80x16xf32, #tpu.memory_space<vmem>> -> memref<1x80x16xf32, #tpu.memory_space<vmem>>
    %dma_wait3A_176 = tpu.memref_squeeze %dma_wait3A_175 : memref<1x80x16xf32, #tpu.memory_space<vmem>> -> memref<80x16xf32, #tpu.memory_space<vmem>>
    %dma_wait3A_177 = arith.constant 0 : i32
    %dma_wait3A_178 = arith.constant 0 : i32
    %dma_wait3A_179 = tpu.memref_slice %arg3[%dma_wait3A_177, %dma_wait3A_178] : memref<320000x16xf32, #tpu.memory_space<hbm>> -> memref<80x16xf32, #tpu.memory_space<hbm>>
    %dma_wait3A_180 = tpu.memref_slice %arg13[%dma_wait3A_172] : memref<2x!tpu.dma_semaphore, #tpu.memory_space<semaphore_mem>> -> memref<1x!tpu.dma_semaphore, #tpu.memory_space<semaphore_mem>>
    %dma_wait3A_181 = tpu.memref_squeeze %dma_wait3A_180 : memref<1x!tpu.dma_semaphore, #tpu.memory_space<semaphore_mem>> -> memref<!tpu.dma_semaphore, #tpu.memory_space<semaphore_mem>>
    %dma_wait3A_182 = arith.constant 0 : i32
    %dma_wait3A_183 = arith.constant 0 : i32
    %dma_wait3A_184 = tpu.memref_slice %arg8[%dma_wait3A_171, %dma_wait3A_182, %dma_wait3A_183] : memref<2x80x16xf32, #tpu.memory_space<vmem>> -> memref<1x80x16xf32, #tpu.memory_space<vmem>>
    %dma_wait3A_185 = tpu.memref_squeeze %dma_wait3A_184 : memref<1x80x16xf32, #tpu.memory_space<vmem>> -> memref<80x16xf32, #tpu.memory_space<vmem>>
    %dma_wait3A_186 = arith.constant 0 : i32
    %dma_wait3A_187 = arith.constant 0 : i32
    %dma_wait3A_188 = tpu.memref_slice %arg3[%dma_wait3A_186, %dma_wait3A_187] : memref<320000x16xf32, #tpu.memory_space<hbm>> -> memref<80x16xf32, #tpu.memory_space<hbm>>
    tpu.wait_dma2 semaphore(%dma_wait3A_181 : memref<!tpu.dma_semaphore, #tpu.memory_space<semaphore_mem>>) src(%dma_wait3A_188 : memref<80x16xf32, #tpu.memory_space<hbm>>) dst(%dma_wait3A_185 : memref<80x16xf32, #tpu.memory_space<vmem>>)
    %scan3A_189 = arith.constant 0 : i32
    %scan3A_190 = arith.constant 0 : i32
    %scan3A_191 = arith.constant 80 : i32
    %scan3A_192 = arith.addi %scan3A_190, %scan3A_191 : i32
    %scan3A_193 = arith.constant 1 : i32
    scf.for %scan3A_238 = %scan3A_190 to %scan3A_192 step %scan3A_193  : i32 {
      %get3A = arith.constant 0 : i32
      %get3A_239 = arith.index_cast %get3A : i32 to index
      %get3A_240 = arith.index_cast %scan3A_238 : i32 to index
      %get3A_241 = arith.constant 0 : index
      %get3A_242 = tpu.vector_load %arg7[%get3A_239, %get3A_240, %get3A_241] {strides = array<i32>} : memref<2x80x128xf32, #tpu.memory_space<vmem>>, vector<1x1x16xf32>,
      %get3A_243 = vector.shape_cast %get3A_242 : vector<1x1x16xf32> to vector<16xf32>
      %get3A_244 = arith.constant 0 : i32
      %get3A_245 = arith.index_cast %get3A_244 : i32 to index
      %get3A_246 = arith.index_cast %scan3A_238 : i32 to index
      %get3A_247 = arith.constant 0 : index
      %get3A_248 = tpu.vector_load %arg8[%get3A_245, %get3A_246, %get3A_247] {strides = array<i32>} : memref<2x80x16xf32, #tpu.memory_space<vmem>>, vector<1x1x16xf32>,
      %get3A_249 = vector.shape_cast %get3A_248 : vector<1x1x16xf32> to vector<16xf32>
      %add3A_250 = arith.addf %get3A_243, %get3A_249 : vector<16xf32>
      %max3A = arith.constant 0.000000e+00 : f32
      %max3A_251 = vector.broadcast %max3A : f32 to vector<16xf32>
      %max3A_252 = arith.maximumf %add3A_250, %max3A_251 : vector<16xf32>
      %swap3A = arith.constant 0 : i32
      %swap3A_253 = arith.index_cast %swap3A : i32 to index
      %swap3A_254 = arith.index_cast %scan3A_238 : i32 to index
      %swap3A_255 = arith.constant 0 : index
      %swap3A_256 = tpu.vector_load %arg7[%swap3A_253, %swap3A_254, %swap3A_255] {strides = array<i32>} : memref<2x80x128xf32, #tpu.memory_space<vmem>>, vector<1x1x16xf32>,
      %swap3A_257 = vector.shape_cast %swap3A_256 : vector<1x1x16xf32> to vector<16xf32>
      %swap3A_258 = vector.shape_cast %max3A_252 : vector<16xf32> to vector<1x1x16xf32>
      tpu.vector_store %arg7[%swap3A_253, %swap3A_254, %swap3A_255], %swap3A_258 {strides = array<i32>} : memref<2x80x128xf32, #tpu.memory_space<vmem>>, vector<1x1x16xf32>,
    }
    %scan3A_194 = arith.constant 80 : i32
    %run_scoped3A_195 = arith.constant 0 : i32
    %run_scoped3A_196 = arith.constant 0 : i32
    "tpu.region"() ({
      %run_scoped3A_238 = tpu.sem_alloc : memref<!tpu.dma_semaphore, #tpu.memory_space<semaphore_mem>>
      %dma_start3A_239 = arith.constant 0 : i32
      %dma_start3A_240 = arith.constant 0 : i32
      %dma_start3A_241 = tpu.memref_slice %arg7[%run_scoped3A_195, %dma_start3A_239, %dma_start3A_240] : memref<2x80x128xf32, #tpu.memory_space<vmem>> -> memref<1x80x128xf32, #tpu.memory_space<vmem>>
      %dma_start3A_242 = tpu.memref_squeeze %dma_start3A_241 : memref<1x80x128xf32, #tpu.memory_space<vmem>> -> memref<80x128xf32, #tpu.memory_space<vmem>>
      %dma_start3A_243 = arith.constant 0 : i32
      %dma_start3A_244 = tpu.memref_slice %arg10[%run_scoped3A_196, %dma_start3A_243] : memref<4x80xi32, #tpu.memory_space<vmem>> -> memref<1x80xi32, #tpu.memory_space<vmem>>
      %dma_start3A_245 = tpu.memref_squeeze %dma_start3A_244 : memref<1x80xi32, #tpu.memory_space<vmem>> -> memref<80xi32, #tpu.memory_space<vmem>>
      %dma_start3A_246 = arith.constant 0 : i32
      %dma_start3A_247 = arith.constant 0 : i32
      %dma_start3A_248 = tpu.memref_slice %arg11[%dma_start3A_246, %dma_start3A_247] : memref<10240x128xf32, #tpu.memory_space<vmem_shared>> -> memref<10240x128xf32, #tpu.memory_space<vmem_shared>>
      tpu.enqueue_indirect_dma source(%dma_start3A_242 : memref<80x128xf32, #tpu.memory_space<vmem>>) target(%dma_start3A_248 : memref<10240x128xf32, #tpu.memory_space<vmem_shared>>) offsets(%dma_start3A_245 : memref<80xi32, #tpu.memory_space<vmem>>) semaphore(%run_scoped3A_238 : memref<!tpu.dma_semaphore, #tpu.memory_space<semaphore_mem>>) {add = true}
      %dma_wait3A_249 = arith.constant 0 : i32
      %dma_wait3A_250 = arith.constant 0 : i32
      %dma_wait3A_251 = tpu.memref_slice %arg7[%run_scoped3A_195, %dma_wait3A_249, %dma_wait3A_250] : memref<2x80x128xf32, #tpu.memory_space<vmem>> -> memref<1x80x128xf32, #tpu.memory_space<vmem>>
      %dma_wait3A_252 = tpu.memref_squeeze %dma_wait3A_251 : memref<1x80x128xf32, #tpu.memory_space<vmem>> -> memref<80x128xf32, #tpu.memory_space<vmem>>
      %dma_wait3A_253 = arith.constant 0 : i32
      %dma_wait3A_254 = tpu.memref_slice %arg10[%run_scoped3A_196, %dma_wait3A_253] : memref<4x80xi32, #tpu.memory_space<vmem>> -> memref<1x80xi32, #tpu.memory_space<vmem>>
      %dma_wait3A_255 = tpu.memref_squeeze %dma_wait3A_254 : memref<1x80xi32, #tpu.memory_space<vmem>> -> memref<80xi32, #tpu.memory_space<vmem>>
      %dma_wait3A_256 = arith.constant 0 : i32
      %dma_wait3A_257 = arith.constant 0 : i32
      %dma_wait3A_258 = tpu.memref_slice %arg11[%dma_wait3A_256, %dma_wait3A_257] : memref<10240x128xf32, #tpu.memory_space<vmem_shared>> -> memref<10240x128xf32, #tpu.memory_space<vmem_shared>>
      tpu.wait_indirect_dma semaphore(%run_scoped3A_238 : memref<!tpu.dma_semaphore, #tpu.memory_space<semaphore_mem>>) src(%dma_wait3A_252 : memref<80x128xf32, #tpu.memory_space<vmem>>) dst(%dma_wait3A_258 : memref<10240x128xf32, #tpu.memory_space<vmem_shared>>)
      tpu.yield
    }) : () -> ()
    %barrier3A_197 = arith.constant 0 : index
    tpu.barrier barrier_id(%barrier3A_197)
    %add3A_198 = arith.constant 0 : i32
    %add3A_199 = arith.addi %mul3A_5, %add3A_198 : i32
    %mul3A_200 = arith.constant 10240 : i32
    %mul3A_201 = arith.muli %arg0, %mul3A_200 : i32
    %add3A_202 = arith.addi %mul3A_201, %add3A_199 : i32
    "tpu.region"() ({
      %run_scoped3A_238 = tpu.sem_alloc : memref<!tpu.dma_semaphore, #tpu.memory_space<semaphore_mem>>
      %dma_start3A_239 = arith.constant 0 : i32
      %dma_start3A_240 = tpu.memref_slice %arg6[%add3A_202, %dma_start3A_239] : memref<20480x128xf32, #tpu.memory_space<hbm>> -> memref<80x128xf32, #tpu.memory_space<hbm>>
      %dma_start3A_241 = arith.constant 0 : i32
      %dma_start3A_242 = tpu.memref_slice %arg11[%add3A_199, %dma_start3A_241] : memref<10240x128xf32, #tpu.memory_space<vmem_shared>> -> memref<80x128xf32, #tpu.memory_space<vmem_shared>>
      tpu.enqueue_dma source(%dma_start3A_242 : memref<80x128xf32, #tpu.memory_space<vmem_shared>>) target(%dma_start3A_240 : memref<80x128xf32, #tpu.memory_space<hbm>>) target_semaphore(%run_scoped3A_238 : memref<!tpu.dma_semaphore, #tpu.memory_space<semaphore_mem>>)
      %dma_wait3A_243 = arith.constant 0 : i32
      %dma_wait3A_244 = tpu.memref_slice %arg6[%add3A_202, %dma_wait3A_243] : memref<20480x128xf32, #tpu.memory_space<hbm>> -> memref<80x128xf32, #tpu.memory_space<hbm>>
      %dma_wait3A_245 = arith.constant 0 : i32
      %dma_wait3A_246 = tpu.memref_slice %arg11[%add3A_199, %dma_wait3A_245] : memref<10240x128xf32, #tpu.memory_space<vmem_shared>> -> memref<80x128xf32, #tpu.memory_space<vmem_shared>>
      tpu.wait_dma2 semaphore(%run_scoped3A_238 : memref<!tpu.dma_semaphore, #tpu.memory_space<semaphore_mem>>) src(%dma_wait3A_246 : memref<80x128xf32, #tpu.memory_space<vmem_shared>>) dst(%dma_wait3A_244 : memref<80x128xf32, #tpu.memory_space<hbm>>)
      tpu.yield
    }) : () -> ()
    %add3A_203 = arith.constant 80 : i32
    %add3A_204 = arith.addi %mul3A_5, %add3A_203 : i32
    %mul3A_205 = arith.constant 10240 : i32
    %mul3A_206 = arith.muli %arg0, %mul3A_205 : i32
    %add3A_207 = arith.addi %mul3A_206, %add3A_204 : i32
    "tpu.region"() ({
      %run_scoped3A_238 = tpu.sem_alloc : memref<!tpu.dma_semaphore, #tpu.memory_space<semaphore_mem>>
      %dma_start3A_239 = arith.constant 0 : i32
      %dma_start3A_240 = tpu.memref_slice %arg6[%add3A_207, %dma_start3A_239] : memref<20480x128xf32, #tpu.memory_space<hbm>> -> memref<80x128xf32, #tpu.memory_space<hbm>>
      %dma_start3A_241 = arith.constant 0 : i32
      %dma_start3A_242 = tpu.memref_slice %arg11[%add3A_204, %dma_start3A_241] : memref<10240x128xf32, #tpu.memory_space<vmem_shared>> -> memref<80x128xf32, #tpu.memory_space<vmem_shared>>
      tpu.enqueue_dma source(%dma_start3A_242 : memref<80x128xf32, #tpu.memory_space<vmem_shared>>) target(%dma_start3A_240 : memref<80x128xf32, #tpu.memory_space<hbm>>) target_semaphore(%run_scoped3A_238 : memref<!tpu.dma_semaphore, #tpu.memory_space<semaphore_mem>>)
      %dma_wait3A_243 = arith.constant 0 : i32
      %dma_wait3A_244 = tpu.memref_slice %arg6[%add3A_207, %dma_wait3A_243] : memref<20480x128xf32, #tpu.memory_space<hbm>> -> memref<80x128xf32, #tpu.memory_space<hbm>>
      %dma_wait3A_245 = arith.constant 0 : i32
      %dma_wait3A_246 = tpu.memref_slice %arg11[%add3A_204, %dma_wait3A_245] : memref<10240x128xf32, #tpu.memory_space<vmem_shared>> -> memref<80x128xf32, #tpu.memory_space<vmem_shared>>
      tpu.wait_dma2 semaphore(%run_scoped3A_238 : memref<!tpu.dma_semaphore, #tpu.memory_space<semaphore_mem>>) src(%dma_wait3A_246 : memref<80x128xf32, #tpu.memory_space<vmem_shared>>) dst(%dma_wait3A_244 : memref<80x128xf32, #tpu.memory_space<hbm>>)
      tpu.yield
    }) : () -> ()
    %add3A_208 = arith.constant 160 : i32
    %add3A_209 = arith.addi %mul3A_5, %add3A_208 : i32
    %mul3A_210 = arith.constant 10240 : i32
    %mul3A_211 = arith.muli %arg0, %mul3A_210 : i32
    %add3A_212 = arith.addi %mul3A_211, %add3A_209 : i32
    "tpu.region"() ({
      %run_scoped3A_238 = tpu.sem_alloc : memref<!tpu.dma_semaphore, #tpu.memory_space<semaphore_mem>>
      %dma_start3A_239 = arith.constant 0 : i32
      %dma_start3A_240 = tpu.memref_slice %arg6[%add3A_212, %dma_start3A_239] : memref<20480x128xf32, #tpu.memory_space<hbm>> -> memref<80x128xf32, #tpu.memory_space<hbm>>
      %dma_start3A_241 = arith.constant 0 : i32
      %dma_start3A_242 = tpu.memref_slice %arg11[%add3A_209, %dma_start3A_241] : memref<10240x128xf32, #tpu.memory_space<vmem_shared>> -> memref<80x128xf32, #tpu.memory_space<vmem_shared>>
      tpu.enqueue_dma source(%dma_start3A_242 : memref<80x128xf32, #tpu.memory_space<vmem_shared>>) target(%dma_start3A_240 : memref<80x128xf32, #tpu.memory_space<hbm>>) target_semaphore(%run_scoped3A_238 : memref<!tpu.dma_semaphore, #tpu.memory_space<semaphore_mem>>)
      %dma_wait3A_243 = arith.constant 0 : i32
      %dma_wait3A_244 = tpu.memref_slice %arg6[%add3A_212, %dma_wait3A_243] : memref<20480x128xf32, #tpu.memory_space<hbm>> -> memref<80x128xf32, #tpu.memory_space<hbm>>
      %dma_wait3A_245 = arith.constant 0 : i32
      %dma_wait3A_246 = tpu.memref_slice %arg11[%add3A_209, %dma_wait3A_245] : memref<10240x128xf32, #tpu.memory_space<vmem_shared>> -> memref<80x128xf32, #tpu.memory_space<vmem_shared>>
      tpu.wait_dma2 semaphore(%run_scoped3A_238 : memref<!tpu.dma_semaphore, #tpu.memory_space<semaphore_mem>>) src(%dma_wait3A_246 : memref<80x128xf32, #tpu.memory_space<vmem_shared>>) dst(%dma_wait3A_244 : memref<80x128xf32, #tpu.memory_space<hbm>>)
      tpu.yield
    }) : () -> ()
    %add3A_213 = arith.constant 240 : i32
    %add3A_214 = arith.addi %mul3A_5, %add3A_213 : i32
    %mul3A_215 = arith.constant 10240 : i32
    %mul3A_216 = arith.muli %arg0, %mul3A_215 : i32
    %add3A_217 = arith.addi %mul3A_216, %add3A_214 : i32
    "tpu.region"() ({
      %run_scoped3A_238 = tpu.sem_alloc : memref<!tpu.dma_semaphore, #tpu.memory_space<semaphore_mem>>
      %dma_start3A_239 = arith.constant 0 : i32
      %dma_start3A_240 = tpu.memref_slice %arg6[%add3A_217, %dma_start3A_239] : memref<20480x128xf32, #tpu.memory_space<hbm>> -> memref<80x128xf32, #tpu.memory_space<hbm>>
      %dma_start3A_241 = arith.constant 0 : i32
      %dma_start3A_242 = tpu.memref_slice %arg11[%add3A_214, %dma_start3A_241] : memref<10240x128xf32, #tpu.memory_space<vmem_shared>> -> memref<80x128xf32, #tpu.memory_space<vmem_shared>>
      tpu.enqueue_dma source(%dma_start3A_242 : memref<80x128xf32, #tpu.memory_space<vmem_shared>>) target(%dma_start3A_240 : memref<80x128xf32, #tpu.memory_space<hbm>>) target_semaphore(%run_scoped3A_238 : memref<!tpu.dma_semaphore, #tpu.memory_space<semaphore_mem>>)
      %dma_wait3A_243 = arith.constant 0 : i32
      %dma_wait3A_244 = tpu.memref_slice %arg6[%add3A_217, %dma_wait3A_243] : memref<20480x128xf32, #tpu.memory_space<hbm>> -> memref<80x128xf32, #tpu.memory_space<hbm>>
      %dma_wait3A_245 = arith.constant 0 : i32
      %dma_wait3A_246 = tpu.memref_slice %arg11[%add3A_214, %dma_wait3A_245] : memref<10240x128xf32, #tpu.memory_space<vmem_shared>> -> memref<80x128xf32, #tpu.memory_space<vmem_shared>>
      tpu.wait_dma2 semaphore(%run_scoped3A_238 : memref<!tpu.dma_semaphore, #tpu.memory_space<semaphore_mem>>) src(%dma_wait3A_246 : memref<80x128xf32, #tpu.memory_space<vmem_shared>>) dst(%dma_wait3A_244 : memref<80x128xf32, #tpu.memory_space<hbm>>)
      tpu.yield
    }) : () -> ()
    %add3A_218 = arith.constant 320 : i32
    %add3A_219 = arith.addi %mul3A_5, %add3A_218 : i32
    %mul3A_220 = arith.constant 10240 : i32
    %mul3A_221 = arith.muli %arg0, %mul3A_220 : i32
    %add3A_222 = arith.addi %mul3A_221, %add3A_219 : i32
    "tpu.region"() ({
      %run_scoped3A_238 = tpu.sem_alloc : memref<!tpu.dma_semaphore, #tpu.memory_space<semaphore_mem>>
      %dma_start3A_239 = arith.constant 0 : i32
      %dma_start3A_240 = tpu.memref_slice %arg6[%add3A_222, %dma_start3A_239] : memref<20480x128xf32, #tpu.memory_space<hbm>> -> memref<80x128xf32, #tpu.memory_space<hbm>>
      %dma_start3A_241 = arith.constant 0 : i32
      %dma_start3A_242 = tpu.memref_slice %arg11[%add3A_219, %dma_start3A_241] : memref<10240x128xf32, #tpu.memory_space<vmem_shared>> -> memref<80x128xf32, #tpu.memory_space<vmem_shared>>
      tpu.enqueue_dma source(%dma_start3A_242 : memref<80x128xf32, #tpu.memory_space<vmem_shared>>) target(%dma_start3A_240 : memref<80x128xf32, #tpu.memory_space<hbm>>) target_semaphore(%run_scoped3A_238 : memref<!tpu.dma_semaphore, #tpu.memory_space<semaphore_mem>>)
      %dma_wait3A_243 = arith.constant 0 : i32
      %dma_wait3A_244 = tpu.memref_slice %arg6[%add3A_222, %dma_wait3A_243] : memref<20480x128xf32, #tpu.memory_space<hbm>> -> memref<80x128xf32, #tpu.memory_space<hbm>>
      %dma_wait3A_245 = arith.constant 0 : i32
      %dma_wait3A_246 = tpu.memref_slice %arg11[%add3A_219, %dma_wait3A_245] : memref<10240x128xf32, #tpu.memory_space<vmem_shared>> -> memref<80x128xf32, #tpu.memory_space<vmem_shared>>
      tpu.wait_dma2 semaphore(%run_scoped3A_238 : memref<!tpu.dma_semaphore, #tpu.memory_space<semaphore_mem>>) src(%dma_wait3A_246 : memref<80x128xf32, #tpu.memory_space<vmem_shared>>) dst(%dma_wait3A_244 : memref<80x128xf32, #tpu.memory_space<hbm>>)
      tpu.yield
    }) : () -> ()
    %add3A_223 = arith.constant 400 : i32
    %add3A_224 = arith.addi %mul3A_5, %add3A_223 : i32
    %mul3A_225 = arith.constant 10240 : i32
    %mul3A_226 = arith.muli %arg0, %mul3A_225 : i32
    %add3A_227 = arith.addi %mul3A_226, %add3A_224 : i32
    "tpu.region"() ({
      %run_scoped3A_238 = tpu.sem_alloc : memref<!tpu.dma_semaphore, #tpu.memory_space<semaphore_mem>>
      %dma_start3A_239 = arith.constant 0 : i32
      %dma_start3A_240 = tpu.memref_slice %arg6[%add3A_227, %dma_start3A_239] : memref<20480x128xf32, #tpu.memory_space<hbm>> -> memref<80x128xf32, #tpu.memory_space<hbm>>
      %dma_start3A_241 = arith.constant 0 : i32
      %dma_start3A_242 = tpu.memref_slice %arg11[%add3A_224, %dma_start3A_241] : memref<10240x128xf32, #tpu.memory_space<vmem_shared>> -> memref<80x128xf32, #tpu.memory_space<vmem_shared>>
      tpu.enqueue_dma source(%dma_start3A_242 : memref<80x128xf32, #tpu.memory_space<vmem_shared>>) target(%dma_start3A_240 : memref<80x128xf32, #tpu.memory_space<hbm>>) target_semaphore(%run_scoped3A_238 : memref<!tpu.dma_semaphore, #tpu.memory_space<semaphore_mem>>)
      %dma_wait3A_243 = arith.constant 0 : i32
      %dma_wait3A_244 = tpu.memref_slice %arg6[%add3A_227, %dma_wait3A_243] : memref<20480x128xf32, #tpu.memory_space<hbm>> -> memref<80x128xf32, #tpu.memory_space<hbm>>
      %dma_wait3A_245 = arith.constant 0 : i32
      %dma_wait3A_246 = tpu.memref_slice %arg11[%add3A_224, %dma_wait3A_245] : memref<10240x128xf32, #tpu.memory_space<vmem_shared>> -> memref<80x128xf32, #tpu.memory_space<vmem_shared>>
      tpu.wait_dma2 semaphore(%run_scoped3A_238 : memref<!tpu.dma_semaphore, #tpu.memory_space<semaphore_mem>>) src(%dma_wait3A_246 : memref<80x128xf32, #tpu.memory_space<vmem_shared>>) dst(%dma_wait3A_244 : memref<80x128xf32, #tpu.memory_space<hbm>>)
      tpu.yield
    }) : () -> ()
    %add3A_228 = arith.constant 480 : i32
    %add3A_229 = arith.addi %mul3A_5, %add3A_228 : i32
    %mul3A_230 = arith.constant 10240 : i32
    %mul3A_231 = arith.muli %arg0, %mul3A_230 : i32
    %add3A_232 = arith.addi %mul3A_231, %add3A_229 : i32
    "tpu.region"() ({
      %run_scoped3A_238 = tpu.sem_alloc : memref<!tpu.dma_semaphore, #tpu.memory_space<semaphore_mem>>
      %dma_start3A_239 = arith.constant 0 : i32
      %dma_start3A_240 = tpu.memref_slice %arg6[%add3A_232, %dma_start3A_239] : memref<20480x128xf32, #tpu.memory_space<hbm>> -> memref<80x128xf32, #tpu.memory_space<hbm>>
      %dma_start3A_241 = arith.constant 0 : i32
      %dma_start3A_242 = tpu.memref_slice %arg11[%add3A_229, %dma_start3A_241] : memref<10240x128xf32, #tpu.memory_space<vmem_shared>> -> memref<80x128xf32, #tpu.memory_space<vmem_shared>>
      tpu.enqueue_dma source(%dma_start3A_242 : memref<80x128xf32, #tpu.memory_space<vmem_shared>>) target(%dma_start3A_240 : memref<80x128xf32, #tpu.memory_space<hbm>>) target_semaphore(%run_scoped3A_238 : memref<!tpu.dma_semaphore, #tpu.memory_space<semaphore_mem>>)
      %dma_wait3A_243 = arith.constant 0 : i32
      %dma_wait3A_244 = tpu.memref_slice %arg6[%add3A_232, %dma_wait3A_243] : memref<20480x128xf32, #tpu.memory_space<hbm>> -> memref<80x128xf32, #tpu.memory_space<hbm>>
      %dma_wait3A_245 = arith.constant 0 : i32
      %dma_wait3A_246 = tpu.memref_slice %arg11[%add3A_229, %dma_wait3A_245] : memref<10240x128xf32, #tpu.memory_space<vmem_shared>> -> memref<80x128xf32, #tpu.memory_space<vmem_shared>>
      tpu.wait_dma2 semaphore(%run_scoped3A_238 : memref<!tpu.dma_semaphore, #tpu.memory_space<semaphore_mem>>) src(%dma_wait3A_246 : memref<80x128xf32, #tpu.memory_space<vmem_shared>>) dst(%dma_wait3A_244 : memref<80x128xf32, #tpu.memory_space<hbm>>)
      tpu.yield
    }) : () -> ()
    %add3A_233 = arith.constant 560 : i32
    %add3A_234 = arith.addi %mul3A_5, %add3A_233 : i32
    %mul3A_235 = arith.constant 10240 : i32
    %mul3A_236 = arith.muli %arg0, %mul3A_235 : i32
    %add3A_237 = arith.addi %mul3A_236, %add3A_234 : i32
    "tpu.region"() ({
      %run_scoped3A_238 = tpu.sem_alloc : memref<!tpu.dma_semaphore, #tpu.memory_space<semaphore_mem>>
      %dma_start3A_239 = arith.constant 0 : i32
      %dma_start3A_240 = tpu.memref_slice %arg6[%add3A_237, %dma_start3A_239] : memref<20480x128xf32, #tpu.memory_space<hbm>> -> memref<80x128xf32, #tpu.memory_space<hbm>>
      %dma_start3A_241 = arith.constant 0 : i32
      %dma_start3A_242 = tpu.memref_slice %arg11[%add3A_234, %dma_start3A_241] : memref<10240x128xf32, #tpu.memory_space<vmem_shared>> -> memref<80x128xf32, #tpu.memory_space<vmem_shared>>
      tpu.enqueue_dma source(%dma_start3A_242 : memref<80x128xf32, #tpu.memory_space<vmem_shared>>) target(%dma_start3A_240 : memref<80x128xf32, #tpu.memory_space<hbm>>) target_semaphore(%run_scoped3A_238 : memref<!tpu.dma_semaphore, #tpu.memory_space<semaphore_mem>>)
      %dma_wait3A_243 = arith.constant 0 : i32
      %dma_wait3A_244 = tpu.memref_slice %arg6[%add3A_237, %dma_wait3A_243] : memref<20480x128xf32, #tpu.memory_space<hbm>> -> memref<80x128xf32, #tpu.memory_space<hbm>>
      %dma_wait3A_245 = arith.constant 0 : i32
      %dma_wait3A_246 = tpu.memref_slice %arg11[%add3A_234, %dma_wait3A_245] : memref<10240x128xf32, #tpu.memory_space<vmem_shared>> -> memref<80x128xf32, #tpu.memory_space<vmem_shared>>
      tpu.wait_dma2 semaphore(%run_scoped3A_238 : memref<!tpu.dma_semaphore, #tpu.memory_space<semaphore_mem>>) src(%dma_wait3A_246 : memref<80x128xf32, #tpu.memory_space<vmem_shared>>) dst(%dma_wait3A_244 : memref<80x128xf32, #tpu.memory_space<hbm>>)
      tpu.yield
    }) : () -> ()
    return
  }
}

#map = affine_map<(d0, d1) -> (0, 0)>
#map1 = affine_map<(d0, d1) -> (0)>
module attributes {stable_mosaic.version = 14 : i64} {
  func.func @_sc_seg_body(%arg0: i32, %arg1: i32, %arg2: memref<10000x128xf32, #tpu.memory_space<hbm>>, %arg3: memref<320000x128xf32, #tpu.memory_space<hbm>>, %arg4: memref<320000xi32, #tpu.memory_space<hbm>>, %arg5: memref<320000xi32, #tpu.memory_space<hbm>>, %arg6: memref<20480x128xf32, #tpu.memory_space<hbm>>, %arg7: memref<2x80x128xf32, #tpu.memory_space<vmem>>, %arg8: memref<2x80x128xf32, #tpu.memory_space<vmem>>, %arg9: memref<4x80xi32, #tpu.memory_space<vmem>>, %arg10: memref<4x80xi32, #tpu.memory_space<vmem>>, %arg11: memref<10240x128xf32, #tpu.memory_space<vmem_shared>>, %arg12: memref<2x!tpu.dma_semaphore, #tpu.memory_space<semaphore_mem>>, %arg13: memref<2x!tpu.dma_semaphore, #tpu.memory_space<semaphore_mem>>, %arg14: memref<4x!tpu.dma_semaphore, #tpu.memory_space<semaphore_mem>>) attributes {dimension_semantics = [#tpu.dimension_semantics<core_parallel>, #tpu.dimension_semantics<subcore_parallel>], iteration_bounds = array<i64: 2, 16>, scalar_prefetch = 0 : i64, scratch_operands = 8 : i64, tpu.core_type = #tpu.core_type<sc_vector_subcore>, window_params = [{transform_indices = #map}, {transform_indices = #map}, {transform_indices = #map1}, {transform_indices = #map1}, {transform_indices = #map}]} {
    %scan3A = arith.constant 0 : i32
    %scan3A_0 = arith.constant 0 : i32
    %scan3A_1 = arith.constant 80 : i32
    %scan3A_2 = arith.addi %scan3A_0, %scan3A_1 : i32
    %scan3A_3 = arith.constant 1 : i32
    scf.for %scan3A_238 = %scan3A_0 to %scan3A_2 step %scan3A_3  : i32 {
      %broadcast_in_dim3A = arith.constant 0.000000e+00 : f32
      %broadcast_in_dim3A_239 = vector.broadcast %broadcast_in_dim3A : f32 to vector<16xf32>
      %swap3A = arith.constant 0 : i32
      %swap3A_240 = arith.index_cast %swap3A : i32 to index
      %swap3A_241 = arith.index_cast %scan3A_238 : i32 to index
      %swap3A_242 = arith.constant 0 : index
      %swap3A_243 = tpu.vector_load %arg7[%swap3A_240, %swap3A_241, %swap3A_242] {strides = array<i32>} : memref<2x80x128xf32, #tpu.memory_space<vmem>>, vector<1x1x16xf32>,
      %swap3A_244 = vector.shape_cast %swap3A_243 : vector<1x1x16xf32> to vector<16xf32>
      %swap3A_245 = vector.shape_cast %broadcast_in_dim3A_239 : vector<16xf32> to vector<1x1x16xf32>
      tpu.vector_store %arg7[%swap3A_240, %swap3A_241, %swap3A_242], %swap3A_245 {strides = array<i32>} : memref<2x80x128xf32, #tpu.memory_space<vmem>>, vector<1x1x16xf32>,
      %broadcast_in_dim3A_246 = arith.constant 0.000000e+00 : f32
      %broadcast_in_dim3A_247 = vector.broadcast %broadcast_in_dim3A_246 : f32 to vector<16xf32>
      %swap3A_248 = arith.constant 0 : i32
      %swap3A_249 = arith.index_cast %swap3A_248 : i32 to index
      %swap3A_250 = arith.index_cast %scan3A_238 : i32 to index
      %swap3A_251 = arith.constant 16 : index
      %swap3A_252 = tpu.vector_load %arg7[%swap3A_249, %swap3A_250, %swap3A_251] {strides = array<i32>} : memref<2x80x128xf32, #tpu.memory_space<vmem>>, vector<1x1x16xf32>,
      %swap3A_253 = vector.shape_cast %swap3A_252 : vector<1x1x16xf32> to vector<16xf32>
      %swap3A_254 = vector.shape_cast %broadcast_in_dim3A_247 : vector<16xf32> to vector<1x1x16xf32>
      tpu.vector_store %arg7[%swap3A_249, %swap3A_250, %swap3A_251], %swap3A_254 {strides = array<i32>} : memref<2x80x128xf32, #tpu.memory_space<vmem>>, vector<1x1x16xf32>,
      %broadcast_in_dim3A_255 = arith.constant 0.000000e+00 : f32
      %broadcast_in_dim3A_256 = vector.broadcast %broadcast_in_dim3A_255 : f32 to vector<16xf32>
      %swap3A_257 = arith.constant 0 : i32
      %swap3A_258 = arith.index_cast %swap3A_257 : i32 to index
      %swap3A_259 = arith.index_cast %scan3A_238 : i32 to index
      %swap3A_260 = arith.constant 32 : index
      %swap3A_261 = tpu.vector_load %arg7[%swap3A_258, %swap3A_259, %swap3A_260] {strides = array<i32>} : memref<2x80x128xf32, #tpu.memory_space<vmem>>, vector<1x1x16xf32>,
      %swap3A_262 = vector.shape_cast %swap3A_261 : vector<1x1x16xf32> to vector<16xf32>
      %swap3A_263 = vector.shape_cast %broadcast_in_dim3A_256 : vector<16xf32> to vector<1x1x16xf32>
      tpu.vector_store %arg7[%swap3A_258, %swap3A_259, %swap3A_260], %swap3A_263 {strides = array<i32>} : memref<2x80x128xf32, #tpu.memory_space<vmem>>, vector<1x1x16xf32>,
      %broadcast_in_dim3A_264 = arith.constant 0.000000e+00 : f32
      %broadcast_in_dim3A_265 = vector.broadcast %broadcast_in_dim3A_264 : f32 to vector<16xf32>
      %swap3A_266 = arith.constant 0 : i32
      %swap3A_267 = arith.index_cast %swap3A_266 : i32 to index
      %swap3A_268 = arith.index_cast %scan3A_238 : i32 to index
      %swap3A_269 = arith.constant 48 : index
      %swap3A_270 = tpu.vector_load %arg7[%swap3A_267, %swap3A_268, %swap3A_269] {strides = array<i32>} : memref<2x80x128xf32, #tpu.memory_space<vmem>>, vector<1x1x16xf32>,
      %swap3A_271 = vector.shape_cast %swap3A_270 : vector<1x1x16xf32> to vector<16xf32>
      %swap3A_272 = vector.shape_cast %broadcast_in_dim3A_265 : vector<16xf32> to vector<1x1x16xf32>
      tpu.vector_store %arg7[%swap3A_267, %swap3A_268, %swap3A_269], %swap3A_272 {strides = array<i32>} : memref<2x80x128xf32, #tpu.memory_space<vmem>>, vector<1x1x16xf32>,
      %broadcast_in_dim3A_273 = arith.constant 0.000000e+00 : f32
      %broadcast_in_dim3A_274 = vector.broadcast %broadcast_in_dim3A_273 : f32 to vector<16xf32>
      %swap3A_275 = arith.constant 0 : i32
      %swap3A_276 = arith.index_cast %swap3A_275 : i32 to index
      %swap3A_277 = arith.index_cast %scan3A_238 : i32 to index
      %swap3A_278 = arith.constant 64 : index
      %swap3A_279 = tpu.vector_load %arg7[%swap3A_276, %swap3A_277, %swap3A_278] {strides = array<i32>} : memref<2x80x128xf32, #tpu.memory_space<vmem>>, vector<1x1x16xf32>,
      %swap3A_280 = vector.shape_cast %swap3A_279 : vector<1x1x16xf32> to vector<16xf32>
      %swap3A_281 = vector.shape_cast %broadcast_in_dim3A_274 : vector<16xf32> to vector<1x1x16xf32>
      tpu.vector_store %arg7[%swap3A_276, %swap3A_277, %swap3A_278], %swap3A_281 {strides = array<i32>} : memref<2x80x128xf32, #tpu.memory_space<vmem>>, vector<1x1x16xf32>,
      %broadcast_in_dim3A_282 = arith.constant 0.000000e+00 : f32
      %broadcast_in_dim3A_283 = vector.broadcast %broadcast_in_dim3A_282 : f32 to vector<16xf32>
      %swap3A_284 = arith.constant 0 : i32
      %swap3A_285 = arith.index_cast %swap3A_284 : i32 to index
      %swap3A_286 = arith.index_cast %scan3A_238 : i32 to index
      %swap3A_287 = arith.constant 80 : index
      %swap3A_288 = tpu.vector_load %arg7[%swap3A_285, %swap3A_286, %swap3A_287] {strides = array<i32>} : memref<2x80x128xf32, #tpu.memory_space<vmem>>, vector<1x1x16xf32>,
      %swap3A_289 = vector.shape_cast %swap3A_288 : vector<1x1x16xf32> to vector<16xf32>
      %swap3A_290 = vector.shape_cast %broadcast_in_dim3A_283 : vector<16xf32> to vector<1x1x16xf32>
      tpu.vector_store %arg7[%swap3A_285, %swap3A_286, %swap3A_287], %swap3A_290 {strides = array<i32>} : memref<2x80x128xf32, #tpu.memory_space<vmem>>, vector<1x1x16xf32>,
      %broadcast_in_dim3A_291 = arith.constant 0.000000e+00 : f32
      %broadcast_in_dim3A_292 = vector.broadcast %broadcast_in_dim3A_291 : f32 to vector<16xf32>
      %swap3A_293 = arith.constant 0 : i32
      %swap3A_294 = arith.index_cast %swap3A_293 : i32 to index
      %swap3A_295 = arith.index_cast %scan3A_238 : i32 to index
      %swap3A_296 = arith.constant 96 : index
      %swap3A_297 = tpu.vector_load %arg7[%swap3A_294, %swap3A_295, %swap3A_296] {strides = array<i32>} : memref<2x80x128xf32, #tpu.memory_space<vmem>>, vector<1x1x16xf32>,
      %swap3A_298 = vector.shape_cast %swap3A_297 : vector<1x1x16xf32> to vector<16xf32>
      %swap3A_299 = vector.shape_cast %broadcast_in_dim3A_292 : vector<16xf32> to vector<1x1x16xf32>
      tpu.vector_store %arg7[%swap3A_294, %swap3A_295, %swap3A_296], %swap3A_299 {strides = array<i32>} : memref<2x80x128xf32, #tpu.memory_space<vmem>>, vector<1x1x16xf32>,
      %broadcast_in_dim3A_300 = arith.constant 0.000000e+00 : f32
      %broadcast_in_dim3A_301 = vector.broadcast %broadcast_in_dim3A_300 : f32 to vector<16xf32>
      %swap3A_302 = arith.constant 0 : i32
      %swap3A_303 = arith.index_cast %swap3A_302 : i32 to index
      %swap3A_304 = arith.index_cast %scan3A_238 : i32 to index
      %swap3A_305 = arith.constant 112 : index
      %swap3A_306 = tpu.vector_load %arg7[%swap3A_303, %swap3A_304, %swap3A_305] {strides = array<i32>} : memref<2x80x128xf32, #tpu.memory_space<vmem>>, vector<1x1x16xf32>,
      %swap3A_307 = vector.shape_cast %swap3A_306 : vector<1x1x16xf32> to vector<16xf32>
      %swap3A_308 = vector.shape_cast %broadcast_in_dim3A_301 : vector<16xf32> to vector<1x1x16xf32>
      tpu.vector_store %arg7[%swap3A_303, %swap3A_304, %swap3A_305], %swap3A_308 {strides = array<i32>} : memref<2x80x128xf32, #tpu.memory_space<vmem>>, vector<1x1x16xf32>,
    }
    %scan3A_4 = arith.constant 80 : i32
    %mul3A = arith.constant 640 : i32
    %mul3A_5 = arith.muli %arg1, %mul3A : i32
    %add3A = arith.constant 0 : i32
    %add3A_6 = arith.addi %mul3A_5, %add3A : i32
    %run_scoped3A = arith.constant 0 : i32
    "tpu.region"() ({
      %run_scoped3A_238 = tpu.sem_alloc : memref<!tpu.dma_semaphore, #tpu.memory_space<semaphore_mem>>
      %dma_start3A_239 = arith.constant 0 : i32
      %dma_start3A_240 = arith.constant 0 : i32
      %dma_start3A_241 = tpu.memref_slice %arg7[%run_scoped3A, %dma_start3A_239, %dma_start3A_240] : memref<2x80x128xf32, #tpu.memory_space<vmem>> -> memref<1x80x128xf32, #tpu.memory_space<vmem>>
      %dma_start3A_242 = tpu.memref_squeeze %dma_start3A_241 : memref<1x80x128xf32, #tpu.memory_space<vmem>> -> memref<80x128xf32, #tpu.memory_space<vmem>>
      %dma_start3A_243 = arith.constant 0 : i32
      %dma_start3A_244 = tpu.memref_slice %arg11[%add3A_6, %dma_start3A_243] : memref<10240x128xf32, #tpu.memory_space<vmem_shared>> -> memref<80x128xf32, #tpu.memory_space<vmem_shared>>
      %dma_start3A_245 = arith.constant 0 : i32
      %dma_start3A_246 = tpu.memref_slice %arg11[%add3A_6, %dma_start3A_245] : memref<10240x128xf32, #tpu.memory_space<vmem_shared>> -> memref<80x128xf32, #tpu.memory_space<vmem_shared>>
      %dma_start3A_247 = arith.constant 0 : i32
      %dma_start3A_248 = arith.constant 0 : i32
      %dma_start3A_249 = tpu.memref_slice %arg7[%run_scoped3A, %dma_start3A_247, %dma_start3A_248] : memref<2x80x128xf32, #tpu.memory_space<vmem>> -> memref<1x80x128xf32, #tpu.memory_space<vmem>>
      %dma_start3A_250 = tpu.memref_squeeze %dma_start3A_249 : memref<1x80x128xf32, #tpu.memory_space<vmem>> -> memref<80x128xf32, #tpu.memory_space<vmem>>
      tpu.enqueue_dma source(%dma_start3A_250 : memref<80x128xf32, #tpu.memory_space<vmem>>) target(%dma_start3A_246 : memref<80x128xf32, #tpu.memory_space<vmem_shared>>) target_semaphore(%run_scoped3A_238 : memref<!tpu.dma_semaphore, #tpu.memory_space<semaphore_mem>>)
      %dma_wait3A_251 = arith.constant 0 : i32
      %dma_wait3A_252 = arith.constant 0 : i32
      %dma_wait3A_253 = tpu.memref_slice %arg7[%run_scoped3A, %dma_wait3A_251, %dma_wait3A_252] : memref<2x80x128xf32, #tpu.memory_space<vmem>> -> memref<1x80x128xf32, #tpu.memory_space<vmem>>
      %dma_wait3A_254 = tpu.memref_squeeze %dma_wait3A_253 : memref<1x80x128xf32, #tpu.memory_space<vmem>> -> memref<80x128xf32, #tpu.memory_space<vmem>>
      %dma_wait3A_255 = arith.constant 0 : i32
      %dma_wait3A_256 = tpu.memref_slice %arg11[%add3A_6, %dma_wait3A_255] : memref<10240x128xf32, #tpu.memory_space<vmem_shared>> -> memref<80x128xf32, #tpu.memory_space<vmem_shared>>
      %dma_wait3A_257 = arith.constant 0 : i32
      %dma_wait3A_258 = tpu.memref_slice %arg11[%add3A_6, %dma_wait3A_257] : memref<10240x128xf32, #tpu.memory_space<vmem_shared>> -> memref<80x128xf32, #tpu.memory_space<vmem_shared>>
      %dma_wait3A_259 = arith.constant 0 : i32
      %dma_wait3A_260 = arith.constant 0 : i32
      %dma_wait3A_261 = tpu.memref_slice %arg7[%run_scoped3A, %dma_wait3A_259, %dma_wait3A_260] : memref<2x80x128xf32, #tpu.memory_space<vmem>> -> memref<1x80x128xf32, #tpu.memory_space<vmem>>
      %dma_wait3A_262 = tpu.memref_squeeze %dma_wait3A_261 : memref<1x80x128xf32, #tpu.memory_space<vmem>> -> memref<80x128xf32, #tpu.memory_space<vmem>>
      tpu.wait_dma2 semaphore(%run_scoped3A_238 : memref<!tpu.dma_semaphore, #tpu.memory_space<semaphore_mem>>) src(%dma_wait3A_262 : memref<80x128xf32, #tpu.memory_space<vmem>>) dst(%dma_wait3A_258 : memref<80x128xf32, #tpu.memory_space<vmem_shared>>)
      tpu.yield
    }) : () -> ()
    %add3A_7 = arith.constant 80 : i32
    %add3A_8 = arith.addi %mul3A_5, %add3A_7 : i32
    %run_scoped3A_9 = arith.constant 0 : i32
    "tpu.region"() ({
      %run_scoped3A_238 = tpu.sem_alloc : memref<!tpu.dma_semaphore, #tpu.memory_space<semaphore_mem>>
      %dma_start3A_239 = arith.constant 0 : i32
      %dma_start3A_240 = arith.constant 0 : i32
      %dma_start3A_241 = tpu.memref_slice %arg7[%run_scoped3A_9, %dma_start3A_239, %dma_start3A_240] : memref<2x80x128xf32, #tpu.memory_space<vmem>> -> memref<1x80x128xf32, #tpu.memory_space<vmem>>
      %dma_start3A_242 = tpu.memref_squeeze %dma_start3A_241 : memref<1x80x128xf32, #tpu.memory_space<vmem>> -> memref<80x128xf32, #tpu.memory_space<vmem>>
      %dma_start3A_243 = arith.constant 0 : i32
      %dma_start3A_244 = tpu.memref_slice %arg11[%add3A_8, %dma_start3A_243] : memref<10240x128xf32, #tpu.memory_space<vmem_shared>> -> memref<80x128xf32, #tpu.memory_space<vmem_shared>>
      %dma_start3A_245 = arith.constant 0 : i32
      %dma_start3A_246 = tpu.memref_slice %arg11[%add3A_8, %dma_start3A_245] : memref<10240x128xf32, #tpu.memory_space<vmem_shared>> -> memref<80x128xf32, #tpu.memory_space<vmem_shared>>
      %dma_start3A_247 = arith.constant 0 : i32
      %dma_start3A_248 = arith.constant 0 : i32
      %dma_start3A_249 = tpu.memref_slice %arg7[%run_scoped3A_9, %dma_start3A_247, %dma_start3A_248] : memref<2x80x128xf32, #tpu.memory_space<vmem>> -> memref<1x80x128xf32, #tpu.memory_space<vmem>>
      %dma_start3A_250 = tpu.memref_squeeze %dma_start3A_249 : memref<1x80x128xf32, #tpu.memory_space<vmem>> -> memref<80x128xf32, #tpu.memory_space<vmem>>
      tpu.enqueue_dma source(%dma_start3A_250 : memref<80x128xf32, #tpu.memory_space<vmem>>) target(%dma_start3A_246 : memref<80x128xf32, #tpu.memory_space<vmem_shared>>) target_semaphore(%run_scoped3A_238 : memref<!tpu.dma_semaphore, #tpu.memory_space<semaphore_mem>>)
      %dma_wait3A_251 = arith.constant 0 : i32
      %dma_wait3A_252 = arith.constant 0 : i32
      %dma_wait3A_253 = tpu.memref_slice %arg7[%run_scoped3A_9, %dma_wait3A_251, %dma_wait3A_252] : memref<2x80x128xf32, #tpu.memory_space<vmem>> -> memref<1x80x128xf32, #tpu.memory_space<vmem>>
      %dma_wait3A_254 = tpu.memref_squeeze %dma_wait3A_253 : memref<1x80x128xf32, #tpu.memory_space<vmem>> -> memref<80x128xf32, #tpu.memory_space<vmem>>
      %dma_wait3A_255 = arith.constant 0 : i32
      %dma_wait3A_256 = tpu.memref_slice %arg11[%add3A_8, %dma_wait3A_255] : memref<10240x128xf32, #tpu.memory_space<vmem_shared>> -> memref<80x128xf32, #tpu.memory_space<vmem_shared>>
      %dma_wait3A_257 = arith.constant 0 : i32
      %dma_wait3A_258 = tpu.memref_slice %arg11[%add3A_8, %dma_wait3A_257] : memref<10240x128xf32, #tpu.memory_space<vmem_shared>> -> memref<80x128xf32, #tpu.memory_space<vmem_shared>>
      %dma_wait3A_259 = arith.constant 0 : i32
      %dma_wait3A_260 = arith.constant 0 : i32
      %dma_wait3A_261 = tpu.memref_slice %arg7[%run_scoped3A_9, %dma_wait3A_259, %dma_wait3A_260] : memref<2x80x128xf32, #tpu.memory_space<vmem>> -> memref<1x80x128xf32, #tpu.memory_space<vmem>>
      %dma_wait3A_262 = tpu.memref_squeeze %dma_wait3A_261 : memref<1x80x128xf32, #tpu.memory_space<vmem>> -> memref<80x128xf32, #tpu.memory_space<vmem>>
      tpu.wait_dma2 semaphore(%run_scoped3A_238 : memref<!tpu.dma_semaphore, #tpu.memory_space<semaphore_mem>>) src(%dma_wait3A_262 : memref<80x128xf32, #tpu.memory_space<vmem>>) dst(%dma_wait3A_258 : memref<80x128xf32, #tpu.memory_space<vmem_shared>>)
      tpu.yield
    }) : () -> ()
    %add3A_10 = arith.constant 160 : i32
    %add3A_11 = arith.addi %mul3A_5, %add3A_10 : i32
    %run_scoped3A_12 = arith.constant 0 : i32
    "tpu.region"() ({
      %run_scoped3A_238 = tpu.sem_alloc : memref<!tpu.dma_semaphore, #tpu.memory_space<semaphore_mem>>
      %dma_start3A_239 = arith.constant 0 : i32
      %dma_start3A_240 = arith.constant 0 : i32
      %dma_start3A_241 = tpu.memref_slice %arg7[%run_scoped3A_12, %dma_start3A_239, %dma_start3A_240] : memref<2x80x128xf32, #tpu.memory_space<vmem>> -> memref<1x80x128xf32, #tpu.memory_space<vmem>>
      %dma_start3A_242 = tpu.memref_squeeze %dma_start3A_241 : memref<1x80x128xf32, #tpu.memory_space<vmem>> -> memref<80x128xf32, #tpu.memory_space<vmem>>
      %dma_start3A_243 = arith.constant 0 : i32
      %dma_start3A_244 = tpu.memref_slice %arg11[%add3A_11, %dma_start3A_243] : memref<10240x128xf32, #tpu.memory_space<vmem_shared>> -> memref<80x128xf32, #tpu.memory_space<vmem_shared>>
      %dma_start3A_245 = arith.constant 0 : i32
      %dma_start3A_246 = tpu.memref_slice %arg11[%add3A_11, %dma_start3A_245] : memref<10240x128xf32, #tpu.memory_space<vmem_shared>> -> memref<80x128xf32, #tpu.memory_space<vmem_shared>>
      %dma_start3A_247 = arith.constant 0 : i32
      %dma_start3A_248 = arith.constant 0 : i32
      %dma_start3A_249 = tpu.memref_slice %arg7[%run_scoped3A_12, %dma_start3A_247, %dma_start3A_248] : memref<2x80x128xf32, #tpu.memory_space<vmem>> -> memref<1x80x128xf32, #tpu.memory_space<vmem>>
      %dma_start3A_250 = tpu.memref_squeeze %dma_start3A_249 : memref<1x80x128xf32, #tpu.memory_space<vmem>> -> memref<80x128xf32, #tpu.memory_space<vmem>>
      tpu.enqueue_dma source(%dma_start3A_250 : memref<80x128xf32, #tpu.memory_space<vmem>>) target(%dma_start3A_246 : memref<80x128xf32, #tpu.memory_space<vmem_shared>>) target_semaphore(%run_scoped3A_238 : memref<!tpu.dma_semaphore, #tpu.memory_space<semaphore_mem>>)
      %dma_wait3A_251 = arith.constant 0 : i32
      %dma_wait3A_252 = arith.constant 0 : i32
      %dma_wait3A_253 = tpu.memref_slice %arg7[%run_scoped3A_12, %dma_wait3A_251, %dma_wait3A_252] : memref<2x80x128xf32, #tpu.memory_space<vmem>> -> memref<1x80x128xf32, #tpu.memory_space<vmem>>
      %dma_wait3A_254 = tpu.memref_squeeze %dma_wait3A_253 : memref<1x80x128xf32, #tpu.memory_space<vmem>> -> memref<80x128xf32, #tpu.memory_space<vmem>>
      %dma_wait3A_255 = arith.constant 0 : i32
      %dma_wait3A_256 = tpu.memref_slice %arg11[%add3A_11, %dma_wait3A_255] : memref<10240x128xf32, #tpu.memory_space<vmem_shared>> -> memref<80x128xf32, #tpu.memory_space<vmem_shared>>
      %dma_wait3A_257 = arith.constant 0 : i32
      %dma_wait3A_258 = tpu.memref_slice %arg11[%add3A_11, %dma_wait3A_257] : memref<10240x128xf32, #tpu.memory_space<vmem_shared>> -> memref<80x128xf32, #tpu.memory_space<vmem_shared>>
      %dma_wait3A_259 = arith.constant 0 : i32
      %dma_wait3A_260 = arith.constant 0 : i32
      %dma_wait3A_261 = tpu.memref_slice %arg7[%run_scoped3A_12, %dma_wait3A_259, %dma_wait3A_260] : memref<2x80x128xf32, #tpu.memory_space<vmem>> -> memref<1x80x128xf32, #tpu.memory_space<vmem>>
      %dma_wait3A_262 = tpu.memref_squeeze %dma_wait3A_261 : memref<1x80x128xf32, #tpu.memory_space<vmem>> -> memref<80x128xf32, #tpu.memory_space<vmem>>
      tpu.wait_dma2 semaphore(%run_scoped3A_238 : memref<!tpu.dma_semaphore, #tpu.memory_space<semaphore_mem>>) src(%dma_wait3A_262 : memref<80x128xf32, #tpu.memory_space<vmem>>) dst(%dma_wait3A_258 : memref<80x128xf32, #tpu.memory_space<vmem_shared>>)
      tpu.yield
    }) : () -> ()
    %add3A_13 = arith.constant 240 : i32
    %add3A_14 = arith.addi %mul3A_5, %add3A_13 : i32
    %run_scoped3A_15 = arith.constant 0 : i32
    "tpu.region"() ({
      %run_scoped3A_238 = tpu.sem_alloc : memref<!tpu.dma_semaphore, #tpu.memory_space<semaphore_mem>>
      %dma_start3A_239 = arith.constant 0 : i32
      %dma_start3A_240 = arith.constant 0 : i32
      %dma_start3A_241 = tpu.memref_slice %arg7[%run_scoped3A_15, %dma_start3A_239, %dma_start3A_240] : memref<2x80x128xf32, #tpu.memory_space<vmem>> -> memref<1x80x128xf32, #tpu.memory_space<vmem>>
      %dma_start3A_242 = tpu.memref_squeeze %dma_start3A_241 : memref<1x80x128xf32, #tpu.memory_space<vmem>> -> memref<80x128xf32, #tpu.memory_space<vmem>>
      %dma_start3A_243 = arith.constant 0 : i32
      %dma_start3A_244 = tpu.memref_slice %arg11[%add3A_14, %dma_start3A_243] : memref<10240x128xf32, #tpu.memory_space<vmem_shared>> -> memref<80x128xf32, #tpu.memory_space<vmem_shared>>
      %dma_start3A_245 = arith.constant 0 : i32
      %dma_start3A_246 = tpu.memref_slice %arg11[%add3A_14, %dma_start3A_245] : memref<10240x128xf32, #tpu.memory_space<vmem_shared>> -> memref<80x128xf32, #tpu.memory_space<vmem_shared>>
      %dma_start3A_247 = arith.constant 0 : i32
      %dma_start3A_248 = arith.constant 0 : i32
      %dma_start3A_249 = tpu.memref_slice %arg7[%run_scoped3A_15, %dma_start3A_247, %dma_start3A_248] : memref<2x80x128xf32, #tpu.memory_space<vmem>> -> memref<1x80x128xf32, #tpu.memory_space<vmem>>
      %dma_start3A_250 = tpu.memref_squeeze %dma_start3A_249 : memref<1x80x128xf32, #tpu.memory_space<vmem>> -> memref<80x128xf32, #tpu.memory_space<vmem>>
      tpu.enqueue_dma source(%dma_start3A_250 : memref<80x128xf32, #tpu.memory_space<vmem>>) target(%dma_start3A_246 : memref<80x128xf32, #tpu.memory_space<vmem_shared>>) target_semaphore(%run_scoped3A_238 : memref<!tpu.dma_semaphore, #tpu.memory_space<semaphore_mem>>)
      %dma_wait3A_251 = arith.constant 0 : i32
      %dma_wait3A_252 = arith.constant 0 : i32
      %dma_wait3A_253 = tpu.memref_slice %arg7[%run_scoped3A_15, %dma_wait3A_251, %dma_wait3A_252] : memref<2x80x128xf32, #tpu.memory_space<vmem>> -> memref<1x80x128xf32, #tpu.memory_space<vmem>>
      %dma_wait3A_254 = tpu.memref_squeeze %dma_wait3A_253 : memref<1x80x128xf32, #tpu.memory_space<vmem>> -> memref<80x128xf32, #tpu.memory_space<vmem>>
      %dma_wait3A_255 = arith.constant 0 : i32
      %dma_wait3A_256 = tpu.memref_slice %arg11[%add3A_14, %dma_wait3A_255] : memref<10240x128xf32, #tpu.memory_space<vmem_shared>> -> memref<80x128xf32, #tpu.memory_space<vmem_shared>>
      %dma_wait3A_257 = arith.constant 0 : i32
      %dma_wait3A_258 = tpu.memref_slice %arg11[%add3A_14, %dma_wait3A_257] : memref<10240x128xf32, #tpu.memory_space<vmem_shared>> -> memref<80x128xf32, #tpu.memory_space<vmem_shared>>
      %dma_wait3A_259 = arith.constant 0 : i32
      %dma_wait3A_260 = arith.constant 0 : i32
      %dma_wait3A_261 = tpu.memref_slice %arg7[%run_scoped3A_15, %dma_wait3A_259, %dma_wait3A_260] : memref<2x80x128xf32, #tpu.memory_space<vmem>> -> memref<1x80x128xf32, #tpu.memory_space<vmem>>
      %dma_wait3A_262 = tpu.memref_squeeze %dma_wait3A_261 : memref<1x80x128xf32, #tpu.memory_space<vmem>> -> memref<80x128xf32, #tpu.memory_space<vmem>>
      tpu.wait_dma2 semaphore(%run_scoped3A_238 : memref<!tpu.dma_semaphore, #tpu.memory_space<semaphore_mem>>) src(%dma_wait3A_262 : memref<80x128xf32, #tpu.memory_space<vmem>>) dst(%dma_wait3A_258 : memref<80x128xf32, #tpu.memory_space<vmem_shared>>)
      tpu.yield
    }) : () -> ()
    %add3A_16 = arith.constant 320 : i32
    %add3A_17 = arith.addi %mul3A_5, %add3A_16 : i32
    %run_scoped3A_18 = arith.constant 0 : i32
    "tpu.region"() ({
      %run_scoped3A_238 = tpu.sem_alloc : memref<!tpu.dma_semaphore, #tpu.memory_space<semaphore_mem>>
      %dma_start3A_239 = arith.constant 0 : i32
      %dma_start3A_240 = arith.constant 0 : i32
      %dma_start3A_241 = tpu.memref_slice %arg7[%run_scoped3A_18, %dma_start3A_239, %dma_start3A_240] : memref<2x80x128xf32, #tpu.memory_space<vmem>> -> memref<1x80x128xf32, #tpu.memory_space<vmem>>
      %dma_start3A_242 = tpu.memref_squeeze %dma_start3A_241 : memref<1x80x128xf32, #tpu.memory_space<vmem>> -> memref<80x128xf32, #tpu.memory_space<vmem>>
      %dma_start3A_243 = arith.constant 0 : i32
      %dma_start3A_244 = tpu.memref_slice %arg11[%add3A_17, %dma_start3A_243] : memref<10240x128xf32, #tpu.memory_space<vmem_shared>> -> memref<80x128xf32, #tpu.memory_space<vmem_shared>>
      %dma_start3A_245 = arith.constant 0 : i32
      %dma_start3A_246 = tpu.memref_slice %arg11[%add3A_17, %dma_start3A_245] : memref<10240x128xf32, #tpu.memory_space<vmem_shared>> -> memref<80x128xf32, #tpu.memory_space<vmem_shared>>
      %dma_start3A_247 = arith.constant 0 : i32
      %dma_start3A_248 = arith.constant 0 : i32
      %dma_start3A_249 = tpu.memref_slice %arg7[%run_scoped3A_18, %dma_start3A_247, %dma_start3A_248] : memref<2x80x128xf32, #tpu.memory_space<vmem>> -> memref<1x80x128xf32, #tpu.memory_space<vmem>>
      %dma_start3A_250 = tpu.memref_squeeze %dma_start3A_249 : memref<1x80x128xf32, #tpu.memory_space<vmem>> -> memref<80x128xf32, #tpu.memory_space<vmem>>
      tpu.enqueue_dma source(%dma_start3A_250 : memref<80x128xf32, #tpu.memory_space<vmem>>) target(%dma_start3A_246 : memref<80x128xf32, #tpu.memory_space<vmem_shared>>) target_semaphore(%run_scoped3A_238 : memref<!tpu.dma_semaphore, #tpu.memory_space<semaphore_mem>>)
      %dma_wait3A_251 = arith.constant 0 : i32
      %dma_wait3A_252 = arith.constant 0 : i32
      %dma_wait3A_253 = tpu.memref_slice %arg7[%run_scoped3A_18, %dma_wait3A_251, %dma_wait3A_252] : memref<2x80x128xf32, #tpu.memory_space<vmem>> -> memref<1x80x128xf32, #tpu.memory_space<vmem>>
      %dma_wait3A_254 = tpu.memref_squeeze %dma_wait3A_253 : memref<1x80x128xf32, #tpu.memory_space<vmem>> -> memref<80x128xf32, #tpu.memory_space<vmem>>
      %dma_wait3A_255 = arith.constant 0 : i32
      %dma_wait3A_256 = tpu.memref_slice %arg11[%add3A_17, %dma_wait3A_255] : memref<10240x128xf32, #tpu.memory_space<vmem_shared>> -> memref<80x128xf32, #tpu.memory_space<vmem_shared>>
      %dma_wait3A_257 = arith.constant 0 : i32
      %dma_wait3A_258 = tpu.memref_slice %arg11[%add3A_17, %dma_wait3A_257] : memref<10240x128xf32, #tpu.memory_space<vmem_shared>> -> memref<80x128xf32, #tpu.memory_space<vmem_shared>>
      %dma_wait3A_259 = arith.constant 0 : i32
      %dma_wait3A_260 = arith.constant 0 : i32
      %dma_wait3A_261 = tpu.memref_slice %arg7[%run_scoped3A_18, %dma_wait3A_259, %dma_wait3A_260] : memref<2x80x128xf32, #tpu.memory_space<vmem>> -> memref<1x80x128xf32, #tpu.memory_space<vmem>>
      %dma_wait3A_262 = tpu.memref_squeeze %dma_wait3A_261 : memref<1x80x128xf32, #tpu.memory_space<vmem>> -> memref<80x128xf32, #tpu.memory_space<vmem>>
      tpu.wait_dma2 semaphore(%run_scoped3A_238 : memref<!tpu.dma_semaphore, #tpu.memory_space<semaphore_mem>>) src(%dma_wait3A_262 : memref<80x128xf32, #tpu.memory_space<vmem>>) dst(%dma_wait3A_258 : memref<80x128xf32, #tpu.memory_space<vmem_shared>>)
      tpu.yield
    }) : () -> ()
    %add3A_19 = arith.constant 400 : i32
    %add3A_20 = arith.addi %mul3A_5, %add3A_19 : i32
    %run_scoped3A_21 = arith.constant 0 : i32
    "tpu.region"() ({
      %run_scoped3A_238 = tpu.sem_alloc : memref<!tpu.dma_semaphore, #tpu.memory_space<semaphore_mem>>
      %dma_start3A_239 = arith.constant 0 : i32
      %dma_start3A_240 = arith.constant 0 : i32
      %dma_start3A_241 = tpu.memref_slice %arg7[%run_scoped3A_21, %dma_start3A_239, %dma_start3A_240] : memref<2x80x128xf32, #tpu.memory_space<vmem>> -> memref<1x80x128xf32, #tpu.memory_space<vmem>>
      %dma_start3A_242 = tpu.memref_squeeze %dma_start3A_241 : memref<1x80x128xf32, #tpu.memory_space<vmem>> -> memref<80x128xf32, #tpu.memory_space<vmem>>
      %dma_start3A_243 = arith.constant 0 : i32
      %dma_start3A_244 = tpu.memref_slice %arg11[%add3A_20, %dma_start3A_243] : memref<10240x128xf32, #tpu.memory_space<vmem_shared>> -> memref<80x128xf32, #tpu.memory_space<vmem_shared>>
      %dma_start3A_245 = arith.constant 0 : i32
      %dma_start3A_246 = tpu.memref_slice %arg11[%add3A_20, %dma_start3A_245] : memref<10240x128xf32, #tpu.memory_space<vmem_shared>> -> memref<80x128xf32, #tpu.memory_space<vmem_shared>>
      %dma_start3A_247 = arith.constant 0 : i32
      %dma_start3A_248 = arith.constant 0 : i32
      %dma_start3A_249 = tpu.memref_slice %arg7[%run_scoped3A_21, %dma_start3A_247, %dma_start3A_248] : memref<2x80x128xf32, #tpu.memory_space<vmem>> -> memref<1x80x128xf32, #tpu.memory_space<vmem>>
      %dma_start3A_250 = tpu.memref_squeeze %dma_start3A_249 : memref<1x80x128xf32, #tpu.memory_space<vmem>> -> memref<80x128xf32, #tpu.memory_space<vmem>>
      tpu.enqueue_dma source(%dma_start3A_250 : memref<80x128xf32, #tpu.memory_space<vmem>>) target(%dma_start3A_246 : memref<80x128xf32, #tpu.memory_space<vmem_shared>>) target_semaphore(%run_scoped3A_238 : memref<!tpu.dma_semaphore, #tpu.memory_space<semaphore_mem>>)
      %dma_wait3A_251 = arith.constant 0 : i32
      %dma_wait3A_252 = arith.constant 0 : i32
      %dma_wait3A_253 = tpu.memref_slice %arg7[%run_scoped3A_21, %dma_wait3A_251, %dma_wait3A_252] : memref<2x80x128xf32, #tpu.memory_space<vmem>> -> memref<1x80x128xf32, #tpu.memory_space<vmem>>
      %dma_wait3A_254 = tpu.memref_squeeze %dma_wait3A_253 : memref<1x80x128xf32, #tpu.memory_space<vmem>> -> memref<80x128xf32, #tpu.memory_space<vmem>>
      %dma_wait3A_255 = arith.constant 0 : i32
      %dma_wait3A_256 = tpu.memref_slice %arg11[%add3A_20, %dma_wait3A_255] : memref<10240x128xf32, #tpu.memory_space<vmem_shared>> -> memref<80x128xf32, #tpu.memory_space<vmem_shared>>
      %dma_wait3A_257 = arith.constant 0 : i32
      %dma_wait3A_258 = tpu.memref_slice %arg11[%add3A_20, %dma_wait3A_257] : memref<10240x128xf32, #tpu.memory_space<vmem_shared>> -> memref<80x128xf32, #tpu.memory_space<vmem_shared>>
      %dma_wait3A_259 = arith.constant 0 : i32
      %dma_wait3A_260 = arith.constant 0 : i32
      %dma_wait3A_261 = tpu.memref_slice %arg7[%run_scoped3A_21, %dma_wait3A_259, %dma_wait3A_260] : memref<2x80x128xf32, #tpu.memory_space<vmem>> -> memref<1x80x128xf32, #tpu.memory_space<vmem>>
      %dma_wait3A_262 = tpu.memref_squeeze %dma_wait3A_261 : memref<1x80x128xf32, #tpu.memory_space<vmem>> -> memref<80x128xf32, #tpu.memory_space<vmem>>
      tpu.wait_dma2 semaphore(%run_scoped3A_238 : memref<!tpu.dma_semaphore, #tpu.memory_space<semaphore_mem>>) src(%dma_wait3A_262 : memref<80x128xf32, #tpu.memory_space<vmem>>) dst(%dma_wait3A_258 : memref<80x128xf32, #tpu.memory_space<vmem_shared>>)
      tpu.yield
    }) : () -> ()
    %add3A_22 = arith.constant 480 : i32
    %add3A_23 = arith.addi %mul3A_5, %add3A_22 : i32
    %run_scoped3A_24 = arith.constant 0 : i32
    "tpu.region"() ({
      %run_scoped3A_238 = tpu.sem_alloc : memref<!tpu.dma_semaphore, #tpu.memory_space<semaphore_mem>>
      %dma_start3A_239 = arith.constant 0 : i32
      %dma_start3A_240 = arith.constant 0 : i32
      %dma_start3A_241 = tpu.memref_slice %arg7[%run_scoped3A_24, %dma_start3A_239, %dma_start3A_240] : memref<2x80x128xf32, #tpu.memory_space<vmem>> -> memref<1x80x128xf32, #tpu.memory_space<vmem>>
      %dma_start3A_242 = tpu.memref_squeeze %dma_start3A_241 : memref<1x80x128xf32, #tpu.memory_space<vmem>> -> memref<80x128xf32, #tpu.memory_space<vmem>>
      %dma_start3A_243 = arith.constant 0 : i32
      %dma_start3A_244 = tpu.memref_slice %arg11[%add3A_23, %dma_start3A_243] : memref<10240x128xf32, #tpu.memory_space<vmem_shared>> -> memref<80x128xf32, #tpu.memory_space<vmem_shared>>
      %dma_start3A_245 = arith.constant 0 : i32
      %dma_start3A_246 = tpu.memref_slice %arg11[%add3A_23, %dma_start3A_245] : memref<10240x128xf32, #tpu.memory_space<vmem_shared>> -> memref<80x128xf32, #tpu.memory_space<vmem_shared>>
      %dma_start3A_247 = arith.constant 0 : i32
      %dma_start3A_248 = arith.constant 0 : i32
      %dma_start3A_249 = tpu.memref_slice %arg7[%run_scoped3A_24, %dma_start3A_247, %dma_start3A_248] : memref<2x80x128xf32, #tpu.memory_space<vmem>> -> memref<1x80x128xf32, #tpu.memory_space<vmem>>
      %dma_start3A_250 = tpu.memref_squeeze %dma_start3A_249 : memref<1x80x128xf32, #tpu.memory_space<vmem>> -> memref<80x128xf32, #tpu.memory_space<vmem>>
      tpu.enqueue_dma source(%dma_start3A_250 : memref<80x128xf32, #tpu.memory_space<vmem>>) target(%dma_start3A_246 : memref<80x128xf32, #tpu.memory_space<vmem_shared>>) target_semaphore(%run_scoped3A_238 : memref<!tpu.dma_semaphore, #tpu.memory_space<semaphore_mem>>)
      %dma_wait3A_251 = arith.constant 0 : i32
      %dma_wait3A_252 = arith.constant 0 : i32
      %dma_wait3A_253 = tpu.memref_slice %arg7[%run_scoped3A_24, %dma_wait3A_251, %dma_wait3A_252] : memref<2x80x128xf32, #tpu.memory_space<vmem>> -> memref<1x80x128xf32, #tpu.memory_space<vmem>>
      %dma_wait3A_254 = tpu.memref_squeeze %dma_wait3A_253 : memref<1x80x128xf32, #tpu.memory_space<vmem>> -> memref<80x128xf32, #tpu.memory_space<vmem>>
      %dma_wait3A_255 = arith.constant 0 : i32
      %dma_wait3A_256 = tpu.memref_slice %arg11[%add3A_23, %dma_wait3A_255] : memref<10240x128xf32, #tpu.memory_space<vmem_shared>> -> memref<80x128xf32, #tpu.memory_space<vmem_shared>>
      %dma_wait3A_257 = arith.constant 0 : i32
      %dma_wait3A_258 = tpu.memref_slice %arg11[%add3A_23, %dma_wait3A_257] : memref<10240x128xf32, #tpu.memory_space<vmem_shared>> -> memref<80x128xf32, #tpu.memory_space<vmem_shared>>
      %dma_wait3A_259 = arith.constant 0 : i32
      %dma_wait3A_260 = arith.constant 0 : i32
      %dma_wait3A_261 = tpu.memref_slice %arg7[%run_scoped3A_24, %dma_wait3A_259, %dma_wait3A_260] : memref<2x80x128xf32, #tpu.memory_space<vmem>> -> memref<1x80x128xf32, #tpu.memory_space<vmem>>
      %dma_wait3A_262 = tpu.memref_squeeze %dma_wait3A_261 : memref<1x80x128xf32, #tpu.memory_space<vmem>> -> memref<80x128xf32, #tpu.memory_space<vmem>>
      tpu.wait_dma2 semaphore(%run_scoped3A_238 : memref<!tpu.dma_semaphore, #tpu.memory_space<semaphore_mem>>) src(%dma_wait3A_262 : memref<80x128xf32, #tpu.memory_space<vmem>>) dst(%dma_wait3A_258 : memref<80x128xf32, #tpu.memory_space<vmem_shared>>)
      tpu.yield
    }) : () -> ()
    %add3A_25 = arith.constant 560 : i32
    %add3A_26 = arith.addi %mul3A_5, %add3A_25 : i32
    %run_scoped3A_27 = arith.constant 0 : i32
    "tpu.region"() ({
      %run_scoped3A_238 = tpu.sem_alloc : memref<!tpu.dma_semaphore, #tpu.memory_space<semaphore_mem>>
      %dma_start3A_239 = arith.constant 0 : i32
      %dma_start3A_240 = arith.constant 0 : i32
      %dma_start3A_241 = tpu.memref_slice %arg7[%run_scoped3A_27, %dma_start3A_239, %dma_start3A_240] : memref<2x80x128xf32, #tpu.memory_space<vmem>> -> memref<1x80x128xf32, #tpu.memory_space<vmem>>
      %dma_start3A_242 = tpu.memref_squeeze %dma_start3A_241 : memref<1x80x128xf32, #tpu.memory_space<vmem>> -> memref<80x128xf32, #tpu.memory_space<vmem>>
      %dma_start3A_243 = arith.constant 0 : i32
      %dma_start3A_244 = tpu.memref_slice %arg11[%add3A_26, %dma_start3A_243] : memref<10240x128xf32, #tpu.memory_space<vmem_shared>> -> memref<80x128xf32, #tpu.memory_space<vmem_shared>>
      %dma_start3A_245 = arith.constant 0 : i32
      %dma_start3A_246 = tpu.memref_slice %arg11[%add3A_26, %dma_start3A_245] : memref<10240x128xf32, #tpu.memory_space<vmem_shared>> -> memref<80x128xf32, #tpu.memory_space<vmem_shared>>
      %dma_start3A_247 = arith.constant 0 : i32
      %dma_start3A_248 = arith.constant 0 : i32
      %dma_start3A_249 = tpu.memref_slice %arg7[%run_scoped3A_27, %dma_start3A_247, %dma_start3A_248] : memref<2x80x128xf32, #tpu.memory_space<vmem>> -> memref<1x80x128xf32, #tpu.memory_space<vmem>>
      %dma_start3A_250 = tpu.memref_squeeze %dma_start3A_249 : memref<1x80x128xf32, #tpu.memory_space<vmem>> -> memref<80x128xf32, #tpu.memory_space<vmem>>
      tpu.enqueue_dma source(%dma_start3A_250 : memref<80x128xf32, #tpu.memory_space<vmem>>) target(%dma_start3A_246 : memref<80x128xf32, #tpu.memory_space<vmem_shared>>) target_semaphore(%run_scoped3A_238 : memref<!tpu.dma_semaphore, #tpu.memory_space<semaphore_mem>>)
      %dma_wait3A_251 = arith.constant 0 : i32
      %dma_wait3A_252 = arith.constant 0 : i32
      %dma_wait3A_253 = tpu.memref_slice %arg7[%run_scoped3A_27, %dma_wait3A_251, %dma_wait3A_252] : memref<2x80x128xf32, #tpu.memory_space<vmem>> -> memref<1x80x128xf32, #tpu.memory_space<vmem>>
      %dma_wait3A_254 = tpu.memref_squeeze %dma_wait3A_253 : memref<1x80x128xf32, #tpu.memory_space<vmem>> -> memref<80x128xf32, #tpu.memory_space<vmem>>
      %dma_wait3A_255 = arith.constant 0 : i32
      %dma_wait3A_256 = tpu.memref_slice %arg11[%add3A_26, %dma_wait3A_255] : memref<10240x128xf32, #tpu.memory_space<vmem_shared>> -> memref<80x128xf32, #tpu.memory_space<vmem_shared>>
      %dma_wait3A_257 = arith.constant 0 : i32
      %dma_wait3A_258 = tpu.memref_slice %arg11[%add3A_26, %dma_wait3A_257] : memref<10240x128xf32, #tpu.memory_space<vmem_shared>> -> memref<80x128xf32, #tpu.memory_space<vmem_shared>>
      %dma_wait3A_259 = arith.constant 0 : i32
      %dma_wait3A_260 = arith.constant 0 : i32
      %dma_wait3A_261 = tpu.memref_slice %arg7[%run_scoped3A_27, %dma_wait3A_259, %dma_wait3A_260] : memref<2x80x128xf32, #tpu.memory_space<vmem>> -> memref<1x80x128xf32, #tpu.memory_space<vmem>>
      %dma_wait3A_262 = tpu.memref_squeeze %dma_wait3A_261 : memref<1x80x128xf32, #tpu.memory_space<vmem>> -> memref<80x128xf32, #tpu.memory_space<vmem>>
      tpu.wait_dma2 semaphore(%run_scoped3A_238 : memref<!tpu.dma_semaphore, #tpu.memory_space<semaphore_mem>>) src(%dma_wait3A_262 : memref<80x128xf32, #tpu.memory_space<vmem>>) dst(%dma_wait3A_258 : memref<80x128xf32, #tpu.memory_space<vmem_shared>>)
      tpu.yield
    }) : () -> ()
    %barrier3A = arith.constant 0 : index
    tpu.barrier barrier_id(%barrier3A)
    %mul3A_28 = arith.constant 16 : i32
    %mul3A_29 = arith.muli %arg0, %mul3A_28 : i32
    %add3A_30 = arith.addi %mul3A_29, %arg1 : i32
    %mul3A_31 = arith.constant 125 : i32
    %mul3A_32 = arith.muli %add3A_30, %mul3A_31 : i32
    %add3A_33 = arith.constant 0 : i32
    %add3A_34 = arith.addi %mul3A_32, %add3A_33 : i32
    %mul3A_35 = arith.constant 80 : i32
    %mul3A_36 = arith.muli %add3A_34, %mul3A_35 : i32
    %dma_start3A = arith.constant 0 : i32
    %dma_start3A_37 = arith.constant 0 : i32
    %dma_start3A_38 = arith.constant 0 : i32
    %dma_start3A_39 = tpu.memref_slice %arg9[%dma_start3A, %dma_start3A_38] : memref<4x80xi32, #tpu.memory_space<vmem>> -> memref<1x80xi32, #tpu.memory_space<vmem>>
    %dma_start3A_40 = tpu.memref_squeeze %dma_start3A_39 : memref<1x80xi32, #tpu.memory_space<vmem>> -> memref<80xi32, #tpu.memory_space<vmem>>
    %dma_start3A_41 = tpu.memref_slice %arg4[%mul3A_36] : memref<320000xi32, #tpu.memory_space<hbm>> -> memref<80xi32, #tpu.memory_space<hbm>>
    %dma_start3A_42 = tpu.memref_slice %arg14[%dma_start3A_37] : memref<4x!tpu.dma_semaphore, #tpu.memory_space<semaphore_mem>> -> memref<1x!tpu.dma_semaphore, #tpu.memory_space<semaphore_mem>>
    %dma_start3A_43 = tpu.memref_squeeze %dma_start3A_42 : memref<1x!tpu.dma_semaphore, #tpu.memory_space<semaphore_mem>> -> memref<!tpu.dma_semaphore, #tpu.memory_space<semaphore_mem>>
    %dma_start3A_44 = arith.constant 0 : i32
    %dma_start3A_45 = tpu.memref_slice %arg9[%dma_start3A, %dma_start3A_44] : memref<4x80xi32, #tpu.memory_space<vmem>> -> memref<1x80xi32, #tpu.memory_space<vmem>>
    %dma_start3A_46 = tpu.memref_squeeze %dma_start3A_45 : memref<1x80xi32, #tpu.memory_space<vmem>> -> memref<80xi32, #tpu.memory_space<vmem>>
    %dma_start3A_47 = tpu.memref_slice %arg4[%mul3A_36] : memref<320000xi32, #tpu.memory_space<hbm>> -> memref<80xi32, #tpu.memory_space<hbm>>
    tpu.enqueue_dma source(%dma_start3A_47 : memref<80xi32, #tpu.memory_space<hbm>>) target(%dma_start3A_46 : memref<80xi32, #tpu.memory_space<vmem>>) target_semaphore(%dma_start3A_43 : memref<!tpu.dma_semaphore, #tpu.memory_space<semaphore_mem>>)
    %dma_start3A_48 = arith.constant 0 : i32
    %dma_start3A_49 = arith.constant 0 : i32
    %dma_start3A_50 = arith.constant 0 : i32
    %dma_start3A_51 = tpu.memref_slice %arg10[%dma_start3A_48, %dma_start3A_50] : memref<4x80xi32, #tpu.memory_space<vmem>> -> memref<1x80xi32, #tpu.memory_space<vmem>>
    %dma_start3A_52 = tpu.memref_squeeze %dma_start3A_51 : memref<1x80xi32, #tpu.memory_space<vmem>> -> memref<80xi32, #tpu.memory_space<vmem>>
    %dma_start3A_53 = tpu.memref_slice %arg5[%mul3A_36] : memref<320000xi32, #tpu.memory_space<hbm>> -> memref<80xi32, #tpu.memory_space<hbm>>
    %dma_start3A_54 = tpu.memref_slice %arg14[%dma_start3A_49] : memref<4x!tpu.dma_semaphore, #tpu.memory_space<semaphore_mem>> -> memref<1x!tpu.dma_semaphore, #tpu.memory_space<semaphore_mem>>
    %dma_start3A_55 = tpu.memref_squeeze %dma_start3A_54 : memref<1x!tpu.dma_semaphore, #tpu.memory_space<semaphore_mem>> -> memref<!tpu.dma_semaphore, #tpu.memory_space<semaphore_mem>>
    %dma_start3A_56 = arith.constant 0 : i32
    %dma_start3A_57 = tpu.memref_slice %arg10[%dma_start3A_48, %dma_start3A_56] : memref<4x80xi32, #tpu.memory_space<vmem>> -> memref<1x80xi32, #tpu.memory_space<vmem>>
    %dma_start3A_58 = tpu.memref_squeeze %dma_start3A_57 : memref<1x80xi32, #tpu.memory_space<vmem>> -> memref<80xi32, #tpu.memory_space<vmem>>
    %dma_start3A_59 = tpu.memref_slice %arg5[%mul3A_36] : memref<320000xi32, #tpu.memory_space<hbm>> -> memref<80xi32, #tpu.memory_space<hbm>>
    tpu.enqueue_dma source(%dma_start3A_59 : memref<80xi32, #tpu.memory_space<hbm>>) target(%dma_start3A_58 : memref<80xi32, #tpu.memory_space<vmem>>) target_semaphore(%dma_start3A_55 : memref<!tpu.dma_semaphore, #tpu.memory_space<semaphore_mem>>)
    %add3A_60 = arith.constant 1 : i32
    %add3A_61 = arith.addi %mul3A_32, %add3A_60 : i32
    %mul3A_62 = arith.constant 80 : i32
    %mul3A_63 = arith.muli %add3A_61, %mul3A_62 : i32
    %dma_start3A_64 = arith.constant 1 : i32
    %dma_start3A_65 = arith.constant 1 : i32
    %dma_start3A_66 = arith.constant 0 : i32
    %dma_start3A_67 = tpu.memref_slice %arg9[%dma_start3A_64, %dma_start3A_66] : memref<4x80xi32, #tpu.memory_space<vmem>> -> memref<1x80xi32, #tpu.memory_space<vmem>>
    %dma_start3A_68 = tpu.memref_squeeze %dma_start3A_67 : memref<1x80xi32, #tpu.memory_space<vmem>> -> memref<80xi32, #tpu.memory_space<vmem>>
    %dma_start3A_69 = tpu.memref_slice %arg4[%mul3A_63] : memref<320000xi32, #tpu.memory_space<hbm>> -> memref<80xi32, #tpu.memory_space<hbm>>
    %dma_start3A_70 = tpu.memref_slice %arg14[%dma_start3A_65] : memref<4x!tpu.dma_semaphore, #tpu.memory_space<semaphore_mem>> -> memref<1x!tpu.dma_semaphore, #tpu.memory_space<semaphore_mem>>
    %dma_start3A_71 = tpu.memref_squeeze %dma_start3A_70 : memref<1x!tpu.dma_semaphore, #tpu.memory_space<semaphore_mem>> -> memref<!tpu.dma_semaphore, #tpu.memory_space<semaphore_mem>>
    %dma_start3A_72 = arith.constant 0 : i32
    %dma_start3A_73 = tpu.memref_slice %arg9[%dma_start3A_64, %dma_start3A_72] : memref<4x80xi32, #tpu.memory_space<vmem>> -> memref<1x80xi32, #tpu.memory_space<vmem>>
    %dma_start3A_74 = tpu.memref_squeeze %dma_start3A_73 : memref<1x80xi32, #tpu.memory_space<vmem>> -> memref<80xi32, #tpu.memory_space<vmem>>
    %dma_start3A_75 = tpu.memref_slice %arg4[%mul3A_63] : memref<320000xi32, #tpu.memory_space<hbm>> -> memref<80xi32, #tpu.memory_space<hbm>>
    tpu.enqueue_dma source(%dma_start3A_75 : memref<80xi32, #tpu.memory_space<hbm>>) target(%dma_start3A_74 : memref<80xi32, #tpu.memory_space<vmem>>) target_semaphore(%dma_start3A_71 : memref<!tpu.dma_semaphore, #tpu.memory_space<semaphore_mem>>)
    %dma_start3A_76 = arith.constant 1 : i32
    %dma_start3A_77 = arith.constant 1 : i32
    %dma_start3A_78 = arith.constant 0 : i32
    %dma_start3A_79 = tpu.memref_slice %arg10[%dma_start3A_76, %dma_start3A_78] : memref<4x80xi32, #tpu.memory_space<vmem>> -> memref<1x80xi32, #tpu.memory_space<vmem>>
    %dma_start3A_80 = tpu.memref_squeeze %dma_start3A_79 : memref<1x80xi32, #tpu.memory_space<vmem>> -> memref<80xi32, #tpu.memory_space<vmem>>
    %dma_start3A_81 = tpu.memref_slice %arg5[%mul3A_63] : memref<320000xi32, #tpu.memory_space<hbm>> -> memref<80xi32, #tpu.memory_space<hbm>>
    %dma_start3A_82 = tpu.memref_slice %arg14[%dma_start3A_77] : memref<4x!tpu.dma_semaphore, #tpu.memory_space<semaphore_mem>> -> memref<1x!tpu.dma_semaphore, #tpu.memory_space<semaphore_mem>>
    %dma_start3A_83 = tpu.memref_squeeze %dma_start3A_82 : memref<1x!tpu.dma_semaphore, #tpu.memory_space<semaphore_mem>> -> memref<!tpu.dma_semaphore, #tpu.memory_space<semaphore_mem>>
    %dma_start3A_84 = arith.constant 0 : i32
    %dma_start3A_85 = tpu.memref_slice %arg10[%dma_start3A_76, %dma_start3A_84] : memref<4x80xi32, #tpu.memory_space<vmem>> -> memref<1x80xi32, #tpu.memory_space<vmem>>
    %dma_start3A_86 = tpu.memref_squeeze %dma_start3A_85 : memref<1x80xi32, #tpu.memory_space<vmem>> -> memref<80xi32, #tpu.memory_space<vmem>>
    %dma_start3A_87 = tpu.memref_slice %arg5[%mul3A_63] : memref<320000xi32, #tpu.memory_space<hbm>> -> memref<80xi32, #tpu.memory_space<hbm>>
    tpu.enqueue_dma source(%dma_start3A_87 : memref<80xi32, #tpu.memory_space<hbm>>) target(%dma_start3A_86 : memref<80xi32, #tpu.memory_space<vmem>>) target_semaphore(%dma_start3A_83 : memref<!tpu.dma_semaphore, #tpu.memory_space<semaphore_mem>>)
    %dma_wait3A = arith.constant 0 : i32
    %dma_wait3A_88 = arith.constant 0 : i32
    %dma_wait3A_89 = arith.constant 0 : i32
    %dma_wait3A_90 = tpu.memref_slice %arg9[%dma_wait3A, %dma_wait3A_89] : memref<4x80xi32, #tpu.memory_space<vmem>> -> memref<1x80xi32, #tpu.memory_space<vmem>>
    %dma_wait3A_91 = tpu.memref_squeeze %dma_wait3A_90 : memref<1x80xi32, #tpu.memory_space<vmem>> -> memref<80xi32, #tpu.memory_space<vmem>>
    %dma_wait3A_92 = arith.constant 0 : i32
    %dma_wait3A_93 = tpu.memref_slice %arg4[%dma_wait3A_92] : memref<320000xi32, #tpu.memory_space<hbm>> -> memref<80xi32, #tpu.memory_space<hbm>>
    %dma_wait3A_94 = tpu.memref_slice %arg14[%dma_wait3A_88] : memref<4x!tpu.dma_semaphore, #tpu.memory_space<semaphore_mem>> -> memref<1x!tpu.dma_semaphore, #tpu.memory_space<semaphore_mem>>
    %dma_wait3A_95 = tpu.memref_squeeze %dma_wait3A_94 : memref<1x!tpu.dma_semaphore, #tpu.memory_space<semaphore_mem>> -> memref<!tpu.dma_semaphore, #tpu.memory_space<semaphore_mem>>
    %dma_wait3A_96 = arith.constant 0 : i32
    %dma_wait3A_97 = tpu.memref_slice %arg9[%dma_wait3A, %dma_wait3A_96] : memref<4x80xi32, #tpu.memory_space<vmem>> -> memref<1x80xi32, #tpu.memory_space<vmem>>
    %dma_wait3A_98 = tpu.memref_squeeze %dma_wait3A_97 : memref<1x80xi32, #tpu.memory_space<vmem>> -> memref<80xi32, #tpu.memory_space<vmem>>
    %dma_wait3A_99 = arith.constant 0 : i32
    %dma_wait3A_100 = tpu.memref_slice %arg4[%dma_wait3A_99] : memref<320000xi32, #tpu.memory_space<hbm>> -> memref<80xi32, #tpu.memory_space<hbm>>
    tpu.wait_dma2 semaphore(%dma_wait3A_95 : memref<!tpu.dma_semaphore, #tpu.memory_space<semaphore_mem>>) src(%dma_wait3A_100 : memref<80xi32, #tpu.memory_space<hbm>>) dst(%dma_wait3A_98 : memref<80xi32, #tpu.memory_space<vmem>>)
    %dma_wait3A_101 = arith.constant 0 : i32
    %dma_wait3A_102 = arith.constant 0 : i32
    %dma_wait3A_103 = arith.constant 0 : i32
    %dma_wait3A_104 = tpu.memref_slice %arg10[%dma_wait3A_101, %dma_wait3A_103] : memref<4x80xi32, #tpu.memory_space<vmem>> -> memref<1x80xi32, #tpu.memory_space<vmem>>
    %dma_wait3A_105 = tpu.memref_squeeze %dma_wait3A_104 : memref<1x80xi32, #tpu.memory_space<vmem>> -> memref<80xi32, #tpu.memory_space<vmem>>
    %dma_wait3A_106 = arith.constant 0 : i32
    %dma_wait3A_107 = tpu.memref_slice %arg5[%dma_wait3A_106] : memref<320000xi32, #tpu.memory_space<hbm>> -> memref<80xi32, #tpu.memory_space<hbm>>
    %dma_wait3A_108 = tpu.memref_slice %arg14[%dma_wait3A_102] : memref<4x!tpu.dma_semaphore, #tpu.memory_space<semaphore_mem>> -> memref<1x!tpu.dma_semaphore, #tpu.memory_space<semaphore_mem>>
    %dma_wait3A_109 = tpu.memref_squeeze %dma_wait3A_108 : memref<1x!tpu.dma_semaphore, #tpu.memory_space<semaphore_mem>> -> memref<!tpu.dma_semaphore, #tpu.memory_space<semaphore_mem>>
    %dma_wait3A_110 = arith.constant 0 : i32
    %dma_wait3A_111 = tpu.memref_slice %arg10[%dma_wait3A_101, %dma_wait3A_110] : memref<4x80xi32, #tpu.memory_space<vmem>> -> memref<1x80xi32, #tpu.memory_space<vmem>>
    %dma_wait3A_112 = tpu.memref_squeeze %dma_wait3A_111 : memref<1x80xi32, #tpu.memory_space<vmem>> -> memref<80xi32, #tpu.memory_space<vmem>>
    %dma_wait3A_113 = arith.constant 0 : i32
    %dma_wait3A_114 = tpu.memref_slice %arg5[%dma_wait3A_113] : memref<320000xi32, #tpu.memory_space<hbm>> -> memref<80xi32, #tpu.memory_space<hbm>>
    tpu.wait_dma2 semaphore(%dma_wait3A_109 : memref<!tpu.dma_semaphore, #tpu.memory_space<semaphore_mem>>) src(%dma_wait3A_114 : memref<80xi32, #tpu.memory_space<hbm>>) dst(%dma_wait3A_112 : memref<80xi32, #tpu.memory_space<vmem>>)
    %add3A_115 = arith.constant 0 : i32
    %add3A_116 = arith.addi %mul3A_32, %add3A_115 : i32
    %dma_start3A_117 = arith.constant 0 : i32
    %dma_start3A_118 = arith.constant 0 : i32
    %dma_start3A_119 = arith.constant 0 : i32
    %dma_start3A_120 = arith.constant 0 : i32
    %dma_start3A_121 = arith.constant 0 : i32
    %dma_start3A_122 = tpu.memref_slice %arg7[%dma_start3A_118, %dma_start3A_120, %dma_start3A_121] : memref<2x80x128xf32, #tpu.memory_space<vmem>> -> memref<1x80x128xf32, #tpu.memory_space<vmem>>
    %dma_start3A_123 = tpu.memref_squeeze %dma_start3A_122 : memref<1x80x128xf32, #tpu.memory_space<vmem>> -> memref<80x128xf32, #tpu.memory_space<vmem>>
    %dma_start3A_124 = arith.constant 0 : i32
    %dma_start3A_125 = tpu.memref_slice %arg9[%dma_start3A_117, %dma_start3A_124] : memref<4x80xi32, #tpu.memory_space<vmem>> -> memref<1x80xi32, #tpu.memory_space<vmem>>
    %dma_start3A_126 = tpu.memref_squeeze %dma_start3A_125 : memref<1x80xi32, #tpu.memory_space<vmem>> -> memref<80xi32, #tpu.memory_space<vmem>>
    %dma_start3A_127 = arith.constant 0 : i32
    %dma_start3A_128 = arith.constant 0 : i32
    %dma_start3A_129 = tpu.memref_slice %arg2[%dma_start3A_127, %dma_start3A_128] : memref<10000x128xf32, #tpu.memory_space<hbm>> -> memref<10000x128xf32, #tpu.memory_space<hbm>>
    %dma_start3A_130 = tpu.memref_slice %arg12[%dma_start3A_119] : memref<2x!tpu.dma_semaphore, #tpu.memory_space<semaphore_mem>> -> memref<1x!tpu.dma_semaphore, #tpu.memory_space<semaphore_mem>>
    %dma_start3A_131 = tpu.memref_squeeze %dma_start3A_130 : memref<1x!tpu.dma_semaphore, #tpu.memory_space<semaphore_mem>> -> memref<!tpu.dma_semaphore, #tpu.memory_space<semaphore_mem>>
    tpu.enqueue_indirect_dma source(%dma_start3A_129 : memref<10000x128xf32, #tpu.memory_space<hbm>>) target(%dma_start3A_123 : memref<80x128xf32, #tpu.memory_space<vmem>>) offsets(%dma_start3A_126 : memref<80xi32, #tpu.memory_space<vmem>>) semaphore(%dma_start3A_131 : memref<!tpu.dma_semaphore, #tpu.memory_space<semaphore_mem>>)
    %mul3A_132 = arith.constant 80 : i32
    %mul3A_133 = arith.muli %add3A_116, %mul3A_132 : i32
    %dma_start3A_134 = arith.constant 0 : i32
    %dma_start3A_135 = arith.constant 0 : i32
    %dma_start3A_136 = arith.constant 0 : i32
    %dma_start3A_137 = arith.constant 0 : i32
    %dma_start3A_138 = tpu.memref_slice %arg8[%dma_start3A_134, %dma_start3A_136, %dma_start3A_137] : memref<2x80x128xf32, #tpu.memory_space<vmem>> -> memref<1x80x128xf32, #tpu.memory_space<vmem>>
    %dma_start3A_139 = tpu.memref_squeeze %dma_start3A_138 : memref<1x80x128xf32, #tpu.memory_space<vmem>> -> memref<80x128xf32, #tpu.memory_space<vmem>>
    %dma_start3A_140 = arith.constant 0 : i32
    %dma_start3A_141 = tpu.memref_slice %arg3[%mul3A_133, %dma_start3A_140] : memref<320000x128xf32, #tpu.memory_space<hbm>> -> memref<80x128xf32, #tpu.memory_space<hbm>>
    %dma_start3A_142 = tpu.memref_slice %arg13[%dma_start3A_135] : memref<2x!tpu.dma_semaphore, #tpu.memory_space<semaphore_mem>> -> memref<1x!tpu.dma_semaphore, #tpu.memory_space<semaphore_mem>>
    %dma_start3A_143 = tpu.memref_squeeze %dma_start3A_142 : memref<1x!tpu.dma_semaphore, #tpu.memory_space<semaphore_mem>> -> memref<!tpu.dma_semaphore, #tpu.memory_space<semaphore_mem>>
    %dma_start3A_144 = arith.constant 0 : i32
    %dma_start3A_145 = arith.constant 0 : i32
    %dma_start3A_146 = tpu.memref_slice %arg8[%dma_start3A_134, %dma_start3A_144, %dma_start3A_145] : memref<2x80x128xf32, #tpu.memory_space<vmem>> -> memref<1x80x128xf32, #tpu.memory_space<vmem>>
    %dma_start3A_147 = tpu.memref_squeeze %dma_start3A_146 : memref<1x80x128xf32, #tpu.memory_space<vmem>> -> memref<80x128xf32, #tpu.memory_space<vmem>>
    %dma_start3A_148 = arith.constant 0 : i32
    %dma_start3A_149 = tpu.memref_slice %arg3[%mul3A_133, %dma_start3A_148] : memref<320000x128xf32, #tpu.memory_space<hbm>> -> memref<80x128xf32, #tpu.memory_space<hbm>>
    tpu.enqueue_dma source(%dma_start3A_149 : memref<80x128xf32, #tpu.memory_space<hbm>>) target(%dma_start3A_147 : memref<80x128xf32, #tpu.memory_space<vmem>>) target_semaphore(%dma_start3A_143 : memref<!tpu.dma_semaphore, #tpu.memory_space<semaphore_mem>>)
    %scan3A_150 = arith.constant 0 : i32
    %scan3A_151 = arith.constant 0 : i32
    %scan3A_152 = arith.constant 31 : i32
    %scan3A_153 = arith.addi %scan3A_151, %scan3A_152 : i32
    %scan3A_154 = arith.constant 1 : i32
    scf.for %scan3A_238 = %scan3A_151 to %scan3A_153 step %scan3A_154  : i32 {
      %mul3A_239 = arith.constant 4 : i32
      %mul3A_240 = arith.muli %scan3A_238, %mul3A_239 : i32
      %add3A_241 = arith.constant 0 : i32
      %add3A_242 = arith.addi %mul3A_240, %add3A_241 : i32
      %add3A_243 = arith.constant 1 : i32
      %add3A_244 = arith.addi %add3A_242, %add3A_243 : i32
      %lt3A = arith.constant 125 : i32
      %lt3A_245 = arith.cmpi slt, %add3A_244, %lt3A : i32
      %convert_element_type3A = arith.extui %lt3A_245 : i1 to i32
      %cond3A = arith.constant 0 : i32
      %cond3A_246 = arith.cmpi ne, %convert_element_type3A, %cond3A : i32
      scf.if %cond3A_246 {
        %dma_wait3A_472 = arith.constant 1 : i32
        %dma_wait3A_473 = arith.constant 1 : i32
        %dma_wait3A_474 = arith.constant 0 : i32
        %dma_wait3A_475 = tpu.memref_slice %arg9[%dma_wait3A_472, %dma_wait3A_474] : memref<4x80xi32, #tpu.memory_space<vmem>> -> memref<1x80xi32, #tpu.memory_space<vmem>>
        %dma_wait3A_476 = tpu.memref_squeeze %dma_wait3A_475 : memref<1x80xi32, #tpu.memory_space<vmem>> -> memref<80xi32, #tpu.memory_space<vmem>>
        %dma_wait3A_477 = arith.constant 0 : i32
        %dma_wait3A_478 = tpu.memref_slice %arg4[%dma_wait3A_477] : memref<320000xi32, #tpu.memory_space<hbm>> -> memref<80xi32, #tpu.memory_space<hbm>>
        %dma_wait3A_479 = tpu.memref_slice %arg14[%dma_wait3A_473] : memref<4x!tpu.dma_semaphore, #tpu.memory_space<semaphore_mem>> -> memref<1x!tpu.dma_semaphore, #tpu.memory_space<semaphore_mem>>
        %dma_wait3A_480 = tpu.memref_squeeze %dma_wait3A_479 : memref<1x!tpu.dma_semaphore, #tpu.memory_space<semaphore_mem>> -> memref<!tpu.dma_semaphore, #tpu.memory_space<semaphore_mem>>
        %dma_wait3A_481 = arith.constant 0 : i32
        %dma_wait3A_482 = tpu.memref_slice %arg9[%dma_wait3A_472, %dma_wait3A_481] : memref<4x80xi32, #tpu.memory_space<vmem>> -> memref<1x80xi32, #tpu.memory_space<vmem>>
        %dma_wait3A_483 = tpu.memref_squeeze %dma_wait3A_482 : memref<1x80xi32, #tpu.memory_space<vmem>> -> memref<80xi32, #tpu.memory_space<vmem>>
        %dma_wait3A_484 = arith.constant 0 : i32
        %dma_wait3A_485 = tpu.memref_slice %arg4[%dma_wait3A_484] : memref<320000xi32, #tpu.memory_space<hbm>> -> memref<80xi32, #tpu.memory_space<hbm>>
        tpu.wait_dma2 semaphore(%dma_wait3A_480 : memref<!tpu.dma_semaphore, #tpu.memory_space<semaphore_mem>>) src(%dma_wait3A_485 : memref<80xi32, #tpu.memory_space<hbm>>) dst(%dma_wait3A_483 : memref<80xi32, #tpu.memory_space<vmem>>)
        %dma_wait3A_486 = arith.constant 1 : i32
        %dma_wait3A_487 = arith.constant 1 : i32
        %dma_wait3A_488 = arith.constant 0 : i32
        %dma_wait3A_489 = tpu.memref_slice %arg10[%dma_wait3A_486, %dma_wait3A_488] : memref<4x80xi32, #tpu.memory_space<vmem>> -> memref<1x80xi32, #tpu.memory_space<vmem>>
        %dma_wait3A_490 = tpu.memref_squeeze %dma_wait3A_489 : memref<1x80xi32, #tpu.memory_space<vmem>> -> memref<80xi32, #tpu.memory_space<vmem>>
        %dma_wait3A_491 = arith.constant 0 : i32
        %dma_wait3A_492 = tpu.memref_slice %arg5[%dma_wait3A_491] : memref<320000xi32, #tpu.memory_space<hbm>> -> memref<80xi32, #tpu.memory_space<hbm>>
        %dma_wait3A_493 = tpu.memref_slice %arg14[%dma_wait3A_487] : memref<4x!tpu.dma_semaphore, #tpu.memory_space<semaphore_mem>> -> memref<1x!tpu.dma_semaphore, #tpu.memory_space<semaphore_mem>>
        %dma_wait3A_494 = tpu.memref_squeeze %dma_wait3A_493 : memref<1x!tpu.dma_semaphore, #tpu.memory_space<semaphore_mem>> -> memref<!tpu.dma_semaphore, #tpu.memory_space<semaphore_mem>>
        %dma_wait3A_495 = arith.constant 0 : i32
        %dma_wait3A_496 = tpu.memref_slice %arg10[%dma_wait3A_486, %dma_wait3A_495] : memref<4x80xi32, #tpu.memory_space<vmem>> -> memref<1x80xi32, #tpu.memory_space<vmem>>
        %dma_wait3A_497 = tpu.memref_squeeze %dma_wait3A_496 : memref<1x80xi32, #tpu.memory_space<vmem>> -> memref<80xi32, #tpu.memory_space<vmem>>
        %dma_wait3A_498 = arith.constant 0 : i32
        %dma_wait3A_499 = tpu.memref_slice %arg5[%dma_wait3A_498] : memref<320000xi32, #tpu.memory_space<hbm>> -> memref<80xi32, #tpu.memory_space<hbm>>
        tpu.wait_dma2 semaphore(%dma_wait3A_494 : memref<!tpu.dma_semaphore, #tpu.memory_space<semaphore_mem>>) src(%dma_wait3A_499 : memref<80xi32, #tpu.memory_space<hbm>>) dst(%dma_wait3A_497 : memref<80xi32, #tpu.memory_space<vmem>>)
        %add3A_500 = arith.addi %mul3A_32, %add3A_242 : i32
        %add3A_501 = arith.constant 1 : i32
        %add3A_502 = arith.addi %add3A_500, %add3A_501 : i32
        %dma_start3A_503 = arith.constant 1 : i32
        %dma_start3A_504 = arith.constant 1 : i32
        %dma_start3A_505 = arith.constant 1 : i32
        %dma_start3A_506 = arith.constant 0 : i32
        %dma_start3A_507 = arith.constant 0 : i32
        %dma_start3A_508 = tpu.memref_slice %arg7[%dma_start3A_504, %dma_start3A_506, %dma_start3A_507] : memref<2x80x128xf32, #tpu.memory_space<vmem>> -> memref<1x80x128xf32, #tpu.memory_space<vmem>>
        %dma_start3A_509 = tpu.memref_squeeze %dma_start3A_508 : memref<1x80x128xf32, #tpu.memory_space<vmem>> -> memref<80x128xf32, #tpu.memory_space<vmem>>
        %dma_start3A_510 = arith.constant 0 : i32
        %dma_start3A_511 = tpu.memref_slice %arg9[%dma_start3A_503, %dma_start3A_510] : memref<4x80xi32, #tpu.memory_space<vmem>> -> memref<1x80xi32, #tpu.memory_space<vmem>>
        %dma_start3A_512 = tpu.memref_squeeze %dma_start3A_511 : memref<1x80xi32, #tpu.memory_space<vmem>> -> memref<80xi32, #tpu.memory_space<vmem>>
        %dma_start3A_513 = arith.constant 0 : i32
        %dma_start3A_514 = arith.constant 0 : i32
        %dma_start3A_515 = tpu.memref_slice %arg2[%dma_start3A_513, %dma_start3A_514] : memref<10000x128xf32, #tpu.memory_space<hbm>> -> memref<10000x128xf32, #tpu.memory_space<hbm>>
        %dma_start3A_516 = tpu.memref_slice %arg12[%dma_start3A_505] : memref<2x!tpu.dma_semaphore, #tpu.memory_space<semaphore_mem>> -> memref<1x!tpu.dma_semaphore, #tpu.memory_space<semaphore_mem>>
        %dma_start3A_517 = tpu.memref_squeeze %dma_start3A_516 : memref<1x!tpu.dma_semaphore, #tpu.memory_space<semaphore_mem>> -> memref<!tpu.dma_semaphore, #tpu.memory_space<semaphore_mem>>
        tpu.enqueue_indirect_dma source(%dma_start3A_515 : memref<10000x128xf32, #tpu.memory_space<hbm>>) target(%dma_start3A_509 : memref<80x128xf32, #tpu.memory_space<vmem>>) offsets(%dma_start3A_512 : memref<80xi32, #tpu.memory_space<vmem>>) semaphore(%dma_start3A_517 : memref<!tpu.dma_semaphore, #tpu.memory_space<semaphore_mem>>)
        %mul3A_518 = arith.constant 80 : i32
        %mul3A_519 = arith.muli %add3A_502, %mul3A_518 : i32
        %dma_start3A_520 = arith.constant 1 : i32
        %dma_start3A_521 = arith.constant 1 : i32
        %dma_start3A_522 = arith.constant 0 : i32
        %dma_start3A_523 = arith.constant 0 : i32
        %dma_start3A_524 = tpu.memref_slice %arg8[%dma_start3A_520, %dma_start3A_522, %dma_start3A_523] : memref<2x80x128xf32, #tpu.memory_space<vmem>> -> memref<1x80x128xf32, #tpu.memory_space<vmem>>
        %dma_start3A_525 = tpu.memref_squeeze %dma_start3A_524 : memref<1x80x128xf32, #tpu.memory_space<vmem>> -> memref<80x128xf32, #tpu.memory_space<vmem>>
        %dma_start3A_526 = arith.constant 0 : i32
        %dma_start3A_527 = tpu.memref_slice %arg3[%mul3A_519, %dma_start3A_526] : memref<320000x128xf32, #tpu.memory_space<hbm>> -> memref<80x128xf32, #tpu.memory_space<hbm>>
        %dma_start3A_528 = tpu.memref_slice %arg13[%dma_start3A_521] : memref<2x!tpu.dma_semaphore, #tpu.memory_space<semaphore_mem>> -> memref<1x!tpu.dma_semaphore, #tpu.memory_space<semaphore_mem>>
        %dma_start3A_529 = tpu.memref_squeeze %dma_start3A_528 : memref<1x!tpu.dma_semaphore, #tpu.memory_space<semaphore_mem>> -> memref<!tpu.dma_semaphore, #tpu.memory_space<semaphore_mem>>
        %dma_start3A_530 = arith.constant 0 : i32
        %dma_start3A_531 = arith.constant 0 : i32
        %dma_start3A_532 = tpu.memref_slice %arg8[%dma_start3A_520, %dma_start3A_530, %dma_start3A_531] : memref<2x80x128xf32, #tpu.memory_space<vmem>> -> memref<1x80x128xf32, #tpu.memory_space<vmem>>
        %dma_start3A_533 = tpu.memref_squeeze %dma_start3A_532 : memref<1x80x128xf32, #tpu.memory_space<vmem>> -> memref<80x128xf32, #tpu.memory_space<vmem>>
        %dma_start3A_534 = arith.constant 0 : i32
        %dma_start3A_535 = tpu.memref_slice %arg3[%mul3A_519, %dma_start3A_534] : memref<320000x128xf32, #tpu.memory_space<hbm>> -> memref<80x128xf32, #tpu.memory_space<hbm>>
        tpu.enqueue_dma source(%dma_start3A_535 : memref<80x128xf32, #tpu.memory_space<hbm>>) target(%dma_start3A_533 : memref<80x128xf32, #tpu.memory_space<vmem>>) target_semaphore(%dma_start3A_529 : memref<!tpu.dma_semaphore, #tpu.memory_space<semaphore_mem>>)
      } else {
      }
      %add3A_247 = arith.constant 2 : i32
      %add3A_248 = arith.addi %add3A_242, %add3A_247 : i32
      %lt3A_249 = arith.constant 125 : i32
      %lt3A_250 = arith.cmpi slt, %add3A_248, %lt3A_249 : i32
      %convert_element_type3A_251 = arith.extui %lt3A_250 : i1 to i32
      %cond3A_252 = arith.constant 0 : i32
      %cond3A_253 = arith.cmpi ne, %convert_element_type3A_251, %cond3A_252 : i32
      scf.if %cond3A_253 {
        %add3A_472 = arith.addi %mul3A_32, %add3A_242 : i32
        %add3A_473 = arith.constant 2 : i32
        %add3A_474 = arith.addi %add3A_472, %add3A_473 : i32
        %mul3A_475 = arith.constant 80 : i32
        %mul3A_476 = arith.muli %add3A_474, %mul3A_475 : i32
        %dma_start3A_477 = arith.constant 2 : i32
        %dma_start3A_478 = arith.constant 2 : i32
        %dma_start3A_479 = arith.constant 0 : i32
        %dma_start3A_480 = tpu.memref_slice %arg9[%dma_start3A_477, %dma_start3A_479] : memref<4x80xi32, #tpu.memory_space<vmem>> -> memref<1x80xi32, #tpu.memory_space<vmem>>
        %dma_start3A_481 = tpu.memref_squeeze %dma_start3A_480 : memref<1x80xi32, #tpu.memory_space<vmem>> -> memref<80xi32, #tpu.memory_space<vmem>>
        %dma_start3A_482 = tpu.memref_slice %arg4[%mul3A_476] : memref<320000xi32, #tpu.memory_space<hbm>> -> memref<80xi32, #tpu.memory_space<hbm>>
        %dma_start3A_483 = tpu.memref_slice %arg14[%dma_start3A_478] : memref<4x!tpu.dma_semaphore, #tpu.memory_space<semaphore_mem>> -> memref<1x!tpu.dma_semaphore, #tpu.memory_space<semaphore_mem>>
        %dma_start3A_484 = tpu.memref_squeeze %dma_start3A_483 : memref<1x!tpu.dma_semaphore, #tpu.memory_space<semaphore_mem>> -> memref<!tpu.dma_semaphore, #tpu.memory_space<semaphore_mem>>
        %dma_start3A_485 = arith.constant 0 : i32
        %dma_start3A_486 = tpu.memref_slice %arg9[%dma_start3A_477, %dma_start3A_485] : memref<4x80xi32, #tpu.memory_space<vmem>> -> memref<1x80xi32, #tpu.memory_space<vmem>>
        %dma_start3A_487 = tpu.memref_squeeze %dma_start3A_486 : memref<1x80xi32, #tpu.memory_space<vmem>> -> memref<80xi32, #tpu.memory_space<vmem>>
        %dma_start3A_488 = tpu.memref_slice %arg4[%mul3A_476] : memref<320000xi32, #tpu.memory_space<hbm>> -> memref<80xi32, #tpu.memory_space<hbm>>
        tpu.enqueue_dma source(%dma_start3A_488 : memref<80xi32, #tpu.memory_space<hbm>>) target(%dma_start3A_487 : memref<80xi32, #tpu.memory_space<vmem>>) target_semaphore(%dma_start3A_484 : memref<!tpu.dma_semaphore, #tpu.memory_space<semaphore_mem>>)
        %dma_start3A_489 = arith.constant 2 : i32
        %dma_start3A_490 = arith.constant 2 : i32
        %dma_start3A_491 = arith.constant 0 : i32
        %dma_start3A_492 = tpu.memref_slice %arg10[%dma_start3A_489, %dma_start3A_491] : memref<4x80xi32, #tpu.memory_space<vmem>> -> memref<1x80xi32, #tpu.memory_space<vmem>>
        %dma_start3A_493 = tpu.memref_squeeze %dma_start3A_492 : memref<1x80xi32, #tpu.memory_space<vmem>> -> memref<80xi32, #tpu.memory_space<vmem>>
        %dma_start3A_494 = tpu.memref_slice %arg5[%mul3A_476] : memref<320000xi32, #tpu.memory_space<hbm>> -> memref<80xi32, #tpu.memory_space<hbm>>
        %dma_start3A_495 = tpu.memref_slice %arg14[%dma_start3A_490] : memref<4x!tpu.dma_semaphore, #tpu.memory_space<semaphore_mem>> -> memref<1x!tpu.dma_semaphore, #tpu.memory_space<semaphore_mem>>
        %dma_start3A_496 = tpu.memref_squeeze %dma_start3A_495 : memref<1x!tpu.dma_semaphore, #tpu.memory_space<semaphore_mem>> -> memref<!tpu.dma_semaphore, #tpu.memory_space<semaphore_mem>>
        %dma_start3A_497 = arith.constant 0 : i32
        %dma_start3A_498 = tpu.memref_slice %arg10[%dma_start3A_489, %dma_start3A_497] : memref<4x80xi32, #tpu.memory_space<vmem>> -> memref<1x80xi32, #tpu.memory_space<vmem>>
        %dma_start3A_499 = tpu.memref_squeeze %dma_start3A_498 : memref<1x80xi32, #tpu.memory_space<vmem>> -> memref<80xi32, #tpu.memory_space<vmem>>
        %dma_start3A_500 = tpu.memref_slice %arg5[%mul3A_476] : memref<320000xi32, #tpu.memory_space<hbm>> -> memref<80xi32, #tpu.memory_space<hbm>>
        tpu.enqueue_dma source(%dma_start3A_500 : memref<80xi32, #tpu.memory_space<hbm>>) target(%dma_start3A_499 : memref<80xi32, #tpu.memory_space<vmem>>) target_semaphore(%dma_start3A_496 : memref<!tpu.dma_semaphore, #tpu.memory_space<semaphore_mem>>)
      } else {
      }
      %dma_wait3A_254 = arith.constant 0 : i32
      %dma_wait3A_255 = arith.constant 0 : i32
      %dma_wait3A_256 = arith.constant 0 : i32
      %dma_wait3A_257 = arith.constant 0 : i32
      %dma_wait3A_258 = arith.constant 0 : i32
      %dma_wait3A_259 = tpu.memref_slice %arg7[%dma_wait3A_255, %dma_wait3A_257, %dma_wait3A_258] : memref<2x80x128xf32, #tpu.memory_space<vmem>> -> memref<1x80x128xf32, #tpu.memory_space<vmem>>
      %dma_wait3A_260 = tpu.memref_squeeze %dma_wait3A_259 : memref<1x80x128xf32, #tpu.memory_space<vmem>> -> memref<80x128xf32, #tpu.memory_space<vmem>>
      %dma_wait3A_261 = arith.constant 0 : i32
      %dma_wait3A_262 = tpu.memref_slice %arg9[%dma_wait3A_254, %dma_wait3A_261] : memref<4x80xi32, #tpu.memory_space<vmem>> -> memref<1x80xi32, #tpu.memory_space<vmem>>
      %dma_wait3A_263 = tpu.memref_squeeze %dma_wait3A_262 : memref<1x80xi32, #tpu.memory_space<vmem>> -> memref<80xi32, #tpu.memory_space<vmem>>
      %dma_wait3A_264 = arith.constant 0 : i32
      %dma_wait3A_265 = arith.constant 0 : i32
      %dma_wait3A_266 = tpu.memref_slice %arg2[%dma_wait3A_264, %dma_wait3A_265] : memref<10000x128xf32, #tpu.memory_space<hbm>> -> memref<10000x128xf32, #tpu.memory_space<hbm>>
      %dma_wait3A_267 = tpu.memref_slice %arg12[%dma_wait3A_256] : memref<2x!tpu.dma_semaphore, #tpu.memory_space<semaphore_mem>> -> memref<1x!tpu.dma_semaphore, #tpu.memory_space<semaphore_mem>>
      %dma_wait3A_268 = tpu.memref_squeeze %dma_wait3A_267 : memref<1x!tpu.dma_semaphore, #tpu.memory_space<semaphore_mem>> -> memref<!tpu.dma_semaphore, #tpu.memory_space<semaphore_mem>>
      tpu.wait_indirect_dma semaphore(%dma_wait3A_268 : memref<!tpu.dma_semaphore, #tpu.memory_space<semaphore_mem>>) src(%dma_wait3A_266 : memref<10000x128xf32, #tpu.memory_space<hbm>>) dst(%dma_wait3A_260 : memref<80x128xf32, #tpu.memory_space<vmem>>)
      %dma_wait3A_269 = arith.constant 0 : i32
      %dma_wait3A_270 = arith.constant 0 : i32
      %dma_wait3A_271 = arith.constant 0 : i32
      %dma_wait3A_272 = arith.constant 0 : i32
      %dma_wait3A_273 = tpu.memref_slice %arg8[%dma_wait3A_269, %dma_wait3A_271, %dma_wait3A_272] : memref<2x80x128xf32, #tpu.memory_space<vmem>> -> memref<1x80x128xf32, #tpu.memory_space<vmem>>
      %dma_wait3A_274 = tpu.memref_squeeze %dma_wait3A_273 : memref<1x80x128xf32, #tpu.memory_space<vmem>> -> memref<80x128xf32, #tpu.memory_space<vmem>>
      %dma_wait3A_275 = arith.constant 0 : i32
      %dma_wait3A_276 = arith.constant 0 : i32
      %dma_wait3A_277 = tpu.memref_slice %arg3[%dma_wait3A_275, %dma_wait3A_276] : memref<320000x128xf32, #tpu.memory_space<hbm>> -> memref<80x128xf32, #tpu.memory_space<hbm>>
      %dma_wait3A_278 = tpu.memref_slice %arg13[%dma_wait3A_270] : memref<2x!tpu.dma_semaphore, #tpu.memory_space<semaphore_mem>> -> memref<1x!tpu.dma_semaphore, #tpu.memory_space<semaphore_mem>>
      %dma_wait3A_279 = tpu.memref_squeeze %dma_wait3A_278 : memref<1x!tpu.dma_semaphore, #tpu.memory_space<semaphore_mem>> -> memref<!tpu.dma_semaphore, #tpu.memory_space<semaphore_mem>>
      %dma_wait3A_280 = arith.constant 0 : i32
      %dma_wait3A_281 = arith.constant 0 : i32
      %dma_wait3A_282 = tpu.memref_slice %arg8[%dma_wait3A_269, %dma_wait3A_280, %dma_wait3A_281] : memref<2x80x128xf32, #tpu.memory_space<vmem>> -> memref<1x80x128xf32, #tpu.memory_space<vmem>>
      %dma_wait3A_283 = tpu.memref_squeeze %dma_wait3A_282 : memref<1x80x128xf32, #tpu.memory_space<vmem>> -> memref<80x128xf32, #tpu.memory_space<vmem>>
      %dma_wait3A_284 = arith.constant 0 : i32
      %dma_wait3A_285 = arith.constant 0 : i32
      %dma_wait3A_286 = tpu.memref_slice %arg3[%dma_wait3A_284, %dma_wait3A_285] : memref<320000x128xf32, #tpu.memory_space<hbm>> -> memref<80x128xf32, #tpu.memory_space<hbm>>
      tpu.wait_dma2 semaphore(%dma_wait3A_279 : memref<!tpu.dma_semaphore, #tpu.memory_space<semaphore_mem>>) src(%dma_wait3A_286 : memref<80x128xf32, #tpu.memory_space<hbm>>) dst(%dma_wait3A_283 : memref<80x128xf32, #tpu.memory_space<vmem>>)
      %scan3A_287 = arith.constant 0 : i32
      %scan3A_288 = arith.constant 0 : i32
      %scan3A_289 = arith.constant 80 : i32
      %scan3A_290 = arith.addi %scan3A_288, %scan3A_289 : i32
      %scan3A_291 = arith.constant 1 : i32
      scf.for %scan3A_472 = %scan3A_288 to %scan3A_290 step %scan3A_291  : i32 {
        %get3A = arith.constant 0 : i32
        %get3A_473 = arith.index_cast %get3A : i32 to index
        %get3A_474 = arith.index_cast %scan3A_472 : i32 to index
        %get3A_475 = arith.constant 0 : index
        %get3A_476 = tpu.vector_load %arg7[%get3A_473, %get3A_474, %get3A_475] {strides = array<i32>} : memref<2x80x128xf32, #tpu.memory_space<vmem>>, vector<1x1x16xf32>,
        %get3A_477 = vector.shape_cast %get3A_476 : vector<1x1x16xf32> to vector<16xf32>
        %get3A_478 = arith.constant 0 : i32
        %get3A_479 = arith.index_cast %get3A_478 : i32 to index
        %get3A_480 = arith.index_cast %scan3A_472 : i32 to index
        %get3A_481 = arith.constant 0 : index
        %get3A_482 = tpu.vector_load %arg8[%get3A_479, %get3A_480, %get3A_481] {strides = array<i32>} : memref<2x80x128xf32, #tpu.memory_space<vmem>>, vector<1x1x16xf32>,
        %get3A_483 = vector.shape_cast %get3A_482 : vector<1x1x16xf32> to vector<16xf32>
        %add3A_484 = arith.addf %get3A_477, %get3A_483 : vector<16xf32>
        %max3A = arith.constant 0.000000e+00 : f32
        %max3A_485 = vector.broadcast %max3A : f32 to vector<16xf32>
        %max3A_486 = arith.maximumf %add3A_484, %max3A_485 : vector<16xf32>
        %swap3A = arith.constant 0 : i32
        %swap3A_487 = arith.index_cast %swap3A : i32 to index
        %swap3A_488 = arith.index_cast %scan3A_472 : i32 to index
        %swap3A_489 = arith.constant 0 : index
        %swap3A_490 = tpu.vector_load %arg7[%swap3A_487, %swap3A_488, %swap3A_489] {strides = array<i32>} : memref<2x80x128xf32, #tpu.memory_space<vmem>>, vector<1x1x16xf32>,
        %swap3A_491 = vector.shape_cast %swap3A_490 : vector<1x1x16xf32> to vector<16xf32>
        %swap3A_492 = vector.shape_cast %max3A_486 : vector<16xf32> to vector<1x1x16xf32>
        tpu.vector_store %arg7[%swap3A_487, %swap3A_488, %swap3A_489], %swap3A_492 {strides = array<i32>} : memref<2x80x128xf32, #tpu.memory_space<vmem>>, vector<1x1x16xf32>,
        %get3A_493 = arith.constant 0 : i32
        %get3A_494 = arith.index_cast %get3A_493 : i32 to index
        %get3A_495 = arith.index_cast %scan3A_472 : i32 to index
        %get3A_496 = arith.constant 16 : index
        %get3A_497 = tpu.vector_load %arg7[%get3A_494, %get3A_495, %get3A_496] {strides = array<i32>} : memref<2x80x128xf32, #tpu.memory_space<vmem>>, vector<1x1x16xf32>,
        %get3A_498 = vector.shape_cast %get3A_497 : vector<1x1x16xf32> to vector<16xf32>
        %get3A_499 = arith.constant 0 : i32
        %get3A_500 = arith.index_cast %get3A_499 : i32 to index
        %get3A_501 = arith.index_cast %scan3A_472 : i32 to index
        %get3A_502 = arith.constant 16 : index
        %get3A_503 = tpu.vector_load %arg8[%get3A_500, %get3A_501, %get3A_502] {strides = array<i32>} : memref<2x80x128xf32, #tpu.memory_space<vmem>>, vector<1x1x16xf32>,
        %get3A_504 = vector.shape_cast %get3A_503 : vector<1x1x16xf32> to vector<16xf32>
        %add3A_505 = arith.addf %get3A_498, %get3A_504 : vector<16xf32>
        %max3A_506 = arith.constant 0.000000e+00 : f32
        %max3A_507 = vector.broadcast %max3A_506 : f32 to vector<16xf32>
        %max3A_508 = arith.maximumf %add3A_505, %max3A_507 : vector<16xf32>
        %swap3A_509 = arith.constant 0 : i32
        %swap3A_510 = arith.index_cast %swap3A_509 : i32 to index
        %swap3A_511 = arith.index_cast %scan3A_472 : i32 to index
        %swap3A_512 = arith.constant 16 : index
        %swap3A_513 = tpu.vector_load %arg7[%swap3A_510, %swap3A_511, %swap3A_512] {strides = array<i32>} : memref<2x80x128xf32, #tpu.memory_space<vmem>>, vector<1x1x16xf32>,
        %swap3A_514 = vector.shape_cast %swap3A_513 : vector<1x1x16xf32> to vector<16xf32>
        %swap3A_515 = vector.shape_cast %max3A_508 : vector<16xf32> to vector<1x1x16xf32>
        tpu.vector_store %arg7[%swap3A_510, %swap3A_511, %swap3A_512], %swap3A_515 {strides = array<i32>} : memref<2x80x128xf32, #tpu.memory_space<vmem>>, vector<1x1x16xf32>,
        %get3A_516 = arith.constant 0 : i32
        %get3A_517 = arith.index_cast %get3A_516 : i32 to index
        %get3A_518 = arith.index_cast %scan3A_472 : i32 to index
        %get3A_519 = arith.constant 32 : index
        %get3A_520 = tpu.vector_load %arg7[%get3A_517, %get3A_518, %get3A_519] {strides = array<i32>} : memref<2x80x128xf32, #tpu.memory_space<vmem>>, vector<1x1x16xf32>,
        %get3A_521 = vector.shape_cast %get3A_520 : vector<1x1x16xf32> to vector<16xf32>
        %get3A_522 = arith.constant 0 : i32
        %get3A_523 = arith.index_cast %get3A_522 : i32 to index
        %get3A_524 = arith.index_cast %scan3A_472 : i32 to index
        %get3A_525 = arith.constant 32 : index
        %get3A_526 = tpu.vector_load %arg8[%get3A_523, %get3A_524, %get3A_525] {strides = array<i32>} : memref<2x80x128xf32, #tpu.memory_space<vmem>>, vector<1x1x16xf32>,
        %get3A_527 = vector.shape_cast %get3A_526 : vector<1x1x16xf32> to vector<16xf32>
        %add3A_528 = arith.addf %get3A_521, %get3A_527 : vector<16xf32>
        %max3A_529 = arith.constant 0.000000e+00 : f32
        %max3A_530 = vector.broadcast %max3A_529 : f32 to vector<16xf32>
        %max3A_531 = arith.maximumf %add3A_528, %max3A_530 : vector<16xf32>
        %swap3A_532 = arith.constant 0 : i32
        %swap3A_533 = arith.index_cast %swap3A_532 : i32 to index
        %swap3A_534 = arith.index_cast %scan3A_472 : i32 to index
        %swap3A_535 = arith.constant 32 : index
        %swap3A_536 = tpu.vector_load %arg7[%swap3A_533, %swap3A_534, %swap3A_535] {strides = array<i32>} : memref<2x80x128xf32, #tpu.memory_space<vmem>>, vector<1x1x16xf32>,
        %swap3A_537 = vector.shape_cast %swap3A_536 : vector<1x1x16xf32> to vector<16xf32>
        %swap3A_538 = vector.shape_cast %max3A_531 : vector<16xf32> to vector<1x1x16xf32>
        tpu.vector_store %arg7[%swap3A_533, %swap3A_534, %swap3A_535], %swap3A_538 {strides = array<i32>} : memref<2x80x128xf32, #tpu.memory_space<vmem>>, vector<1x1x16xf32>,
        %get3A_539 = arith.constant 0 : i32
        %get3A_540 = arith.index_cast %get3A_539 : i32 to index
        %get3A_541 = arith.index_cast %scan3A_472 : i32 to index
        %get3A_542 = arith.constant 48 : index
        %get3A_543 = tpu.vector_load %arg7[%get3A_540, %get3A_541, %get3A_542] {strides = array<i32>} : memref<2x80x128xf32, #tpu.memory_space<vmem>>, vector<1x1x16xf32>,
        %get3A_544 = vector.shape_cast %get3A_543 : vector<1x1x16xf32> to vector<16xf32>
        %get3A_545 = arith.constant 0 : i32
        %get3A_546 = arith.index_cast %get3A_545 : i32 to index
        %get3A_547 = arith.index_cast %scan3A_472 : i32 to index
        %get3A_548 = arith.constant 48 : index
        %get3A_549 = tpu.vector_load %arg8[%get3A_546, %get3A_547, %get3A_548] {strides = array<i32>} : memref<2x80x128xf32, #tpu.memory_space<vmem>>, vector<1x1x16xf32>,
        %get3A_550 = vector.shape_cast %get3A_549 : vector<1x1x16xf32> to vector<16xf32>
        %add3A_551 = arith.addf %get3A_544, %get3A_550 : vector<16xf32>
        %max3A_552 = arith.constant 0.000000e+00 : f32
        %max3A_553 = vector.broadcast %max3A_552 : f32 to vector<16xf32>
        %max3A_554 = arith.maximumf %add3A_551, %max3A_553 : vector<16xf32>
        %swap3A_555 = arith.constant 0 : i32
        %swap3A_556 = arith.index_cast %swap3A_555 : i32 to index
        %swap3A_557 = arith.index_cast %scan3A_472 : i32 to index
        %swap3A_558 = arith.constant 48 : index
        %swap3A_559 = tpu.vector_load %arg7[%swap3A_556, %swap3A_557, %swap3A_558] {strides = array<i32>} : memref<2x80x128xf32, #tpu.memory_space<vmem>>, vector<1x1x16xf32>,
        %swap3A_560 = vector.shape_cast %swap3A_559 : vector<1x1x16xf32> to vector<16xf32>
        %swap3A_561 = vector.shape_cast %max3A_554 : vector<16xf32> to vector<1x1x16xf32>
        tpu.vector_store %arg7[%swap3A_556, %swap3A_557, %swap3A_558], %swap3A_561 {strides = array<i32>} : memref<2x80x128xf32, #tpu.memory_space<vmem>>, vector<1x1x16xf32>,
        %get3A_562 = arith.constant 0 : i32
        %get3A_563 = arith.index_cast %get3A_562 : i32 to index
        %get3A_564 = arith.index_cast %scan3A_472 : i32 to index
        %get3A_565 = arith.constant 64 : index
        %get3A_566 = tpu.vector_load %arg7[%get3A_563, %get3A_564, %get3A_565] {strides = array<i32>} : memref<2x80x128xf32, #tpu.memory_space<vmem>>, vector<1x1x16xf32>,
        %get3A_567 = vector.shape_cast %get3A_566 : vector<1x1x16xf32> to vector<16xf32>
        %get3A_568 = arith.constant 0 : i32
        %get3A_569 = arith.index_cast %get3A_568 : i32 to index
        %get3A_570 = arith.index_cast %scan3A_472 : i32 to index
        %get3A_571 = arith.constant 64 : index
        %get3A_572 = tpu.vector_load %arg8[%get3A_569, %get3A_570, %get3A_571] {strides = array<i32>} : memref<2x80x128xf32, #tpu.memory_space<vmem>>, vector<1x1x16xf32>,
        %get3A_573 = vector.shape_cast %get3A_572 : vector<1x1x16xf32> to vector<16xf32>
        %add3A_574 = arith.addf %get3A_567, %get3A_573 : vector<16xf32>
        %max3A_575 = arith.constant 0.000000e+00 : f32
        %max3A_576 = vector.broadcast %max3A_575 : f32 to vector<16xf32>
        %max3A_577 = arith.maximumf %add3A_574, %max3A_576 : vector<16xf32>
        %swap3A_578 = arith.constant 0 : i32
        %swap3A_579 = arith.index_cast %swap3A_578 : i32 to index
        %swap3A_580 = arith.index_cast %scan3A_472 : i32 to index
        %swap3A_581 = arith.constant 64 : index
        %swap3A_582 = tpu.vector_load %arg7[%swap3A_579, %swap3A_580, %swap3A_581] {strides = array<i32>} : memref<2x80x128xf32, #tpu.memory_space<vmem>>, vector<1x1x16xf32>,
        %swap3A_583 = vector.shape_cast %swap3A_582 : vector<1x1x16xf32> to vector<16xf32>
        %swap3A_584 = vector.shape_cast %max3A_577 : vector<16xf32> to vector<1x1x16xf32>
        tpu.vector_store %arg7[%swap3A_579, %swap3A_580, %swap3A_581], %swap3A_584 {strides = array<i32>} : memref<2x80x128xf32, #tpu.memory_space<vmem>>, vector<1x1x16xf32>,
        %get3A_585 = arith.constant 0 : i32
        %get3A_586 = arith.index_cast %get3A_585 : i32 to index
        %get3A_587 = arith.index_cast %scan3A_472 : i32 to index
        %get3A_588 = arith.constant 80 : index
        %get3A_589 = tpu.vector_load %arg7[%get3A_586, %get3A_587, %get3A_588] {strides = array<i32>} : memref<2x80x128xf32, #tpu.memory_space<vmem>>, vector<1x1x16xf32>,
        %get3A_590 = vector.shape_cast %get3A_589 : vector<1x1x16xf32> to vector<16xf32>
        %get3A_591 = arith.constant 0 : i32
        %get3A_592 = arith.index_cast %get3A_591 : i32 to index
        %get3A_593 = arith.index_cast %scan3A_472 : i32 to index
        %get3A_594 = arith.constant 80 : index
        %get3A_595 = tpu.vector_load %arg8[%get3A_592, %get3A_593, %get3A_594] {strides = array<i32>} : memref<2x80x128xf32, #tpu.memory_space<vmem>>, vector<1x1x16xf32>,
        %get3A_596 = vector.shape_cast %get3A_595 : vector<1x1x16xf32> to vector<16xf32>
        %add3A_597 = arith.addf %get3A_590, %get3A_596 : vector<16xf32>
        %max3A_598 = arith.constant 0.000000e+00 : f32
        %max3A_599 = vector.broadcast %max3A_598 : f32 to vector<16xf32>
        %max3A_600 = arith.maximumf %add3A_597, %max3A_599 : vector<16xf32>
        %swap3A_601 = arith.constant 0 : i32
        %swap3A_602 = arith.index_cast %swap3A_601 : i32 to index
        %swap3A_603 = arith.index_cast %scan3A_472 : i32 to index
        %swap3A_604 = arith.constant 80 : index
        %swap3A_605 = tpu.vector_load %arg7[%swap3A_602, %swap3A_603, %swap3A_604] {strides = array<i32>} : memref<2x80x128xf32, #tpu.memory_space<vmem>>, vector<1x1x16xf32>,
        %swap3A_606 = vector.shape_cast %swap3A_605 : vector<1x1x16xf32> to vector<16xf32>
        %swap3A_607 = vector.shape_cast %max3A_600 : vector<16xf32> to vector<1x1x16xf32>
        tpu.vector_store %arg7[%swap3A_602, %swap3A_603, %swap3A_604], %swap3A_607 {strides = array<i32>} : memref<2x80x128xf32, #tpu.memory_space<vmem>>, vector<1x1x16xf32>,
        %get3A_608 = arith.constant 0 : i32
        %get3A_609 = arith.index_cast %get3A_608 : i32 to index
        %get3A_610 = arith.index_cast %scan3A_472 : i32 to index
        %get3A_611 = arith.constant 96 : index
        %get3A_612 = tpu.vector_load %arg7[%get3A_609, %get3A_610, %get3A_611] {strides = array<i32>} : memref<2x80x128xf32, #tpu.memory_space<vmem>>, vector<1x1x16xf32>,
        %get3A_613 = vector.shape_cast %get3A_612 : vector<1x1x16xf32> to vector<16xf32>
        %get3A_614 = arith.constant 0 : i32
        %get3A_615 = arith.index_cast %get3A_614 : i32 to index
        %get3A_616 = arith.index_cast %scan3A_472 : i32 to index
        %get3A_617 = arith.constant 96 : index
        %get3A_618 = tpu.vector_load %arg8[%get3A_615, %get3A_616, %get3A_617] {strides = array<i32>} : memref<2x80x128xf32, #tpu.memory_space<vmem>>, vector<1x1x16xf32>,
        %get3A_619 = vector.shape_cast %get3A_618 : vector<1x1x16xf32> to vector<16xf32>
        %add3A_620 = arith.addf %get3A_613, %get3A_619 : vector<16xf32>
        %max3A_621 = arith.constant 0.000000e+00 : f32
        %max3A_622 = vector.broadcast %max3A_621 : f32 to vector<16xf32>
        %max3A_623 = arith.maximumf %add3A_620, %max3A_622 : vector<16xf32>
        %swap3A_624 = arith.constant 0 : i32
        %swap3A_625 = arith.index_cast %swap3A_624 : i32 to index
        %swap3A_626 = arith.index_cast %scan3A_472 : i32 to index
        %swap3A_627 = arith.constant 96 : index
        %swap3A_628 = tpu.vector_load %arg7[%swap3A_625, %swap3A_626, %swap3A_627] {strides = array<i32>} : memref<2x80x128xf32, #tpu.memory_space<vmem>>, vector<1x1x16xf32>,
        %swap3A_629 = vector.shape_cast %swap3A_628 : vector<1x1x16xf32> to vector<16xf32>
        %swap3A_630 = vector.shape_cast %max3A_623 : vector<16xf32> to vector<1x1x16xf32>
        tpu.vector_store %arg7[%swap3A_625, %swap3A_626, %swap3A_627], %swap3A_630 {strides = array<i32>} : memref<2x80x128xf32, #tpu.memory_space<vmem>>, vector<1x1x16xf32>,
        %get3A_631 = arith.constant 0 : i32
        %get3A_632 = arith.index_cast %get3A_631 : i32 to index
        %get3A_633 = arith.index_cast %scan3A_472 : i32 to index
        %get3A_634 = arith.constant 112 : index
        %get3A_635 = tpu.vector_load %arg7[%get3A_632, %get3A_633, %get3A_634] {strides = array<i32>} : memref<2x80x128xf32, #tpu.memory_space<vmem>>, vector<1x1x16xf32>,
        %get3A_636 = vector.shape_cast %get3A_635 : vector<1x1x16xf32> to vector<16xf32>
        %get3A_637 = arith.constant 0 : i32
        %get3A_638 = arith.index_cast %get3A_637 : i32 to index
        %get3A_639 = arith.index_cast %scan3A_472 : i32 to index
        %get3A_640 = arith.constant 112 : index
        %get3A_641 = tpu.vector_load %arg8[%get3A_638, %get3A_639, %get3A_640] {strides = array<i32>} : memref<2x80x128xf32, #tpu.memory_space<vmem>>, vector<1x1x16xf32>,
        %get3A_642 = vector.shape_cast %get3A_641 : vector<1x1x16xf32> to vector<16xf32>
        %add3A_643 = arith.addf %get3A_636, %get3A_642 : vector<16xf32>
        %max3A_644 = arith.constant 0.000000e+00 : f32
        %max3A_645 = vector.broadcast %max3A_644 : f32 to vector<16xf32>
        %max3A_646 = arith.maximumf %add3A_643, %max3A_645 : vector<16xf32>
        %swap3A_647 = arith.constant 0 : i32
        %swap3A_648 = arith.index_cast %swap3A_647 : i32 to index
        %swap3A_649 = arith.index_cast %scan3A_472 : i32 to index
        %swap3A_650 = arith.constant 112 : index
        %swap3A_651 = tpu.vector_load %arg7[%swap3A_648, %swap3A_649, %swap3A_650] {strides = array<i32>} : memref<2x80x128xf32, #tpu.memory_space<vmem>>, vector<1x1x16xf32>,
        %swap3A_652 = vector.shape_cast %swap3A_651 : vector<1x1x16xf32> to vector<16xf32>
        %swap3A_653 = vector.shape_cast %max3A_646 : vector<16xf32> to vector<1x1x16xf32>
        tpu.vector_store %arg7[%swap3A_648, %swap3A_649, %swap3A_650], %swap3A_653 {strides = array<i32>} : memref<2x80x128xf32, #tpu.memory_space<vmem>>, vector<1x1x16xf32>,
      }
      %scan3A_292 = arith.constant 80 : i32
      %run_scoped3A_293 = arith.constant 0 : i32
      %run_scoped3A_294 = arith.constant 0 : i32
      "tpu.region"() ({
        %run_scoped3A_472 = tpu.sem_alloc : memref<!tpu.dma_semaphore, #tpu.memory_space<semaphore_mem>>
        %dma_start3A_473 = arith.constant 0 : i32
        %dma_start3A_474 = arith.constant 0 : i32
        %dma_start3A_475 = tpu.memref_slice %arg7[%run_scoped3A_293, %dma_start3A_473, %dma_start3A_474] : memref<2x80x128xf32, #tpu.memory_space<vmem>> -> memref<1x80x128xf32, #tpu.memory_space<vmem>>
        %dma_start3A_476 = tpu.memref_squeeze %dma_start3A_475 : memref<1x80x128xf32, #tpu.memory_space<vmem>> -> memref<80x128xf32, #tpu.memory_space<vmem>>
        %dma_start3A_477 = arith.constant 0 : i32
        %dma_start3A_478 = tpu.memref_slice %arg10[%run_scoped3A_294, %dma_start3A_477] : memref<4x80xi32, #tpu.memory_space<vmem>> -> memref<1x80xi32, #tpu.memory_space<vmem>>
        %dma_start3A_479 = tpu.memref_squeeze %dma_start3A_478 : memref<1x80xi32, #tpu.memory_space<vmem>> -> memref<80xi32, #tpu.memory_space<vmem>>
        %dma_start3A_480 = arith.constant 0 : i32
        %dma_start3A_481 = arith.constant 0 : i32
        %dma_start3A_482 = tpu.memref_slice %arg11[%dma_start3A_480, %dma_start3A_481] : memref<10240x128xf32, #tpu.memory_space<vmem_shared>> -> memref<10240x128xf32, #tpu.memory_space<vmem_shared>>
        tpu.enqueue_indirect_dma source(%dma_start3A_476 : memref<80x128xf32, #tpu.memory_space<vmem>>) target(%dma_start3A_482 : memref<10240x128xf32, #tpu.memory_space<vmem_shared>>) offsets(%dma_start3A_479 : memref<80xi32, #tpu.memory_space<vmem>>) semaphore(%run_scoped3A_472 : memref<!tpu.dma_semaphore, #tpu.memory_space<semaphore_mem>>) {add = true}
        %dma_wait3A_483 = arith.constant 0 : i32
        %dma_wait3A_484 = arith.constant 0 : i32
        %dma_wait3A_485 = tpu.memref_slice %arg7[%run_scoped3A_293, %dma_wait3A_483, %dma_wait3A_484] : memref<2x80x128xf32, #tpu.memory_space<vmem>> -> memref<1x80x128xf32, #tpu.memory_space<vmem>>
        %dma_wait3A_486 = tpu.memref_squeeze %dma_wait3A_485 : memref<1x80x128xf32, #tpu.memory_space<vmem>> -> memref<80x128xf32, #tpu.memory_space<vmem>>
        %dma_wait3A_487 = arith.constant 0 : i32
        %dma_wait3A_488 = tpu.memref_slice %arg10[%run_scoped3A_294, %dma_wait3A_487] : memref<4x80xi32, #tpu.memory_space<vmem>> -> memref<1x80xi32, #tpu.memory_space<vmem>>
        %dma_wait3A_489 = tpu.memref_squeeze %dma_wait3A_488 : memref<1x80xi32, #tpu.memory_space<vmem>> -> memref<80xi32, #tpu.memory_space<vmem>>
        %dma_wait3A_490 = arith.constant 0 : i32
        %dma_wait3A_491 = arith.constant 0 : i32
        %dma_wait3A_492 = tpu.memref_slice %arg11[%dma_wait3A_490, %dma_wait3A_491] : memref<10240x128xf32, #tpu.memory_space<vmem_shared>> -> memref<10240x128xf32, #tpu.memory_space<vmem_shared>>
        tpu.wait_indirect_dma semaphore(%run_scoped3A_472 : memref<!tpu.dma_semaphore, #tpu.memory_space<semaphore_mem>>) src(%dma_wait3A_486 : memref<80x128xf32, #tpu.memory_space<vmem>>) dst(%dma_wait3A_492 : memref<10240x128xf32, #tpu.memory_space<vmem_shared>>)
        tpu.yield
      }) : () -> ()
      %mul3A_295 = arith.constant 4 : i32
      %mul3A_296 = arith.muli %scan3A_238, %mul3A_295 : i32
      %add3A_297 = arith.constant 1 : i32
      %add3A_298 = arith.addi %mul3A_296, %add3A_297 : i32
      %add3A_299 = arith.constant 1 : i32
      %add3A_300 = arith.addi %add3A_298, %add3A_299 : i32
      %lt3A_301 = arith.constant 125 : i32
      %lt3A_302 = arith.cmpi slt, %add3A_300, %lt3A_301 : i32
      %convert_element_type3A_303 = arith.extui %lt3A_302 : i1 to i32
      %cond3A_304 = arith.constant 0 : i32
      %cond3A_305 = arith.cmpi ne, %convert_element_type3A_303, %cond3A_304 : i32
      scf.if %cond3A_305 {
        %dma_wait3A_472 = arith.constant 2 : i32
        %dma_wait3A_473 = arith.constant 2 : i32
        %dma_wait3A_474 = arith.constant 0 : i32
        %dma_wait3A_475 = tpu.memref_slice %arg9[%dma_wait3A_472, %dma_wait3A_474] : memref<4x80xi32, #tpu.memory_space<vmem>> -> memref<1x80xi32, #tpu.memory_space<vmem>>
        %dma_wait3A_476 = tpu.memref_squeeze %dma_wait3A_475 : memref<1x80xi32, #tpu.memory_space<vmem>> -> memref<80xi32, #tpu.memory_space<vmem>>
        %dma_wait3A_477 = arith.constant 0 : i32
        %dma_wait3A_478 = tpu.memref_slice %arg4[%dma_wait3A_477] : memref<320000xi32, #tpu.memory_space<hbm>> -> memref<80xi32, #tpu.memory_space<hbm>>
        %dma_wait3A_479 = tpu.memref_slice %arg14[%dma_wait3A_473] : memref<4x!tpu.dma_semaphore, #tpu.memory_space<semaphore_mem>> -> memref<1x!tpu.dma_semaphore, #tpu.memory_space<semaphore_mem>>
        %dma_wait3A_480 = tpu.memref_squeeze %dma_wait3A_479 : memref<1x!tpu.dma_semaphore, #tpu.memory_space<semaphore_mem>> -> memref<!tpu.dma_semaphore, #tpu.memory_space<semaphore_mem>>
        %dma_wait3A_481 = arith.constant 0 : i32
        %dma_wait3A_482 = tpu.memref_slice %arg9[%dma_wait3A_472, %dma_wait3A_481] : memref<4x80xi32, #tpu.memory_space<vmem>> -> memref<1x80xi32, #tpu.memory_space<vmem>>
        %dma_wait3A_483 = tpu.memref_squeeze %dma_wait3A_482 : memref<1x80xi32, #tpu.memory_space<vmem>> -> memref<80xi32, #tpu.memory_space<vmem>>
        %dma_wait3A_484 = arith.constant 0 : i32
        %dma_wait3A_485 = tpu.memref_slice %arg4[%dma_wait3A_484] : memref<320000xi32, #tpu.memory_space<hbm>> -> memref<80xi32, #tpu.memory_space<hbm>>
        tpu.wait_dma2 semaphore(%dma_wait3A_480 : memref<!tpu.dma_semaphore, #tpu.memory_space<semaphore_mem>>) src(%dma_wait3A_485 : memref<80xi32, #tpu.memory_space<hbm>>) dst(%dma_wait3A_483 : memref<80xi32, #tpu.memory_space<vmem>>)
        %dma_wait3A_486 = arith.constant 2 : i32
        %dma_wait3A_487 = arith.constant 2 : i32
        %dma_wait3A_488 = arith.constant 0 : i32
        %dma_wait3A_489 = tpu.memref_slice %arg10[%dma_wait3A_486, %dma_wait3A_488] : memref<4x80xi32, #tpu.memory_space<vmem>> -> memref<1x80xi32, #tpu.memory_space<vmem>>
        %dma_wait3A_490 = tpu.memref_squeeze %dma_wait3A_489 : memref<1x80xi32, #tpu.memory_space<vmem>> -> memref<80xi32, #tpu.memory_space<vmem>>
        %dma_wait3A_491 = arith.constant 0 : i32
        %dma_wait3A_492 = tpu.memref_slice %arg5[%dma_wait3A_491] : memref<320000xi32, #tpu.memory_space<hbm>> -> memref<80xi32, #tpu.memory_space<hbm>>
        %dma_wait3A_493 = tpu.memref_slice %arg14[%dma_wait3A_487] : memref<4x!tpu.dma_semaphore, #tpu.memory_space<semaphore_mem>> -> memref<1x!tpu.dma_semaphore, #tpu.memory_space<semaphore_mem>>
        %dma_wait3A_494 = tpu.memref_squeeze %dma_wait3A_493 : memref<1x!tpu.dma_semaphore, #tpu.memory_space<semaphore_mem>> -> memref<!tpu.dma_semaphore, #tpu.memory_space<semaphore_mem>>
        %dma_wait3A_495 = arith.constant 0 : i32
        %dma_wait3A_496 = tpu.memref_slice %arg10[%dma_wait3A_486, %dma_wait3A_495] : memref<4x80xi32, #tpu.memory_space<vmem>> -> memref<1x80xi32, #tpu.memory_space<vmem>>
        %dma_wait3A_497 = tpu.memref_squeeze %dma_wait3A_496 : memref<1x80xi32, #tpu.memory_space<vmem>> -> memref<80xi32, #tpu.memory_space<vmem>>
        %dma_wait3A_498 = arith.constant 0 : i32
        %dma_wait3A_499 = tpu.memref_slice %arg5[%dma_wait3A_498] : memref<320000xi32, #tpu.memory_space<hbm>> -> memref<80xi32, #tpu.memory_space<hbm>>
        tpu.wait_dma2 semaphore(%dma_wait3A_494 : memref<!tpu.dma_semaphore, #tpu.memory_space<semaphore_mem>>) src(%dma_wait3A_499 : memref<80xi32, #tpu.memory_space<hbm>>) dst(%dma_wait3A_497 : memref<80xi32, #tpu.memory_space<vmem>>)
        %add3A_500 = arith.addi %mul3A_32, %add3A_298 : i32
        %add3A_501 = arith.constant 1 : i32
        %add3A_502 = arith.addi %add3A_500, %add3A_501 : i32
        %dma_start3A_503 = arith.constant 2 : i32
        %dma_start3A_504 = arith.constant 0 : i32
        %dma_start3A_505 = arith.constant 0 : i32
        %dma_start3A_506 = arith.constant 0 : i32
        %dma_start3A_507 = arith.constant 0 : i32
        %dma_start3A_508 = tpu.memref_slice %arg7[%dma_start3A_504, %dma_start3A_506, %dma_start3A_507] : memref<2x80x128xf32, #tpu.memory_space<vmem>> -> memref<1x80x128xf32, #tpu.memory_space<vmem>>
        %dma_start3A_509 = tpu.memref_squeeze %dma_start3A_508 : memref<1x80x128xf32, #tpu.memory_space<vmem>> -> memref<80x128xf32, #tpu.memory_space<vmem>>
        %dma_start3A_510 = arith.constant 0 : i32
        %dma_start3A_511 = tpu.memref_slice %arg9[%dma_start3A_503, %dma_start3A_510] : memref<4x80xi32, #tpu.memory_space<vmem>> -> memref<1x80xi32, #tpu.memory_space<vmem>>
        %dma_start3A_512 = tpu.memref_squeeze %dma_start3A_511 : memref<1x80xi32, #tpu.memory_space<vmem>> -> memref<80xi32, #tpu.memory_space<vmem>>
        %dma_start3A_513 = arith.constant 0 : i32
        %dma_start3A_514 = arith.constant 0 : i32
        %dma_start3A_515 = tpu.memref_slice %arg2[%dma_start3A_513, %dma_start3A_514] : memref<10000x128xf32, #tpu.memory_space<hbm>> -> memref<10000x128xf32, #tpu.memory_space<hbm>>
        %dma_start3A_516 = tpu.memref_slice %arg12[%dma_start3A_505] : memref<2x!tpu.dma_semaphore, #tpu.memory_space<semaphore_mem>> -> memref<1x!tpu.dma_semaphore, #tpu.memory_space<semaphore_mem>>
        %dma_start3A_517 = tpu.memref_squeeze %dma_start3A_516 : memref<1x!tpu.dma_semaphore, #tpu.memory_space<semaphore_mem>> -> memref<!tpu.dma_semaphore, #tpu.memory_space<semaphore_mem>>
        tpu.enqueue_indirect_dma source(%dma_start3A_515 : memref<10000x128xf32, #tpu.memory_space<hbm>>) target(%dma_start3A_509 : memref<80x128xf32, #tpu.memory_space<vmem>>) offsets(%dma_start3A_512 : memref<80xi32, #tpu.memory_space<vmem>>) semaphore(%dma_start3A_517 : memref<!tpu.dma_semaphore, #tpu.memory_space<semaphore_mem>>)
        %mul3A_518 = arith.constant 80 : i32
        %mul3A_519 = arith.muli %add3A_502, %mul3A_518 : i32
        %dma_start3A_520 = arith.constant 0 : i32
        %dma_start3A_521 = arith.constant 0 : i32
        %dma_start3A_522 = arith.constant 0 : i32
        %dma_start3A_523 = arith.constant 0 : i32
        %dma_start3A_524 = tpu.memref_slice %arg8[%dma_start3A_520, %dma_start3A_522, %dma_start3A_523] : memref<2x80x128xf32, #tpu.memory_space<vmem>> -> memref<1x80x128xf32, #tpu.memory_space<vmem>>
        %dma_start3A_525 = tpu.memref_squeeze %dma_start3A_524 : memref<1x80x128xf32, #tpu.memory_space<vmem>> -> memref<80x128xf32, #tpu.memory_space<vmem>>
        %dma_start3A_526 = arith.constant 0 : i32
        %dma_start3A_527 = tpu.memref_slice %arg3[%mul3A_519, %dma_start3A_526] : memref<320000x128xf32, #tpu.memory_space<hbm>> -> memref<80x128xf32, #tpu.memory_space<hbm>>
        %dma_start3A_528 = tpu.memref_slice %arg13[%dma_start3A_521] : memref<2x!tpu.dma_semaphore, #tpu.memory_space<semaphore_mem>> -> memref<1x!tpu.dma_semaphore, #tpu.memory_space<semaphore_mem>>
        %dma_start3A_529 = tpu.memref_squeeze %dma_start3A_528 : memref<1x!tpu.dma_semaphore, #tpu.memory_space<semaphore_mem>> -> memref<!tpu.dma_semaphore, #tpu.memory_space<semaphore_mem>>
        %dma_start3A_530 = arith.constant 0 : i32
        %dma_start3A_531 = arith.constant 0 : i32
        %dma_start3A_532 = tpu.memref_slice %arg8[%dma_start3A_520, %dma_start3A_530, %dma_start3A_531] : memref<2x80x128xf32, #tpu.memory_space<vmem>> -> memref<1x80x128xf32, #tpu.memory_space<vmem>>
        %dma_start3A_533 = tpu.memref_squeeze %dma_start3A_532 : memref<1x80x128xf32, #tpu.memory_space<vmem>> -> memref<80x128xf32, #tpu.memory_space<vmem>>
        %dma_start3A_534 = arith.constant 0 : i32
        %dma_start3A_535 = tpu.memref_slice %arg3[%mul3A_519, %dma_start3A_534] : memref<320000x128xf32, #tpu.memory_space<hbm>> -> memref<80x128xf32, #tpu.memory_space<hbm>>
        tpu.enqueue_dma source(%dma_start3A_535 : memref<80x128xf32, #tpu.memory_space<hbm>>) target(%dma_start3A_533 : memref<80x128xf32, #tpu.memory_space<vmem>>) target_semaphore(%dma_start3A_529 : memref<!tpu.dma_semaphore, #tpu.memory_space<semaphore_mem>>)
      } else {
      }
      %add3A_306 = arith.constant 2 : i32
      %add3A_307 = arith.addi %add3A_298, %add3A_306 : i32
      %lt3A_308 = arith.constant 125 : i32
      %lt3A_309 = arith.cmpi slt, %add3A_307, %lt3A_308 : i32
      %convert_element_type3A_310 = arith.extui %lt3A_309 : i1 to i32
      %cond3A_311 = arith.constant 0 : i32
      %cond3A_312 = arith.cmpi ne, %convert_element_type3A_310, %cond3A_311 : i32
      scf.if %cond3A_312 {
        %add3A_472 = arith.addi %mul3A_32, %add3A_298 : i32
        %add3A_473 = arith.constant 2 : i32
        %add3A_474 = arith.addi %add3A_472, %add3A_473 : i32
        %mul3A_475 = arith.constant 80 : i32
        %mul3A_476 = arith.muli %add3A_474, %mul3A_475 : i32
        %dma_start3A_477 = arith.constant 3 : i32
        %dma_start3A_478 = arith.constant 3 : i32
        %dma_start3A_479 = arith.constant 0 : i32
        %dma_start3A_480 = tpu.memref_slice %arg9[%dma_start3A_477, %dma_start3A_479] : memref<4x80xi32, #tpu.memory_space<vmem>> -> memref<1x80xi32, #tpu.memory_space<vmem>>
        %dma_start3A_481 = tpu.memref_squeeze %dma_start3A_480 : memref<1x80xi32, #tpu.memory_space<vmem>> -> memref<80xi32, #tpu.memory_space<vmem>>
        %dma_start3A_482 = tpu.memref_slice %arg4[%mul3A_476] : memref<320000xi32, #tpu.memory_space<hbm>> -> memref<80xi32, #tpu.memory_space<hbm>>
        %dma_start3A_483 = tpu.memref_slice %arg14[%dma_start3A_478] : memref<4x!tpu.dma_semaphore, #tpu.memory_space<semaphore_mem>> -> memref<1x!tpu.dma_semaphore, #tpu.memory_space<semaphore_mem>>
        %dma_start3A_484 = tpu.memref_squeeze %dma_start3A_483 : memref<1x!tpu.dma_semaphore, #tpu.memory_space<semaphore_mem>> -> memref<!tpu.dma_semaphore, #tpu.memory_space<semaphore_mem>>
        %dma_start3A_485 = arith.constant 0 : i32
        %dma_start3A_486 = tpu.memref_slice %arg9[%dma_start3A_477, %dma_start3A_485] : memref<4x80xi32, #tpu.memory_space<vmem>> -> memref<1x80xi32, #tpu.memory_space<vmem>>
        %dma_start3A_487 = tpu.memref_squeeze %dma_start3A_486 : memref<1x80xi32, #tpu.memory_space<vmem>> -> memref<80xi32, #tpu.memory_space<vmem>>
        %dma_start3A_488 = tpu.memref_slice %arg4[%mul3A_476] : memref<320000xi32, #tpu.memory_space<hbm>> -> memref<80xi32, #tpu.memory_space<hbm>>
        tpu.enqueue_dma source(%dma_start3A_488 : memref<80xi32, #tpu.memory_space<hbm>>) target(%dma_start3A_487 : memref<80xi32, #tpu.memory_space<vmem>>) target_semaphore(%dma_start3A_484 : memref<!tpu.dma_semaphore, #tpu.memory_space<semaphore_mem>>)
        %dma_start3A_489 = arith.constant 3 : i32
        %dma_start3A_490 = arith.constant 3 : i32
        %dma_start3A_491 = arith.constant 0 : i32
        %dma_start3A_492 = tpu.memref_slice %arg10[%dma_start3A_489, %dma_start3A_491] : memref<4x80xi32, #tpu.memory_space<vmem>> -> memref<1x80xi32, #tpu.memory_space<vmem>>
        %dma_start3A_493 = tpu.memref_squeeze %dma_start3A_492 : memref<1x80xi32, #tpu.memory_space<vmem>> -> memref<80xi32, #tpu.memory_space<vmem>>
        %dma_start3A_494 = tpu.memref_slice %arg5[%mul3A_476] : memref<320000xi32, #tpu.memory_space<hbm>> -> memref<80xi32, #tpu.memory_space<hbm>>
        %dma_start3A_495 = tpu.memref_slice %arg14[%dma_start3A_490] : memref<4x!tpu.dma_semaphore, #tpu.memory_space<semaphore_mem>> -> memref<1x!tpu.dma_semaphore, #tpu.memory_space<semaphore_mem>>
        %dma_start3A_496 = tpu.memref_squeeze %dma_start3A_495 : memref<1x!tpu.dma_semaphore, #tpu.memory_space<semaphore_mem>> -> memref<!tpu.dma_semaphore, #tpu.memory_space<semaphore_mem>>
        %dma_start3A_497 = arith.constant 0 : i32
        %dma_start3A_498 = tpu.memref_slice %arg10[%dma_start3A_489, %dma_start3A_497] : memref<4x80xi32, #tpu.memory_space<vmem>> -> memref<1x80xi32, #tpu.memory_space<vmem>>
        %dma_start3A_499 = tpu.memref_squeeze %dma_start3A_498 : memref<1x80xi32, #tpu.memory_space<vmem>> -> memref<80xi32, #tpu.memory_space<vmem>>
        %dma_start3A_500 = tpu.memref_slice %arg5[%mul3A_476] : memref<320000xi32, #tpu.memory_space<hbm>> -> memref<80xi32, #tpu.memory_space<hbm>>
        tpu.enqueue_dma source(%dma_start3A_500 : memref<80xi32, #tpu.memory_space<hbm>>) target(%dma_start3A_499 : memref<80xi32, #tpu.memory_space<vmem>>) target_semaphore(%dma_start3A_496 : memref<!tpu.dma_semaphore, #tpu.memory_space<semaphore_mem>>)
      } else {
      }
      %dma_wait3A_313 = arith.constant 0 : i32
      %dma_wait3A_314 = arith.constant 1 : i32
      %dma_wait3A_315 = arith.constant 1 : i32
      %dma_wait3A_316 = arith.constant 0 : i32
      %dma_wait3A_317 = arith.constant 0 : i32
      %dma_wait3A_318 = tpu.memref_slice %arg7[%dma_wait3A_314, %dma_wait3A_316, %dma_wait3A_317] : memref<2x80x128xf32, #tpu.memory_space<vmem>> -> memref<1x80x128xf32, #tpu.memory_space<vmem>>
      %dma_wait3A_319 = tpu.memref_squeeze %dma_wait3A_318 : memref<1x80x128xf32, #tpu.memory_space<vmem>> -> memref<80x128xf32, #tpu.memory_space<vmem>>
      %dma_wait3A_320 = arith.constant 0 : i32
      %dma_wait3A_321 = tpu.memref_slice %arg9[%dma_wait3A_313, %dma_wait3A_320] : memref<4x80xi32, #tpu.memory_space<vmem>> -> memref<1x80xi32, #tpu.memory_space<vmem>>
      %dma_wait3A_322 = tpu.memref_squeeze %dma_wait3A_321 : memref<1x80xi32, #tpu.memory_space<vmem>> -> memref<80xi32, #tpu.memory_space<vmem>>
      %dma_wait3A_323 = arith.constant 0 : i32
      %dma_wait3A_324 = arith.constant 0 : i32
      %dma_wait3A_325 = tpu.memref_slice %arg2[%dma_wait3A_323, %dma_wait3A_324] : memref<10000x128xf32, #tpu.memory_space<hbm>> -> memref<10000x128xf32, #tpu.memory_space<hbm>>
      %dma_wait3A_326 = tpu.memref_slice %arg12[%dma_wait3A_315] : memref<2x!tpu.dma_semaphore, #tpu.memory_space<semaphore_mem>> -> memref<1x!tpu.dma_semaphore, #tpu.memory_space<semaphore_mem>>
      %dma_wait3A_327 = tpu.memref_squeeze %dma_wait3A_326 : memref<1x!tpu.dma_semaphore, #tpu.memory_space<semaphore_mem>> -> memref<!tpu.dma_semaphore, #tpu.memory_space<semaphore_mem>>
      tpu.wait_indirect_dma semaphore(%dma_wait3A_327 : memref<!tpu.dma_semaphore, #tpu.memory_space<semaphore_mem>>) src(%dma_wait3A_325 : memref<10000x128xf32, #tpu.memory_space<hbm>>) dst(%dma_wait3A_319 : memref<80x128xf32, #tpu.memory_space<vmem>>)
      %dma_wait3A_328 = arith.constant 1 : i32
      %dma_wait3A_329 = arith.constant 1 : i32
      %dma_wait3A_330 = arith.constant 0 : i32
      %dma_wait3A_331 = arith.constant 0 : i32
      %dma_wait3A_332 = tpu.memref_slice %arg8[%dma_wait3A_328, %dma_wait3A_330, %dma_wait3A_331] : memref<2x80x128xf32, #tpu.memory_space<vmem>> -> memref<1x80x128xf32, #tpu.memory_space<vmem>>
      %dma_wait3A_333 = tpu.memref_squeeze %dma_wait3A_332 : memref<1x80x128xf32, #tpu.memory_space<vmem>> -> memref<80x128xf32, #tpu.memory_space<vmem>>
      %dma_wait3A_334 = arith.constant 0 : i32
      %dma_wait3A_335 = arith.constant 0 : i32
      %dma_wait3A_336 = tpu.memref_slice %arg3[%dma_wait3A_334, %dma_wait3A_335] : memref<320000x128xf32, #tpu.memory_space<hbm>> -> memref<80x128xf32, #tpu.memory_space<hbm>>
      %dma_wait3A_337 = tpu.memref_slice %arg13[%dma_wait3A_329] : memref<2x!tpu.dma_semaphore, #tpu.memory_space<semaphore_mem>> -> memref<1x!tpu.dma_semaphore, #tpu.memory_space<semaphore_mem>>
      %dma_wait3A_338 = tpu.memref_squeeze %dma_wait3A_337 : memref<1x!tpu.dma_semaphore, #tpu.memory_space<semaphore_mem>> -> memref<!tpu.dma_semaphore, #tpu.memory_space<semaphore_mem>>
      %dma_wait3A_339 = arith.constant 0 : i32
      %dma_wait3A_340 = arith.constant 0 : i32
      %dma_wait3A_341 = tpu.memref_slice %arg8[%dma_wait3A_328, %dma_wait3A_339, %dma_wait3A_340] : memref<2x80x128xf32, #tpu.memory_space<vmem>> -> memref<1x80x128xf32, #tpu.memory_space<vmem>>
      %dma_wait3A_342 = tpu.memref_squeeze %dma_wait3A_341 : memref<1x80x128xf32, #tpu.memory_space<vmem>> -> memref<80x128xf32, #tpu.memory_space<vmem>>
      %dma_wait3A_343 = arith.constant 0 : i32
      %dma_wait3A_344 = arith.constant 0 : i32
      %dma_wait3A_345 = tpu.memref_slice %arg3[%dma_wait3A_343, %dma_wait3A_344] : memref<320000x128xf32, #tpu.memory_space<hbm>> -> memref<80x128xf32, #tpu.memory_space<hbm>>
      tpu.wait_dma2 semaphore(%dma_wait3A_338 : memref<!tpu.dma_semaphore, #tpu.memory_space<semaphore_mem>>) src(%dma_wait3A_345 : memref<80x128xf32, #tpu.memory_space<hbm>>) dst(%dma_wait3A_342 : memref<80x128xf32, #tpu.memory_space<vmem>>)
      %scan3A_346 = arith.constant 0 : i32
      %scan3A_347 = arith.constant 0 : i32
      %scan3A_348 = arith.constant 80 : i32
      %scan3A_349 = arith.addi %scan3A_347, %scan3A_348 : i32
      %scan3A_350 = arith.constant 1 : i32
      scf.for %scan3A_472 = %scan3A_347 to %scan3A_349 step %scan3A_350  : i32 {
        %get3A = arith.constant 1 : i32
        %get3A_473 = arith.index_cast %get3A : i32 to index
        %get3A_474 = arith.index_cast %scan3A_472 : i32 to index
        %get3A_475 = arith.constant 0 : index
        %get3A_476 = tpu.vector_load %arg7[%get3A_473, %get3A_474, %get3A_475] {strides = array<i32>} : memref<2x80x128xf32, #tpu.memory_space<vmem>>, vector<1x1x16xf32>,
        %get3A_477 = vector.shape_cast %get3A_476 : vector<1x1x16xf32> to vector<16xf32>
        %get3A_478 = arith.constant 1 : i32
        %get3A_479 = arith.index_cast %get3A_478 : i32 to index
        %get3A_480 = arith.index_cast %scan3A_472 : i32 to index
        %get3A_481 = arith.constant 0 : index
        %get3A_482 = tpu.vector_load %arg8[%get3A_479, %get3A_480, %get3A_481] {strides = array<i32>} : memref<2x80x128xf32, #tpu.memory_space<vmem>>, vector<1x1x16xf32>,
        %get3A_483 = vector.shape_cast %get3A_482 : vector<1x1x16xf32> to vector<16xf32>
        %add3A_484 = arith.addf %get3A_477, %get3A_483 : vector<16xf32>
        %max3A = arith.constant 0.000000e+00 : f32
        %max3A_485 = vector.broadcast %max3A : f32 to vector<16xf32>
        %max3A_486 = arith.maximumf %add3A_484, %max3A_485 : vector<16xf32>
        %swap3A = arith.constant 1 : i32
        %swap3A_487 = arith.index_cast %swap3A : i32 to index
        %swap3A_488 = arith.index_cast %scan3A_472 : i32 to index
        %swap3A_489 = arith.constant 0 : index
        %swap3A_490 = tpu.vector_load %arg7[%swap3A_487, %swap3A_488, %swap3A_489] {strides = array<i32>} : memref<2x80x128xf32, #tpu.memory_space<vmem>>, vector<1x1x16xf32>,
        %swap3A_491 = vector.shape_cast %swap3A_490 : vector<1x1x16xf32> to vector<16xf32>
        %swap3A_492 = vector.shape_cast %max3A_486 : vector<16xf32> to vector<1x1x16xf32>
        tpu.vector_store %arg7[%swap3A_487, %swap3A_488, %swap3A_489], %swap3A_492 {strides = array<i32>} : memref<2x80x128xf32, #tpu.memory_space<vmem>>, vector<1x1x16xf32>,
        %get3A_493 = arith.constant 1 : i32
        %get3A_494 = arith.index_cast %get3A_493 : i32 to index
        %get3A_495 = arith.index_cast %scan3A_472 : i32 to index
        %get3A_496 = arith.constant 16 : index
        %get3A_497 = tpu.vector_load %arg7[%get3A_494, %get3A_495, %get3A_496] {strides = array<i32>} : memref<2x80x128xf32, #tpu.memory_space<vmem>>, vector<1x1x16xf32>,
        %get3A_498 = vector.shape_cast %get3A_497 : vector<1x1x16xf32> to vector<16xf32>
        %get3A_499 = arith.constant 1 : i32
        %get3A_500 = arith.index_cast %get3A_499 : i32 to index
        %get3A_501 = arith.index_cast %scan3A_472 : i32 to index
        %get3A_502 = arith.constant 16 : index
        %get3A_503 = tpu.vector_load %arg8[%get3A_500, %get3A_501, %get3A_502] {strides = array<i32>} : memref<2x80x128xf32, #tpu.memory_space<vmem>>, vector<1x1x16xf32>,
        %get3A_504 = vector.shape_cast %get3A_503 : vector<1x1x16xf32> to vector<16xf32>
        %add3A_505 = arith.addf %get3A_498, %get3A_504 : vector<16xf32>
        %max3A_506 = arith.constant 0.000000e+00 : f32
        %max3A_507 = vector.broadcast %max3A_506 : f32 to vector<16xf32>
        %max3A_508 = arith.maximumf %add3A_505, %max3A_507 : vector<16xf32>
        %swap3A_509 = arith.constant 1 : i32
        %swap3A_510 = arith.index_cast %swap3A_509 : i32 to index
        %swap3A_511 = arith.index_cast %scan3A_472 : i32 to index
        %swap3A_512 = arith.constant 16 : index
        %swap3A_513 = tpu.vector_load %arg7[%swap3A_510, %swap3A_511, %swap3A_512] {strides = array<i32>} : memref<2x80x128xf32, #tpu.memory_space<vmem>>, vector<1x1x16xf32>,
        %swap3A_514 = vector.shape_cast %swap3A_513 : vector<1x1x16xf32> to vector<16xf32>
        %swap3A_515 = vector.shape_cast %max3A_508 : vector<16xf32> to vector<1x1x16xf32>
        tpu.vector_store %arg7[%swap3A_510, %swap3A_511, %swap3A_512], %swap3A_515 {strides = array<i32>} : memref<2x80x128xf32, #tpu.memory_space<vmem>>, vector<1x1x16xf32>,
        %get3A_516 = arith.constant 1 : i32
        %get3A_517 = arith.index_cast %get3A_516 : i32 to index
        %get3A_518 = arith.index_cast %scan3A_472 : i32 to index
        %get3A_519 = arith.constant 32 : index
        %get3A_520 = tpu.vector_load %arg7[%get3A_517, %get3A_518, %get3A_519] {strides = array<i32>} : memref<2x80x128xf32, #tpu.memory_space<vmem>>, vector<1x1x16xf32>,
        %get3A_521 = vector.shape_cast %get3A_520 : vector<1x1x16xf32> to vector<16xf32>
        %get3A_522 = arith.constant 1 : i32
        %get3A_523 = arith.index_cast %get3A_522 : i32 to index
        %get3A_524 = arith.index_cast %scan3A_472 : i32 to index
        %get3A_525 = arith.constant 32 : index
        %get3A_526 = tpu.vector_load %arg8[%get3A_523, %get3A_524, %get3A_525] {strides = array<i32>} : memref<2x80x128xf32, #tpu.memory_space<vmem>>, vector<1x1x16xf32>,
        %get3A_527 = vector.shape_cast %get3A_526 : vector<1x1x16xf32> to vector<16xf32>
        %add3A_528 = arith.addf %get3A_521, %get3A_527 : vector<16xf32>
        %max3A_529 = arith.constant 0.000000e+00 : f32
        %max3A_530 = vector.broadcast %max3A_529 : f32 to vector<16xf32>
        %max3A_531 = arith.maximumf %add3A_528, %max3A_530 : vector<16xf32>
        %swap3A_532 = arith.constant 1 : i32
        %swap3A_533 = arith.index_cast %swap3A_532 : i32 to index
        %swap3A_534 = arith.index_cast %scan3A_472 : i32 to index
        %swap3A_535 = arith.constant 32 : index
        %swap3A_536 = tpu.vector_load %arg7[%swap3A_533, %swap3A_534, %swap3A_535] {strides = array<i32>} : memref<2x80x128xf32, #tpu.memory_space<vmem>>, vector<1x1x16xf32>,
        %swap3A_537 = vector.shape_cast %swap3A_536 : vector<1x1x16xf32> to vector<16xf32>
        %swap3A_538 = vector.shape_cast %max3A_531 : vector<16xf32> to vector<1x1x16xf32>
        tpu.vector_store %arg7[%swap3A_533, %swap3A_534, %swap3A_535], %swap3A_538 {strides = array<i32>} : memref<2x80x128xf32, #tpu.memory_space<vmem>>, vector<1x1x16xf32>,
        %get3A_539 = arith.constant 1 : i32
        %get3A_540 = arith.index_cast %get3A_539 : i32 to index
        %get3A_541 = arith.index_cast %scan3A_472 : i32 to index
        %get3A_542 = arith.constant 48 : index
        %get3A_543 = tpu.vector_load %arg7[%get3A_540, %get3A_541, %get3A_542] {strides = array<i32>} : memref<2x80x128xf32, #tpu.memory_space<vmem>>, vector<1x1x16xf32>,
        %get3A_544 = vector.shape_cast %get3A_543 : vector<1x1x16xf32> to vector<16xf32>
        %get3A_545 = arith.constant 1 : i32
        %get3A_546 = arith.index_cast %get3A_545 : i32 to index
        %get3A_547 = arith.index_cast %scan3A_472 : i32 to index
        %get3A_548 = arith.constant 48 : index
        %get3A_549 = tpu.vector_load %arg8[%get3A_546, %get3A_547, %get3A_548] {strides = array<i32>} : memref<2x80x128xf32, #tpu.memory_space<vmem>>, vector<1x1x16xf32>,
        %get3A_550 = vector.shape_cast %get3A_549 : vector<1x1x16xf32> to vector<16xf32>
        %add3A_551 = arith.addf %get3A_544, %get3A_550 : vector<16xf32>
        %max3A_552 = arith.constant 0.000000e+00 : f32
        %max3A_553 = vector.broadcast %max3A_552 : f32 to vector<16xf32>
        %max3A_554 = arith.maximumf %add3A_551, %max3A_553 : vector<16xf32>
        %swap3A_555 = arith.constant 1 : i32
        %swap3A_556 = arith.index_cast %swap3A_555 : i32 to index
        %swap3A_557 = arith.index_cast %scan3A_472 : i32 to index
        %swap3A_558 = arith.constant 48 : index
        %swap3A_559 = tpu.vector_load %arg7[%swap3A_556, %swap3A_557, %swap3A_558] {strides = array<i32>} : memref<2x80x128xf32, #tpu.memory_space<vmem>>, vector<1x1x16xf32>,
        %swap3A_560 = vector.shape_cast %swap3A_559 : vector<1x1x16xf32> to vector<16xf32>
        %swap3A_561 = vector.shape_cast %max3A_554 : vector<16xf32> to vector<1x1x16xf32>
        tpu.vector_store %arg7[%swap3A_556, %swap3A_557, %swap3A_558], %swap3A_561 {strides = array<i32>} : memref<2x80x128xf32, #tpu.memory_space<vmem>>, vector<1x1x16xf32>,
        %get3A_562 = arith.constant 1 : i32
        %get3A_563 = arith.index_cast %get3A_562 : i32 to index
        %get3A_564 = arith.index_cast %scan3A_472 : i32 to index
        %get3A_565 = arith.constant 64 : index
        %get3A_566 = tpu.vector_load %arg7[%get3A_563, %get3A_564, %get3A_565] {strides = array<i32>} : memref<2x80x128xf32, #tpu.memory_space<vmem>>, vector<1x1x16xf32>,
        %get3A_567 = vector.shape_cast %get3A_566 : vector<1x1x16xf32> to vector<16xf32>
        %get3A_568 = arith.constant 1 : i32
        %get3A_569 = arith.index_cast %get3A_568 : i32 to index
        %get3A_570 = arith.index_cast %scan3A_472 : i32 to index
        %get3A_571 = arith.constant 64 : index
        %get3A_572 = tpu.vector_load %arg8[%get3A_569, %get3A_570, %get3A_571] {strides = array<i32>} : memref<2x80x128xf32, #tpu.memory_space<vmem>>, vector<1x1x16xf32>,
        %get3A_573 = vector.shape_cast %get3A_572 : vector<1x1x16xf32> to vector<16xf32>
        %add3A_574 = arith.addf %get3A_567, %get3A_573 : vector<16xf32>
        %max3A_575 = arith.constant 0.000000e+00 : f32
        %max3A_576 = vector.broadcast %max3A_575 : f32 to vector<16xf32>
        %max3A_577 = arith.maximumf %add3A_574, %max3A_576 : vector<16xf32>
        %swap3A_578 = arith.constant 1 : i32
        %swap3A_579 = arith.index_cast %swap3A_578 : i32 to index
        %swap3A_580 = arith.index_cast %scan3A_472 : i32 to index
        %swap3A_581 = arith.constant 64 : index
        %swap3A_582 = tpu.vector_load %arg7[%swap3A_579, %swap3A_580, %swap3A_581] {strides = array<i32>} : memref<2x80x128xf32, #tpu.memory_space<vmem>>, vector<1x1x16xf32>,
        %swap3A_583 = vector.shape_cast %swap3A_582 : vector<1x1x16xf32> to vector<16xf32>
        %swap3A_584 = vector.shape_cast %max3A_577 : vector<16xf32> to vector<1x1x16xf32>
        tpu.vector_store %arg7[%swap3A_579, %swap3A_580, %swap3A_581], %swap3A_584 {strides = array<i32>} : memref<2x80x128xf32, #tpu.memory_space<vmem>>, vector<1x1x16xf32>,
        %get3A_585 = arith.constant 1 : i32
        %get3A_586 = arith.index_cast %get3A_585 : i32 to index
        %get3A_587 = arith.index_cast %scan3A_472 : i32 to index
        %get3A_588 = arith.constant 80 : index
        %get3A_589 = tpu.vector_load %arg7[%get3A_586, %get3A_587, %get3A_588] {strides = array<i32>} : memref<2x80x128xf32, #tpu.memory_space<vmem>>, vector<1x1x16xf32>,
        %get3A_590 = vector.shape_cast %get3A_589 : vector<1x1x16xf32> to vector<16xf32>
        %get3A_591 = arith.constant 1 : i32
        %get3A_592 = arith.index_cast %get3A_591 : i32 to index
        %get3A_593 = arith.index_cast %scan3A_472 : i32 to index
        %get3A_594 = arith.constant 80 : index
        %get3A_595 = tpu.vector_load %arg8[%get3A_592, %get3A_593, %get3A_594] {strides = array<i32>} : memref<2x80x128xf32, #tpu.memory_space<vmem>>, vector<1x1x16xf32>,
        %get3A_596 = vector.shape_cast %get3A_595 : vector<1x1x16xf32> to vector<16xf32>
        %add3A_597 = arith.addf %get3A_590, %get3A_596 : vector<16xf32>
        %max3A_598 = arith.constant 0.000000e+00 : f32
        %max3A_599 = vector.broadcast %max3A_598 : f32 to vector<16xf32>
        %max3A_600 = arith.maximumf %add3A_597, %max3A_599 : vector<16xf32>
        %swap3A_601 = arith.constant 1 : i32
        %swap3A_602 = arith.index_cast %swap3A_601 : i32 to index
        %swap3A_603 = arith.index_cast %scan3A_472 : i32 to index
        %swap3A_604 = arith.constant 80 : index
        %swap3A_605 = tpu.vector_load %arg7[%swap3A_602, %swap3A_603, %swap3A_604] {strides = array<i32>} : memref<2x80x128xf32, #tpu.memory_space<vmem>>, vector<1x1x16xf32>,
        %swap3A_606 = vector.shape_cast %swap3A_605 : vector<1x1x16xf32> to vector<16xf32>
        %swap3A_607 = vector.shape_cast %max3A_600 : vector<16xf32> to vector<1x1x16xf32>
        tpu.vector_store %arg7[%swap3A_602, %swap3A_603, %swap3A_604], %swap3A_607 {strides = array<i32>} : memref<2x80x128xf32, #tpu.memory_space<vmem>>, vector<1x1x16xf32>,
        %get3A_608 = arith.constant 1 : i32
        %get3A_609 = arith.index_cast %get3A_608 : i32 to index
        %get3A_610 = arith.index_cast %scan3A_472 : i32 to index
        %get3A_611 = arith.constant 96 : index
        %get3A_612 = tpu.vector_load %arg7[%get3A_609, %get3A_610, %get3A_611] {strides = array<i32>} : memref<2x80x128xf32, #tpu.memory_space<vmem>>, vector<1x1x16xf32>,
        %get3A_613 = vector.shape_cast %get3A_612 : vector<1x1x16xf32> to vector<16xf32>
        %get3A_614 = arith.constant 1 : i32
        %get3A_615 = arith.index_cast %get3A_614 : i32 to index
        %get3A_616 = arith.index_cast %scan3A_472 : i32 to index
        %get3A_617 = arith.constant 96 : index
        %get3A_618 = tpu.vector_load %arg8[%get3A_615, %get3A_616, %get3A_617] {strides = array<i32>} : memref<2x80x128xf32, #tpu.memory_space<vmem>>, vector<1x1x16xf32>,
        %get3A_619 = vector.shape_cast %get3A_618 : vector<1x1x16xf32> to vector<16xf32>
        %add3A_620 = arith.addf %get3A_613, %get3A_619 : vector<16xf32>
        %max3A_621 = arith.constant 0.000000e+00 : f32
        %max3A_622 = vector.broadcast %max3A_621 : f32 to vector<16xf32>
        %max3A_623 = arith.maximumf %add3A_620, %max3A_622 : vector<16xf32>
        %swap3A_624 = arith.constant 1 : i32
        %swap3A_625 = arith.index_cast %swap3A_624 : i32 to index
        %swap3A_626 = arith.index_cast %scan3A_472 : i32 to index
        %swap3A_627 = arith.constant 96 : index
        %swap3A_628 = tpu.vector_load %arg7[%swap3A_625, %swap3A_626, %swap3A_627] {strides = array<i32>} : memref<2x80x128xf32, #tpu.memory_space<vmem>>, vector<1x1x16xf32>,
        %swap3A_629 = vector.shape_cast %swap3A_628 : vector<1x1x16xf32> to vector<16xf32>
        %swap3A_630 = vector.shape_cast %max3A_623 : vector<16xf32> to vector<1x1x16xf32>
        tpu.vector_store %arg7[%swap3A_625, %swap3A_626, %swap3A_627], %swap3A_630 {strides = array<i32>} : memref<2x80x128xf32, #tpu.memory_space<vmem>>, vector<1x1x16xf32>,
        %get3A_631 = arith.constant 1 : i32
        %get3A_632 = arith.index_cast %get3A_631 : i32 to index
        %get3A_633 = arith.index_cast %scan3A_472 : i32 to index
        %get3A_634 = arith.constant 112 : index
        %get3A_635 = tpu.vector_load %arg7[%get3A_632, %get3A_633, %get3A_634] {strides = array<i32>} : memref<2x80x128xf32, #tpu.memory_space<vmem>>, vector<1x1x16xf32>,
        %get3A_636 = vector.shape_cast %get3A_635 : vector<1x1x16xf32> to vector<16xf32>
        %get3A_637 = arith.constant 1 : i32
        %get3A_638 = arith.index_cast %get3A_637 : i32 to index
        %get3A_639 = arith.index_cast %scan3A_472 : i32 to index
        %get3A_640 = arith.constant 112 : index
        %get3A_641 = tpu.vector_load %arg8[%get3A_638, %get3A_639, %get3A_640] {strides = array<i32>} : memref<2x80x128xf32, #tpu.memory_space<vmem>>, vector<1x1x16xf32>,
        %get3A_642 = vector.shape_cast %get3A_641 : vector<1x1x16xf32> to vector<16xf32>
        %add3A_643 = arith.addf %get3A_636, %get3A_642 : vector<16xf32>
        %max3A_644 = arith.constant 0.000000e+00 : f32
        %max3A_645 = vector.broadcast %max3A_644 : f32 to vector<16xf32>
        %max3A_646 = arith.maximumf %add3A_643, %max3A_645 : vector<16xf32>
        %swap3A_647 = arith.constant 1 : i32
        %swap3A_648 = arith.index_cast %swap3A_647 : i32 to index
        %swap3A_649 = arith.index_cast %scan3A_472 : i32 to index
        %swap3A_650 = arith.constant 112 : index
        %swap3A_651 = tpu.vector_load %arg7[%swap3A_648, %swap3A_649, %swap3A_650] {strides = array<i32>} : memref<2x80x128xf32, #tpu.memory_space<vmem>>, vector<1x1x16xf32>,
        %swap3A_652 = vector.shape_cast %swap3A_651 : vector<1x1x16xf32> to vector<16xf32>
        %swap3A_653 = vector.shape_cast %max3A_646 : vector<16xf32> to vector<1x1x16xf32>
        tpu.vector_store %arg7[%swap3A_648, %swap3A_649, %swap3A_650], %swap3A_653 {strides = array<i32>} : memref<2x80x128xf32, #tpu.memory_space<vmem>>, vector<1x1x16xf32>,
      }
      %scan3A_351 = arith.constant 80 : i32
      %run_scoped3A_352 = arith.constant 1 : i32
      %run_scoped3A_353 = arith.constant 1 : i32
      "tpu.region"() ({
        %run_scoped3A_472 = tpu.sem_alloc : memref<!tpu.dma_semaphore, #tpu.memory_space<semaphore_mem>>
        %dma_start3A_473 = arith.constant 0 : i32
        %dma_start3A_474 = arith.constant 0 : i32
        %dma_start3A_475 = tpu.memref_slice %arg7[%run_scoped3A_352, %dma_start3A_473, %dma_start3A_474] : memref<2x80x128xf32, #tpu.memory_space<vmem>> -> memref<1x80x128xf32, #tpu.memory_space<vmem>>
        %dma_start3A_476 = tpu.memref_squeeze %dma_start3A_475 : memref<1x80x128xf32, #tpu.memory_space<vmem>> -> memref<80x128xf32, #tpu.memory_space<vmem>>
        %dma_start3A_477 = arith.constant 0 : i32
        %dma_start3A_478 = tpu.memref_slice %arg10[%run_scoped3A_353, %dma_start3A_477] : memref<4x80xi32, #tpu.memory_space<vmem>> -> memref<1x80xi32, #tpu.memory_space<vmem>>
        %dma_start3A_479 = tpu.memref_squeeze %dma_start3A_478 : memref<1x80xi32, #tpu.memory_space<vmem>> -> memref<80xi32, #tpu.memory_space<vmem>>
        %dma_start3A_480 = arith.constant 0 : i32
        %dma_start3A_481 = arith.constant 0 : i32
        %dma_start3A_482 = tpu.memref_slice %arg11[%dma_start3A_480, %dma_start3A_481] : memref<10240x128xf32, #tpu.memory_space<vmem_shared>> -> memref<10240x128xf32, #tpu.memory_space<vmem_shared>>
        tpu.enqueue_indirect_dma source(%dma_start3A_476 : memref<80x128xf32, #tpu.memory_space<vmem>>) target(%dma_start3A_482 : memref<10240x128xf32, #tpu.memory_space<vmem_shared>>) offsets(%dma_start3A_479 : memref<80xi32, #tpu.memory_space<vmem>>) semaphore(%run_scoped3A_472 : memref<!tpu.dma_semaphore, #tpu.memory_space<semaphore_mem>>) {add = true}
        %dma_wait3A_483 = arith.constant 0 : i32
        %dma_wait3A_484 = arith.constant 0 : i32
        %dma_wait3A_485 = tpu.memref_slice %arg7[%run_scoped3A_352, %dma_wait3A_483, %dma_wait3A_484] : memref<2x80x128xf32, #tpu.memory_space<vmem>> -> memref<1x80x128xf32, #tpu.memory_space<vmem>>
        %dma_wait3A_486 = tpu.memref_squeeze %dma_wait3A_485 : memref<1x80x128xf32, #tpu.memory_space<vmem>> -> memref<80x128xf32, #tpu.memory_space<vmem>>
        %dma_wait3A_487 = arith.constant 0 : i32
        %dma_wait3A_488 = tpu.memref_slice %arg10[%run_scoped3A_353, %dma_wait3A_487] : memref<4x80xi32, #tpu.memory_space<vmem>> -> memref<1x80xi32, #tpu.memory_space<vmem>>
        %dma_wait3A_489 = tpu.memref_squeeze %dma_wait3A_488 : memref<1x80xi32, #tpu.memory_space<vmem>> -> memref<80xi32, #tpu.memory_space<vmem>>
        %dma_wait3A_490 = arith.constant 0 : i32
        %dma_wait3A_491 = arith.constant 0 : i32
        %dma_wait3A_492 = tpu.memref_slice %arg11[%dma_wait3A_490, %dma_wait3A_491] : memref<10240x128xf32, #tpu.memory_space<vmem_shared>> -> memref<10240x128xf32, #tpu.memory_space<vmem_shared>>
        tpu.wait_indirect_dma semaphore(%run_scoped3A_472 : memref<!tpu.dma_semaphore, #tpu.memory_space<semaphore_mem>>) src(%dma_wait3A_486 : memref<80x128xf32, #tpu.memory_space<vmem>>) dst(%dma_wait3A_492 : memref<10240x128xf32, #tpu.memory_space<vmem_shared>>)
        tpu.yield
      }) : () -> ()
      %mul3A_354 = arith.constant 4 : i32
      %mul3A_355 = arith.muli %scan3A_238, %mul3A_354 : i32
      %add3A_356 = arith.constant 2 : i32
      %add3A_357 = arith.addi %mul3A_355, %add3A_356 : i32
      %add3A_358 = arith.constant 1 : i32
      %add3A_359 = arith.addi %add3A_357, %add3A_358 : i32
      %lt3A_360 = arith.constant 125 : i32
      %lt3A_361 = arith.cmpi slt, %add3A_359, %lt3A_360 : i32
      %convert_element_type3A_362 = arith.extui %lt3A_361 : i1 to i32
      %cond3A_363 = arith.constant 0 : i32
      %cond3A_364 = arith.cmpi ne, %convert_element_type3A_362, %cond3A_363 : i32
      scf.if %cond3A_364 {
        %dma_wait3A_472 = arith.constant 3 : i32
        %dma_wait3A_473 = arith.constant 3 : i32
        %dma_wait3A_474 = arith.constant 0 : i32
        %dma_wait3A_475 = tpu.memref_slice %arg9[%dma_wait3A_472, %dma_wait3A_474] : memref<4x80xi32, #tpu.memory_space<vmem>> -> memref<1x80xi32, #tpu.memory_space<vmem>>
        %dma_wait3A_476 = tpu.memref_squeeze %dma_wait3A_475 : memref<1x80xi32, #tpu.memory_space<vmem>> -> memref<80xi32, #tpu.memory_space<vmem>>
        %dma_wait3A_477 = arith.constant 0 : i32
        %dma_wait3A_478 = tpu.memref_slice %arg4[%dma_wait3A_477] : memref<320000xi32, #tpu.memory_space<hbm>> -> memref<80xi32, #tpu.memory_space<hbm>>
        %dma_wait3A_479 = tpu.memref_slice %arg14[%dma_wait3A_473] : memref<4x!tpu.dma_semaphore, #tpu.memory_space<semaphore_mem>> -> memref<1x!tpu.dma_semaphore, #tpu.memory_space<semaphore_mem>>
        %dma_wait3A_480 = tpu.memref_squeeze %dma_wait3A_479 : memref<1x!tpu.dma_semaphore, #tpu.memory_space<semaphore_mem>> -> memref<!tpu.dma_semaphore, #tpu.memory_space<semaphore_mem>>
        %dma_wait3A_481 = arith.constant 0 : i32
        %dma_wait3A_482 = tpu.memref_slice %arg9[%dma_wait3A_472, %dma_wait3A_481] : memref<4x80xi32, #tpu.memory_space<vmem>> -> memref<1x80xi32, #tpu.memory_space<vmem>>
        %dma_wait3A_483 = tpu.memref_squeeze %dma_wait3A_482 : memref<1x80xi32, #tpu.memory_space<vmem>> -> memref<80xi32, #tpu.memory_space<vmem>>
        %dma_wait3A_484 = arith.constant 0 : i32
        %dma_wait3A_485 = tpu.memref_slice %arg4[%dma_wait3A_484] : memref<320000xi32, #tpu.memory_space<hbm>> -> memref<80xi32, #tpu.memory_space<hbm>>
        tpu.wait_dma2 semaphore(%dma_wait3A_480 : memref<!tpu.dma_semaphore, #tpu.memory_space<semaphore_mem>>) src(%dma_wait3A_485 : memref<80xi32, #tpu.memory_space<hbm>>) dst(%dma_wait3A_483 : memref<80xi32, #tpu.memory_space<vmem>>)
        %dma_wait3A_486 = arith.constant 3 : i32
        %dma_wait3A_487 = arith.constant 3 : i32
        %dma_wait3A_488 = arith.constant 0 : i32
        %dma_wait3A_489 = tpu.memref_slice %arg10[%dma_wait3A_486, %dma_wait3A_488] : memref<4x80xi32, #tpu.memory_space<vmem>> -> memref<1x80xi32, #tpu.memory_space<vmem>>
        %dma_wait3A_490 = tpu.memref_squeeze %dma_wait3A_489 : memref<1x80xi32, #tpu.memory_space<vmem>> -> memref<80xi32, #tpu.memory_space<vmem>>
        %dma_wait3A_491 = arith.constant 0 : i32
        %dma_wait3A_492 = tpu.memref_slice %arg5[%dma_wait3A_491] : memref<320000xi32, #tpu.memory_space<hbm>> -> memref<80xi32, #tpu.memory_space<hbm>>
        %dma_wait3A_493 = tpu.memref_slice %arg14[%dma_wait3A_487] : memref<4x!tpu.dma_semaphore, #tpu.memory_space<semaphore_mem>> -> memref<1x!tpu.dma_semaphore, #tpu.memory_space<semaphore_mem>>
        %dma_wait3A_494 = tpu.memref_squeeze %dma_wait3A_493 : memref<1x!tpu.dma_semaphore, #tpu.memory_space<semaphore_mem>> -> memref<!tpu.dma_semaphore, #tpu.memory_space<semaphore_mem>>
        %dma_wait3A_495 = arith.constant 0 : i32
        %dma_wait3A_496 = tpu.memref_slice %arg10[%dma_wait3A_486, %dma_wait3A_495] : memref<4x80xi32, #tpu.memory_space<vmem>> -> memref<1x80xi32, #tpu.memory_space<vmem>>
        %dma_wait3A_497 = tpu.memref_squeeze %dma_wait3A_496 : memref<1x80xi32, #tpu.memory_space<vmem>> -> memref<80xi32, #tpu.memory_space<vmem>>
        %dma_wait3A_498 = arith.constant 0 : i32
        %dma_wait3A_499 = tpu.memref_slice %arg5[%dma_wait3A_498] : memref<320000xi32, #tpu.memory_space<hbm>> -> memref<80xi32, #tpu.memory_space<hbm>>
        tpu.wait_dma2 semaphore(%dma_wait3A_494 : memref<!tpu.dma_semaphore, #tpu.memory_space<semaphore_mem>>) src(%dma_wait3A_499 : memref<80xi32, #tpu.memory_space<hbm>>) dst(%dma_wait3A_497 : memref<80xi32, #tpu.memory_space<vmem>>)
        %add3A_500 = arith.addi %mul3A_32, %add3A_357 : i32
        %add3A_501 = arith.constant 1 : i32
        %add3A_502 = arith.addi %add3A_500, %add3A_501 : i32
        %dma_start3A_503 = arith.constant 3 : i32
        %dma_start3A_504 = arith.constant 1 : i32
        %dma_start3A_505 = arith.constant 1 : i32
        %dma_start3A_506 = arith.constant 0 : i32
        %dma_start3A_507 = arith.constant 0 : i32
        %dma_start3A_508 = tpu.memref_slice %arg7[%dma_start3A_504, %dma_start3A_506, %dma_start3A_507] : memref<2x80x128xf32, #tpu.memory_space<vmem>> -> memref<1x80x128xf32, #tpu.memory_space<vmem>>
        %dma_start3A_509 = tpu.memref_squeeze %dma_start3A_508 : memref<1x80x128xf32, #tpu.memory_space<vmem>> -> memref<80x128xf32, #tpu.memory_space<vmem>>
        %dma_start3A_510 = arith.constant 0 : i32
        %dma_start3A_511 = tpu.memref_slice %arg9[%dma_start3A_503, %dma_start3A_510] : memref<4x80xi32, #tpu.memory_space<vmem>> -> memref<1x80xi32, #tpu.memory_space<vmem>>
        %dma_start3A_512 = tpu.memref_squeeze %dma_start3A_511 : memref<1x80xi32, #tpu.memory_space<vmem>> -> memref<80xi32, #tpu.memory_space<vmem>>
        %dma_start3A_513 = arith.constant 0 : i32
        %dma_start3A_514 = arith.constant 0 : i32
        %dma_start3A_515 = tpu.memref_slice %arg2[%dma_start3A_513, %dma_start3A_514] : memref<10000x128xf32, #tpu.memory_space<hbm>> -> memref<10000x128xf32, #tpu.memory_space<hbm>>
        %dma_start3A_516 = tpu.memref_slice %arg12[%dma_start3A_505] : memref<2x!tpu.dma_semaphore, #tpu.memory_space<semaphore_mem>> -> memref<1x!tpu.dma_semaphore, #tpu.memory_space<semaphore_mem>>
        %dma_start3A_517 = tpu.memref_squeeze %dma_start3A_516 : memref<1x!tpu.dma_semaphore, #tpu.memory_space<semaphore_mem>> -> memref<!tpu.dma_semaphore, #tpu.memory_space<semaphore_mem>>
        tpu.enqueue_indirect_dma source(%dma_start3A_515 : memref<10000x128xf32, #tpu.memory_space<hbm>>) target(%dma_start3A_509 : memref<80x128xf32, #tpu.memory_space<vmem>>) offsets(%dma_start3A_512 : memref<80xi32, #tpu.memory_space<vmem>>) semaphore(%dma_start3A_517 : memref<!tpu.dma_semaphore, #tpu.memory_space<semaphore_mem>>)
        %mul3A_518 = arith.constant 80 : i32
        %mul3A_519 = arith.muli %add3A_502, %mul3A_518 : i32
        %dma_start3A_520 = arith.constant 1 : i32
        %dma_start3A_521 = arith.constant 1 : i32
        %dma_start3A_522 = arith.constant 0 : i32
        %dma_start3A_523 = arith.constant 0 : i32
        %dma_start3A_524 = tpu.memref_slice %arg8[%dma_start3A_520, %dma_start3A_522, %dma_start3A_523] : memref<2x80x128xf32, #tpu.memory_space<vmem>> -> memref<1x80x128xf32, #tpu.memory_space<vmem>>
        %dma_start3A_525 = tpu.memref_squeeze %dma_start3A_524 : memref<1x80x128xf32, #tpu.memory_space<vmem>> -> memref<80x128xf32, #tpu.memory_space<vmem>>
        %dma_start3A_526 = arith.constant 0 : i32
        %dma_start3A_527 = tpu.memref_slice %arg3[%mul3A_519, %dma_start3A_526] : memref<320000x128xf32, #tpu.memory_space<hbm>> -> memref<80x128xf32, #tpu.memory_space<hbm>>
        %dma_start3A_528 = tpu.memref_slice %arg13[%dma_start3A_521] : memref<2x!tpu.dma_semaphore, #tpu.memory_space<semaphore_mem>> -> memref<1x!tpu.dma_semaphore, #tpu.memory_space<semaphore_mem>>
        %dma_start3A_529 = tpu.memref_squeeze %dma_start3A_528 : memref<1x!tpu.dma_semaphore, #tpu.memory_space<semaphore_mem>> -> memref<!tpu.dma_semaphore, #tpu.memory_space<semaphore_mem>>
        %dma_start3A_530 = arith.constant 0 : i32
        %dma_start3A_531 = arith.constant 0 : i32
        %dma_start3A_532 = tpu.memref_slice %arg8[%dma_start3A_520, %dma_start3A_530, %dma_start3A_531] : memref<2x80x128xf32, #tpu.memory_space<vmem>> -> memref<1x80x128xf32, #tpu.memory_space<vmem>>
        %dma_start3A_533 = tpu.memref_squeeze %dma_start3A_532 : memref<1x80x128xf32, #tpu.memory_space<vmem>> -> memref<80x128xf32, #tpu.memory_space<vmem>>
        %dma_start3A_534 = arith.constant 0 : i32
        %dma_start3A_535 = tpu.memref_slice %arg3[%mul3A_519, %dma_start3A_534] : memref<320000x128xf32, #tpu.memory_space<hbm>> -> memref<80x128xf32, #tpu.memory_space<hbm>>
        tpu.enqueue_dma source(%dma_start3A_535 : memref<80x128xf32, #tpu.memory_space<hbm>>) target(%dma_start3A_533 : memref<80x128xf32, #tpu.memory_space<vmem>>) target_semaphore(%dma_start3A_529 : memref<!tpu.dma_semaphore, #tpu.memory_space<semaphore_mem>>)
      } else {
      }
      %add3A_365 = arith.constant 2 : i32
      %add3A_366 = arith.addi %add3A_357, %add3A_365 : i32
      %lt3A_367 = arith.constant 125 : i32
      %lt3A_368 = arith.cmpi slt, %add3A_366, %lt3A_367 : i32
      %convert_element_type3A_369 = arith.extui %lt3A_368 : i1 to i32
      %cond3A_370 = arith.constant 0 : i32
      %cond3A_371 = arith.cmpi ne, %convert_element_type3A_369, %cond3A_370 : i32
      scf.if %cond3A_371 {
        %add3A_472 = arith.addi %mul3A_32, %add3A_357 : i32
        %add3A_473 = arith.constant 2 : i32
        %add3A_474 = arith.addi %add3A_472, %add3A_473 : i32
        %mul3A_475 = arith.constant 80 : i32
        %mul3A_476 = arith.muli %add3A_474, %mul3A_475 : i32
        %dma_start3A_477 = arith.constant 0 : i32
        %dma_start3A_478 = arith.constant 0 : i32
        %dma_start3A_479 = arith.constant 0 : i32
        %dma_start3A_480 = tpu.memref_slice %arg9[%dma_start3A_477, %dma_start3A_479] : memref<4x80xi32, #tpu.memory_space<vmem>> -> memref<1x80xi32, #tpu.memory_space<vmem>>
        %dma_start3A_481 = tpu.memref_squeeze %dma_start3A_480 : memref<1x80xi32, #tpu.memory_space<vmem>> -> memref<80xi32, #tpu.memory_space<vmem>>
        %dma_start3A_482 = tpu.memref_slice %arg4[%mul3A_476] : memref<320000xi32, #tpu.memory_space<hbm>> -> memref<80xi32, #tpu.memory_space<hbm>>
        %dma_start3A_483 = tpu.memref_slice %arg14[%dma_start3A_478] : memref<4x!tpu.dma_semaphore, #tpu.memory_space<semaphore_mem>> -> memref<1x!tpu.dma_semaphore, #tpu.memory_space<semaphore_mem>>
        %dma_start3A_484 = tpu.memref_squeeze %dma_start3A_483 : memref<1x!tpu.dma_semaphore, #tpu.memory_space<semaphore_mem>> -> memref<!tpu.dma_semaphore, #tpu.memory_space<semaphore_mem>>
        %dma_start3A_485 = arith.constant 0 : i32
        %dma_start3A_486 = tpu.memref_slice %arg9[%dma_start3A_477, %dma_start3A_485] : memref<4x80xi32, #tpu.memory_space<vmem>> -> memref<1x80xi32, #tpu.memory_space<vmem>>
        %dma_start3A_487 = tpu.memref_squeeze %dma_start3A_486 : memref<1x80xi32, #tpu.memory_space<vmem>> -> memref<80xi32, #tpu.memory_space<vmem>>
        %dma_start3A_488 = tpu.memref_slice %arg4[%mul3A_476] : memref<320000xi32, #tpu.memory_space<hbm>> -> memref<80xi32, #tpu.memory_space<hbm>>
        tpu.enqueue_dma source(%dma_start3A_488 : memref<80xi32, #tpu.memory_space<hbm>>) target(%dma_start3A_487 : memref<80xi32, #tpu.memory_space<vmem>>) target_semaphore(%dma_start3A_484 : memref<!tpu.dma_semaphore, #tpu.memory_space<semaphore_mem>>)
        %dma_start3A_489 = arith.constant 0 : i32
        %dma_start3A_490 = arith.constant 0 : i32
        %dma_start3A_491 = arith.constant 0 : i32
        %dma_start3A_492 = tpu.memref_slice %arg10[%dma_start3A_489, %dma_start3A_491] : memref<4x80xi32, #tpu.memory_space<vmem>> -> memref<1x80xi32, #tpu.memory_space<vmem>>
        %dma_start3A_493 = tpu.memref_squeeze %dma_start3A_492 : memref<1x80xi32, #tpu.memory_space<vmem>> -> memref<80xi32, #tpu.memory_space<vmem>>
        %dma_start3A_494 = tpu.memref_slice %arg5[%mul3A_476] : memref<320000xi32, #tpu.memory_space<hbm>> -> memref<80xi32, #tpu.memory_space<hbm>>
        %dma_start3A_495 = tpu.memref_slice %arg14[%dma_start3A_490] : memref<4x!tpu.dma_semaphore, #tpu.memory_space<semaphore_mem>> -> memref<1x!tpu.dma_semaphore, #tpu.memory_space<semaphore_mem>>
        %dma_start3A_496 = tpu.memref_squeeze %dma_start3A_495 : memref<1x!tpu.dma_semaphore, #tpu.memory_space<semaphore_mem>> -> memref<!tpu.dma_semaphore, #tpu.memory_space<semaphore_mem>>
        %dma_start3A_497 = arith.constant 0 : i32
        %dma_start3A_498 = tpu.memref_slice %arg10[%dma_start3A_489, %dma_start3A_497] : memref<4x80xi32, #tpu.memory_space<vmem>> -> memref<1x80xi32, #tpu.memory_space<vmem>>
        %dma_start3A_499 = tpu.memref_squeeze %dma_start3A_498 : memref<1x80xi32, #tpu.memory_space<vmem>> -> memref<80xi32, #tpu.memory_space<vmem>>
        %dma_start3A_500 = tpu.memref_slice %arg5[%mul3A_476] : memref<320000xi32, #tpu.memory_space<hbm>> -> memref<80xi32, #tpu.memory_space<hbm>>
        tpu.enqueue_dma source(%dma_start3A_500 : memref<80xi32, #tpu.memory_space<hbm>>) target(%dma_start3A_499 : memref<80xi32, #tpu.memory_space<vmem>>) target_semaphore(%dma_start3A_496 : memref<!tpu.dma_semaphore, #tpu.memory_space<semaphore_mem>>)
      } else {
      }
      %dma_wait3A_372 = arith.constant 0 : i32
      %dma_wait3A_373 = arith.constant 0 : i32
      %dma_wait3A_374 = arith.constant 0 : i32
      %dma_wait3A_375 = arith.constant 0 : i32
      %dma_wait3A_376 = arith.constant 0 : i32
      %dma_wait3A_377 = tpu.memref_slice %arg7[%dma_wait3A_373, %dma_wait3A_375, %dma_wait3A_376] : memref<2x80x128xf32, #tpu.memory_space<vmem>> -> memref<1x80x128xf32, #tpu.memory_space<vmem>>
      %dma_wait3A_378 = tpu.memref_squeeze %dma_wait3A_377 : memref<1x80x128xf32, #tpu.memory_space<vmem>> -> memref<80x128xf32, #tpu.memory_space<vmem>>
      %dma_wait3A_379 = arith.constant 0 : i32
      %dma_wait3A_380 = tpu.memref_slice %arg9[%dma_wait3A_372, %dma_wait3A_379] : memref<4x80xi32, #tpu.memory_space<vmem>> -> memref<1x80xi32, #tpu.memory_space<vmem>>
      %dma_wait3A_381 = tpu.memref_squeeze %dma_wait3A_380 : memref<1x80xi32, #tpu.memory_space<vmem>> -> memref<80xi32, #tpu.memory_space<vmem>>
      %dma_wait3A_382 = arith.constant 0 : i32
      %dma_wait3A_383 = arith.constant 0 : i32
      %dma_wait3A_384 = tpu.memref_slice %arg2[%dma_wait3A_382, %dma_wait3A_383] : memref<10000x128xf32, #tpu.memory_space<hbm>> -> memref<10000x128xf32, #tpu.memory_space<hbm>>
      %dma_wait3A_385 = tpu.memref_slice %arg12[%dma_wait3A_374] : memref<2x!tpu.dma_semaphore, #tpu.memory_space<semaphore_mem>> -> memref<1x!tpu.dma_semaphore, #tpu.memory_space<semaphore_mem>>
      %dma_wait3A_386 = tpu.memref_squeeze %dma_wait3A_385 : memref<1x!tpu.dma_semaphore, #tpu.memory_space<semaphore_mem>> -> memref<!tpu.dma_semaphore, #tpu.memory_space<semaphore_mem>>
      tpu.wait_indirect_dma semaphore(%dma_wait3A_386 : memref<!tpu.dma_semaphore, #tpu.memory_space<semaphore_mem>>) src(%dma_wait3A_384 : memref<10000x128xf32, #tpu.memory_space<hbm>>) dst(%dma_wait3A_378 : memref<80x128xf32, #tpu.memory_space<vmem>>)
      %dma_wait3A_387 = arith.constant 0 : i32
      %dma_wait3A_388 = arith.constant 0 : i32
      %dma_wait3A_389 = arith.constant 0 : i32
      %dma_wait3A_390 = arith.constant 0 : i32
      %dma_wait3A_391 = tpu.memref_slice %arg8[%dma_wait3A_387, %dma_wait3A_389, %dma_wait3A_390] : memref<2x80x128xf32, #tpu.memory_space<vmem>> -> memref<1x80x128xf32, #tpu.memory_space<vmem>>
      %dma_wait3A_392 = tpu.memref_squeeze %dma_wait3A_391 : memref<1x80x128xf32, #tpu.memory_space<vmem>> -> memref<80x128xf32, #tpu.memory_space<vmem>>
      %dma_wait3A_393 = arith.constant 0 : i32
      %dma_wait3A_394 = arith.constant 0 : i32
      %dma_wait3A_395 = tpu.memref_slice %arg3[%dma_wait3A_393, %dma_wait3A_394] : memref<320000x128xf32, #tpu.memory_space<hbm>> -> memref<80x128xf32, #tpu.memory_space<hbm>>
      %dma_wait3A_396 = tpu.memref_slice %arg13[%dma_wait3A_388] : memref<2x!tpu.dma_semaphore, #tpu.memory_space<semaphore_mem>> -> memref<1x!tpu.dma_semaphore, #tpu.memory_space<semaphore_mem>>
      %dma_wait3A_397 = tpu.memref_squeeze %dma_wait3A_396 : memref<1x!tpu.dma_semaphore, #tpu.memory_space<semaphore_mem>> -> memref<!tpu.dma_semaphore, #tpu.memory_space<semaphore_mem>>
      %dma_wait3A_398 = arith.constant 0 : i32
      %dma_wait3A_399 = arith.constant 0 : i32
      %dma_wait3A_400 = tpu.memref_slice %arg8[%dma_wait3A_387, %dma_wait3A_398, %dma_wait3A_399] : memref<2x80x128xf32, #tpu.memory_space<vmem>> -> memref<1x80x128xf32, #tpu.memory_space<vmem>>
      %dma_wait3A_401 = tpu.memref_squeeze %dma_wait3A_400 : memref<1x80x128xf32, #tpu.memory_space<vmem>> -> memref<80x128xf32, #tpu.memory_space<vmem>>
      %dma_wait3A_402 = arith.constant 0 : i32
      %dma_wait3A_403 = arith.constant 0 : i32
      %dma_wait3A_404 = tpu.memref_slice %arg3[%dma_wait3A_402, %dma_wait3A_403] : memref<320000x128xf32, #tpu.memory_space<hbm>> -> memref<80x128xf32, #tpu.memory_space<hbm>>
      tpu.wait_dma2 semaphore(%dma_wait3A_397 : memref<!tpu.dma_semaphore, #tpu.memory_space<semaphore_mem>>) src(%dma_wait3A_404 : memref<80x128xf32, #tpu.memory_space<hbm>>) dst(%dma_wait3A_401 : memref<80x128xf32, #tpu.memory_space<vmem>>)
      %scan3A_405 = arith.constant 0 : i32
      %scan3A_406 = arith.constant 0 : i32
      %scan3A_407 = arith.constant 80 : i32
      %scan3A_408 = arith.addi %scan3A_406, %scan3A_407 : i32
      %scan3A_409 = arith.constant 1 : i32
      scf.for %scan3A_472 = %scan3A_406 to %scan3A_408 step %scan3A_409  : i32 {
        %get3A = arith.constant 0 : i32
        %get3A_473 = arith.index_cast %get3A : i32 to index
        %get3A_474 = arith.index_cast %scan3A_472 : i32 to index
        %get3A_475 = arith.constant 0 : index
        %get3A_476 = tpu.vector_load %arg7[%get3A_473, %get3A_474, %get3A_475] {strides = array<i32>} : memref<2x80x128xf32, #tpu.memory_space<vmem>>, vector<1x1x16xf32>,
        %get3A_477 = vector.shape_cast %get3A_476 : vector<1x1x16xf32> to vector<16xf32>
        %get3A_478 = arith.constant 0 : i32
        %get3A_479 = arith.index_cast %get3A_478 : i32 to index
        %get3A_480 = arith.index_cast %scan3A_472 : i32 to index
        %get3A_481 = arith.constant 0 : index
        %get3A_482 = tpu.vector_load %arg8[%get3A_479, %get3A_480, %get3A_481] {strides = array<i32>} : memref<2x80x128xf32, #tpu.memory_space<vmem>>, vector<1x1x16xf32>,
        %get3A_483 = vector.shape_cast %get3A_482 : vector<1x1x16xf32> to vector<16xf32>
        %add3A_484 = arith.addf %get3A_477, %get3A_483 : vector<16xf32>
        %max3A = arith.constant 0.000000e+00 : f32
        %max3A_485 = vector.broadcast %max3A : f32 to vector<16xf32>
        %max3A_486 = arith.maximumf %add3A_484, %max3A_485 : vector<16xf32>
        %swap3A = arith.constant 0 : i32
        %swap3A_487 = arith.index_cast %swap3A : i32 to index
        %swap3A_488 = arith.index_cast %scan3A_472 : i32 to index
        %swap3A_489 = arith.constant 0 : index
        %swap3A_490 = tpu.vector_load %arg7[%swap3A_487, %swap3A_488, %swap3A_489] {strides = array<i32>} : memref<2x80x128xf32, #tpu.memory_space<vmem>>, vector<1x1x16xf32>,
        %swap3A_491 = vector.shape_cast %swap3A_490 : vector<1x1x16xf32> to vector<16xf32>
        %swap3A_492 = vector.shape_cast %max3A_486 : vector<16xf32> to vector<1x1x16xf32>
        tpu.vector_store %arg7[%swap3A_487, %swap3A_488, %swap3A_489], %swap3A_492 {strides = array<i32>} : memref<2x80x128xf32, #tpu.memory_space<vmem>>, vector<1x1x16xf32>,
        %get3A_493 = arith.constant 0 : i32
        %get3A_494 = arith.index_cast %get3A_493 : i32 to index
        %get3A_495 = arith.index_cast %scan3A_472 : i32 to index
        %get3A_496 = arith.constant 16 : index
        %get3A_497 = tpu.vector_load %arg7[%get3A_494, %get3A_495, %get3A_496] {strides = array<i32>} : memref<2x80x128xf32, #tpu.memory_space<vmem>>, vector<1x1x16xf32>,
        %get3A_498 = vector.shape_cast %get3A_497 : vector<1x1x16xf32> to vector<16xf32>
        %get3A_499 = arith.constant 0 : i32
        %get3A_500 = arith.index_cast %get3A_499 : i32 to index
        %get3A_501 = arith.index_cast %scan3A_472 : i32 to index
        %get3A_502 = arith.constant 16 : index
        %get3A_503 = tpu.vector_load %arg8[%get3A_500, %get3A_501, %get3A_502] {strides = array<i32>} : memref<2x80x128xf32, #tpu.memory_space<vmem>>, vector<1x1x16xf32>,
        %get3A_504 = vector.shape_cast %get3A_503 : vector<1x1x16xf32> to vector<16xf32>
        %add3A_505 = arith.addf %get3A_498, %get3A_504 : vector<16xf32>
        %max3A_506 = arith.constant 0.000000e+00 : f32
        %max3A_507 = vector.broadcast %max3A_506 : f32 to vector<16xf32>
        %max3A_508 = arith.maximumf %add3A_505, %max3A_507 : vector<16xf32>
        %swap3A_509 = arith.constant 0 : i32
        %swap3A_510 = arith.index_cast %swap3A_509 : i32 to index
        %swap3A_511 = arith.index_cast %scan3A_472 : i32 to index
        %swap3A_512 = arith.constant 16 : index
        %swap3A_513 = tpu.vector_load %arg7[%swap3A_510, %swap3A_511, %swap3A_512] {strides = array<i32>} : memref<2x80x128xf32, #tpu.memory_space<vmem>>, vector<1x1x16xf32>,
        %swap3A_514 = vector.shape_cast %swap3A_513 : vector<1x1x16xf32> to vector<16xf32>
        %swap3A_515 = vector.shape_cast %max3A_508 : vector<16xf32> to vector<1x1x16xf32>
        tpu.vector_store %arg7[%swap3A_510, %swap3A_511, %swap3A_512], %swap3A_515 {strides = array<i32>} : memref<2x80x128xf32, #tpu.memory_space<vmem>>, vector<1x1x16xf32>,
        %get3A_516 = arith.constant 0 : i32
        %get3A_517 = arith.index_cast %get3A_516 : i32 to index
        %get3A_518 = arith.index_cast %scan3A_472 : i32 to index
        %get3A_519 = arith.constant 32 : index
        %get3A_520 = tpu.vector_load %arg7[%get3A_517, %get3A_518, %get3A_519] {strides = array<i32>} : memref<2x80x128xf32, #tpu.memory_space<vmem>>, vector<1x1x16xf32>,
        %get3A_521 = vector.shape_cast %get3A_520 : vector<1x1x16xf32> to vector<16xf32>
        %get3A_522 = arith.constant 0 : i32
        %get3A_523 = arith.index_cast %get3A_522 : i32 to index
        %get3A_524 = arith.index_cast %scan3A_472 : i32 to index
        %get3A_525 = arith.constant 32 : index
        %get3A_526 = tpu.vector_load %arg8[%get3A_523, %get3A_524, %get3A_525] {strides = array<i32>} : memref<2x80x128xf32, #tpu.memory_space<vmem>>, vector<1x1x16xf32>,
        %get3A_527 = vector.shape_cast %get3A_526 : vector<1x1x16xf32> to vector<16xf32>
        %add3A_528 = arith.addf %get3A_521, %get3A_527 : vector<16xf32>
        %max3A_529 = arith.constant 0.000000e+00 : f32
        %max3A_530 = vector.broadcast %max3A_529 : f32 to vector<16xf32>
        %max3A_531 = arith.maximumf %add3A_528, %max3A_530 : vector<16xf32>
        %swap3A_532 = arith.constant 0 : i32
        %swap3A_533 = arith.index_cast %swap3A_532 : i32 to index
        %swap3A_534 = arith.index_cast %scan3A_472 : i32 to index
        %swap3A_535 = arith.constant 32 : index
        %swap3A_536 = tpu.vector_load %arg7[%swap3A_533, %swap3A_534, %swap3A_535] {strides = array<i32>} : memref<2x80x128xf32, #tpu.memory_space<vmem>>, vector<1x1x16xf32>,
        %swap3A_537 = vector.shape_cast %swap3A_536 : vector<1x1x16xf32> to vector<16xf32>
        %swap3A_538 = vector.shape_cast %max3A_531 : vector<16xf32> to vector<1x1x16xf32>
        tpu.vector_store %arg7[%swap3A_533, %swap3A_534, %swap3A_535], %swap3A_538 {strides = array<i32>} : memref<2x80x128xf32, #tpu.memory_space<vmem>>, vector<1x1x16xf32>,
        %get3A_539 = arith.constant 0 : i32
        %get3A_540 = arith.index_cast %get3A_539 : i32 to index
        %get3A_541 = arith.index_cast %scan3A_472 : i32 to index
        %get3A_542 = arith.constant 48 : index
        %get3A_543 = tpu.vector_load %arg7[%get3A_540, %get3A_541, %get3A_542] {strides = array<i32>} : memref<2x80x128xf32, #tpu.memory_space<vmem>>, vector<1x1x16xf32>,
        %get3A_544 = vector.shape_cast %get3A_543 : vector<1x1x16xf32> to vector<16xf32>
        %get3A_545 = arith.constant 0 : i32
        %get3A_546 = arith.index_cast %get3A_545 : i32 to index
        %get3A_547 = arith.index_cast %scan3A_472 : i32 to index
        %get3A_548 = arith.constant 48 : index
        %get3A_549 = tpu.vector_load %arg8[%get3A_546, %get3A_547, %get3A_548] {strides = array<i32>} : memref<2x80x128xf32, #tpu.memory_space<vmem>>, vector<1x1x16xf32>,
        %get3A_550 = vector.shape_cast %get3A_549 : vector<1x1x16xf32> to vector<16xf32>
        %add3A_551 = arith.addf %get3A_544, %get3A_550 : vector<16xf32>
        %max3A_552 = arith.constant 0.000000e+00 : f32
        %max3A_553 = vector.broadcast %max3A_552 : f32 to vector<16xf32>
        %max3A_554 = arith.maximumf %add3A_551, %max3A_553 : vector<16xf32>
        %swap3A_555 = arith.constant 0 : i32
        %swap3A_556 = arith.index_cast %swap3A_555 : i32 to index
        %swap3A_557 = arith.index_cast %scan3A_472 : i32 to index
        %swap3A_558 = arith.constant 48 : index
        %swap3A_559 = tpu.vector_load %arg7[%swap3A_556, %swap3A_557, %swap3A_558] {strides = array<i32>} : memref<2x80x128xf32, #tpu.memory_space<vmem>>, vector<1x1x16xf32>,
        %swap3A_560 = vector.shape_cast %swap3A_559 : vector<1x1x16xf32> to vector<16xf32>
        %swap3A_561 = vector.shape_cast %max3A_554 : vector<16xf32> to vector<1x1x16xf32>
        tpu.vector_store %arg7[%swap3A_556, %swap3A_557, %swap3A_558], %swap3A_561 {strides = array<i32>} : memref<2x80x128xf32, #tpu.memory_space<vmem>>, vector<1x1x16xf32>,
        %get3A_562 = arith.constant 0 : i32
        %get3A_563 = arith.index_cast %get3A_562 : i32 to index
        %get3A_564 = arith.index_cast %scan3A_472 : i32 to index
        %get3A_565 = arith.constant 64 : index
        %get3A_566 = tpu.vector_load %arg7[%get3A_563, %get3A_564, %get3A_565] {strides = array<i32>} : memref<2x80x128xf32, #tpu.memory_space<vmem>>, vector<1x1x16xf32>,
        %get3A_567 = vector.shape_cast %get3A_566 : vector<1x1x16xf32> to vector<16xf32>
        %get3A_568 = arith.constant 0 : i32
        %get3A_569 = arith.index_cast %get3A_568 : i32 to index
        %get3A_570 = arith.index_cast %scan3A_472 : i32 to index
        %get3A_571 = arith.constant 64 : index
        %get3A_572 = tpu.vector_load %arg8[%get3A_569, %get3A_570, %get3A_571] {strides = array<i32>} : memref<2x80x128xf32, #tpu.memory_space<vmem>>, vector<1x1x16xf32>,
        %get3A_573 = vector.shape_cast %get3A_572 : vector<1x1x16xf32> to vector<16xf32>
        %add3A_574 = arith.addf %get3A_567, %get3A_573 : vector<16xf32>
        %max3A_575 = arith.constant 0.000000e+00 : f32
        %max3A_576 = vector.broadcast %max3A_575 : f32 to vector<16xf32>
        %max3A_577 = arith.maximumf %add3A_574, %max3A_576 : vector<16xf32>
        %swap3A_578 = arith.constant 0 : i32
        %swap3A_579 = arith.index_cast %swap3A_578 : i32 to index
        %swap3A_580 = arith.index_cast %scan3A_472 : i32 to index
        %swap3A_581 = arith.constant 64 : index
        %swap3A_582 = tpu.vector_load %arg7[%swap3A_579, %swap3A_580, %swap3A_581] {strides = array<i32>} : memref<2x80x128xf32, #tpu.memory_space<vmem>>, vector<1x1x16xf32>,
        %swap3A_583 = vector.shape_cast %swap3A_582 : vector<1x1x16xf32> to vector<16xf32>
        %swap3A_584 = vector.shape_cast %max3A_577 : vector<16xf32> to vector<1x1x16xf32>
        tpu.vector_store %arg7[%swap3A_579, %swap3A_580, %swap3A_581], %swap3A_584 {strides = array<i32>} : memref<2x80x128xf32, #tpu.memory_space<vmem>>, vector<1x1x16xf32>,
        %get3A_585 = arith.constant 0 : i32
        %get3A_586 = arith.index_cast %get3A_585 : i32 to index
        %get3A_587 = arith.index_cast %scan3A_472 : i32 to index
        %get3A_588 = arith.constant 80 : index
        %get3A_589 = tpu.vector_load %arg7[%get3A_586, %get3A_587, %get3A_588] {strides = array<i32>} : memref<2x80x128xf32, #tpu.memory_space<vmem>>, vector<1x1x16xf32>,
        %get3A_590 = vector.shape_cast %get3A_589 : vector<1x1x16xf32> to vector<16xf32>
        %get3A_591 = arith.constant 0 : i32
        %get3A_592 = arith.index_cast %get3A_591 : i32 to index
        %get3A_593 = arith.index_cast %scan3A_472 : i32 to index
        %get3A_594 = arith.constant 80 : index
        %get3A_595 = tpu.vector_load %arg8[%get3A_592, %get3A_593, %get3A_594] {strides = array<i32>} : memref<2x80x128xf32, #tpu.memory_space<vmem>>, vector<1x1x16xf32>,
        %get3A_596 = vector.shape_cast %get3A_595 : vector<1x1x16xf32> to vector<16xf32>
        %add3A_597 = arith.addf %get3A_590, %get3A_596 : vector<16xf32>
        %max3A_598 = arith.constant 0.000000e+00 : f32
        %max3A_599 = vector.broadcast %max3A_598 : f32 to vector<16xf32>
        %max3A_600 = arith.maximumf %add3A_597, %max3A_599 : vector<16xf32>
        %swap3A_601 = arith.constant 0 : i32
        %swap3A_602 = arith.index_cast %swap3A_601 : i32 to index
        %swap3A_603 = arith.index_cast %scan3A_472 : i32 to index
        %swap3A_604 = arith.constant 80 : index
        %swap3A_605 = tpu.vector_load %arg7[%swap3A_602, %swap3A_603, %swap3A_604] {strides = array<i32>} : memref<2x80x128xf32, #tpu.memory_space<vmem>>, vector<1x1x16xf32>,
        %swap3A_606 = vector.shape_cast %swap3A_605 : vector<1x1x16xf32> to vector<16xf32>
        %swap3A_607 = vector.shape_cast %max3A_600 : vector<16xf32> to vector<1x1x16xf32>
        tpu.vector_store %arg7[%swap3A_602, %swap3A_603, %swap3A_604], %swap3A_607 {strides = array<i32>} : memref<2x80x128xf32, #tpu.memory_space<vmem>>, vector<1x1x16xf32>,
        %get3A_608 = arith.constant 0 : i32
        %get3A_609 = arith.index_cast %get3A_608 : i32 to index
        %get3A_610 = arith.index_cast %scan3A_472 : i32 to index
        %get3A_611 = arith.constant 96 : index
        %get3A_612 = tpu.vector_load %arg7[%get3A_609, %get3A_610, %get3A_611] {strides = array<i32>} : memref<2x80x128xf32, #tpu.memory_space<vmem>>, vector<1x1x16xf32>,
        %get3A_613 = vector.shape_cast %get3A_612 : vector<1x1x16xf32> to vector<16xf32>
        %get3A_614 = arith.constant 0 : i32
        %get3A_615 = arith.index_cast %get3A_614 : i32 to index
        %get3A_616 = arith.index_cast %scan3A_472 : i32 to index
        %get3A_617 = arith.constant 96 : index
        %get3A_618 = tpu.vector_load %arg8[%get3A_615, %get3A_616, %get3A_617] {strides = array<i32>} : memref<2x80x128xf32, #tpu.memory_space<vmem>>, vector<1x1x16xf32>,
        %get3A_619 = vector.shape_cast %get3A_618 : vector<1x1x16xf32> to vector<16xf32>
        %add3A_620 = arith.addf %get3A_613, %get3A_619 : vector<16xf32>
        %max3A_621 = arith.constant 0.000000e+00 : f32
        %max3A_622 = vector.broadcast %max3A_621 : f32 to vector<16xf32>
        %max3A_623 = arith.maximumf %add3A_620, %max3A_622 : vector<16xf32>
        %swap3A_624 = arith.constant 0 : i32
        %swap3A_625 = arith.index_cast %swap3A_624 : i32 to index
        %swap3A_626 = arith.index_cast %scan3A_472 : i32 to index
        %swap3A_627 = arith.constant 96 : index
        %swap3A_628 = tpu.vector_load %arg7[%swap3A_625, %swap3A_626, %swap3A_627] {strides = array<i32>} : memref<2x80x128xf32, #tpu.memory_space<vmem>>, vector<1x1x16xf32>,
        %swap3A_629 = vector.shape_cast %swap3A_628 : vector<1x1x16xf32> to vector<16xf32>
        %swap3A_630 = vector.shape_cast %max3A_623 : vector<16xf32> to vector<1x1x16xf32>
        tpu.vector_store %arg7[%swap3A_625, %swap3A_626, %swap3A_627], %swap3A_630 {strides = array<i32>} : memref<2x80x128xf32, #tpu.memory_space<vmem>>, vector<1x1x16xf32>,
        %get3A_631 = arith.constant 0 : i32
        %get3A_632 = arith.index_cast %get3A_631 : i32 to index
        %get3A_633 = arith.index_cast %scan3A_472 : i32 to index
        %get3A_634 = arith.constant 112 : index
        %get3A_635 = tpu.vector_load %arg7[%get3A_632, %get3A_633, %get3A_634] {strides = array<i32>} : memref<2x80x128xf32, #tpu.memory_space<vmem>>, vector<1x1x16xf32>,
        %get3A_636 = vector.shape_cast %get3A_635 : vector<1x1x16xf32> to vector<16xf32>
        %get3A_637 = arith.constant 0 : i32
        %get3A_638 = arith.index_cast %get3A_637 : i32 to index
        %get3A_639 = arith.index_cast %scan3A_472 : i32 to index
        %get3A_640 = arith.constant 112 : index
        %get3A_641 = tpu.vector_load %arg8[%get3A_638, %get3A_639, %get3A_640] {strides = array<i32>} : memref<2x80x128xf32, #tpu.memory_space<vmem>>, vector<1x1x16xf32>,
        %get3A_642 = vector.shape_cast %get3A_641 : vector<1x1x16xf32> to vector<16xf32>
        %add3A_643 = arith.addf %get3A_636, %get3A_642 : vector<16xf32>
        %max3A_644 = arith.constant 0.000000e+00 : f32
        %max3A_645 = vector.broadcast %max3A_644 : f32 to vector<16xf32>
        %max3A_646 = arith.maximumf %add3A_643, %max3A_645 : vector<16xf32>
        %swap3A_647 = arith.constant 0 : i32
        %swap3A_648 = arith.index_cast %swap3A_647 : i32 to index
        %swap3A_649 = arith.index_cast %scan3A_472 : i32 to index
        %swap3A_650 = arith.constant 112 : index
        %swap3A_651 = tpu.vector_load %arg7[%swap3A_648, %swap3A_649, %swap3A_650] {strides = array<i32>} : memref<2x80x128xf32, #tpu.memory_space<vmem>>, vector<1x1x16xf32>,
        %swap3A_652 = vector.shape_cast %swap3A_651 : vector<1x1x16xf32> to vector<16xf32>
        %swap3A_653 = vector.shape_cast %max3A_646 : vector<16xf32> to vector<1x1x16xf32>
        tpu.vector_store %arg7[%swap3A_648, %swap3A_649, %swap3A_650], %swap3A_653 {strides = array<i32>} : memref<2x80x128xf32, #tpu.memory_space<vmem>>, vector<1x1x16xf32>,
      }
      %scan3A_410 = arith.constant 80 : i32
      %run_scoped3A_411 = arith.constant 0 : i32
      %run_scoped3A_412 = arith.constant 2 : i32
      "tpu.region"() ({
        %run_scoped3A_472 = tpu.sem_alloc : memref<!tpu.dma_semaphore, #tpu.memory_space<semaphore_mem>>
        %dma_start3A_473 = arith.constant 0 : i32
        %dma_start3A_474 = arith.constant 0 : i32
        %dma_start3A_475 = tpu.memref_slice %arg7[%run_scoped3A_411, %dma_start3A_473, %dma_start3A_474] : memref<2x80x128xf32, #tpu.memory_space<vmem>> -> memref<1x80x128xf32, #tpu.memory_space<vmem>>
        %dma_start3A_476 = tpu.memref_squeeze %dma_start3A_475 : memref<1x80x128xf32, #tpu.memory_space<vmem>> -> memref<80x128xf32, #tpu.memory_space<vmem>>
        %dma_start3A_477 = arith.constant 0 : i32
        %dma_start3A_478 = tpu.memref_slice %arg10[%run_scoped3A_412, %dma_start3A_477] : memref<4x80xi32, #tpu.memory_space<vmem>> -> memref<1x80xi32, #tpu.memory_space<vmem>>
        %dma_start3A_479 = tpu.memref_squeeze %dma_start3A_478 : memref<1x80xi32, #tpu.memory_space<vmem>> -> memref<80xi32, #tpu.memory_space<vmem>>
        %dma_start3A_480 = arith.constant 0 : i32
        %dma_start3A_481 = arith.constant 0 : i32
        %dma_start3A_482 = tpu.memref_slice %arg11[%dma_start3A_480, %dma_start3A_481] : memref<10240x128xf32, #tpu.memory_space<vmem_shared>> -> memref<10240x128xf32, #tpu.memory_space<vmem_shared>>
        tpu.enqueue_indirect_dma source(%dma_start3A_476 : memref<80x128xf32, #tpu.memory_space<vmem>>) target(%dma_start3A_482 : memref<10240x128xf32, #tpu.memory_space<vmem_shared>>) offsets(%dma_start3A_479 : memref<80xi32, #tpu.memory_space<vmem>>) semaphore(%run_scoped3A_472 : memref<!tpu.dma_semaphore, #tpu.memory_space<semaphore_mem>>) {add = true}
        %dma_wait3A_483 = arith.constant 0 : i32
        %dma_wait3A_484 = arith.constant 0 : i32
        %dma_wait3A_485 = tpu.memref_slice %arg7[%run_scoped3A_411, %dma_wait3A_483, %dma_wait3A_484] : memref<2x80x128xf32, #tpu.memory_space<vmem>> -> memref<1x80x128xf32, #tpu.memory_space<vmem>>
        %dma_wait3A_486 = tpu.memref_squeeze %dma_wait3A_485 : memref<1x80x128xf32, #tpu.memory_space<vmem>> -> memref<80x128xf32, #tpu.memory_space<vmem>>
        %dma_wait3A_487 = arith.constant 0 : i32
        %dma_wait3A_488 = tpu.memref_slice %arg10[%run_scoped3A_412, %dma_wait3A_487] : memref<4x80xi32, #tpu.memory_space<vmem>> -> memref<1x80xi32, #tpu.memory_space<vmem>>
        %dma_wait3A_489 = tpu.memref_squeeze %dma_wait3A_488 : memref<1x80xi32, #tpu.memory_space<vmem>> -> memref<80xi32, #tpu.memory_space<vmem>>
        %dma_wait3A_490 = arith.constant 0 : i32
        %dma_wait3A_491 = arith.constant 0 : i32
        %dma_wait3A_492 = tpu.memref_slice %arg11[%dma_wait3A_490, %dma_wait3A_491] : memref<10240x128xf32, #tpu.memory_space<vmem_shared>> -> memref<10240x128xf32, #tpu.memory_space<vmem_shared>>
        tpu.wait_indirect_dma semaphore(%run_scoped3A_472 : memref<!tpu.dma_semaphore, #tpu.memory_space<semaphore_mem>>) src(%dma_wait3A_486 : memref<80x128xf32, #tpu.memory_space<vmem>>) dst(%dma_wait3A_492 : memref<10240x128xf32, #tpu.memory_space<vmem_shared>>)
        tpu.yield
      }) : () -> ()
      %mul3A_413 = arith.constant 4 : i32
      %mul3A_414 = arith.muli %scan3A_238, %mul3A_413 : i32
      %add3A_415 = arith.constant 3 : i32
      %add3A_416 = arith.addi %mul3A_414, %add3A_415 : i32
      %add3A_417 = arith.constant 1 : i32
      %add3A_418 = arith.addi %add3A_416, %add3A_417 : i32
      %lt3A_419 = arith.constant 125 : i32
      %lt3A_420 = arith.cmpi slt, %add3A_418, %lt3A_419 : i32
      %convert_element_type3A_421 = arith.extui %lt3A_420 : i1 to i32
      %cond3A_422 = arith.constant 0 : i32
      %cond3A_423 = arith.cmpi ne, %convert_element_type3A_421, %cond3A_422 : i32
      scf.if %cond3A_423 {
        %dma_wait3A_472 = arith.constant 0 : i32
        %dma_wait3A_473 = arith.constant 0 : i32
        %dma_wait3A_474 = arith.constant 0 : i32
        %dma_wait3A_475 = tpu.memref_slice %arg9[%dma_wait3A_472, %dma_wait3A_474] : memref<4x80xi32, #tpu.memory_space<vmem>> -> memref<1x80xi32, #tpu.memory_space<vmem>>
        %dma_wait3A_476 = tpu.memref_squeeze %dma_wait3A_475 : memref<1x80xi32, #tpu.memory_space<vmem>> -> memref<80xi32, #tpu.memory_space<vmem>>
        %dma_wait3A_477 = arith.constant 0 : i32
        %dma_wait3A_478 = tpu.memref_slice %arg4[%dma_wait3A_477] : memref<320000xi32, #tpu.memory_space<hbm>> -> memref<80xi32, #tpu.memory_space<hbm>>
        %dma_wait3A_479 = tpu.memref_slice %arg14[%dma_wait3A_473] : memref<4x!tpu.dma_semaphore, #tpu.memory_space<semaphore_mem>> -> memref<1x!tpu.dma_semaphore, #tpu.memory_space<semaphore_mem>>
        %dma_wait3A_480 = tpu.memref_squeeze %dma_wait3A_479 : memref<1x!tpu.dma_semaphore, #tpu.memory_space<semaphore_mem>> -> memref<!tpu.dma_semaphore, #tpu.memory_space<semaphore_mem>>
        %dma_wait3A_481 = arith.constant 0 : i32
        %dma_wait3A_482 = tpu.memref_slice %arg9[%dma_wait3A_472, %dma_wait3A_481] : memref<4x80xi32, #tpu.memory_space<vmem>> -> memref<1x80xi32, #tpu.memory_space<vmem>>
        %dma_wait3A_483 = tpu.memref_squeeze %dma_wait3A_482 : memref<1x80xi32, #tpu.memory_space<vmem>> -> memref<80xi32, #tpu.memory_space<vmem>>
        %dma_wait3A_484 = arith.constant 0 : i32
        %dma_wait3A_485 = tpu.memref_slice %arg4[%dma_wait3A_484] : memref<320000xi32, #tpu.memory_space<hbm>> -> memref<80xi32, #tpu.memory_space<hbm>>
        tpu.wait_dma2 semaphore(%dma_wait3A_480 : memref<!tpu.dma_semaphore, #tpu.memory_space<semaphore_mem>>) src(%dma_wait3A_485 : memref<80xi32, #tpu.memory_space<hbm>>) dst(%dma_wait3A_483 : memref<80xi32, #tpu.memory_space<vmem>>)
        %dma_wait3A_486 = arith.constant 0 : i32
        %dma_wait3A_487 = arith.constant 0 : i32
        %dma_wait3A_488 = arith.constant 0 : i32
        %dma_wait3A_489 = tpu.memref_slice %arg10[%dma_wait3A_486, %dma_wait3A_488] : memref<4x80xi32, #tpu.memory_space<vmem>> -> memref<1x80xi32, #tpu.memory_space<vmem>>
        %dma_wait3A_490 = tpu.memref_squeeze %dma_wait3A_489 : memref<1x80xi32, #tpu.memory_space<vmem>> -> memref<80xi32, #tpu.memory_space<vmem>>
        %dma_wait3A_491 = arith.constant 0 : i32
        %dma_wait3A_492 = tpu.memref_slice %arg5[%dma_wait3A_491] : memref<320000xi32, #tpu.memory_space<hbm>> -> memref<80xi32, #tpu.memory_space<hbm>>
        %dma_wait3A_493 = tpu.memref_slice %arg14[%dma_wait3A_487] : memref<4x!tpu.dma_semaphore, #tpu.memory_space<semaphore_mem>> -> memref<1x!tpu.dma_semaphore, #tpu.memory_space<semaphore_mem>>
        %dma_wait3A_494 = tpu.memref_squeeze %dma_wait3A_493 : memref<1x!tpu.dma_semaphore, #tpu.memory_space<semaphore_mem>> -> memref<!tpu.dma_semaphore, #tpu.memory_space<semaphore_mem>>
        %dma_wait3A_495 = arith.constant 0 : i32
        %dma_wait3A_496 = tpu.memref_slice %arg10[%dma_wait3A_486, %dma_wait3A_495] : memref<4x80xi32, #tpu.memory_space<vmem>> -> memref<1x80xi32, #tpu.memory_space<vmem>>
        %dma_wait3A_497 = tpu.memref_squeeze %dma_wait3A_496 : memref<1x80xi32, #tpu.memory_space<vmem>> -> memref<80xi32, #tpu.memory_space<vmem>>
        %dma_wait3A_498 = arith.constant 0 : i32
        %dma_wait3A_499 = tpu.memref_slice %arg5[%dma_wait3A_498] : memref<320000xi32, #tpu.memory_space<hbm>> -> memref<80xi32, #tpu.memory_space<hbm>>
        tpu.wait_dma2 semaphore(%dma_wait3A_494 : memref<!tpu.dma_semaphore, #tpu.memory_space<semaphore_mem>>) src(%dma_wait3A_499 : memref<80xi32, #tpu.memory_space<hbm>>) dst(%dma_wait3A_497 : memref<80xi32, #tpu.memory_space<vmem>>)
        %add3A_500 = arith.addi %mul3A_32, %add3A_416 : i32
        %add3A_501 = arith.constant 1 : i32
        %add3A_502 = arith.addi %add3A_500, %add3A_501 : i32
        %dma_start3A_503 = arith.constant 0 : i32
        %dma_start3A_504 = arith.constant 0 : i32
        %dma_start3A_505 = arith.constant 0 : i32
        %dma_start3A_506 = arith.constant 0 : i32
        %dma_start3A_507 = arith.constant 0 : i32
        %dma_start3A_508 = tpu.memref_slice %arg7[%dma_start3A_504, %dma_start3A_506, %dma_start3A_507] : memref<2x80x128xf32, #tpu.memory_space<vmem>> -> memref<1x80x128xf32, #tpu.memory_space<vmem>>
        %dma_start3A_509 = tpu.memref_squeeze %dma_start3A_508 : memref<1x80x128xf32, #tpu.memory_space<vmem>> -> memref<80x128xf32, #tpu.memory_space<vmem>>
        %dma_start3A_510 = arith.constant 0 : i32
        %dma_start3A_511 = tpu.memref_slice %arg9[%dma_start3A_503, %dma_start3A_510] : memref<4x80xi32, #tpu.memory_space<vmem>> -> memref<1x80xi32, #tpu.memory_space<vmem>>
        %dma_start3A_512 = tpu.memref_squeeze %dma_start3A_511 : memref<1x80xi32, #tpu.memory_space<vmem>> -> memref<80xi32, #tpu.memory_space<vmem>>
        %dma_start3A_513 = arith.constant 0 : i32
        %dma_start3A_514 = arith.constant 0 : i32
        %dma_start3A_515 = tpu.memref_slice %arg2[%dma_start3A_513, %dma_start3A_514] : memref<10000x128xf32, #tpu.memory_space<hbm>> -> memref<10000x128xf32, #tpu.memory_space<hbm>>
        %dma_start3A_516 = tpu.memref_slice %arg12[%dma_start3A_505] : memref<2x!tpu.dma_semaphore, #tpu.memory_space<semaphore_mem>> -> memref<1x!tpu.dma_semaphore, #tpu.memory_space<semaphore_mem>>
        %dma_start3A_517 = tpu.memref_squeeze %dma_start3A_516 : memref<1x!tpu.dma_semaphore, #tpu.memory_space<semaphore_mem>> -> memref<!tpu.dma_semaphore, #tpu.memory_space<semaphore_mem>>
        tpu.enqueue_indirect_dma source(%dma_start3A_515 : memref<10000x128xf32, #tpu.memory_space<hbm>>) target(%dma_start3A_509 : memref<80x128xf32, #tpu.memory_space<vmem>>) offsets(%dma_start3A_512 : memref<80xi32, #tpu.memory_space<vmem>>) semaphore(%dma_start3A_517 : memref<!tpu.dma_semaphore, #tpu.memory_space<semaphore_mem>>)
        %mul3A_518 = arith.constant 80 : i32
        %mul3A_519 = arith.muli %add3A_502, %mul3A_518 : i32
        %dma_start3A_520 = arith.constant 0 : i32
        %dma_start3A_521 = arith.constant 0 : i32
        %dma_start3A_522 = arith.constant 0 : i32
        %dma_start3A_523 = arith.constant 0 : i32
        %dma_start3A_524 = tpu.memref_slice %arg8[%dma_start3A_520, %dma_start3A_522, %dma_start3A_523] : memref<2x80x128xf32, #tpu.memory_space<vmem>> -> memref<1x80x128xf32, #tpu.memory_space<vmem>>
        %dma_start3A_525 = tpu.memref_squeeze %dma_start3A_524 : memref<1x80x128xf32, #tpu.memory_space<vmem>> -> memref<80x128xf32, #tpu.memory_space<vmem>>
        %dma_start3A_526 = arith.constant 0 : i32
        %dma_start3A_527 = tpu.memref_slice %arg3[%mul3A_519, %dma_start3A_526] : memref<320000x128xf32, #tpu.memory_space<hbm>> -> memref<80x128xf32, #tpu.memory_space<hbm>>
        %dma_start3A_528 = tpu.memref_slice %arg13[%dma_start3A_521] : memref<2x!tpu.dma_semaphore, #tpu.memory_space<semaphore_mem>> -> memref<1x!tpu.dma_semaphore, #tpu.memory_space<semaphore_mem>>
        %dma_start3A_529 = tpu.memref_squeeze %dma_start3A_528 : memref<1x!tpu.dma_semaphore, #tpu.memory_space<semaphore_mem>> -> memref<!tpu.dma_semaphore, #tpu.memory_space<semaphore_mem>>
        %dma_start3A_530 = arith.constant 0 : i32
        %dma_start3A_531 = arith.constant 0 : i32
        %dma_start3A_532 = tpu.memref_slice %arg8[%dma_start3A_520, %dma_start3A_530, %dma_start3A_531] : memref<2x80x128xf32, #tpu.memory_space<vmem>> -> memref<1x80x128xf32, #tpu.memory_space<vmem>>
        %dma_start3A_533 = tpu.memref_squeeze %dma_start3A_532 : memref<1x80x128xf32, #tpu.memory_space<vmem>> -> memref<80x128xf32, #tpu.memory_space<vmem>>
        %dma_start3A_534 = arith.constant 0 : i32
        %dma_start3A_535 = tpu.memref_slice %arg3[%mul3A_519, %dma_start3A_534] : memref<320000x128xf32, #tpu.memory_space<hbm>> -> memref<80x128xf32, #tpu.memory_space<hbm>>
        tpu.enqueue_dma source(%dma_start3A_535 : memref<80x128xf32, #tpu.memory_space<hbm>>) target(%dma_start3A_533 : memref<80x128xf32, #tpu.memory_space<vmem>>) target_semaphore(%dma_start3A_529 : memref<!tpu.dma_semaphore, #tpu.memory_space<semaphore_mem>>)
      } else {
      }
      %add3A_424 = arith.constant 2 : i32
      %add3A_425 = arith.addi %add3A_416, %add3A_424 : i32
      %lt3A_426 = arith.constant 125 : i32
      %lt3A_427 = arith.cmpi slt, %add3A_425, %lt3A_426 : i32
      %convert_element_type3A_428 = arith.extui %lt3A_427 : i1 to i32
      %cond3A_429 = arith.constant 0 : i32
      %cond3A_430 = arith.cmpi ne, %convert_element_type3A_428, %cond3A_429 : i32
      scf.if %cond3A_430 {
        %add3A_472 = arith.addi %mul3A_32, %add3A_416 : i32
        %add3A_473 = arith.constant 2 : i32
        %add3A_474 = arith.addi %add3A_472, %add3A_473 : i32
        %mul3A_475 = arith.constant 80 : i32
        %mul3A_476 = arith.muli %add3A_474, %mul3A_475 : i32
        %dma_start3A_477 = arith.constant 1 : i32
        %dma_start3A_478 = arith.constant 1 : i32
        %dma_start3A_479 = arith.constant 0 : i32
        %dma_start3A_480 = tpu.memref_slice %arg9[%dma_start3A_477, %dma_start3A_479] : memref<4x80xi32, #tpu.memory_space<vmem>> -> memref<1x80xi32, #tpu.memory_space<vmem>>
        %dma_start3A_481 = tpu.memref_squeeze %dma_start3A_480 : memref<1x80xi32, #tpu.memory_space<vmem>> -> memref<80xi32, #tpu.memory_space<vmem>>
        %dma_start3A_482 = tpu.memref_slice %arg4[%mul3A_476] : memref<320000xi32, #tpu.memory_space<hbm>> -> memref<80xi32, #tpu.memory_space<hbm>>
        %dma_start3A_483 = tpu.memref_slice %arg14[%dma_start3A_478] : memref<4x!tpu.dma_semaphore, #tpu.memory_space<semaphore_mem>> -> memref<1x!tpu.dma_semaphore, #tpu.memory_space<semaphore_mem>>
        %dma_start3A_484 = tpu.memref_squeeze %dma_start3A_483 : memref<1x!tpu.dma_semaphore, #tpu.memory_space<semaphore_mem>> -> memref<!tpu.dma_semaphore, #tpu.memory_space<semaphore_mem>>
        %dma_start3A_485 = arith.constant 0 : i32
        %dma_start3A_486 = tpu.memref_slice %arg9[%dma_start3A_477, %dma_start3A_485] : memref<4x80xi32, #tpu.memory_space<vmem>> -> memref<1x80xi32, #tpu.memory_space<vmem>>
        %dma_start3A_487 = tpu.memref_squeeze %dma_start3A_486 : memref<1x80xi32, #tpu.memory_space<vmem>> -> memref<80xi32, #tpu.memory_space<vmem>>
        %dma_start3A_488 = tpu.memref_slice %arg4[%mul3A_476] : memref<320000xi32, #tpu.memory_space<hbm>> -> memref<80xi32, #tpu.memory_space<hbm>>
        tpu.enqueue_dma source(%dma_start3A_488 : memref<80xi32, #tpu.memory_space<hbm>>) target(%dma_start3A_487 : memref<80xi32, #tpu.memory_space<vmem>>) target_semaphore(%dma_start3A_484 : memref<!tpu.dma_semaphore, #tpu.memory_space<semaphore_mem>>)
        %dma_start3A_489 = arith.constant 1 : i32
        %dma_start3A_490 = arith.constant 1 : i32
        %dma_start3A_491 = arith.constant 0 : i32
        %dma_start3A_492 = tpu.memref_slice %arg10[%dma_start3A_489, %dma_start3A_491] : memref<4x80xi32, #tpu.memory_space<vmem>> -> memref<1x80xi32, #tpu.memory_space<vmem>>
        %dma_start3A_493 = tpu.memref_squeeze %dma_start3A_492 : memref<1x80xi32, #tpu.memory_space<vmem>> -> memref<80xi32, #tpu.memory_space<vmem>>
        %dma_start3A_494 = tpu.memref_slice %arg5[%mul3A_476] : memref<320000xi32, #tpu.memory_space<hbm>> -> memref<80xi32, #tpu.memory_space<hbm>>
        %dma_start3A_495 = tpu.memref_slice %arg14[%dma_start3A_490] : memref<4x!tpu.dma_semaphore, #tpu.memory_space<semaphore_mem>> -> memref<1x!tpu.dma_semaphore, #tpu.memory_space<semaphore_mem>>
        %dma_start3A_496 = tpu.memref_squeeze %dma_start3A_495 : memref<1x!tpu.dma_semaphore, #tpu.memory_space<semaphore_mem>> -> memref<!tpu.dma_semaphore, #tpu.memory_space<semaphore_mem>>
        %dma_start3A_497 = arith.constant 0 : i32
        %dma_start3A_498 = tpu.memref_slice %arg10[%dma_start3A_489, %dma_start3A_497] : memref<4x80xi32, #tpu.memory_space<vmem>> -> memref<1x80xi32, #tpu.memory_space<vmem>>
        %dma_start3A_499 = tpu.memref_squeeze %dma_start3A_498 : memref<1x80xi32, #tpu.memory_space<vmem>> -> memref<80xi32, #tpu.memory_space<vmem>>
        %dma_start3A_500 = tpu.memref_slice %arg5[%mul3A_476] : memref<320000xi32, #tpu.memory_space<hbm>> -> memref<80xi32, #tpu.memory_space<hbm>>
        tpu.enqueue_dma source(%dma_start3A_500 : memref<80xi32, #tpu.memory_space<hbm>>) target(%dma_start3A_499 : memref<80xi32, #tpu.memory_space<vmem>>) target_semaphore(%dma_start3A_496 : memref<!tpu.dma_semaphore, #tpu.memory_space<semaphore_mem>>)
      } else {
      }
      %dma_wait3A_431 = arith.constant 0 : i32
      %dma_wait3A_432 = arith.constant 1 : i32
      %dma_wait3A_433 = arith.constant 1 : i32
      %dma_wait3A_434 = arith.constant 0 : i32
      %dma_wait3A_435 = arith.constant 0 : i32
      %dma_wait3A_436 = tpu.memref_slice %arg7[%dma_wait3A_432, %dma_wait3A_434, %dma_wait3A_435] : memref<2x80x128xf32, #tpu.memory_space<vmem>> -> memref<1x80x128xf32, #tpu.memory_space<vmem>>
      %dma_wait3A_437 = tpu.memref_squeeze %dma_wait3A_436 : memref<1x80x128xf32, #tpu.memory_space<vmem>> -> memref<80x128xf32, #tpu.memory_space<vmem>>
      %dma_wait3A_438 = arith.constant 0 : i32
      %dma_wait3A_439 = tpu.memref_slice %arg9[%dma_wait3A_431, %dma_wait3A_438] : memref<4x80xi32, #tpu.memory_space<vmem>> -> memref<1x80xi32, #tpu.memory_space<vmem>>
      %dma_wait3A_440 = tpu.memref_squeeze %dma_wait3A_439 : memref<1x80xi32, #tpu.memory_space<vmem>> -> memref<80xi32, #tpu.memory_space<vmem>>
      %dma_wait3A_441 = arith.constant 0 : i32
      %dma_wait3A_442 = arith.constant 0 : i32
      %dma_wait3A_443 = tpu.memref_slice %arg2[%dma_wait3A_441, %dma_wait3A_442] : memref<10000x128xf32, #tpu.memory_space<hbm>> -> memref<10000x128xf32, #tpu.memory_space<hbm>>
      %dma_wait3A_444 = tpu.memref_slice %arg12[%dma_wait3A_433] : memref<2x!tpu.dma_semaphore, #tpu.memory_space<semaphore_mem>> -> memref<1x!tpu.dma_semaphore, #tpu.memory_space<semaphore_mem>>
      %dma_wait3A_445 = tpu.memref_squeeze %dma_wait3A_444 : memref<1x!tpu.dma_semaphore, #tpu.memory_space<semaphore_mem>> -> memref<!tpu.dma_semaphore, #tpu.memory_space<semaphore_mem>>
      tpu.wait_indirect_dma semaphore(%dma_wait3A_445 : memref<!tpu.dma_semaphore, #tpu.memory_space<semaphore_mem>>) src(%dma_wait3A_443 : memref<10000x128xf32, #tpu.memory_space<hbm>>) dst(%dma_wait3A_437 : memref<80x128xf32, #tpu.memory_space<vmem>>)
      %dma_wait3A_446 = arith.constant 1 : i32
      %dma_wait3A_447 = arith.constant 1 : i32
      %dma_wait3A_448 = arith.constant 0 : i32
      %dma_wait3A_449 = arith.constant 0 : i32
      %dma_wait3A_450 = tpu.memref_slice %arg8[%dma_wait3A_446, %dma_wait3A_448, %dma_wait3A_449] : memref<2x80x128xf32, #tpu.memory_space<vmem>> -> memref<1x80x128xf32, #tpu.memory_space<vmem>>
      %dma_wait3A_451 = tpu.memref_squeeze %dma_wait3A_450 : memref<1x80x128xf32, #tpu.memory_space<vmem>> -> memref<80x128xf32, #tpu.memory_space<vmem>>
      %dma_wait3A_452 = arith.constant 0 : i32
      %dma_wait3A_453 = arith.constant 0 : i32
      %dma_wait3A_454 = tpu.memref_slice %arg3[%dma_wait3A_452, %dma_wait3A_453] : memref<320000x128xf32, #tpu.memory_space<hbm>> -> memref<80x128xf32, #tpu.memory_space<hbm>>
      %dma_wait3A_455 = tpu.memref_slice %arg13[%dma_wait3A_447] : memref<2x!tpu.dma_semaphore, #tpu.memory_space<semaphore_mem>> -> memref<1x!tpu.dma_semaphore, #tpu.memory_space<semaphore_mem>>
      %dma_wait3A_456 = tpu.memref_squeeze %dma_wait3A_455 : memref<1x!tpu.dma_semaphore, #tpu.memory_space<semaphore_mem>> -> memref<!tpu.dma_semaphore, #tpu.memory_space<semaphore_mem>>
      %dma_wait3A_457 = arith.constant 0 : i32
      %dma_wait3A_458 = arith.constant 0 : i32
      %dma_wait3A_459 = tpu.memref_slice %arg8[%dma_wait3A_446, %dma_wait3A_457, %dma_wait3A_458] : memref<2x80x128xf32, #tpu.memory_space<vmem>> -> memref<1x80x128xf32, #tpu.memory_space<vmem>>
      %dma_wait3A_460 = tpu.memref_squeeze %dma_wait3A_459 : memref<1x80x128xf32, #tpu.memory_space<vmem>> -> memref<80x128xf32, #tpu.memory_space<vmem>>
      %dma_wait3A_461 = arith.constant 0 : i32
      %dma_wait3A_462 = arith.constant 0 : i32
      %dma_wait3A_463 = tpu.memref_slice %arg3[%dma_wait3A_461, %dma_wait3A_462] : memref<320000x128xf32, #tpu.memory_space<hbm>> -> memref<80x128xf32, #tpu.memory_space<hbm>>
      tpu.wait_dma2 semaphore(%dma_wait3A_456 : memref<!tpu.dma_semaphore, #tpu.memory_space<semaphore_mem>>) src(%dma_wait3A_463 : memref<80x128xf32, #tpu.memory_space<hbm>>) dst(%dma_wait3A_460 : memref<80x128xf32, #tpu.memory_space<vmem>>)
      %scan3A_464 = arith.constant 0 : i32
      %scan3A_465 = arith.constant 0 : i32
      %scan3A_466 = arith.constant 80 : i32
      %scan3A_467 = arith.addi %scan3A_465, %scan3A_466 : i32
      %scan3A_468 = arith.constant 1 : i32
      scf.for %scan3A_472 = %scan3A_465 to %scan3A_467 step %scan3A_468  : i32 {
        %get3A = arith.constant 1 : i32
        %get3A_473 = arith.index_cast %get3A : i32 to index
        %get3A_474 = arith.index_cast %scan3A_472 : i32 to index
        %get3A_475 = arith.constant 0 : index
        %get3A_476 = tpu.vector_load %arg7[%get3A_473, %get3A_474, %get3A_475] {strides = array<i32>} : memref<2x80x128xf32, #tpu.memory_space<vmem>>, vector<1x1x16xf32>,
        %get3A_477 = vector.shape_cast %get3A_476 : vector<1x1x16xf32> to vector<16xf32>
        %get3A_478 = arith.constant 1 : i32
        %get3A_479 = arith.index_cast %get3A_478 : i32 to index
        %get3A_480 = arith.index_cast %scan3A_472 : i32 to index
        %get3A_481 = arith.constant 0 : index
        %get3A_482 = tpu.vector_load %arg8[%get3A_479, %get3A_480, %get3A_481] {strides = array<i32>} : memref<2x80x128xf32, #tpu.memory_space<vmem>>, vector<1x1x16xf32>,
        %get3A_483 = vector.shape_cast %get3A_482 : vector<1x1x16xf32> to vector<16xf32>
        %add3A_484 = arith.addf %get3A_477, %get3A_483 : vector<16xf32>
        %max3A = arith.constant 0.000000e+00 : f32
        %max3A_485 = vector.broadcast %max3A : f32 to vector<16xf32>
        %max3A_486 = arith.maximumf %add3A_484, %max3A_485 : vector<16xf32>
        %swap3A = arith.constant 1 : i32
        %swap3A_487 = arith.index_cast %swap3A : i32 to index
        %swap3A_488 = arith.index_cast %scan3A_472 : i32 to index
        %swap3A_489 = arith.constant 0 : index
        %swap3A_490 = tpu.vector_load %arg7[%swap3A_487, %swap3A_488, %swap3A_489] {strides = array<i32>} : memref<2x80x128xf32, #tpu.memory_space<vmem>>, vector<1x1x16xf32>,
        %swap3A_491 = vector.shape_cast %swap3A_490 : vector<1x1x16xf32> to vector<16xf32>
        %swap3A_492 = vector.shape_cast %max3A_486 : vector<16xf32> to vector<1x1x16xf32>
        tpu.vector_store %arg7[%swap3A_487, %swap3A_488, %swap3A_489], %swap3A_492 {strides = array<i32>} : memref<2x80x128xf32, #tpu.memory_space<vmem>>, vector<1x1x16xf32>,
        %get3A_493 = arith.constant 1 : i32
        %get3A_494 = arith.index_cast %get3A_493 : i32 to index
        %get3A_495 = arith.index_cast %scan3A_472 : i32 to index
        %get3A_496 = arith.constant 16 : index
        %get3A_497 = tpu.vector_load %arg7[%get3A_494, %get3A_495, %get3A_496] {strides = array<i32>} : memref<2x80x128xf32, #tpu.memory_space<vmem>>, vector<1x1x16xf32>,
        %get3A_498 = vector.shape_cast %get3A_497 : vector<1x1x16xf32> to vector<16xf32>
        %get3A_499 = arith.constant 1 : i32
        %get3A_500 = arith.index_cast %get3A_499 : i32 to index
        %get3A_501 = arith.index_cast %scan3A_472 : i32 to index
        %get3A_502 = arith.constant 16 : index
        %get3A_503 = tpu.vector_load %arg8[%get3A_500, %get3A_501, %get3A_502] {strides = array<i32>} : memref<2x80x128xf32, #tpu.memory_space<vmem>>, vector<1x1x16xf32>,
        %get3A_504 = vector.shape_cast %get3A_503 : vector<1x1x16xf32> to vector<16xf32>
        %add3A_505 = arith.addf %get3A_498, %get3A_504 : vector<16xf32>
        %max3A_506 = arith.constant 0.000000e+00 : f32
        %max3A_507 = vector.broadcast %max3A_506 : f32 to vector<16xf32>
        %max3A_508 = arith.maximumf %add3A_505, %max3A_507 : vector<16xf32>
        %swap3A_509 = arith.constant 1 : i32
        %swap3A_510 = arith.index_cast %swap3A_509 : i32 to index
        %swap3A_511 = arith.index_cast %scan3A_472 : i32 to index
        %swap3A_512 = arith.constant 16 : index
        %swap3A_513 = tpu.vector_load %arg7[%swap3A_510, %swap3A_511, %swap3A_512] {strides = array<i32>} : memref<2x80x128xf32, #tpu.memory_space<vmem>>, vector<1x1x16xf32>,
        %swap3A_514 = vector.shape_cast %swap3A_513 : vector<1x1x16xf32> to vector<16xf32>
        %swap3A_515 = vector.shape_cast %max3A_508 : vector<16xf32> to vector<1x1x16xf32>
        tpu.vector_store %arg7[%swap3A_510, %swap3A_511, %swap3A_512], %swap3A_515 {strides = array<i32>} : memref<2x80x128xf32, #tpu.memory_space<vmem>>, vector<1x1x16xf32>,
        %get3A_516 = arith.constant 1 : i32
        %get3A_517 = arith.index_cast %get3A_516 : i32 to index
        %get3A_518 = arith.index_cast %scan3A_472 : i32 to index
        %get3A_519 = arith.constant 32 : index
        %get3A_520 = tpu.vector_load %arg7[%get3A_517, %get3A_518, %get3A_519] {strides = array<i32>} : memref<2x80x128xf32, #tpu.memory_space<vmem>>, vector<1x1x16xf32>,
        %get3A_521 = vector.shape_cast %get3A_520 : vector<1x1x16xf32> to vector<16xf32>
        %get3A_522 = arith.constant 1 : i32
        %get3A_523 = arith.index_cast %get3A_522 : i32 to index
        %get3A_524 = arith.index_cast %scan3A_472 : i32 to index
        %get3A_525 = arith.constant 32 : index
        %get3A_526 = tpu.vector_load %arg8[%get3A_523, %get3A_524, %get3A_525] {strides = array<i32>} : memref<2x80x128xf32, #tpu.memory_space<vmem>>, vector<1x1x16xf32>,
        %get3A_527 = vector.shape_cast %get3A_526 : vector<1x1x16xf32> to vector<16xf32>
        %add3A_528 = arith.addf %get3A_521, %get3A_527 : vector<16xf32>
        %max3A_529 = arith.constant 0.000000e+00 : f32
        %max3A_530 = vector.broadcast %max3A_529 : f32 to vector<16xf32>
        %max3A_531 = arith.maximumf %add3A_528, %max3A_530 : vector<16xf32>
        %swap3A_532 = arith.constant 1 : i32
        %swap3A_533 = arith.index_cast %swap3A_532 : i32 to index
        %swap3A_534 = arith.index_cast %scan3A_472 : i32 to index
        %swap3A_535 = arith.constant 32 : index
        %swap3A_536 = tpu.vector_load %arg7[%swap3A_533, %swap3A_534, %swap3A_535] {strides = array<i32>} : memref<2x80x128xf32, #tpu.memory_space<vmem>>, vector<1x1x16xf32>,
        %swap3A_537 = vector.shape_cast %swap3A_536 : vector<1x1x16xf32> to vector<16xf32>
        %swap3A_538 = vector.shape_cast %max3A_531 : vector<16xf32> to vector<1x1x16xf32>
        tpu.vector_store %arg7[%swap3A_533, %swap3A_534, %swap3A_535], %swap3A_538 {strides = array<i32>} : memref<2x80x128xf32, #tpu.memory_space<vmem>>, vector<1x1x16xf32>,
        %get3A_539 = arith.constant 1 : i32
        %get3A_540 = arith.index_cast %get3A_539 : i32 to index
        %get3A_541 = arith.index_cast %scan3A_472 : i32 to index
        %get3A_542 = arith.constant 48 : index
        %get3A_543 = tpu.vector_load %arg7[%get3A_540, %get3A_541, %get3A_542] {strides = array<i32>} : memref<2x80x128xf32, #tpu.memory_space<vmem>>, vector<1x1x16xf32>,
        %get3A_544 = vector.shape_cast %get3A_543 : vector<1x1x16xf32> to vector<16xf32>
        %get3A_545 = arith.constant 1 : i32
        %get3A_546 = arith.index_cast %get3A_545 : i32 to index
        %get3A_547 = arith.index_cast %scan3A_472 : i32 to index
        %get3A_548 = arith.constant 48 : index
        %get3A_549 = tpu.vector_load %arg8[%get3A_546, %get3A_547, %get3A_548] {strides = array<i32>} : memref<2x80x128xf32, #tpu.memory_space<vmem>>, vector<1x1x16xf32>,
        %get3A_550 = vector.shape_cast %get3A_549 : vector<1x1x16xf32> to vector<16xf32>
        %add3A_551 = arith.addf %get3A_544, %get3A_550 : vector<16xf32>
        %max3A_552 = arith.constant 0.000000e+00 : f32
        %max3A_553 = vector.broadcast %max3A_552 : f32 to vector<16xf32>
        %max3A_554 = arith.maximumf %add3A_551, %max3A_553 : vector<16xf32>
        %swap3A_555 = arith.constant 1 : i32
        %swap3A_556 = arith.index_cast %swap3A_555 : i32 to index
        %swap3A_557 = arith.index_cast %scan3A_472 : i32 to index
        %swap3A_558 = arith.constant 48 : index
        %swap3A_559 = tpu.vector_load %arg7[%swap3A_556, %swap3A_557, %swap3A_558] {strides = array<i32>} : memref<2x80x128xf32, #tpu.memory_space<vmem>>, vector<1x1x16xf32>,
        %swap3A_560 = vector.shape_cast %swap3A_559 : vector<1x1x16xf32> to vector<16xf32>
        %swap3A_561 = vector.shape_cast %max3A_554 : vector<16xf32> to vector<1x1x16xf32>
        tpu.vector_store %arg7[%swap3A_556, %swap3A_557, %swap3A_558], %swap3A_561 {strides = array<i32>} : memref<2x80x128xf32, #tpu.memory_space<vmem>>, vector<1x1x16xf32>,
        %get3A_562 = arith.constant 1 : i32
        %get3A_563 = arith.index_cast %get3A_562 : i32 to index
        %get3A_564 = arith.index_cast %scan3A_472 : i32 to index
        %get3A_565 = arith.constant 64 : index
        %get3A_566 = tpu.vector_load %arg7[%get3A_563, %get3A_564, %get3A_565] {strides = array<i32>} : memref<2x80x128xf32, #tpu.memory_space<vmem>>, vector<1x1x16xf32>,
        %get3A_567 = vector.shape_cast %get3A_566 : vector<1x1x16xf32> to vector<16xf32>
        %get3A_568 = arith.constant 1 : i32
        %get3A_569 = arith.index_cast %get3A_568 : i32 to index
        %get3A_570 = arith.index_cast %scan3A_472 : i32 to index
        %get3A_571 = arith.constant 64 : index
        %get3A_572 = tpu.vector_load %arg8[%get3A_569, %get3A_570, %get3A_571] {strides = array<i32>} : memref<2x80x128xf32, #tpu.memory_space<vmem>>, vector<1x1x16xf32>,
        %get3A_573 = vector.shape_cast %get3A_572 : vector<1x1x16xf32> to vector<16xf32>
        %add3A_574 = arith.addf %get3A_567, %get3A_573 : vector<16xf32>
        %max3A_575 = arith.constant 0.000000e+00 : f32
        %max3A_576 = vector.broadcast %max3A_575 : f32 to vector<16xf32>
        %max3A_577 = arith.maximumf %add3A_574, %max3A_576 : vector<16xf32>
        %swap3A_578 = arith.constant 1 : i32
        %swap3A_579 = arith.index_cast %swap3A_578 : i32 to index
        %swap3A_580 = arith.index_cast %scan3A_472 : i32 to index
        %swap3A_581 = arith.constant 64 : index
        %swap3A_582 = tpu.vector_load %arg7[%swap3A_579, %swap3A_580, %swap3A_581] {strides = array<i32>} : memref<2x80x128xf32, #tpu.memory_space<vmem>>, vector<1x1x16xf32>,
        %swap3A_583 = vector.shape_cast %swap3A_582 : vector<1x1x16xf32> to vector<16xf32>
        %swap3A_584 = vector.shape_cast %max3A_577 : vector<16xf32> to vector<1x1x16xf32>
        tpu.vector_store %arg7[%swap3A_579, %swap3A_580, %swap3A_581], %swap3A_584 {strides = array<i32>} : memref<2x80x128xf32, #tpu.memory_space<vmem>>, vector<1x1x16xf32>,
        %get3A_585 = arith.constant 1 : i32
        %get3A_586 = arith.index_cast %get3A_585 : i32 to index
        %get3A_587 = arith.index_cast %scan3A_472 : i32 to index
        %get3A_588 = arith.constant 80 : index
        %get3A_589 = tpu.vector_load %arg7[%get3A_586, %get3A_587, %get3A_588] {strides = array<i32>} : memref<2x80x128xf32, #tpu.memory_space<vmem>>, vector<1x1x16xf32>,
        %get3A_590 = vector.shape_cast %get3A_589 : vector<1x1x16xf32> to vector<16xf32>
        %get3A_591 = arith.constant 1 : i32
        %get3A_592 = arith.index_cast %get3A_591 : i32 to index
        %get3A_593 = arith.index_cast %scan3A_472 : i32 to index
        %get3A_594 = arith.constant 80 : index
        %get3A_595 = tpu.vector_load %arg8[%get3A_592, %get3A_593, %get3A_594] {strides = array<i32>} : memref<2x80x128xf32, #tpu.memory_space<vmem>>, vector<1x1x16xf32>,
        %get3A_596 = vector.shape_cast %get3A_595 : vector<1x1x16xf32> to vector<16xf32>
        %add3A_597 = arith.addf %get3A_590, %get3A_596 : vector<16xf32>
        %max3A_598 = arith.constant 0.000000e+00 : f32
        %max3A_599 = vector.broadcast %max3A_598 : f32 to vector<16xf32>
        %max3A_600 = arith.maximumf %add3A_597, %max3A_599 : vector<16xf32>
        %swap3A_601 = arith.constant 1 : i32
        %swap3A_602 = arith.index_cast %swap3A_601 : i32 to index
        %swap3A_603 = arith.index_cast %scan3A_472 : i32 to index
        %swap3A_604 = arith.constant 80 : index
        %swap3A_605 = tpu.vector_load %arg7[%swap3A_602, %swap3A_603, %swap3A_604] {strides = array<i32>} : memref<2x80x128xf32, #tpu.memory_space<vmem>>, vector<1x1x16xf32>,
        %swap3A_606 = vector.shape_cast %swap3A_605 : vector<1x1x16xf32> to vector<16xf32>
        %swap3A_607 = vector.shape_cast %max3A_600 : vector<16xf32> to vector<1x1x16xf32>
        tpu.vector_store %arg7[%swap3A_602, %swap3A_603, %swap3A_604], %swap3A_607 {strides = array<i32>} : memref<2x80x128xf32, #tpu.memory_space<vmem>>, vector<1x1x16xf32>,
        %get3A_608 = arith.constant 1 : i32
        %get3A_609 = arith.index_cast %get3A_608 : i32 to index
        %get3A_610 = arith.index_cast %scan3A_472 : i32 to index
        %get3A_611 = arith.constant 96 : index
        %get3A_612 = tpu.vector_load %arg7[%get3A_609, %get3A_610, %get3A_611] {strides = array<i32>} : memref<2x80x128xf32, #tpu.memory_space<vmem>>, vector<1x1x16xf32>,
        %get3A_613 = vector.shape_cast %get3A_612 : vector<1x1x16xf32> to vector<16xf32>
        %get3A_614 = arith.constant 1 : i32
        %get3A_615 = arith.index_cast %get3A_614 : i32 to index
        %get3A_616 = arith.index_cast %scan3A_472 : i32 to index
        %get3A_617 = arith.constant 96 : index
        %get3A_618 = tpu.vector_load %arg8[%get3A_615, %get3A_616, %get3A_617] {strides = array<i32>} : memref<2x80x128xf32, #tpu.memory_space<vmem>>, vector<1x1x16xf32>,
        %get3A_619 = vector.shape_cast %get3A_618 : vector<1x1x16xf32> to vector<16xf32>
        %add3A_620 = arith.addf %get3A_613, %get3A_619 : vector<16xf32>
        %max3A_621 = arith.constant 0.000000e+00 : f32
        %max3A_622 = vector.broadcast %max3A_621 : f32 to vector<16xf32>
        %max3A_623 = arith.maximumf %add3A_620, %max3A_622 : vector<16xf32>
        %swap3A_624 = arith.constant 1 : i32
        %swap3A_625 = arith.index_cast %swap3A_624 : i32 to index
        %swap3A_626 = arith.index_cast %scan3A_472 : i32 to index
        %swap3A_627 = arith.constant 96 : index
        %swap3A_628 = tpu.vector_load %arg7[%swap3A_625, %swap3A_626, %swap3A_627] {strides = array<i32>} : memref<2x80x128xf32, #tpu.memory_space<vmem>>, vector<1x1x16xf32>,
        %swap3A_629 = vector.shape_cast %swap3A_628 : vector<1x1x16xf32> to vector<16xf32>
        %swap3A_630 = vector.shape_cast %max3A_623 : vector<16xf32> to vector<1x1x16xf32>
        tpu.vector_store %arg7[%swap3A_625, %swap3A_626, %swap3A_627], %swap3A_630 {strides = array<i32>} : memref<2x80x128xf32, #tpu.memory_space<vmem>>, vector<1x1x16xf32>,
        %get3A_631 = arith.constant 1 : i32
        %get3A_632 = arith.index_cast %get3A_631 : i32 to index
        %get3A_633 = arith.index_cast %scan3A_472 : i32 to index
        %get3A_634 = arith.constant 112 : index
        %get3A_635 = tpu.vector_load %arg7[%get3A_632, %get3A_633, %get3A_634] {strides = array<i32>} : memref<2x80x128xf32, #tpu.memory_space<vmem>>, vector<1x1x16xf32>,
        %get3A_636 = vector.shape_cast %get3A_635 : vector<1x1x16xf32> to vector<16xf32>
        %get3A_637 = arith.constant 1 : i32
        %get3A_638 = arith.index_cast %get3A_637 : i32 to index
        %get3A_639 = arith.index_cast %scan3A_472 : i32 to index
        %get3A_640 = arith.constant 112 : index
        %get3A_641 = tpu.vector_load %arg8[%get3A_638, %get3A_639, %get3A_640] {strides = array<i32>} : memref<2x80x128xf32, #tpu.memory_space<vmem>>, vector<1x1x16xf32>,
        %get3A_642 = vector.shape_cast %get3A_641 : vector<1x1x16xf32> to vector<16xf32>
        %add3A_643 = arith.addf %get3A_636, %get3A_642 : vector<16xf32>
        %max3A_644 = arith.constant 0.000000e+00 : f32
        %max3A_645 = vector.broadcast %max3A_644 : f32 to vector<16xf32>
        %max3A_646 = arith.maximumf %add3A_643, %max3A_645 : vector<16xf32>
        %swap3A_647 = arith.constant 1 : i32
        %swap3A_648 = arith.index_cast %swap3A_647 : i32 to index
        %swap3A_649 = arith.index_cast %scan3A_472 : i32 to index
        %swap3A_650 = arith.constant 112 : index
        %swap3A_651 = tpu.vector_load %arg7[%swap3A_648, %swap3A_649, %swap3A_650] {strides = array<i32>} : memref<2x80x128xf32, #tpu.memory_space<vmem>>, vector<1x1x16xf32>,
        %swap3A_652 = vector.shape_cast %swap3A_651 : vector<1x1x16xf32> to vector<16xf32>
        %swap3A_653 = vector.shape_cast %max3A_646 : vector<16xf32> to vector<1x1x16xf32>
        tpu.vector_store %arg7[%swap3A_648, %swap3A_649, %swap3A_650], %swap3A_653 {strides = array<i32>} : memref<2x80x128xf32, #tpu.memory_space<vmem>>, vector<1x1x16xf32>,
      }
      %scan3A_469 = arith.constant 80 : i32
      %run_scoped3A_470 = arith.constant 1 : i32
      %run_scoped3A_471 = arith.constant 3 : i32
      "tpu.region"() ({
        %run_scoped3A_472 = tpu.sem_alloc : memref<!tpu.dma_semaphore, #tpu.memory_space<semaphore_mem>>
        %dma_start3A_473 = arith.constant 0 : i32
        %dma_start3A_474 = arith.constant 0 : i32
        %dma_start3A_475 = tpu.memref_slice %arg7[%run_scoped3A_470, %dma_start3A_473, %dma_start3A_474] : memref<2x80x128xf32, #tpu.memory_space<vmem>> -> memref<1x80x128xf32, #tpu.memory_space<vmem>>
        %dma_start3A_476 = tpu.memref_squeeze %dma_start3A_475 : memref<1x80x128xf32, #tpu.memory_space<vmem>> -> memref<80x128xf32, #tpu.memory_space<vmem>>
        %dma_start3A_477 = arith.constant 0 : i32
        %dma_start3A_478 = tpu.memref_slice %arg10[%run_scoped3A_471, %dma_start3A_477] : memref<4x80xi32, #tpu.memory_space<vmem>> -> memref<1x80xi32, #tpu.memory_space<vmem>>
        %dma_start3A_479 = tpu.memref_squeeze %dma_start3A_478 : memref<1x80xi32, #tpu.memory_space<vmem>> -> memref<80xi32, #tpu.memory_space<vmem>>
        %dma_start3A_480 = arith.constant 0 : i32
        %dma_start3A_481 = arith.constant 0 : i32
        %dma_start3A_482 = tpu.memref_slice %arg11[%dma_start3A_480, %dma_start3A_481] : memref<10240x128xf32, #tpu.memory_space<vmem_shared>> -> memref<10240x128xf32, #tpu.memory_space<vmem_shared>>
        tpu.enqueue_indirect_dma source(%dma_start3A_476 : memref<80x128xf32, #tpu.memory_space<vmem>>) target(%dma_start3A_482 : memref<10240x128xf32, #tpu.memory_space<vmem_shared>>) offsets(%dma_start3A_479 : memref<80xi32, #tpu.memory_space<vmem>>) semaphore(%run_scoped3A_472 : memref<!tpu.dma_semaphore, #tpu.memory_space<semaphore_mem>>) {add = true}
        %dma_wait3A_483 = arith.constant 0 : i32
        %dma_wait3A_484 = arith.constant 0 : i32
        %dma_wait3A_485 = tpu.memref_slice %arg7[%run_scoped3A_470, %dma_wait3A_483, %dma_wait3A_484] : memref<2x80x128xf32, #tpu.memory_space<vmem>> -> memref<1x80x128xf32, #tpu.memory_space<vmem>>
        %dma_wait3A_486 = tpu.memref_squeeze %dma_wait3A_485 : memref<1x80x128xf32, #tpu.memory_space<vmem>> -> memref<80x128xf32, #tpu.memory_space<vmem>>
        %dma_wait3A_487 = arith.constant 0 : i32
        %dma_wait3A_488 = tpu.memref_slice %arg10[%run_scoped3A_471, %dma_wait3A_487] : memref<4x80xi32, #tpu.memory_space<vmem>> -> memref<1x80xi32, #tpu.memory_space<vmem>>
        %dma_wait3A_489 = tpu.memref_squeeze %dma_wait3A_488 : memref<1x80xi32, #tpu.memory_space<vmem>> -> memref<80xi32, #tpu.memory_space<vmem>>
        %dma_wait3A_490 = arith.constant 0 : i32
        %dma_wait3A_491 = arith.constant 0 : i32
        %dma_wait3A_492 = tpu.memref_slice %arg11[%dma_wait3A_490, %dma_wait3A_491] : memref<10240x128xf32, #tpu.memory_space<vmem_shared>> -> memref<10240x128xf32, #tpu.memory_space<vmem_shared>>
        tpu.wait_indirect_dma semaphore(%run_scoped3A_472 : memref<!tpu.dma_semaphore, #tpu.memory_space<semaphore_mem>>) src(%dma_wait3A_486 : memref<80x128xf32, #tpu.memory_space<vmem>>) dst(%dma_wait3A_492 : memref<10240x128xf32, #tpu.memory_space<vmem_shared>>)
        tpu.yield
      }) : () -> ()
    }
    %scan3A_155 = arith.constant 31 : i32
    %dma_wait3A_156 = arith.constant 0 : i32
    %dma_wait3A_157 = arith.constant 0 : i32
    %dma_wait3A_158 = arith.constant 0 : i32
    %dma_wait3A_159 = arith.constant 0 : i32
    %dma_wait3A_160 = arith.constant 0 : i32
    %dma_wait3A_161 = tpu.memref_slice %arg7[%dma_wait3A_157, %dma_wait3A_159, %dma_wait3A_160] : memref<2x80x128xf32, #tpu.memory_space<vmem>> -> memref<1x80x128xf32, #tpu.memory_space<vmem>>
    %dma_wait3A_162 = tpu.memref_squeeze %dma_wait3A_161 : memref<1x80x128xf32, #tpu.memory_space<vmem>> -> memref<80x128xf32, #tpu.memory_space<vmem>>
    %dma_wait3A_163 = arith.constant 0 : i32
    %dma_wait3A_164 = tpu.memref_slice %arg9[%dma_wait3A_156, %dma_wait3A_163] : memref<4x80xi32, #tpu.memory_space<vmem>> -> memref<1x80xi32, #tpu.memory_space<vmem>>
    %dma_wait3A_165 = tpu.memref_squeeze %dma_wait3A_164 : memref<1x80xi32, #tpu.memory_space<vmem>> -> memref<80xi32, #tpu.memory_space<vmem>>
    %dma_wait3A_166 = arith.constant 0 : i32
    %dma_wait3A_167 = arith.constant 0 : i32
    %dma_wait3A_168 = tpu.memref_slice %arg2[%dma_wait3A_166, %dma_wait3A_167] : memref<10000x128xf32, #tpu.memory_space<hbm>> -> memref<10000x128xf32, #tpu.memory_space<hbm>>
    %dma_wait3A_169 = tpu.memref_slice %arg12[%dma_wait3A_158] : memref<2x!tpu.dma_semaphore, #tpu.memory_space<semaphore_mem>> -> memref<1x!tpu.dma_semaphore, #tpu.memory_space<semaphore_mem>>
    %dma_wait3A_170 = tpu.memref_squeeze %dma_wait3A_169 : memref<1x!tpu.dma_semaphore, #tpu.memory_space<semaphore_mem>> -> memref<!tpu.dma_semaphore, #tpu.memory_space<semaphore_mem>>
    tpu.wait_indirect_dma semaphore(%dma_wait3A_170 : memref<!tpu.dma_semaphore, #tpu.memory_space<semaphore_mem>>) src(%dma_wait3A_168 : memref<10000x128xf32, #tpu.memory_space<hbm>>) dst(%dma_wait3A_162 : memref<80x128xf32, #tpu.memory_space<vmem>>)
    %dma_wait3A_171 = arith.constant 0 : i32
    %dma_wait3A_172 = arith.constant 0 : i32
    %dma_wait3A_173 = arith.constant 0 : i32
    %dma_wait3A_174 = arith.constant 0 : i32
    %dma_wait3A_175 = tpu.memref_slice %arg8[%dma_wait3A_171, %dma_wait3A_173, %dma_wait3A_174] : memref<2x80x128xf32, #tpu.memory_space<vmem>> -> memref<1x80x128xf32, #tpu.memory_space<vmem>>
    %dma_wait3A_176 = tpu.memref_squeeze %dma_wait3A_175 : memref<1x80x128xf32, #tpu.memory_space<vmem>> -> memref<80x128xf32, #tpu.memory_space<vmem>>
    %dma_wait3A_177 = arith.constant 0 : i32
    %dma_wait3A_178 = arith.constant 0 : i32
    %dma_wait3A_179 = tpu.memref_slice %arg3[%dma_wait3A_177, %dma_wait3A_178] : memref<320000x128xf32, #tpu.memory_space<hbm>> -> memref<80x128xf32, #tpu.memory_space<hbm>>
    %dma_wait3A_180 = tpu.memref_slice %arg13[%dma_wait3A_172] : memref<2x!tpu.dma_semaphore, #tpu.memory_space<semaphore_mem>> -> memref<1x!tpu.dma_semaphore, #tpu.memory_space<semaphore_mem>>
    %dma_wait3A_181 = tpu.memref_squeeze %dma_wait3A_180 : memref<1x!tpu.dma_semaphore, #tpu.memory_space<semaphore_mem>> -> memref<!tpu.dma_semaphore, #tpu.memory_space<semaphore_mem>>
    %dma_wait3A_182 = arith.constant 0 : i32
    %dma_wait3A_183 = arith.constant 0 : i32
    %dma_wait3A_184 = tpu.memref_slice %arg8[%dma_wait3A_171, %dma_wait3A_182, %dma_wait3A_183] : memref<2x80x128xf32, #tpu.memory_space<vmem>> -> memref<1x80x128xf32, #tpu.memory_space<vmem>>
    %dma_wait3A_185 = tpu.memref_squeeze %dma_wait3A_184 : memref<1x80x128xf32, #tpu.memory_space<vmem>> -> memref<80x128xf32, #tpu.memory_space<vmem>>
    %dma_wait3A_186 = arith.constant 0 : i32
    %dma_wait3A_187 = arith.constant 0 : i32
    %dma_wait3A_188 = tpu.memref_slice %arg3[%dma_wait3A_186, %dma_wait3A_187] : memref<320000x128xf32, #tpu.memory_space<hbm>> -> memref<80x128xf32, #tpu.memory_space<hbm>>
    tpu.wait_dma2 semaphore(%dma_wait3A_181 : memref<!tpu.dma_semaphore, #tpu.memory_space<semaphore_mem>>) src(%dma_wait3A_188 : memref<80x128xf32, #tpu.memory_space<hbm>>) dst(%dma_wait3A_185 : memref<80x128xf32, #tpu.memory_space<vmem>>)
    %scan3A_189 = arith.constant 0 : i32
    %scan3A_190 = arith.constant 0 : i32
    %scan3A_191 = arith.constant 80 : i32
    %scan3A_192 = arith.addi %scan3A_190, %scan3A_191 : i32
    %scan3A_193 = arith.constant 1 : i32
    scf.for %scan3A_238 = %scan3A_190 to %scan3A_192 step %scan3A_193  : i32 {
      %get3A = arith.constant 0 : i32
      %get3A_239 = arith.index_cast %get3A : i32 to index
      %get3A_240 = arith.index_cast %scan3A_238 : i32 to index
      %get3A_241 = arith.constant 0 : index
      %get3A_242 = tpu.vector_load %arg7[%get3A_239, %get3A_240, %get3A_241] {strides = array<i32>} : memref<2x80x128xf32, #tpu.memory_space<vmem>>, vector<1x1x16xf32>,
      %get3A_243 = vector.shape_cast %get3A_242 : vector<1x1x16xf32> to vector<16xf32>
      %get3A_244 = arith.constant 0 : i32
      %get3A_245 = arith.index_cast %get3A_244 : i32 to index
      %get3A_246 = arith.index_cast %scan3A_238 : i32 to index
      %get3A_247 = arith.constant 0 : index
      %get3A_248 = tpu.vector_load %arg8[%get3A_245, %get3A_246, %get3A_247] {strides = array<i32>} : memref<2x80x128xf32, #tpu.memory_space<vmem>>, vector<1x1x16xf32>,
      %get3A_249 = vector.shape_cast %get3A_248 : vector<1x1x16xf32> to vector<16xf32>
      %add3A_250 = arith.addf %get3A_243, %get3A_249 : vector<16xf32>
      %max3A = arith.constant 0.000000e+00 : f32
      %max3A_251 = vector.broadcast %max3A : f32 to vector<16xf32>
      %max3A_252 = arith.maximumf %add3A_250, %max3A_251 : vector<16xf32>
      %swap3A = arith.constant 0 : i32
      %swap3A_253 = arith.index_cast %swap3A : i32 to index
      %swap3A_254 = arith.index_cast %scan3A_238 : i32 to index
      %swap3A_255 = arith.constant 0 : index
      %swap3A_256 = tpu.vector_load %arg7[%swap3A_253, %swap3A_254, %swap3A_255] {strides = array<i32>} : memref<2x80x128xf32, #tpu.memory_space<vmem>>, vector<1x1x16xf32>,
      %swap3A_257 = vector.shape_cast %swap3A_256 : vector<1x1x16xf32> to vector<16xf32>
      %swap3A_258 = vector.shape_cast %max3A_252 : vector<16xf32> to vector<1x1x16xf32>
      tpu.vector_store %arg7[%swap3A_253, %swap3A_254, %swap3A_255], %swap3A_258 {strides = array<i32>} : memref<2x80x128xf32, #tpu.memory_space<vmem>>, vector<1x1x16xf32>,
      %get3A_259 = arith.constant 0 : i32
      %get3A_260 = arith.index_cast %get3A_259 : i32 to index
      %get3A_261 = arith.index_cast %scan3A_238 : i32 to index
      %get3A_262 = arith.constant 16 : index
      %get3A_263 = tpu.vector_load %arg7[%get3A_260, %get3A_261, %get3A_262] {strides = array<i32>} : memref<2x80x128xf32, #tpu.memory_space<vmem>>, vector<1x1x16xf32>,
      %get3A_264 = vector.shape_cast %get3A_263 : vector<1x1x16xf32> to vector<16xf32>
      %get3A_265 = arith.constant 0 : i32
      %get3A_266 = arith.index_cast %get3A_265 : i32 to index
      %get3A_267 = arith.index_cast %scan3A_238 : i32 to index
      %get3A_268 = arith.constant 16 : index
      %get3A_269 = tpu.vector_load %arg8[%get3A_266, %get3A_267, %get3A_268] {strides = array<i32>} : memref<2x80x128xf32, #tpu.memory_space<vmem>>, vector<1x1x16xf32>,
      %get3A_270 = vector.shape_cast %get3A_269 : vector<1x1x16xf32> to vector<16xf32>
      %add3A_271 = arith.addf %get3A_264, %get3A_270 : vector<16xf32>
      %max3A_272 = arith.constant 0.000000e+00 : f32
      %max3A_273 = vector.broadcast %max3A_272 : f32 to vector<16xf32>
      %max3A_274 = arith.maximumf %add3A_271, %max3A_273 : vector<16xf32>
      %swap3A_275 = arith.constant 0 : i32
      %swap3A_276 = arith.index_cast %swap3A_275 : i32 to index
      %swap3A_277 = arith.index_cast %scan3A_238 : i32 to index
      %swap3A_278 = arith.constant 16 : index
      %swap3A_279 = tpu.vector_load %arg7[%swap3A_276, %swap3A_277, %swap3A_278] {strides = array<i32>} : memref<2x80x128xf32, #tpu.memory_space<vmem>>, vector<1x1x16xf32>,
      %swap3A_280 = vector.shape_cast %swap3A_279 : vector<1x1x16xf32> to vector<16xf32>
      %swap3A_281 = vector.shape_cast %max3A_274 : vector<16xf32> to vector<1x1x16xf32>
      tpu.vector_store %arg7[%swap3A_276, %swap3A_277, %swap3A_278], %swap3A_281 {strides = array<i32>} : memref<2x80x128xf32, #tpu.memory_space<vmem>>, vector<1x1x16xf32>,
      %get3A_282 = arith.constant 0 : i32
      %get3A_283 = arith.index_cast %get3A_282 : i32 to index
      %get3A_284 = arith.index_cast %scan3A_238 : i32 to index
      %get3A_285 = arith.constant 32 : index
      %get3A_286 = tpu.vector_load %arg7[%get3A_283, %get3A_284, %get3A_285] {strides = array<i32>} : memref<2x80x128xf32, #tpu.memory_space<vmem>>, vector<1x1x16xf32>,
      %get3A_287 = vector.shape_cast %get3A_286 : vector<1x1x16xf32> to vector<16xf32>
      %get3A_288 = arith.constant 0 : i32
      %get3A_289 = arith.index_cast %get3A_288 : i32 to index
      %get3A_290 = arith.index_cast %scan3A_238 : i32 to index
      %get3A_291 = arith.constant 32 : index
      %get3A_292 = tpu.vector_load %arg8[%get3A_289, %get3A_290, %get3A_291] {strides = array<i32>} : memref<2x80x128xf32, #tpu.memory_space<vmem>>, vector<1x1x16xf32>,
      %get3A_293 = vector.shape_cast %get3A_292 : vector<1x1x16xf32> to vector<16xf32>
      %add3A_294 = arith.addf %get3A_287, %get3A_293 : vector<16xf32>
      %max3A_295 = arith.constant 0.000000e+00 : f32
      %max3A_296 = vector.broadcast %max3A_295 : f32 to vector<16xf32>
      %max3A_297 = arith.maximumf %add3A_294, %max3A_296 : vector<16xf32>
      %swap3A_298 = arith.constant 0 : i32
      %swap3A_299 = arith.index_cast %swap3A_298 : i32 to index
      %swap3A_300 = arith.index_cast %scan3A_238 : i32 to index
      %swap3A_301 = arith.constant 32 : index
      %swap3A_302 = tpu.vector_load %arg7[%swap3A_299, %swap3A_300, %swap3A_301] {strides = array<i32>} : memref<2x80x128xf32, #tpu.memory_space<vmem>>, vector<1x1x16xf32>,
      %swap3A_303 = vector.shape_cast %swap3A_302 : vector<1x1x16xf32> to vector<16xf32>
      %swap3A_304 = vector.shape_cast %max3A_297 : vector<16xf32> to vector<1x1x16xf32>
      tpu.vector_store %arg7[%swap3A_299, %swap3A_300, %swap3A_301], %swap3A_304 {strides = array<i32>} : memref<2x80x128xf32, #tpu.memory_space<vmem>>, vector<1x1x16xf32>,
      %get3A_305 = arith.constant 0 : i32
      %get3A_306 = arith.index_cast %get3A_305 : i32 to index
      %get3A_307 = arith.index_cast %scan3A_238 : i32 to index
      %get3A_308 = arith.constant 48 : index
      %get3A_309 = tpu.vector_load %arg7[%get3A_306, %get3A_307, %get3A_308] {strides = array<i32>} : memref<2x80x128xf32, #tpu.memory_space<vmem>>, vector<1x1x16xf32>,
      %get3A_310 = vector.shape_cast %get3A_309 : vector<1x1x16xf32> to vector<16xf32>
      %get3A_311 = arith.constant 0 : i32
      %get3A_312 = arith.index_cast %get3A_311 : i32 to index
      %get3A_313 = arith.index_cast %scan3A_238 : i32 to index
      %get3A_314 = arith.constant 48 : index
      %get3A_315 = tpu.vector_load %arg8[%get3A_312, %get3A_313, %get3A_314] {strides = array<i32>} : memref<2x80x128xf32, #tpu.memory_space<vmem>>, vector<1x1x16xf32>,
      %get3A_316 = vector.shape_cast %get3A_315 : vector<1x1x16xf32> to vector<16xf32>
      %add3A_317 = arith.addf %get3A_310, %get3A_316 : vector<16xf32>
      %max3A_318 = arith.constant 0.000000e+00 : f32
      %max3A_319 = vector.broadcast %max3A_318 : f32 to vector<16xf32>
      %max3A_320 = arith.maximumf %add3A_317, %max3A_319 : vector<16xf32>
      %swap3A_321 = arith.constant 0 : i32
      %swap3A_322 = arith.index_cast %swap3A_321 : i32 to index
      %swap3A_323 = arith.index_cast %scan3A_238 : i32 to index
      %swap3A_324 = arith.constant 48 : index
      %swap3A_325 = tpu.vector_load %arg7[%swap3A_322, %swap3A_323, %swap3A_324] {strides = array<i32>} : memref<2x80x128xf32, #tpu.memory_space<vmem>>, vector<1x1x16xf32>,
      %swap3A_326 = vector.shape_cast %swap3A_325 : vector<1x1x16xf32> to vector<16xf32>
      %swap3A_327 = vector.shape_cast %max3A_320 : vector<16xf32> to vector<1x1x16xf32>
      tpu.vector_store %arg7[%swap3A_322, %swap3A_323, %swap3A_324], %swap3A_327 {strides = array<i32>} : memref<2x80x128xf32, #tpu.memory_space<vmem>>, vector<1x1x16xf32>,
      %get3A_328 = arith.constant 0 : i32
      %get3A_329 = arith.index_cast %get3A_328 : i32 to index
      %get3A_330 = arith.index_cast %scan3A_238 : i32 to index
      %get3A_331 = arith.constant 64 : index
      %get3A_332 = tpu.vector_load %arg7[%get3A_329, %get3A_330, %get3A_331] {strides = array<i32>} : memref<2x80x128xf32, #tpu.memory_space<vmem>>, vector<1x1x16xf32>,
      %get3A_333 = vector.shape_cast %get3A_332 : vector<1x1x16xf32> to vector<16xf32>
      %get3A_334 = arith.constant 0 : i32
      %get3A_335 = arith.index_cast %get3A_334 : i32 to index
      %get3A_336 = arith.index_cast %scan3A_238 : i32 to index
      %get3A_337 = arith.constant 64 : index
      %get3A_338 = tpu.vector_load %arg8[%get3A_335, %get3A_336, %get3A_337] {strides = array<i32>} : memref<2x80x128xf32, #tpu.memory_space<vmem>>, vector<1x1x16xf32>,
      %get3A_339 = vector.shape_cast %get3A_338 : vector<1x1x16xf32> to vector<16xf32>
      %add3A_340 = arith.addf %get3A_333, %get3A_339 : vector<16xf32>
      %max3A_341 = arith.constant 0.000000e+00 : f32
      %max3A_342 = vector.broadcast %max3A_341 : f32 to vector<16xf32>
      %max3A_343 = arith.maximumf %add3A_340, %max3A_342 : vector<16xf32>
      %swap3A_344 = arith.constant 0 : i32
      %swap3A_345 = arith.index_cast %swap3A_344 : i32 to index
      %swap3A_346 = arith.index_cast %scan3A_238 : i32 to index
      %swap3A_347 = arith.constant 64 : index
      %swap3A_348 = tpu.vector_load %arg7[%swap3A_345, %swap3A_346, %swap3A_347] {strides = array<i32>} : memref<2x80x128xf32, #tpu.memory_space<vmem>>, vector<1x1x16xf32>,
      %swap3A_349 = vector.shape_cast %swap3A_348 : vector<1x1x16xf32> to vector<16xf32>
      %swap3A_350 = vector.shape_cast %max3A_343 : vector<16xf32> to vector<1x1x16xf32>
      tpu.vector_store %arg7[%swap3A_345, %swap3A_346, %swap3A_347], %swap3A_350 {strides = array<i32>} : memref<2x80x128xf32, #tpu.memory_space<vmem>>, vector<1x1x16xf32>,
      %get3A_351 = arith.constant 0 : i32
      %get3A_352 = arith.index_cast %get3A_351 : i32 to index
      %get3A_353 = arith.index_cast %scan3A_238 : i32 to index
      %get3A_354 = arith.constant 80 : index
      %get3A_355 = tpu.vector_load %arg7[%get3A_352, %get3A_353, %get3A_354] {strides = array<i32>} : memref<2x80x128xf32, #tpu.memory_space<vmem>>, vector<1x1x16xf32>,
      %get3A_356 = vector.shape_cast %get3A_355 : vector<1x1x16xf32> to vector<16xf32>
      %get3A_357 = arith.constant 0 : i32
      %get3A_358 = arith.index_cast %get3A_357 : i32 to index
      %get3A_359 = arith.index_cast %scan3A_238 : i32 to index
      %get3A_360 = arith.constant 80 : index
      %get3A_361 = tpu.vector_load %arg8[%get3A_358, %get3A_359, %get3A_360] {strides = array<i32>} : memref<2x80x128xf32, #tpu.memory_space<vmem>>, vector<1x1x16xf32>,
      %get3A_362 = vector.shape_cast %get3A_361 : vector<1x1x16xf32> to vector<16xf32>
      %add3A_363 = arith.addf %get3A_356, %get3A_362 : vector<16xf32>
      %max3A_364 = arith.constant 0.000000e+00 : f32
      %max3A_365 = vector.broadcast %max3A_364 : f32 to vector<16xf32>
      %max3A_366 = arith.maximumf %add3A_363, %max3A_365 : vector<16xf32>
      %swap3A_367 = arith.constant 0 : i32
      %swap3A_368 = arith.index_cast %swap3A_367 : i32 to index
      %swap3A_369 = arith.index_cast %scan3A_238 : i32 to index
      %swap3A_370 = arith.constant 80 : index
      %swap3A_371 = tpu.vector_load %arg7[%swap3A_368, %swap3A_369, %swap3A_370] {strides = array<i32>} : memref<2x80x128xf32, #tpu.memory_space<vmem>>, vector<1x1x16xf32>,
      %swap3A_372 = vector.shape_cast %swap3A_371 : vector<1x1x16xf32> to vector<16xf32>
      %swap3A_373 = vector.shape_cast %max3A_366 : vector<16xf32> to vector<1x1x16xf32>
      tpu.vector_store %arg7[%swap3A_368, %swap3A_369, %swap3A_370], %swap3A_373 {strides = array<i32>} : memref<2x80x128xf32, #tpu.memory_space<vmem>>, vector<1x1x16xf32>,
      %get3A_374 = arith.constant 0 : i32
      %get3A_375 = arith.index_cast %get3A_374 : i32 to index
      %get3A_376 = arith.index_cast %scan3A_238 : i32 to index
      %get3A_377 = arith.constant 96 : index
      %get3A_378 = tpu.vector_load %arg7[%get3A_375, %get3A_376, %get3A_377] {strides = array<i32>} : memref<2x80x128xf32, #tpu.memory_space<vmem>>, vector<1x1x16xf32>,
      %get3A_379 = vector.shape_cast %get3A_378 : vector<1x1x16xf32> to vector<16xf32>
      %get3A_380 = arith.constant 0 : i32
      %get3A_381 = arith.index_cast %get3A_380 : i32 to index
      %get3A_382 = arith.index_cast %scan3A_238 : i32 to index
      %get3A_383 = arith.constant 96 : index
      %get3A_384 = tpu.vector_load %arg8[%get3A_381, %get3A_382, %get3A_383] {strides = array<i32>} : memref<2x80x128xf32, #tpu.memory_space<vmem>>, vector<1x1x16xf32>,
      %get3A_385 = vector.shape_cast %get3A_384 : vector<1x1x16xf32> to vector<16xf32>
      %add3A_386 = arith.addf %get3A_379, %get3A_385 : vector<16xf32>
      %max3A_387 = arith.constant 0.000000e+00 : f32
      %max3A_388 = vector.broadcast %max3A_387 : f32 to vector<16xf32>
      %max3A_389 = arith.maximumf %add3A_386, %max3A_388 : vector<16xf32>
      %swap3A_390 = arith.constant 0 : i32
      %swap3A_391 = arith.index_cast %swap3A_390 : i32 to index
      %swap3A_392 = arith.index_cast %scan3A_238 : i32 to index
      %swap3A_393 = arith.constant 96 : index
      %swap3A_394 = tpu.vector_load %arg7[%swap3A_391, %swap3A_392, %swap3A_393] {strides = array<i32>} : memref<2x80x128xf32, #tpu.memory_space<vmem>>, vector<1x1x16xf32>,
      %swap3A_395 = vector.shape_cast %swap3A_394 : vector<1x1x16xf32> to vector<16xf32>
      %swap3A_396 = vector.shape_cast %max3A_389 : vector<16xf32> to vector<1x1x16xf32>
      tpu.vector_store %arg7[%swap3A_391, %swap3A_392, %swap3A_393], %swap3A_396 {strides = array<i32>} : memref<2x80x128xf32, #tpu.memory_space<vmem>>, vector<1x1x16xf32>,
      %get3A_397 = arith.constant 0 : i32
      %get3A_398 = arith.index_cast %get3A_397 : i32 to index
      %get3A_399 = arith.index_cast %scan3A_238 : i32 to index
      %get3A_400 = arith.constant 112 : index
      %get3A_401 = tpu.vector_load %arg7[%get3A_398, %get3A_399, %get3A_400] {strides = array<i32>} : memref<2x80x128xf32, #tpu.memory_space<vmem>>, vector<1x1x16xf32>,
      %get3A_402 = vector.shape_cast %get3A_401 : vector<1x1x16xf32> to vector<16xf32>
      %get3A_403 = arith.constant 0 : i32
      %get3A_404 = arith.index_cast %get3A_403 : i32 to index
      %get3A_405 = arith.index_cast %scan3A_238 : i32 to index
      %get3A_406 = arith.constant 112 : index
      %get3A_407 = tpu.vector_load %arg8[%get3A_404, %get3A_405, %get3A_406] {strides = array<i32>} : memref<2x80x128xf32, #tpu.memory_space<vmem>>, vector<1x1x16xf32>,
      %get3A_408 = vector.shape_cast %get3A_407 : vector<1x1x16xf32> to vector<16xf32>
      %add3A_409 = arith.addf %get3A_402, %get3A_408 : vector<16xf32>
      %max3A_410 = arith.constant 0.000000e+00 : f32
      %max3A_411 = vector.broadcast %max3A_410 : f32 to vector<16xf32>
      %max3A_412 = arith.maximumf %add3A_409, %max3A_411 : vector<16xf32>
      %swap3A_413 = arith.constant 0 : i32
      %swap3A_414 = arith.index_cast %swap3A_413 : i32 to index
      %swap3A_415 = arith.index_cast %scan3A_238 : i32 to index
      %swap3A_416 = arith.constant 112 : index
      %swap3A_417 = tpu.vector_load %arg7[%swap3A_414, %swap3A_415, %swap3A_416] {strides = array<i32>} : memref<2x80x128xf32, #tpu.memory_space<vmem>>, vector<1x1x16xf32>,
      %swap3A_418 = vector.shape_cast %swap3A_417 : vector<1x1x16xf32> to vector<16xf32>
      %swap3A_419 = vector.shape_cast %max3A_412 : vector<16xf32> to vector<1x1x16xf32>
      tpu.vector_store %arg7[%swap3A_414, %swap3A_415, %swap3A_416], %swap3A_419 {strides = array<i32>} : memref<2x80x128xf32, #tpu.memory_space<vmem>>, vector<1x1x16xf32>,
    }
    %scan3A_194 = arith.constant 80 : i32
    %run_scoped3A_195 = arith.constant 0 : i32
    %run_scoped3A_196 = arith.constant 0 : i32
    "tpu.region"() ({
      %run_scoped3A_238 = tpu.sem_alloc : memref<!tpu.dma_semaphore, #tpu.memory_space<semaphore_mem>>
      %dma_start3A_239 = arith.constant 0 : i32
      %dma_start3A_240 = arith.constant 0 : i32
      %dma_start3A_241 = tpu.memref_slice %arg7[%run_scoped3A_195, %dma_start3A_239, %dma_start3A_240] : memref<2x80x128xf32, #tpu.memory_space<vmem>> -> memref<1x80x128xf32, #tpu.memory_space<vmem>>
      %dma_start3A_242 = tpu.memref_squeeze %dma_start3A_241 : memref<1x80x128xf32, #tpu.memory_space<vmem>> -> memref<80x128xf32, #tpu.memory_space<vmem>>
      %dma_start3A_243 = arith.constant 0 : i32
      %dma_start3A_244 = tpu.memref_slice %arg10[%run_scoped3A_196, %dma_start3A_243] : memref<4x80xi32, #tpu.memory_space<vmem>> -> memref<1x80xi32, #tpu.memory_space<vmem>>
      %dma_start3A_245 = tpu.memref_squeeze %dma_start3A_244 : memref<1x80xi32, #tpu.memory_space<vmem>> -> memref<80xi32, #tpu.memory_space<vmem>>
      %dma_start3A_246 = arith.constant 0 : i32
      %dma_start3A_247 = arith.constant 0 : i32
      %dma_start3A_248 = tpu.memref_slice %arg11[%dma_start3A_246, %dma_start3A_247] : memref<10240x128xf32, #tpu.memory_space<vmem_shared>> -> memref<10240x128xf32, #tpu.memory_space<vmem_shared>>
      tpu.enqueue_indirect_dma source(%dma_start3A_242 : memref<80x128xf32, #tpu.memory_space<vmem>>) target(%dma_start3A_248 : memref<10240x128xf32, #tpu.memory_space<vmem_shared>>) offsets(%dma_start3A_245 : memref<80xi32, #tpu.memory_space<vmem>>) semaphore(%run_scoped3A_238 : memref<!tpu.dma_semaphore, #tpu.memory_space<semaphore_mem>>) {add = true}
      %dma_wait3A_249 = arith.constant 0 : i32
      %dma_wait3A_250 = arith.constant 0 : i32
      %dma_wait3A_251 = tpu.memref_slice %arg7[%run_scoped3A_195, %dma_wait3A_249, %dma_wait3A_250] : memref<2x80x128xf32, #tpu.memory_space<vmem>> -> memref<1x80x128xf32, #tpu.memory_space<vmem>>
      %dma_wait3A_252 = tpu.memref_squeeze %dma_wait3A_251 : memref<1x80x128xf32, #tpu.memory_space<vmem>> -> memref<80x128xf32, #tpu.memory_space<vmem>>
      %dma_wait3A_253 = arith.constant 0 : i32
      %dma_wait3A_254 = tpu.memref_slice %arg10[%run_scoped3A_196, %dma_wait3A_253] : memref<4x80xi32, #tpu.memory_space<vmem>> -> memref<1x80xi32, #tpu.memory_space<vmem>>
      %dma_wait3A_255 = tpu.memref_squeeze %dma_wait3A_254 : memref<1x80xi32, #tpu.memory_space<vmem>> -> memref<80xi32, #tpu.memory_space<vmem>>
      %dma_wait3A_256 = arith.constant 0 : i32
      %dma_wait3A_257 = arith.constant 0 : i32
      %dma_wait3A_258 = tpu.memref_slice %arg11[%dma_wait3A_256, %dma_wait3A_257] : memref<10240x128xf32, #tpu.memory_space<vmem_shared>> -> memref<10240x128xf32, #tpu.memory_space<vmem_shared>>
      tpu.wait_indirect_dma semaphore(%run_scoped3A_238 : memref<!tpu.dma_semaphore, #tpu.memory_space<semaphore_mem>>) src(%dma_wait3A_252 : memref<80x128xf32, #tpu.memory_space<vmem>>) dst(%dma_wait3A_258 : memref<10240x128xf32, #tpu.memory_space<vmem_shared>>)
      tpu.yield
    }) : () -> ()
    %barrier3A_197 = arith.constant 0 : index
    tpu.barrier barrier_id(%barrier3A_197)
    %add3A_198 = arith.constant 0 : i32
    %add3A_199 = arith.addi %mul3A_5, %add3A_198 : i32
    %mul3A_200 = arith.constant 10240 : i32
    %mul3A_201 = arith.muli %arg0, %mul3A_200 : i32
    %add3A_202 = arith.addi %mul3A_201, %add3A_199 : i32
    "tpu.region"() ({
      %run_scoped3A_238 = tpu.sem_alloc : memref<!tpu.dma_semaphore, #tpu.memory_space<semaphore_mem>>
      %dma_start3A_239 = arith.constant 0 : i32
      %dma_start3A_240 = tpu.memref_slice %arg6[%add3A_202, %dma_start3A_239] : memref<20480x128xf32, #tpu.memory_space<hbm>> -> memref<80x128xf32, #tpu.memory_space<hbm>>
      %dma_start3A_241 = arith.constant 0 : i32
      %dma_start3A_242 = tpu.memref_slice %arg11[%add3A_199, %dma_start3A_241] : memref<10240x128xf32, #tpu.memory_space<vmem_shared>> -> memref<80x128xf32, #tpu.memory_space<vmem_shared>>
      tpu.enqueue_dma source(%dma_start3A_242 : memref<80x128xf32, #tpu.memory_space<vmem_shared>>) target(%dma_start3A_240 : memref<80x128xf32, #tpu.memory_space<hbm>>) target_semaphore(%run_scoped3A_238 : memref<!tpu.dma_semaphore, #tpu.memory_space<semaphore_mem>>)
      %dma_wait3A_243 = arith.constant 0 : i32
      %dma_wait3A_244 = tpu.memref_slice %arg6[%add3A_202, %dma_wait3A_243] : memref<20480x128xf32, #tpu.memory_space<hbm>> -> memref<80x128xf32, #tpu.memory_space<hbm>>
      %dma_wait3A_245 = arith.constant 0 : i32
      %dma_wait3A_246 = tpu.memref_slice %arg11[%add3A_199, %dma_wait3A_245] : memref<10240x128xf32, #tpu.memory_space<vmem_shared>> -> memref<80x128xf32, #tpu.memory_space<vmem_shared>>
      tpu.wait_dma2 semaphore(%run_scoped3A_238 : memref<!tpu.dma_semaphore, #tpu.memory_space<semaphore_mem>>) src(%dma_wait3A_246 : memref<80x128xf32, #tpu.memory_space<vmem_shared>>) dst(%dma_wait3A_244 : memref<80x128xf32, #tpu.memory_space<hbm>>)
      tpu.yield
    }) : () -> ()
    %add3A_203 = arith.constant 80 : i32
    %add3A_204 = arith.addi %mul3A_5, %add3A_203 : i32
    %mul3A_205 = arith.constant 10240 : i32
    %mul3A_206 = arith.muli %arg0, %mul3A_205 : i32
    %add3A_207 = arith.addi %mul3A_206, %add3A_204 : i32
    "tpu.region"() ({
      %run_scoped3A_238 = tpu.sem_alloc : memref<!tpu.dma_semaphore, #tpu.memory_space<semaphore_mem>>
      %dma_start3A_239 = arith.constant 0 : i32
      %dma_start3A_240 = tpu.memref_slice %arg6[%add3A_207, %dma_start3A_239] : memref<20480x128xf32, #tpu.memory_space<hbm>> -> memref<80x128xf32, #tpu.memory_space<hbm>>
      %dma_start3A_241 = arith.constant 0 : i32
      %dma_start3A_242 = tpu.memref_slice %arg11[%add3A_204, %dma_start3A_241] : memref<10240x128xf32, #tpu.memory_space<vmem_shared>> -> memref<80x128xf32, #tpu.memory_space<vmem_shared>>
      tpu.enqueue_dma source(%dma_start3A_242 : memref<80x128xf32, #tpu.memory_space<vmem_shared>>) target(%dma_start3A_240 : memref<80x128xf32, #tpu.memory_space<hbm>>) target_semaphore(%run_scoped3A_238 : memref<!tpu.dma_semaphore, #tpu.memory_space<semaphore_mem>>)
      %dma_wait3A_243 = arith.constant 0 : i32
      %dma_wait3A_244 = tpu.memref_slice %arg6[%add3A_207, %dma_wait3A_243] : memref<20480x128xf32, #tpu.memory_space<hbm>> -> memref<80x128xf32, #tpu.memory_space<hbm>>
      %dma_wait3A_245 = arith.constant 0 : i32
      %dma_wait3A_246 = tpu.memref_slice %arg11[%add3A_204, %dma_wait3A_245] : memref<10240x128xf32, #tpu.memory_space<vmem_shared>> -> memref<80x128xf32, #tpu.memory_space<vmem_shared>>
      tpu.wait_dma2 semaphore(%run_scoped3A_238 : memref<!tpu.dma_semaphore, #tpu.memory_space<semaphore_mem>>) src(%dma_wait3A_246 : memref<80x128xf32, #tpu.memory_space<vmem_shared>>) dst(%dma_wait3A_244 : memref<80x128xf32, #tpu.memory_space<hbm>>)
      tpu.yield
    }) : () -> ()
    %add3A_208 = arith.constant 160 : i32
    %add3A_209 = arith.addi %mul3A_5, %add3A_208 : i32
    %mul3A_210 = arith.constant 10240 : i32
    %mul3A_211 = arith.muli %arg0, %mul3A_210 : i32
    %add3A_212 = arith.addi %mul3A_211, %add3A_209 : i32
    "tpu.region"() ({
      %run_scoped3A_238 = tpu.sem_alloc : memref<!tpu.dma_semaphore, #tpu.memory_space<semaphore_mem>>
      %dma_start3A_239 = arith.constant 0 : i32
      %dma_start3A_240 = tpu.memref_slice %arg6[%add3A_212, %dma_start3A_239] : memref<20480x128xf32, #tpu.memory_space<hbm>> -> memref<80x128xf32, #tpu.memory_space<hbm>>
      %dma_start3A_241 = arith.constant 0 : i32
      %dma_start3A_242 = tpu.memref_slice %arg11[%add3A_209, %dma_start3A_241] : memref<10240x128xf32, #tpu.memory_space<vmem_shared>> -> memref<80x128xf32, #tpu.memory_space<vmem_shared>>
      tpu.enqueue_dma source(%dma_start3A_242 : memref<80x128xf32, #tpu.memory_space<vmem_shared>>) target(%dma_start3A_240 : memref<80x128xf32, #tpu.memory_space<hbm>>) target_semaphore(%run_scoped3A_238 : memref<!tpu.dma_semaphore, #tpu.memory_space<semaphore_mem>>)
      %dma_wait3A_243 = arith.constant 0 : i32
      %dma_wait3A_244 = tpu.memref_slice %arg6[%add3A_212, %dma_wait3A_243] : memref<20480x128xf32, #tpu.memory_space<hbm>> -> memref<80x128xf32, #tpu.memory_space<hbm>>
      %dma_wait3A_245 = arith.constant 0 : i32
      %dma_wait3A_246 = tpu.memref_slice %arg11[%add3A_209, %dma_wait3A_245] : memref<10240x128xf32, #tpu.memory_space<vmem_shared>> -> memref<80x128xf32, #tpu.memory_space<vmem_shared>>
      tpu.wait_dma2 semaphore(%run_scoped3A_238 : memref<!tpu.dma_semaphore, #tpu.memory_space<semaphore_mem>>) src(%dma_wait3A_246 : memref<80x128xf32, #tpu.memory_space<vmem_shared>>) dst(%dma_wait3A_244 : memref<80x128xf32, #tpu.memory_space<hbm>>)
      tpu.yield
    }) : () -> ()
    %add3A_213 = arith.constant 240 : i32
    %add3A_214 = arith.addi %mul3A_5, %add3A_213 : i32
    %mul3A_215 = arith.constant 10240 : i32
    %mul3A_216 = arith.muli %arg0, %mul3A_215 : i32
    %add3A_217 = arith.addi %mul3A_216, %add3A_214 : i32
    "tpu.region"() ({
      %run_scoped3A_238 = tpu.sem_alloc : memref<!tpu.dma_semaphore, #tpu.memory_space<semaphore_mem>>
      %dma_start3A_239 = arith.constant 0 : i32
      %dma_start3A_240 = tpu.memref_slice %arg6[%add3A_217, %dma_start3A_239] : memref<20480x128xf32, #tpu.memory_space<hbm>> -> memref<80x128xf32, #tpu.memory_space<hbm>>
      %dma_start3A_241 = arith.constant 0 : i32
      %dma_start3A_242 = tpu.memref_slice %arg11[%add3A_214, %dma_start3A_241] : memref<10240x128xf32, #tpu.memory_space<vmem_shared>> -> memref<80x128xf32, #tpu.memory_space<vmem_shared>>
      tpu.enqueue_dma source(%dma_start3A_242 : memref<80x128xf32, #tpu.memory_space<vmem_shared>>) target(%dma_start3A_240 : memref<80x128xf32, #tpu.memory_space<hbm>>) target_semaphore(%run_scoped3A_238 : memref<!tpu.dma_semaphore, #tpu.memory_space<semaphore_mem>>)
      %dma_wait3A_243 = arith.constant 0 : i32
      %dma_wait3A_244 = tpu.memref_slice %arg6[%add3A_217, %dma_wait3A_243] : memref<20480x128xf32, #tpu.memory_space<hbm>> -> memref<80x128xf32, #tpu.memory_space<hbm>>
      %dma_wait3A_245 = arith.constant 0 : i32
      %dma_wait3A_246 = tpu.memref_slice %arg11[%add3A_214, %dma_wait3A_245] : memref<10240x128xf32, #tpu.memory_space<vmem_shared>> -> memref<80x128xf32, #tpu.memory_space<vmem_shared>>
      tpu.wait_dma2 semaphore(%run_scoped3A_238 : memref<!tpu.dma_semaphore, #tpu.memory_space<semaphore_mem>>) src(%dma_wait3A_246 : memref<80x128xf32, #tpu.memory_space<vmem_shared>>) dst(%dma_wait3A_244 : memref<80x128xf32, #tpu.memory_space<hbm>>)
      tpu.yield
    }) : () -> ()
    %add3A_218 = arith.constant 320 : i32
    %add3A_219 = arith.addi %mul3A_5, %add3A_218 : i32
    %mul3A_220 = arith.constant 10240 : i32
    %mul3A_221 = arith.muli %arg0, %mul3A_220 : i32
    %add3A_222 = arith.addi %mul3A_221, %add3A_219 : i32
    "tpu.region"() ({
      %run_scoped3A_238 = tpu.sem_alloc : memref<!tpu.dma_semaphore, #tpu.memory_space<semaphore_mem>>
      %dma_start3A_239 = arith.constant 0 : i32
      %dma_start3A_240 = tpu.memref_slice %arg6[%add3A_222, %dma_start3A_239] : memref<20480x128xf32, #tpu.memory_space<hbm>> -> memref<80x128xf32, #tpu.memory_space<hbm>>
      %dma_start3A_241 = arith.constant 0 : i32
      %dma_start3A_242 = tpu.memref_slice %arg11[%add3A_219, %dma_start3A_241] : memref<10240x128xf32, #tpu.memory_space<vmem_shared>> -> memref<80x128xf32, #tpu.memory_space<vmem_shared>>
      tpu.enqueue_dma source(%dma_start3A_242 : memref<80x128xf32, #tpu.memory_space<vmem_shared>>) target(%dma_start3A_240 : memref<80x128xf32, #tpu.memory_space<hbm>>) target_semaphore(%run_scoped3A_238 : memref<!tpu.dma_semaphore, #tpu.memory_space<semaphore_mem>>)
      %dma_wait3A_243 = arith.constant 0 : i32
      %dma_wait3A_244 = tpu.memref_slice %arg6[%add3A_222, %dma_wait3A_243] : memref<20480x128xf32, #tpu.memory_space<hbm>> -> memref<80x128xf32, #tpu.memory_space<hbm>>
      %dma_wait3A_245 = arith.constant 0 : i32
      %dma_wait3A_246 = tpu.memref_slice %arg11[%add3A_219, %dma_wait3A_245] : memref<10240x128xf32, #tpu.memory_space<vmem_shared>> -> memref<80x128xf32, #tpu.memory_space<vmem_shared>>
      tpu.wait_dma2 semaphore(%run_scoped3A_238 : memref<!tpu.dma_semaphore, #tpu.memory_space<semaphore_mem>>) src(%dma_wait3A_246 : memref<80x128xf32, #tpu.memory_space<vmem_shared>>) dst(%dma_wait3A_244 : memref<80x128xf32, #tpu.memory_space<hbm>>)
      tpu.yield
    }) : () -> ()
    %add3A_223 = arith.constant 400 : i32
    %add3A_224 = arith.addi %mul3A_5, %add3A_223 : i32
    %mul3A_225 = arith.constant 10240 : i32
    %mul3A_226 = arith.muli %arg0, %mul3A_225 : i32
    %add3A_227 = arith.addi %mul3A_226, %add3A_224 : i32
    "tpu.region"() ({
      %run_scoped3A_238 = tpu.sem_alloc : memref<!tpu.dma_semaphore, #tpu.memory_space<semaphore_mem>>
      %dma_start3A_239 = arith.constant 0 : i32
      %dma_start3A_240 = tpu.memref_slice %arg6[%add3A_227, %dma_start3A_239] : memref<20480x128xf32, #tpu.memory_space<hbm>> -> memref<80x128xf32, #tpu.memory_space<hbm>>
      %dma_start3A_241 = arith.constant 0 : i32
      %dma_start3A_242 = tpu.memref_slice %arg11[%add3A_224, %dma_start3A_241] : memref<10240x128xf32, #tpu.memory_space<vmem_shared>> -> memref<80x128xf32, #tpu.memory_space<vmem_shared>>
      tpu.enqueue_dma source(%dma_start3A_242 : memref<80x128xf32, #tpu.memory_space<vmem_shared>>) target(%dma_start3A_240 : memref<80x128xf32, #tpu.memory_space<hbm>>) target_semaphore(%run_scoped3A_238 : memref<!tpu.dma_semaphore, #tpu.memory_space<semaphore_mem>>)
      %dma_wait3A_243 = arith.constant 0 : i32
      %dma_wait3A_244 = tpu.memref_slice %arg6[%add3A_227, %dma_wait3A_243] : memref<20480x128xf32, #tpu.memory_space<hbm>> -> memref<80x128xf32, #tpu.memory_space<hbm>>
      %dma_wait3A_245 = arith.constant 0 : i32
      %dma_wait3A_246 = tpu.memref_slice %arg11[%add3A_224, %dma_wait3A_245] : memref<10240x128xf32, #tpu.memory_space<vmem_shared>> -> memref<80x128xf32, #tpu.memory_space<vmem_shared>>
      tpu.wait_dma2 semaphore(%run_scoped3A_238 : memref<!tpu.dma_semaphore, #tpu.memory_space<semaphore_mem>>) src(%dma_wait3A_246 : memref<80x128xf32, #tpu.memory_space<vmem_shared>>) dst(%dma_wait3A_244 : memref<80x128xf32, #tpu.memory_space<hbm>>)
      tpu.yield
    }) : () -> ()
    %add3A_228 = arith.constant 480 : i32
    %add3A_229 = arith.addi %mul3A_5, %add3A_228 : i32
    %mul3A_230 = arith.constant 10240 : i32
    %mul3A_231 = arith.muli %arg0, %mul3A_230 : i32
    %add3A_232 = arith.addi %mul3A_231, %add3A_229 : i32
    "tpu.region"() ({
      %run_scoped3A_238 = tpu.sem_alloc : memref<!tpu.dma_semaphore, #tpu.memory_space<semaphore_mem>>
      %dma_start3A_239 = arith.constant 0 : i32
      %dma_start3A_240 = tpu.memref_slice %arg6[%add3A_232, %dma_start3A_239] : memref<20480x128xf32, #tpu.memory_space<hbm>> -> memref<80x128xf32, #tpu.memory_space<hbm>>
      %dma_start3A_241 = arith.constant 0 : i32
      %dma_start3A_242 = tpu.memref_slice %arg11[%add3A_229, %dma_start3A_241] : memref<10240x128xf32, #tpu.memory_space<vmem_shared>> -> memref<80x128xf32, #tpu.memory_space<vmem_shared>>
      tpu.enqueue_dma source(%dma_start3A_242 : memref<80x128xf32, #tpu.memory_space<vmem_shared>>) target(%dma_start3A_240 : memref<80x128xf32, #tpu.memory_space<hbm>>) target_semaphore(%run_scoped3A_238 : memref<!tpu.dma_semaphore, #tpu.memory_space<semaphore_mem>>)
      %dma_wait3A_243 = arith.constant 0 : i32
      %dma_wait3A_244 = tpu.memref_slice %arg6[%add3A_232, %dma_wait3A_243] : memref<20480x128xf32, #tpu.memory_space<hbm>> -> memref<80x128xf32, #tpu.memory_space<hbm>>
      %dma_wait3A_245 = arith.constant 0 : i32
      %dma_wait3A_246 = tpu.memref_slice %arg11[%add3A_229, %dma_wait3A_245] : memref<10240x128xf32, #tpu.memory_space<vmem_shared>> -> memref<80x128xf32, #tpu.memory_space<vmem_shared>>
      tpu.wait_dma2 semaphore(%run_scoped3A_238 : memref<!tpu.dma_semaphore, #tpu.memory_space<semaphore_mem>>) src(%dma_wait3A_246 : memref<80x128xf32, #tpu.memory_space<vmem_shared>>) dst(%dma_wait3A_244 : memref<80x128xf32, #tpu.memory_space<hbm>>)
      tpu.yield
    }) : () -> ()
    %add3A_233 = arith.constant 560 : i32
    %add3A_234 = arith.addi %mul3A_5, %add3A_233 : i32
    %mul3A_235 = arith.constant 10240 : i32
    %mul3A_236 = arith.muli %arg0, %mul3A_235 : i32
    %add3A_237 = arith.addi %mul3A_236, %add3A_234 : i32
    "tpu.region"() ({
      %run_scoped3A_238 = tpu.sem_alloc : memref<!tpu.dma_semaphore, #tpu.memory_space<semaphore_mem>>
      %dma_start3A_239 = arith.constant 0 : i32
      %dma_start3A_240 = tpu.memref_slice %arg6[%add3A_237, %dma_start3A_239] : memref<20480x128xf32, #tpu.memory_space<hbm>> -> memref<80x128xf32, #tpu.memory_space<hbm>>
      %dma_start3A_241 = arith.constant 0 : i32
      %dma_start3A_242 = tpu.memref_slice %arg11[%add3A_234, %dma_start3A_241] : memref<10240x128xf32, #tpu.memory_space<vmem_shared>> -> memref<80x128xf32, #tpu.memory_space<vmem_shared>>
      tpu.enqueue_dma source(%dma_start3A_242 : memref<80x128xf32, #tpu.memory_space<vmem_shared>>) target(%dma_start3A_240 : memref<80x128xf32, #tpu.memory_space<hbm>>) target_semaphore(%run_scoped3A_238 : memref<!tpu.dma_semaphore, #tpu.memory_space<semaphore_mem>>)
      %dma_wait3A_243 = arith.constant 0 : i32
      %dma_wait3A_244 = tpu.memref_slice %arg6[%add3A_237, %dma_wait3A_243] : memref<20480x128xf32, #tpu.memory_space<hbm>> -> memref<80x128xf32, #tpu.memory_space<hbm>>
      %dma_wait3A_245 = arith.constant 0 : i32
      %dma_wait3A_246 = tpu.memref_slice %arg11[%add3A_234, %dma_wait3A_245] : memref<10240x128xf32, #tpu.memory_space<vmem_shared>> -> memref<80x128xf32, #tpu.memory_space<vmem_shared>>
      tpu.wait_dma2 semaphore(%run_scoped3A_238 : memref<!tpu.dma_semaphore, #tpu.memory_space<semaphore_mem>>) src(%dma_wait3A_246 : memref<80x128xf32, #tpu.memory_space<vmem_shared>>) dst(%dma_wait3A_244 : memref<80x128xf32, #tpu.memory_space<hbm>>)
      tpu.yield
    }) : () -> ()
    return
  }
}

module attributes {stable_mosaic.version = 14 : i64} {
  func.func @_tc1_body(%arg0: i32, %arg1: memref<640x16xf32, #tpu.memory_space<vmem>>, %arg2: memref<16x128xf32, #tpu.memory_space<vmem>>, %arg3: memref<1x128xf32, #tpu.memory_space<vmem>>, %arg4: memref<16x16xf32, #tpu.memory_space<vmem>>, %arg5: memref<1x16xf32, #tpu.memory_space<vmem>>, %arg6: memref<640x128xf32, #tpu.memory_space<vmem>>, %arg7: memref<640x16xf32, #tpu.memory_space<vmem>>) attributes {dimension_semantics = [#tpu.dimension_semantics<arbitrary>], iteration_bounds = array<i64: 500>, scalar_prefetch = 0 : i64, scratch_operands = 0 : i64, tpu.core_type = #tpu.core_type<tc>, window_params = [{transform_indices = @transform_0, window_bounds = array<i64: 640, 16>}, {pipeline_mode = #tpu.pipeline_mode<synchronous>, transform_indices = @transform_1, window_bounds = array<i64: 16, 128>}, {pipeline_mode = #tpu.pipeline_mode<synchronous>, transform_indices = @transform_2, window_bounds = array<i64: 1, 128>}, {pipeline_mode = #tpu.pipeline_mode<synchronous>, transform_indices = @transform_3, window_bounds = array<i64: 16, 16>}, {pipeline_mode = #tpu.pipeline_mode<synchronous>, transform_indices = @transform_4, window_bounds = array<i64: 1, 16>}, {transform_indices = @transform_5, window_bounds = array<i64: 640, 128>}, {transform_indices = @transform_6, window_bounds = array<i64: 640, 16>}]} {
    %get3A = arith.constant 0 : index
    %get3A_0 = arith.constant 0 : index
    %get3A_1 = vector.load %arg1[%get3A, %get3A_0] : memref<640x16xf32, #tpu.memory_space<vmem>>, vector<640x16xf32>
    %get3A_2 = arith.constant 0 : index
    %get3A_3 = arith.constant 0 : index
    %get3A_4 = vector.load %arg2[%get3A_2, %get3A_3] : memref<16x128xf32, #tpu.memory_space<vmem>>, vector<16x128xf32>
    %dot_general3A = arith.constant dense<0.000000e+00> : vector<640x128xf32>
    %dot_general3A_5 = tpu.matmul %get3A_1, %get3A_4, %dot_general3A {dimension_numbers = #tpu.dot_dimension_numbers<[1], [0], [0], [1], [0, 0, 1, 1], [], []>, transpose_lhs_hint = false} : vector<640x16xf32>, vector<16x128xf32>, vector<640x128xf32> -> vector<640x128xf32>
    %get3A_6 = arith.constant 0 : index
    %get3A_7 = arith.constant 0 : index
    %get3A_8 = vector.load %arg3[%get3A_6, %get3A_7] : memref<1x128xf32, #tpu.memory_space<vmem>>, vector<1x128xf32>
    %add3A = vector.broadcast %get3A_8 : vector<1x128xf32> to vector<640x128xf32>
    %add3A_9 = arith.addf %dot_general3A_5, %add3A : vector<640x128xf32>
    %swap3A = arith.constant 0 : index
    %swap3A_10 = arith.constant 0 : index
    %swap3A_11 = vector.load %arg6[%swap3A, %swap3A_10] : memref<640x128xf32, #tpu.memory_space<vmem>>, vector<640x128xf32>
    tpu.vector_store %arg6[%swap3A, %swap3A_10], %add3A_9 {strides = array<i32>} : memref<640x128xf32, #tpu.memory_space<vmem>>, vector<640x128xf32>,
    %get3A_12 = arith.constant 0 : index
    %get3A_13 = arith.constant 0 : index
    %get3A_14 = vector.load %arg4[%get3A_12, %get3A_13] : memref<16x16xf32, #tpu.memory_space<vmem>>, vector<16x16xf32>
    %dot_general3A_15 = arith.constant dense<0.000000e+00> : vector<640x16xf32>
    %dot_general3A_16 = tpu.matmul %get3A_1, %get3A_14, %dot_general3A_15 {dimension_numbers = #tpu.dot_dimension_numbers<[1], [0], [0], [1], [0, 0, 1, 1], [], []>, transpose_lhs_hint = false} : vector<640x16xf32>, vector<16x16xf32>, vector<640x16xf32> -> vector<640x16xf32>
    %get3A_17 = arith.constant 0 : index
    %get3A_18 = arith.constant 0 : index
    %get3A_19 = vector.load %arg5[%get3A_17, %get3A_18] : memref<1x16xf32, #tpu.memory_space<vmem>>, vector<1x16xf32>
    %add3A_20 = vector.broadcast %get3A_19 : vector<1x16xf32> to vector<640x16xf32>
    %add3A_21 = arith.addf %dot_general3A_16, %add3A_20 : vector<640x16xf32>
    %swap3A_22 = arith.constant 0 : index
    %swap3A_23 = arith.constant 0 : index
    %swap3A_24 = vector.load %arg7[%swap3A_22, %swap3A_23] : memref<640x16xf32, #tpu.memory_space<vmem>>, vector<640x16xf32>
    tpu.vector_store %arg7[%swap3A_22, %swap3A_23], %add3A_21 {strides = array<i32>} : memref<640x16xf32, #tpu.memory_space<vmem>>, vector<640x16xf32>,
    return
  }
  func.func @transform_0(%arg0: i32) -> (i32, i32) {
    %c0_i32 = arith.constant 0 : i32
    %c0_i32_0 = arith.constant 0 : i32
    return %arg0, %c0_i32 : i32, i32
  }
  func.func @transform_1(%arg0: i32) -> (i32, i32) {
    %c0_i32 = arith.constant 0 : i32
    %c0_i32_0 = arith.constant 0 : i32
    %c0_i32_1 = arith.constant 0 : i32
    return %c0_i32, %c0_i32_0 : i32, i32
  }
  func.func @transform_2(%arg0: i32) -> (i32, i32) {
    %c0_i32 = arith.constant 0 : i32
    %c0_i32_0 = arith.constant 0 : i32
    %c0_i32_1 = arith.constant 0 : i32
    return %c0_i32, %c0_i32_0 : i32, i32
  }
  func.func @transform_3(%arg0: i32) -> (i32, i32) {
    %c0_i32 = arith.constant 0 : i32
    %c0_i32_0 = arith.constant 0 : i32
    %c0_i32_1 = arith.constant 0 : i32
    return %c0_i32, %c0_i32_0 : i32, i32
  }
  func.func @transform_4(%arg0: i32) -> (i32, i32) {
    %c0_i32 = arith.constant 0 : i32
    %c0_i32_0 = arith.constant 0 : i32
    %c0_i32_1 = arith.constant 0 : i32
    return %c0_i32, %c0_i32_0 : i32, i32
  }
  func.func @transform_5(%arg0: i32) -> (i32, i32) {
    %c0_i32 = arith.constant 0 : i32
    %c0_i32_0 = arith.constant 0 : i32
    return %arg0, %c0_i32 : i32, i32
  }
  func.func @transform_6(%arg0: i32) -> (i32, i32) {
    %c0_i32 = arith.constant 0 : i32
    %c0_i32_0 = arith.constant 0 : i32
    return %arg0, %c0_i32 : i32, i32
  }
}

module attributes {stable_mosaic.version = 14 : i64} {
  func.func @_tc2_body(%arg0: memref<10000x128xf32, #tpu.memory_space<vmem>>, %arg1: memref<10000x128xf32, #tpu.memory_space<vmem>>, %arg2: memref<10000x128xf32, #tpu.memory_space<vmem>>, %arg3: memref<10000x1xi32, #tpu.memory_space<vmem>>, %arg4: memref<128x128xf32, #tpu.memory_space<vmem>>, %arg5: memref<1x128xf32, #tpu.memory_space<vmem>>, %arg6: memref<1x128xf32, #tpu.memory_space<vmem>>, %arg7: memref<1x128xf32, #tpu.memory_space<vmem>>, %arg8: memref<1x128xf32, #tpu.memory_space<vmem>>, %arg9: memref<128x16xf32, #tpu.memory_space<vmem>>, %arg10: memref<1x1xf32, #tpu.memory_space<vmem>>, %arg11: memref<1x1xf32, #tpu.memory_space<vmem>>, %arg12: memref<1x16xf32, #tpu.memory_space<vmem>>, %arg13: memref<10000x128xf32, #tpu.memory_space<vmem>>, %arg14: memref<10000x16xf32, #tpu.memory_space<vmem>>) attributes {dimension_semantics = [], scalar_prefetch = 0 : i64, scratch_operands = 0 : i64, tpu.core_type = #tpu.core_type<tc>} {
    %get3A = arith.constant 0 : index
    %get3A_0 = arith.constant 0 : index
    %get3A_1 = vector.load %arg0[%get3A, %get3A_0] : memref<10000x128xf32, #tpu.memory_space<vmem>>, vector<10000x128xf32>
    %get3A_2 = arith.constant 0 : index
    %get3A_3 = arith.constant 0 : index
    %get3A_4 = vector.load %arg1[%get3A_2, %get3A_3] : memref<10000x128xf32, #tpu.memory_space<vmem>>, vector<10000x128xf32>
    %get3A_5 = arith.constant 0 : index
    %get3A_6 = arith.constant 0 : index
    %get3A_7 = vector.load %arg2[%get3A_5, %get3A_6] : memref<10000x128xf32, #tpu.memory_space<vmem>>, vector<10000x128xf32>
    %add3A = arith.addf %get3A_4, %get3A_7 : vector<10000x128xf32>
    %get3A_8 = arith.constant 0 : index
    %get3A_9 = arith.constant 0 : index
    %get3A_10 = vector.load %arg10[%get3A_8, %get3A_9] : memref<1x1xf32, #tpu.memory_space<vmem>>, vector<1x1xf32>
    %get3A_11 = vector.extract %get3A_10[0, 0] : f32 from vector<1x1xf32>
    %add3A_12 = arith.constant 1.000000e+00 : f32
    %add3A_13 = arith.addf %add3A_12, %get3A_11 : f32
    %mul3A = vector.broadcast %add3A_13 : f32 to vector<10000x128xf32>
    %mul3A_14 = arith.mulf %mul3A, %get3A_1 : vector<10000x128xf32>
    %add3A_15 = arith.addf %mul3A_14, %add3A : vector<10000x128xf32>
    %get3A_16 = arith.constant 0 : index
    %get3A_17 = arith.constant 0 : index
    %get3A_18 = vector.load %arg4[%get3A_16, %get3A_17] : memref<128x128xf32, #tpu.memory_space<vmem>>, vector<128x128xf32>
    %dot_general3A = arith.constant dense<0.000000e+00> : vector<10000x128xf32>
    %dot_general3A_19 = tpu.matmul %add3A_15, %get3A_18, %dot_general3A {dimension_numbers = #tpu.dot_dimension_numbers<[1], [0], [0], [1], [0, 0, 1, 1], [], []>, transpose_lhs_hint = false} : vector<10000x128xf32>, vector<128x128xf32>, vector<10000x128xf32> -> vector<10000x128xf32>
    %get3A_20 = arith.constant 0 : index
    %get3A_21 = arith.constant 0 : index
    %get3A_22 = vector.load %arg5[%get3A_20, %get3A_21] : memref<1x128xf32, #tpu.memory_space<vmem>>, vector<1x128xf32>
    %add3A_23 = vector.broadcast %get3A_22 : vector<1x128xf32> to vector<10000x128xf32>
    %add3A_24 = arith.addf %dot_general3A_19, %add3A_23 : vector<10000x128xf32>
    %get3A_25 = arith.constant 0 : index
    %get3A_26 = arith.constant 0 : index
    %get3A_27 = vector.load %arg3[%get3A_25, %get3A_26] : memref<10000x1xi32, #tpu.memory_space<vmem>>, vector<10000x1xi32>
    %iota3A = tpu.iota {dimensions = array<i32: 1>} : vector<10000x64xi32>
    %eq3A = vector.broadcast %get3A_27 : vector<10000x1xi32> to vector<10000x64xi32>
    %eq3A_28 = arith.cmpi eq, %eq3A, %iota3A : vector<10000x64xi32>
    %convert_element_type3A = arith.extui %eq3A_28 : vector<10000x64xi1> to vector<10000x64xi32>
    %convert_element_type3A_29 = arith.sitofp %convert_element_type3A : vector<10000x64xi32> to vector<10000x64xf32>
    %reduce_sum3A = arith.constant dense<0.000000e+00> : vector<64xf32>
    %reduce_sum3A_30 = vector.multi_reduction <add>, %convert_element_type3A_29, %reduce_sum3A [0] : vector<10000x64xf32> to vector<64xf32>
    %broadcast_in_dim3A = vector.shape_cast %reduce_sum3A_30 : vector<64xf32> to vector<1x64xf32>
    %max3A = arith.constant 1.000000e+00 : f32
    %max3A_31 = vector.broadcast %max3A : f32 to vector<1x64xf32>
    %max3A_32 = arith.maximumf %broadcast_in_dim3A, %max3A_31 : vector<1x64xf32>
    %transpose3A = tpu.transpose %convert_element_type3A_29, [1, 0] : vector<10000x64xf32> -> vector<64x10000xf32>
    %dot_general3A_33 = arith.constant dense<0.000000e+00> : vector<64x128xf32>
    %dot_general3A_34 = tpu.matmul %transpose3A, %add3A_24, %dot_general3A_33 {dimension_numbers = #tpu.dot_dimension_numbers<[1], [0], [0], [1], [0, 0, 1, 1], [], []>, transpose_lhs_hint = false} : vector<64x10000xf32>, vector<10000x128xf32>, vector<64x128xf32> -> vector<64x128xf32>
    %transpose3A_35 = tpu.transpose %max3A_32, [1, 0] : vector<1x64xf32> -> vector<64x1xf32>
    %div3A = vector.broadcast %transpose3A_35 : vector<64x1xf32> to vector<64x128xf32>
    %div3A_36 = arith.divf %dot_general3A_34, %div3A : vector<64x128xf32>
    %get3A_37 = arith.constant 0 : index
    %get3A_38 = arith.constant 0 : index
    %get3A_39 = vector.load %arg8[%get3A_37, %get3A_38] : memref<1x128xf32, #tpu.memory_space<vmem>>, vector<1x128xf32>
    %dot_general3A_40 = arith.constant dense<0.000000e+00> : vector<10000x128xf32>
    %dot_general3A_41 = tpu.matmul %convert_element_type3A_29, %div3A_36, %dot_general3A_40 {dimension_numbers = #tpu.dot_dimension_numbers<[1], [0], [0], [1], [0, 0, 1, 1], [], []>, transpose_lhs_hint = false} : vector<10000x64xf32>, vector<64x128xf32>, vector<10000x128xf32> -> vector<10000x128xf32>
    %mul3A_42 = vector.broadcast %get3A_39 : vector<1x128xf32> to vector<10000x128xf32>
    %mul3A_43 = arith.mulf %mul3A_42, %dot_general3A_41 : vector<10000x128xf32>
    %sub3A = arith.subf %add3A_24, %mul3A_43 : vector<10000x128xf32>
    %transpose3A_44 = tpu.transpose %convert_element_type3A_29, [1, 0] : vector<10000x64xf32> -> vector<64x10000xf32>
    %mul3A_45 = arith.mulf %sub3A, %sub3A : vector<10000x128xf32>
    %dot_general3A_46 = arith.constant dense<0.000000e+00> : vector<64x128xf32>
    %dot_general3A_47 = tpu.matmul %transpose3A_44, %mul3A_45, %dot_general3A_46 {dimension_numbers = #tpu.dot_dimension_numbers<[1], [0], [0], [1], [0, 0, 1, 1], [], []>, transpose_lhs_hint = false} : vector<64x10000xf32>, vector<10000x128xf32>, vector<64x128xf32> -> vector<64x128xf32>
    %transpose3A_48 = tpu.transpose %max3A_32, [1, 0] : vector<1x64xf32> -> vector<64x1xf32>
    %div3A_49 = vector.broadcast %transpose3A_48 : vector<64x1xf32> to vector<64x128xf32>
    %div3A_50 = arith.divf %dot_general3A_47, %div3A_49 : vector<64x128xf32>
    %dot_general3A_51 = arith.constant dense<0.000000e+00> : vector<10000x128xf32>
    %dot_general3A_52 = tpu.matmul %convert_element_type3A_29, %div3A_50, %dot_general3A_51 {dimension_numbers = #tpu.dot_dimension_numbers<[1], [0], [0], [1], [0, 0, 1, 1], [], []>, transpose_lhs_hint = false} : vector<10000x64xf32>, vector<64x128xf32>, vector<10000x128xf32> -> vector<10000x128xf32>
    %get3A_53 = arith.constant 0 : index
    %get3A_54 = arith.constant 0 : index
    %get3A_55 = vector.load %arg6[%get3A_53, %get3A_54] : memref<1x128xf32, #tpu.memory_space<vmem>>, vector<1x128xf32>
    %mul3A_56 = vector.broadcast %get3A_55 : vector<1x128xf32> to vector<10000x128xf32>
    %mul3A_57 = arith.mulf %mul3A_56, %sub3A : vector<10000x128xf32>
    %add3A_58 = arith.constant 9.99999974E-6 : f32
    %add3A_59 = vector.broadcast %add3A_58 : f32 to vector<10000x128xf32>
    %add3A_60 = arith.addf %dot_general3A_52, %add3A_59 : vector<10000x128xf32>
    %rsqrt3A = math.rsqrt %add3A_60 : vector<10000x128xf32>
    %mul3A_61 = arith.mulf %mul3A_57, %rsqrt3A : vector<10000x128xf32>
    %get3A_62 = arith.constant 0 : index
    %get3A_63 = arith.constant 0 : index
    %get3A_64 = vector.load %arg7[%get3A_62, %get3A_63] : memref<1x128xf32, #tpu.memory_space<vmem>>, vector<1x128xf32>
    %add3A_65 = vector.broadcast %get3A_64 : vector<1x128xf32> to vector<10000x128xf32>
    %add3A_66 = arith.addf %mul3A_61, %add3A_65 : vector<10000x128xf32>
    %max3A_67 = arith.constant 0.000000e+00 : f32
    %max3A_68 = vector.broadcast %max3A_67 : f32 to vector<10000x128xf32>
    %max3A_69 = arith.maximumf %add3A_66, %max3A_68 : vector<10000x128xf32>
    %swap3A = arith.constant 0 : index
    %swap3A_70 = arith.constant 0 : index
    %swap3A_71 = vector.load %arg13[%swap3A, %swap3A_70] : memref<10000x128xf32, #tpu.memory_space<vmem>>, vector<10000x128xf32>
    tpu.vector_store %arg13[%swap3A, %swap3A_70], %max3A_69 {strides = array<i32>} : memref<10000x128xf32, #tpu.memory_space<vmem>>, vector<10000x128xf32>,
    %get3A_72 = arith.constant 0 : index
    %get3A_73 = arith.constant 0 : index
    %get3A_74 = vector.load %arg11[%get3A_72, %get3A_73] : memref<1x1xf32, #tpu.memory_space<vmem>>, vector<1x1xf32>
    %get3A_75 = vector.extract %get3A_74[0, 0] : f32 from vector<1x1xf32>
    %add3A_76 = arith.constant 1.000000e+00 : f32
    %add3A_77 = arith.addf %add3A_76, %get3A_75 : f32
    %get3A_78 = arith.constant 0 : index
    %get3A_79 = arith.constant 0 : index
    %get3A_80 = vector.load %arg9[%get3A_78, %get3A_79] : memref<128x16xf32, #tpu.memory_space<vmem>>, vector<128x16xf32>
    %dot_general3A_81 = arith.constant dense<0.000000e+00> : vector<10000x16xf32>
    %dot_general3A_82 = tpu.matmul %max3A_69, %get3A_80, %dot_general3A_81 {dimension_numbers = #tpu.dot_dimension_numbers<[1], [0], [0], [1], [0, 0, 1, 1], [], []>, transpose_lhs_hint = false} : vector<10000x128xf32>, vector<128x16xf32>, vector<10000x16xf32> -> vector<10000x16xf32>
    %mul3A_83 = vector.broadcast %add3A_77 : f32 to vector<10000x16xf32>
    %mul3A_84 = arith.mulf %mul3A_83, %dot_general3A_82 : vector<10000x16xf32>
    %get3A_85 = arith.constant 0 : index
    %get3A_86 = arith.constant 0 : index
    %get3A_87 = vector.load %arg12[%get3A_85, %get3A_86] : memref<1x16xf32, #tpu.memory_space<vmem>>, vector<1x16xf32>
    %add3A_88 = vector.broadcast %get3A_87 : vector<1x16xf32> to vector<10000x16xf32>
    %add3A_89 = arith.addf %mul3A_84, %add3A_88 : vector<10000x16xf32>
    %swap3A_90 = arith.constant 0 : index
    %swap3A_91 = arith.constant 0 : index
    %swap3A_92 = vector.load %arg14[%swap3A_90, %swap3A_91] : memref<10000x16xf32, #tpu.memory_space<vmem>>, vector<10000x16xf32>
    tpu.vector_store %arg14[%swap3A_90, %swap3A_91], %add3A_89 {strides = array<i32>} : memref<10000x16xf32, #tpu.memory_space<vmem>>, vector<10000x16xf32>,
    return
  }
}

module attributes {stable_mosaic.version = 14 : i64} {
  func.func @_tc3_body(%arg0: memref<10000x16xf32, #tpu.memory_space<vmem>>, %arg1: memref<10000x16xf32, #tpu.memory_space<vmem>>, %arg2: memref<10000x16xf32, #tpu.memory_space<vmem>>, %arg3: memref<16x16xf32, #tpu.memory_space<vmem>>, %arg4: memref<10000x1xf32, #tpu.memory_space<vmem>>) attributes {dimension_semantics = [], scalar_prefetch = 0 : i64, scratch_operands = 0 : i64, tpu.core_type = #tpu.core_type<tc>} {
    %get3A = arith.constant 0 : index
    %get3A_0 = arith.constant 0 : index
    %get3A_1 = vector.load %arg1[%get3A, %get3A_0] : memref<10000x16xf32, #tpu.memory_space<vmem>>, vector<10000x16xf32>
    %get3A_2 = arith.constant 0 : index
    %get3A_3 = arith.constant 0 : index
    %get3A_4 = vector.load %arg2[%get3A_2, %get3A_3] : memref<10000x16xf32, #tpu.memory_space<vmem>>, vector<10000x16xf32>
    %add3A = arith.addf %get3A_1, %get3A_4 : vector<10000x16xf32>
    %get3A_5 = arith.constant 0 : index
    %get3A_6 = arith.constant 0 : index
    %get3A_7 = vector.load %arg0[%get3A_5, %get3A_6] : memref<10000x16xf32, #tpu.memory_space<vmem>>, vector<10000x16xf32>
    %get3A_8 = arith.constant 0 : index
    %get3A_9 = arith.constant 0 : index
    %get3A_10 = vector.load %arg3[%get3A_8, %get3A_9] : memref<16x16xf32, #tpu.memory_space<vmem>>, vector<16x16xf32>
    %dot_general3A = arith.constant dense<0.000000e+00> : vector<10000x16xf32>
    %dot_general3A_11 = tpu.matmul %add3A, %get3A_10, %dot_general3A {dimension_numbers = #tpu.dot_dimension_numbers<[1], [0], [0], [1], [0, 0, 1, 1], [], []>, transpose_lhs_hint = false} : vector<10000x16xf32>, vector<16x16xf32>, vector<10000x16xf32> -> vector<10000x16xf32>
    %add3A_12 = arith.addf %get3A_7, %dot_general3A_11 : vector<10000x16xf32>
    %logistic3A = arith.negf %add3A_12 : vector<10000x16xf32>
    %logistic3A_13 = math.exp %logistic3A : vector<10000x16xf32>
    %logistic3A_14 = arith.constant 1.000000e+00 : f32
    %logistic3A_15 = vector.broadcast %logistic3A_14 : f32 to vector<10000x16xf32>
    %logistic3A_16 = arith.addf %logistic3A_15, %logistic3A_13 : vector<10000x16xf32>
    %logistic3A_17 = arith.divf %logistic3A_15, %logistic3A_16 : vector<10000x16xf32>
    %slice3A = vector.extract_strided_slice %logistic3A_17 {offsets = [0, 0], sizes = [10000, 1], strides = [1, 1]} : vector<10000x16xf32> to vector<10000x1xf32>
    %swap3A = arith.constant 0 : index
    %swap3A_18 = arith.constant 0 : index
    %swap3A_19 = vector.load %arg4[%swap3A, %swap3A_18] : memref<10000x1xf32, #tpu.memory_space<vmem>>, vector<10000x1xf32>
    tpu.vector_store %arg4[%swap3A, %swap3A_18], %slice3A {strides = array<i32>} : memref<10000x1xf32, #tpu.memory_space<vmem>>, vector<10000x1xf32>,
    return
  }
}

</mosaic_0001>

<sc_bundles>
// kernel: kernel.10.cloned.1.call-start
scs
__scs_entry_jumppad:
0x0: {  	(pc) =	sbr.rel $0x88, $3  }
0x1: {  	(tag) =	ssettag $0x0;
	lr =	simm.s32 $0x1  }
0x2: {  	[smem:$0x3F90] =	sst lr;
	_ =	strace $0xD0000000  }
0x3: {  	_ = 	snop  }
0x4: {  	_ = 	snop  }
0x5: {  	_ = 	snop  }
0x6: {  	_ = 	snop  }
0x7: {  	_ = 	snop  }
__scs_overlays_trampoline_lowered:
0x8: {  	[smem:$0x3F9F] =	sst s0  }
0x9: {  	[smem:$0x3FA0] =	sst s1  }
0xa: {  	[smem:$0x3FA1] =	sst s2  }
0xb: {  	[smem:$0x3FA2] =	sst s3  }
0xc: {  	[smem:$0x3FA3] =	sst s4  }
0xd: {  	[smem:$0x3FA4] =	sst s5  }
0xe: {  	[smem:$0x3FA5] =	sst s6  }
0xf: {  	[smem:$0x3FA6] =	sst s7  }
0x10: {  	[smem:$0x3FA7] =	sst s8  }
0x11: {  	[smem:$0x3FA8] =	sst s9;
	s0 =	simm.s32 @!p0 $0x0  }
0x12: {  	s1 =	sld [smem:$0x3F8E];
	s0 =	simm.s32 @p0 $0x1  }
0x13: {  	[smem:$0x3FA9] =	sst s0;
	s0 =	simm.s32 @!p1 $0x0  }
0x14: {  	s2 =	sld [smem:$0x3F8D];
	s0 =	simm.s32 @p1 $0x1  }
0x15: {  	[smem:$0x3FAA] =	sst s0;
	s0 =	simm.s32 @!p2 $0x0  }
0x16: {  	s3 =	sld [smem:$0x3FDB];
	s0 =	simm.s32 @p2 $0x1  }
0x17: {  	s4 =	simm.s32 $0x1BF5;
	[smem:$0x3FAC] =	sst s0  }
0x18: {  	s0 =	sld [smem:$0x3F8F];
	_ =	swait.ge [sflag:s4], $0x0  }
0x19: {  	s7 =	sld [smem:$0x3F90]  }
0x1a: {  	s8 =	sadd.s32 $0xFFFFE003, lr  }
0x1b: {  	s9 =	sadd.s32 $0xFFFFFEF7, lr;
	s5 =	simm.s32 $0xFFFFFFFF;
	p2 =	slt.u32 s8, $0xFFFFF086  }
0x1c: {  	p1 =	slt.u32 s9, $0xF7A;
	s5 =	simm.s32 @!p2 $0x0  }
0x1d: {  	s5 =	simm.s32 @p1 $0x1;
	p0 =	seq.s32 s7, s2  }
0x1e: {  	s7 =	smul.u32 @!p0 $0xF7A, s2;
	p2 =	seq.s32 @!p0 s5, $0x0  }
0x1f: {  	s9 =	smul.u32 $0xF7A, s1;
	s8 =	simm.s32 @!p0 $0x1BF5;
	p2 =	por !p2, p0  }
0x20: {  	[sflag:s8] =	ssyncset.s32 @!p0 $0xFFFFF086;
	s6 =	sadd.s32 @!p0 s3, s7;
	s7 =	simm.s32 @!p0 $0x108  }
0x21: {  	s3 =	sadd.s32 s3, s9;
	s6 =	sadd.s32 @!p0 $0x88, s6;
	s7 =	simm.s32 @p2 $0x1082  }
0x22: {  	[simem:s7], [sflag:s8] =	dma.local @!p0 [hbm:s6], $0xF7A  }
0x23: {  	s9 =	sor.u32 $0xD0000000, s2;
	s6 =	simm.s32 $0x108;
	_ =	swait.ge @!p0 [sflag:s8], $0x0  }
0x24: {  	s3 =	sadd.s32 $0x88, s3;
	s6 =	simm.s32 @!p1 $0x1082;
	[sflag:s4] =	ssyncset.s32 $0xFFFFF086  }
0x25: {  	[simem:s6], [sflag:s4] =	dma.local [hbm:s3], $0xF7A  }
0x26: {  	[smem:$0x3F90] =	sst s1;
	(tag) =	ssettag s2;
	_ =	strace s9  }
0x27: {  	s1 =	sld [smem:$0x3FA0]  }
0x28: {  	s2 =	sld [smem:$0x3FA1]  }
0x29: {  	s4 =	sld [smem:$0x3FA3]  }
0x2a: {  	p0 =	seq.s32 s5, $0x0;
	s5 =	sld [smem:$0x3FA4]  }
0x2b: {  	s6 =	sld [smem:$0x3FA5]  }
0x2c: {  	s7 =	sld [smem:$0x3FA6]  }
0x2d: {  	s3 =	simm.s32 $0x108;
	s8 =	sld [smem:$0x3FA7]  }
0x2e: {  	s3 =	simm.s32 @!p0 $0x1082;
	s9 =	sld [smem:$0x3FA8]  }
0x2f: {  	lr =	sadd.s32 s0, s3;
	s0 =	sld [smem:$0x3F9F]  }
0x30: {  	s3 =	sld [smem:$0x3FA2]  }
0x31: {  	[smem:$0x3FAB] =	sst s10  }
0x32: {  	s10 =	sld [smem:$0x3FA9];
	_ =	sdelay $0x3  }
0x33: {  	p0 =	seq.s32 s10, $0x1;
	s10 =	sld [smem:$0x3FAB];
	_ =	sdelay $0x3  }
0x34: {  	[smem:$0x3FAB] =	sst s10  }
0x35: {  	s10 =	sld [smem:$0x3FAA];
	_ =	sdelay $0x3  }
0x36: {  	p1 =	seq.s32 s10, $0x1;
	s10 =	sld [smem:$0x3FAB];
	_ =	sdelay $0x3  }
0x37: {  	[smem:$0x3FAB] =	sst s10  }
0x38: {  	s10 =	sld [smem:$0x3FAC]  }
0x39: {  	_ = 	snop;
	(pc) =	sbr.ind lr, $3  }
0x3a: {  	_ = 	snop  }
0x3b: {  	_ = 	snop  }
0x3c: {  	p2 =	seq.s32 s10, $0x1;
	s10 =	sld [smem:$0x3FAB]  }
0x3d: {  	_ =	shalt  }
0x3e: {  	_ =	shalt  }
0x3f: {  	_ =	shalt  }
0x40: {  	_ =	shalt  }
0x41: {  	_ =	shalt  }
0x42: {  	_ =	shalt  }
0x43: {  	_ =	shalt  }
0x44: {  	_ =	shalt  }
0x45: {  	_ =	shalt  }
0x46: {  	_ =	shalt  }
0x47: {  	_ =	shalt  }
0x48: {  	_ =	shalt  }
0x49: {  	_ =	shalt  }
0x4a: {  	_ =	shalt  }
0x4b: {  	_ =	shalt  }
0x4c: {  	_ =	shalt  }
0x4d: {  	_ =	shalt  }
0x4e: {  	_ =	shalt  }
0x4f: {  	_ =	shalt  }
0x50: {  	_ =	shalt  }
0x51: {  	_ =	shalt  }
0x52: {  	_ =	shalt  }
0x53: {  	_ =	shalt  }
0x54: {  	_ =	shalt  }
0x55: {  	_ =	shalt  }
0x56: {  	_ =	shalt  }
0x57: {  	_ =	shalt  }
0x58: {  	_ =	shalt  }
0x59: {  	_ =	shalt  }
0x5a: {  	_ =	shalt  }
0x5b: {  	_ =	shalt  }
0x5c: {  	_ =	shalt  }
0x5d: {  	_ =	shalt  }
0x5e: {  	_ =	shalt  }
0x5f: {  	_ =	shalt  }
0x60: {  	_ =	shalt  }
0x61: {  	_ =	shalt  }
0x62: {  	_ =	shalt  }
0x63: {  	_ =	shalt  }
0x64: {  	_ =	shalt  }
0x65: {  	_ =	shalt  }
0x66: {  	_ =	shalt  }
0x67: {  	_ =	shalt  }
0x68: {  	_ =	shalt  }
0x69: {  	_ =	shalt  }
0x6a: {  	_ =	shalt  }
0x6b: {  	_ =	shalt  }
0x6c: {  	_ =	shalt  }
0x6d: {  	_ =	shalt  }
0x6e: {  	_ =	shalt  }
0x6f: {  	_ =	shalt  }
0x70: {  	_ =	shalt  }
0x71: {  	_ =	shalt  }
0x72: {  	_ =	shalt  }
0x73: {  	_ =	shalt  }
0x74: {  	_ =	shalt  }
0x75: {  	_ =	shalt  }
0x76: {  	_ =	shalt  }
0x77: {  	_ =	shalt  }
0x78: {  	_ =	shalt  }
0x79: {  	_ =	shalt  }
0x7a: {  	_ =	shalt  }
0x7b: {  	_ =	shalt  }
0x7c: {  	_ =	shalt  }
0x7d: {  	_ =	shalt  }
0x7e: {  	_ =	shalt  }
0x7f: {  	_ =	shalt  }
0x80: {  	_ =	shalt  }
0x81: {  	_ =	shalt  }
0x82: {  	_ =	shalt  }
0x83: {  	_ =	shalt  }
0x84: {  	_ =	shalt  }
0x85: {  	_ =	shalt  }
0x86: {  	_ =	shalt  }
0x87: {  	_ =	shalt  }
.Lfunc_end0:
.L_simem_size_0:
called_computation.1_lowered:
.L_overlay_start_0:
0x88: {  	s2 =	sld [smem:$0x3FD9]  }
0x89: {  	s3 =	sld [smem:$0x3FFE];
	_ =	sdelay $0x1  }
0x8a: {  	s1 =	srdreg.scid  }
0x8b: {  	s0 =	sand.u32 $0x1, s1  }
0x8c: {  	s16 =	sshll.u32 s0, $0xA;
	s2 =	sadd.s32 s3, s2  }
0x8d: {  	s2 =	sadd.s32 s2, s16  }
0x8e: {  	[smem:$0x3FB7] =	sst s2  }
0x8f: {  	_ = 	snop  }
0x90: {  	(tm) =	ssettm $0x1  }
0x91: {  	s17 =	sld [smem:$0x3FFB];
	_ =	sdelay $0x3  }
0x92: {  	_ =	strace s17  }
0x93: {  	s2 =	sld [smem:$0x3FFC];
	_ =	sdelay $0x3  }
0x94: {  	_ =	strace s2  }
0x95: {  	s2 =	sld [smem:$0x3FFD];
	_ =	sdelay $0x3  }
0x96: {  	_ =	strace s2  }
0x97: {  	_ =	strace $0x8FFFFFFF  }
0x98: {  	s18 =	sld [smem:$0x3FDB];
	_ =	sdelay $0x1  }
0x99: {  	s19 =	simm.s32 $_scs_section_size  }
0x9a: {  	s4 =	simm.s32 $_size__tile_overlayer_lowered;
	s5 =	simm.s32 $_tile_overlayer_lowered  }
0x9b: {  	s22 =	simm.s32 $0x1BFF;
	s21 =	sshll.u32 s5, $0x1;
	s2 =	sadd.s32 s19, s18  }
0x9c: {  	s6 =	simm.s32 $0x0;
	s20 =	sshll.u32 s4, $0x1;
	s4 =	sadd.s32 s21, s2  }
0x9d: {  	[timem:s6], [sflag:s22] =	dma.local [hbm:s4], s20  }
0x9e: {  	_ =	swait.ge [sflag:s22], s20  }
0x9f: {  	s3 =	ssub.s32 $0x0, s20;
	[sflag:s22] =	ssyncset.done $0x0  }
0xa0: {  	[sflag:s22] =	ssyncadd.s32 s3;
	_ =	sdelay $0x1  }
0xa1: {  	s23 =	simm.s32 $0x1B8B  }
0xa2: {  	_ =	swait.ge [sflag:s23], $0x1  }
0xa3: {  	[sflag:s23] =	ssyncset.done $0x0  }
0xa4: {  	s25 =	simm.s32 $0x1B8E;
	s24 =	sld [smem:$0x3FFE];
	[sflag:s23] =	ssyncadd.s32 $0xFFFFFFFF  }
0xa5: {  	s26 =	simm.s32 $execute0_lowered;
	[smem:$0x3FD2] =	sst s25  }
0xa6: {  	s4 =	sshll.u32 s26, $0x1;
	_ =	strace $0x80000049;
	[dreg:$0x1] =	wrdreg $0xFFFFFFFF  }
0xa7: {  	s28 =	simm.s32 $_size_execute0_lowered;
	s2 =	sadd.s32 s2, s4;
	[dreg:$0x0] =	wrdreg $0x0  }
0xa8: {  	s4 =	sshll.u32 s28, $0x1;
	[dreg:$0x2] =	wrdreg s2  }
0xa9: {  	[dreg:$0x3] =	wrdreg s4  }
0xaa: {  	[dreg:$0x4] =	wrdreg $0xC0  }
0xab: {  	_ =	task [dreg:s6], $0x5FFFF  }
0xac: {  	[dreg:$0x1] =	wrdreg $0xFFFFFFFF  }
0xad: {  	[dreg:$0x0] =	wrdreg $0x60  }
0xae: {  	[dreg:$0x2] =	wrdreg s24  }
0xaf: {  	[dreg:$0x3] =	wrdreg $0xA4000  }
0xb0: {  	[dreg:$0x4] =	wrdreg $0x9  }
0xb1: {  	_ =	task.clear_ibuf [dreg:s6], $0x5FFFF;
	_ =	strace $0x90000049  }
0xb2: {  	s29 =	simm.s32 $0x9;
	_ =	strace $0x8000004B  }
0xb3: {  	_ =	swait.ge [sflag:s29], $0x1  }
0xb4: {  	[sflag:s29] =	ssyncadd.s32 $0xFFFFFFFF  }
0xb5: {  	_ =	strace $0x9000004B  }
0xb6: {  	_ =	sfence  }
0xb7: {  	s30 =	sld [smem:$0x0];
	_ =	sdelay $0x2  }
0xb8: {  	s31 =	sshll.u32 s1, $0xD;
	s1 =	sshrl.u32 s1, $0x2  }
0xb9: {  	s3 =	sand.u32 $0x4000, s31;
	s1 =	sadd.s32 s1, s30  }
0xba: {  	s0 =	sor.u32 s3, s0;
	s1 =	sshll.u32 s1, $0x11  }
0xbb: {  	s0 =	sor.u32 s1, s0  }
0xbc: {  	s0 =	sadd.s32 $0x8F2B, s0  }
0xbd: {  	[sflag:s0] =	ssyncadd.remote.s32 $0x1  }
0xbe: {  	_ =	sfence.sel $0xFFFF  }
0xbf: {  	[dreg:$0x0] =	wrdreg $0xFFFFFFFF;
	(pc) =	sbr.abs _section_cstart, $3  }
0xc0: {  	[dreg:$0x1] =	wrdreg $0xFFFFFFFF  }
0xc1: {  	_ =	task.clear_ibuf [dreg:s6], $0x2FFFF;
	_ =	strace $0x9FFFFFFF  }
0xc2: {  	(tm) =	ssettm $0x7FFFFFFF  }
0xc3: {  	_ =	shalt  }
tec
execute0_lowered:
.L_overlay_start_1:
0x0: {  	(tag) =	ssettag $0x1  }
0x1: {  	s3 =	rddreg [dreg:$0x0]  }
0x2: {  	s1 =	rddreg [dreg:$0x1]  }
0x3: {  	s2 =	simm.s32 $0x0;
	s0 =	srdreg.scid;
	s20 =	stileid.u32  }
0x4: {  	s28 =	simm.s32 $0xA300;
	s29 =	simm.s32 $0x1;
	s30 =	simm.s32 $0x3  }
0x5: {  	s31 =	simm.s32 $0x7;
	[smem:$0x7FF] =	sst s2;
	s4 =	sadd.s32 $0x2600, s3  }
0x6: {  	s6 =	sand.u32 $0x1, s0;
	s5 =	sadd.s32 $0x9DA200, s3;
	s7 =	smul.u32 $0x280, s20  }
0x7: {  	s8 =	sadd.s32 $0x50A00, s3;
	s10 =	smul.u32 $0x50000, s20;
	_ =	strace $0x8000004A  }
0x8: {  	s0 =	ssub.s32 $0x2, s6;
	s11 =	smul.u32 $0x2800, s6;
	s6 =	sshll.u32 s6, $0x4  }
0x9: {  	s9 =	sshrl.u32 s0, $0x1;
	s12 =	sadd.s32 $0xA0, s7;
	s13 =	sadd.s32 $0xF0, s7  }
0xa: {  	s16 =	sadd.s32 $0x140, s7;
	s17 =	sadd.s32 $0x190, s7;
	s18 =	sadd.s32 $0x1E0, s7  }
0xb: {  	s6 =	sor.u32 s20, s6;
	s0 =	ssub.s32 s0, s9;
	s9 =	sor.u32 $0x50, s7  }
0xc: {  	s14 =	sadd.s32 s7, s11;
	s7 =	sadd.s32 $0x230, s7;
	s25 =	sadd.s32 s11, s12  }
0xd: {  	s26 =	sadd.s32 s11, s13;
	s19 =	sadd.s32 s11, s16;
	s23 =	sadd.s32 s11, s17  }
0xe: {  	s15 =	sadd.s32 s11, s9;
	s14 =	sshll.u32 s14, $0x4;
	s19 =	sshll.u32 s19, $0x4  }
0xf: {  	s0 =	smax.u32 s0, $0x1;
	s15 =	sshll.u32 s15, $0x4;
	s14 =	sadd.s32 s8, s14  }
0x10: {  	s22 =	sadd.s32 s8, s19;
	s19 =	smul.u32 $0x4E2, s6;
	[dreg:$0x18] =	wrdreg s0  }
0x11: {  	s0 =	simm.s32 $0x9;
	[dreg:$0x3] =	wrdreg s14;
	s24 =	sadd.s32 s8, s15  }
0x12: {  	s14 =	sshll.u32 s25, $0x4;
	s15 =	sshll.u32 s26, $0x4;
	[dreg:$0x7] =	wrdreg s22  }
0x13: {  	s26 =	sshrl.u32 s10, $0x2;
	[dreg:$0x4] =	wrdreg s24;
	s14 =	sadd.s32 s8, s14  }
0x14: {  	s21 =	sadd.s32 s8, s15;
	s24 =	sadd.s32 s11, s18;
	[dreg:$0x5] =	wrdreg s14  }
0x15: {  	s11 =	sadd.s32 s11, s7;
	[dreg:$0x6] =	wrdreg s21;
	s14 =	sshll.u32 s23, $0x4  }
0x16: {  	s15 =	sshll.u32 s24, $0x4;
	s11 =	sshll.u32 s11, $0x4;
	s23 =	sadd.s32 s26, s1  }
0x17: {  	s24 =	smul.u32 $0x7D, s6;
	s14 =	sadd.s32 s8, s14;
	s25 =	sadd.s32 s8, s15  }
0x18: {  	s8 =	sadd.s32 s8, s11;
	s11 =	sshll.u32 s13, $0x7;
	[dreg:$0xb] =	wrdreg s23  }
0x19: {  	s13 =	sshll.u32 s17, $0x7;
	s17 =	smul.u32 $0x2710, s6;
	[dreg:$0x8] =	wrdreg s14  }
0x1a: {  	s15 =	sadd.s32 $0x4E4600, s3;
	s6 =	smul.u32 $0x27100, s6;
	[dreg:$0x9] =	wrdreg s25  }
0x1b: {  	[dreg:$0xa] =	wrdreg s8;
	s14 =	sadd.s32 $0x4EE400, s3;
	s8 =	sshll.u32 s9, $0x7  }
0x1c: {  	s9 =	sshll.u32 s12, $0x7;
	s3 =	sadd.s32 s11, s1;
	s12 =	sshll.u32 s16, $0x7  }
0x1d: {  	s16 =	sshll.u32 s18, $0x7;
	s18 =	sshll.u32 s7, $0x7;
	s7 =	sadd.s32 s15, s19  }
0x1e: {  	s11 =	simm.s32 $0x5000;
	s25 =	sadd.s32 s8, s1;
	[dreg:$0xe] =	wrdreg s3  }
0x1f: {  	s10 =	sadd.s32 s9, s1;
	s3 =	sadd.s32 s12, s1;
	[dreg:$0x14] =	wrdreg s7  }
0x20: {  	s20 =	sshrl.u32 s17, $0x3;
	s21 =	sadd.s32 s14, s19;
	[dreg:$0xd] =	wrdreg s10  }
0x21: {  	s26 =	sadd.s32 s5, s6;
	s6 =	simm.s32 $0xA200;
	[dreg:$0xf] =	wrdreg s3  }
0x22: {  	s9 =	simm.s32 $0x5;
	s12 =	simm.s32 $0x6;
	[dreg:$0x13] =	wrdreg s21  }
0x23: {  	s17 =	simm.s32 $0xA380;
	s19 =	simm.s32 $0x4;
	[dreg:$0x17] =	wrdreg s26  }
0x24: {  	s8 =	simm.s32 $0x0;
	s3 =	sadd.s32 s13, s1;
	[dreg:$0xc] =	wrdreg s25  }
0x25: {  	s10 =	simm.s32 $0x50;
	[dreg:$0x10] =	wrdreg s3;
	s3 =	sadd.s32 s16, s1  }
0x26: {  	s13 =	simm.s32 $0x2800;
	[dreg:$0x11] =	wrdreg s3;
	s3 =	sadd.s32 s18, s1  }
0x27: {  	s26 =	simm.s32 $0xA100;
	[dreg:$0x12] =	wrdreg s3;
	s3 =	sadd.s32 $0xA, s20  }
0x28: {  	s16 =	simm.s32 $0xA180;
	s18 =	simm.s32 $0x2;
	s22 =	sadd.s32 s14, s3  }
0x29: {  	s20 =	simm.s32 $0x8;
	s3 =	sadd.s32 s15, s3;
	[dreg:$0x15] =	wrdreg s22  }
0x2a: {  	v0 =	vimm.f32 $0.0e+00;
	[dreg:$0x16] =	wrdreg s3;
	s3 =	simm.s32 $0xA000;
	s22 =	simm.s32 $0x0  }
.LBB2_1:
0x2b: {  	[dreg:$0x19] =	wrdreg s8;
	s21 =	simm.s32 $0x0;
	s7 =	simm.s32 $0x200  }
.LBB2_2:
0x2c: {  	p0 =	sne.s32 s7, $0x9E00;
	[tilespmem:s21+$0x70] =	vst v0  }
0x2d: {  	[tilespmem:s21+$0x0] =	vst v0  }
0x2e: {  	[tilespmem:s21+$0x10] =	vst v0  }
.Ltmp0:
0x2f: {  	[tilespmem:s21+$0x20] =	vst v0;
	(pc) =	sbr.rel @p0 .LBB2_2-.Ltmp0, $4  }
0x30: {  	[tilespmem:s21+$0x30] =	vst v0  }
0x31: {  	[tilespmem:s21+$0x40] =	vst v0  }
0x32: {  	[tilespmem:s21+$0x50] =	vst v0  }
0x33: {  	[tilespmem:s21+$0x60] =	vst v0;
	s21 =	sshra.s32 s7, $0x2;
	s7 =	sadd.s32 $0x200, s7  }
0x34: {  	[tilespmem:s21+$0x70] =	vst v0  }
0x35: {  	[tilespmem:s21+$0x0] =	vst v0  }
0x36: {  	[tilespmem:s21+$0x10] =	vst v0  }
0x37: {  	[tilespmem:s21+$0x20] =	vst v0  }
0x38: {  	[tilespmem:s21+$0x30] =	vst v0  }
0x39: {  	[tilespmem:s21+$0x40] =	vst v0  }
0x3a: {  	[tilespmem:s21+$0x50] =	vst v0  }
0x3b: {  	[tilespmem:s21+$0x60] =	vst v0  }
0x3c: {  	[spmem:s23] =	stream.linear.scatter [tilespmem:s22], [sflag:$0x9], $0x2800, $0x38;
	[tilespmem:$0x1E400] =	vst v63  }
0x3d: {  	_ =	swait.ge [sflag:s0], $0x2800  }
0x3e: {  	[sflag:s0] =	ssyncset.done $0x0  }
0x3f: {  	[sflag:s0] =	ssyncadd.s32 $0xFFFFD800  }
0x40: {  	[spmem:s25] =	stream.linear.scatter [tilespmem:s22], [sflag:$0x9], $0x2800, $0x38;
	[tilespmem:$0x1E400] =	vst v63  }
0x41: {  	_ =	swait.ge [sflag:s0], $0x2800  }
0x42: {  	[sflag:s0] =	ssyncset.done $0x0  }
0x43: {  	s7 =	rddreg [dreg:$0xd];
	[sflag:s0] =	ssyncadd.s32 $0xFFFFD800  }
0x44: {  	[spmem:s7] =	stream.linear.scatter [tilespmem:s22], [sflag:$0x9], $0x2800, $0x38;
	[tilespmem:$0x1E400] =	vst v63  }
0x45: {  	_ =	swait.ge [sflag:s0], $0x2800  }
0x46: {  	[sflag:s0] =	ssyncset.done $0x0  }
0x47: {  	s8 =	rddreg [dreg:$0xe];
	[sflag:s0] =	ssyncadd.s32 $0xFFFFD800  }
0x48: {  	[spmem:s8] =	stream.linear.scatter [tilespmem:s22], [sflag:$0x9], $0x2800, $0x38;
	[tilespmem:$0x1E400] =	vst v63  }
0x49: {  	_ =	swait.ge [sflag:s0], $0x2800  }
0x4a: {  	[sflag:s0] =	ssyncset.done $0x0  }
0x4b: {  	s21 =	rddreg [dreg:$0xf];
	[sflag:s0] =	ssyncadd.s32 $0xFFFFD800  }
0x4c: {  	[spmem:s21] =	stream.linear.scatter [tilespmem:s22], [sflag:$0x9], $0x2800, $0x38;
	[tilespmem:$0x1E400] =	vst v63  }
0x4d: {  	_ =	swait.ge [sflag:s0], $0x2800  }
0x4e: {  	[sflag:s0] =	ssyncset.done $0x0  }
0x4f: {  	s23 =	rddreg [dreg:$0x10];
	[sflag:s0] =	ssyncadd.s32 $0xFFFFD800  }
0x50: {  	[spmem:s23] =	stream.linear.scatter [tilespmem:s22], [sflag:$0x9], $0x2800, $0x38;
	[tilespmem:$0x1E400] =	vst v63  }
0x51: {  	_ =	swait.ge [sflag:s0], $0x2800  }
0x52: {  	[sflag:s0] =	ssyncset.done $0x0  }
0x53: {  	s25 =	rddreg [dreg:$0x11];
	[sflag:s0] =	ssyncadd.s32 $0xFFFFD800  }
0x54: {  	[spmem:s25] =	stream.linear.scatter [tilespmem:s22], [sflag:$0x9], $0x2800, $0x38;
	[tilespmem:$0x1E400] =	vst v63  }
0x55: {  	_ =	swait.ge [sflag:s0], $0x2800  }
0x56: {  	[sflag:s0] =	ssyncset.done $0x0  }
0x57: {  	s8 =	rddreg [dreg:$0x12];
	[sflag:s0] =	ssyncadd.s32 $0xFFFFD800  }
0x58: {  	[spmem:s8] =	stream.linear.scatter [tilespmem:s22], [sflag:$0x9], $0x2800, $0x38;
	[tilespmem:$0x1E400] =	vst v63  }
0x59: {  	_ =	swait.ge [sflag:s0], $0x2800  }
0x5a: {  	[sflag:s0] =	ssyncset.done $0x0  }
0x5b: {  	[sflag:s0] =	ssyncadd.s32 $0xFFFFD800  }
0x5c: {  	[bflag:$0x0] =	sbarrier.arrive $0xFFFF  }
0x5d: {  	s21 =	rddreg [dreg:$0x13]  }
0x5e: {  	[tilespmem:s3], [sflag:$0x5] =	stream.linear.gather [hbm4b:s21+s22], $0x50, $0x38;
	[tilespmem:$0x1E400] =	vst v63  }
0x5f: {  	s23 =	rddreg [dreg:$0x14]  }
0x60: {  	[tilespmem:s6], [sflag:$0x5] =	stream.linear.gather [hbm4b:s23+s22], $0x50, $0x38;
	[tilespmem:$0x1E400] =	vst v63  }
0x61: {  	s8 =	simm.s32 $0xA080;
	s25 =	rddreg [dreg:$0x15]  }
0x62: {  	[tilespmem:s8], [sflag:$0x6] =	stream.linear.gather [hbm4b:s25+s22], $0x50, $0x38;
	[tilespmem:$0x1E400] =	vst v63  }
0x63: {  	s21 =	rddreg [dreg:$0x16];
	s23 =	simm.s32 $0xA280  }
0x64: {  	[tilespmem:s23], [sflag:$0x6] =	stream.linear.gather [hbm4b:s21+s22], $0x50, $0x38;
	[tilespmem:$0x1E400] =	vst v63  }
0x65: {  	_ =	swait.ge [sflag:s9], $0x50  }
0x66: {  	[sflag:s9] =	ssyncset.done $0x0  }
0x67: {  	[sflag:s9] =	ssyncadd.s32 $0xFFFFFFB0  }
0x68: {  	_ =	swait.ge [sflag:s9], $0x50  }
0x69: {  	[sflag:s9] =	ssyncset.done $0x0  }
0x6a: {  	[sflag:s9] =	ssyncadd.s32 $0xFFFFFFB0  }
0x6b: {  	[tilespmem:s22], [sflag:$0x1] =	stream.indirect.gather [hbm4b:s4+s10], $0x80, s3, s10, $0xb8;
	[tilespmem:$0x1E400] =	vst v63  }
0x6c: {  	s23 =	simm.s32 $0x0;
	s25 =	rddreg [dreg:$0x17]  }
0x6d: {  	[tilespmem:s11], [sflag:$0x3] =	stream.linear.gather [hbm4b:s25+s22], $0x2800, $0x38;
	[tilespmem:$0x1E400] =	vst v63  }
.LBB2_4:
0x6e: {  	_ =	swait.ge [sflag:s12], $0x50;
	s21 =	sshll.u32 s23, $0x2  }
0x6f: {  	[sflag:s12] =	ssyncset.done $0x0;
	s7 =	sadd.s32 s24, s21  }
0x70: {  	[sflag:s12] =	ssyncadd.s32 $0xFFFFFFB0;
	s8 =	smul.u32 $0x2800, s7  }
0x71: {  	s7 =	smul.u32 $0x50, s7;
	_ =	swait.ge [sflag:s12], $0x50  }
0x72: {  	s25 =	simm.s32 $0xA080;
	[sflag:s12] =	ssyncset.done $0x0;
	s8 =	sshrl.u32 s8, $0x3  }
0x73: {  	s7 =	sshrl.u32 s7, $0x3;
	[sflag:s12] =	ssyncadd.s32 $0xFFFFFFB0;
	s8 =	sadd.s32 s5, s8  }
0x74: {  	[tilespmem:s13], [sflag:$0x2] =	stream.indirect.gather [hbm4b:s4+s10], $0x80, s25, s10, $0xb8;
	[tilespmem:$0x1E400] =	vst v63  }
0x75: {  	s7 =	sadd.s32 $0x14, s7;
	s8 =	sadd.s32 $0x500, s8;
	s25 =	simm.s32 $0x7800  }
0x76: {  	[tilespmem:s25], [sflag:$0x4] =	stream.linear.gather [hbm4b:s8+s22], $0x2800, $0x38;
	[tilespmem:$0x1E400] =	vst v63  }
0x77: {  	s25 =	sadd.s32 s14, s7  }
0x78: {  	[tilespmem:s26], [sflag:$0x7] =	stream.linear.gather [hbm4b:s25+s22], $0x50, $0x38;
	[tilespmem:$0x1E400] =	vst v63  }
0x79: {  	s7 =	sadd.s32 s15, s7  }
0x7a: {  	[tilespmem:s28], [sflag:$0x7] =	stream.linear.gather [hbm4b:s7+s22], $0x50, $0x38;
	[tilespmem:$0x1E400] =	vst v63  }
0x7b: {  	_ =	swait.ge [sflag:s29], $0x2800  }
0x7c: {  	[sflag:s29] =	ssyncset.done $0x0  }
0x7d: {  	[sflag:s29] =	ssyncadd.s32 $0xFFFFD800  }
0x7e: {  	_ =	swait.ge [sflag:s30], $0x2800  }
0x7f: {  	[sflag:s30] =	ssyncset.done $0x0  }
0x80: {  	s7 =	simm.s32 $0x0;
	[sflag:s30] =	ssyncadd.s32 $0xFFFFD800  }
0x81: {  	s8 =	simm.s32 $0x200;
	v1 =	vld [tilespmem:s7+$0x5000]  }
.LBB2_5:
0x82: {  	p0 =	sne.s32 s8, $0x9E00;
	v2 =	vld [tilespmem:s7+$0x0];
	_ =	sdelay $0x3  }
.Ltmp1:
0x83: {  	(pc) =	sbr.rel @p0 .LBB2_5-.Ltmp1, $3  }
0x84: {  	v1 =	vadd.f32 v1, v2;
	_ =	sdelay $0x1  }
0x85: {  	s25 =	sshra.s32 s8, $0x2;
	v2 =	vmax.f32 v1, $0.0e+00  }
0x86: {  	s8 =	sadd.s32 $0x200, s8;
	v1 =	vld [tilespmem:s25+$0x5000];
	[tilespmem:s7+$0x0] =	vst v2;
	s7 =	smov.u32 s25  }
0x87: {  	v2 =	vld [tilespmem:s7+$0x0];
	_ =	sdelay $0x4  }
0x88: {  	v1 =	vadd.f32 v1, v2;
	_ =	sdelay $0x1  }
0x89: {  	v1 =	vmax.f32 v1, $0.0e+00  }
0x8a: {  	[tilespmem:s7+$0x0] =	vst v1;
	s7 =	simm.s32 $0x0  }
0x8b: {  	[spmem:s1] =	stream.indirect.scatter.add.f32 [tilespmem:s7], [sflag:$0x9], $0x80, s6, s10, $0xb8;
	[tilespmem:$0x1E400] =	vst v63  }
0x8c: {  	_ =	swait.ge [sflag:s0], $0x2800  }
0x8d: {  	[sflag:s0] =	ssyncset.done $0x0  }
0x8e: {  	[sflag:s0] =	ssyncadd.s32 $0xFFFFD800  }
0x8f: {  	s21 =	sadd.s32 s21, s24;
	_ =	swait.ge [sflag:s31], $0x50  }
0x90: {  	s8 =	sadd.s32 $0x1, s21;
	[sflag:s31] =	ssyncset.done $0x0  }
0x91: {  	s25 =	smul.u32 $0x2800, s8;
	[sflag:s31] =	ssyncadd.s32 $0xFFFFFFB0  }
0x92: {  	s8 =	smul.u32 $0x50, s8;
	_ =	swait.ge [sflag:s31], $0x50  }
0x93: {  	s25 =	sshrl.u32 s25, $0x3;
	[sflag:s31] =	ssyncset.done $0x0  }
0x94: {  	s8 =	sshrl.u32 s8, $0x3;
	s25 =	sadd.s32 s5, s25;
	[sflag:s31] =	ssyncadd.s32 $0xFFFFFFB0  }
0x95: {  	[tilespmem:s7], [sflag:$0x1] =	stream.indirect.gather [hbm4b:s4+s10], $0x80, s26, s10, $0xb8;
	[tilespmem:$0x1E400] =	vst v63  }
0x96: {  	s8 =	sadd.s32 $0x14, s8;
	s25 =	sadd.s32 $0x500, s25  }
0x97: {  	[tilespmem:s11], [sflag:$0x3] =	stream.linear.gather [hbm4b:s25+s7], $0x2800, $0x38;
	[tilespmem:$0x1E400] =	vst v63  }
0x98: {  	s26 =	sadd.s32 s14, s8  }
0x99: {  	[tilespmem:s16], [sflag:$0x8] =	stream.linear.gather [hbm4b:s26+s7], $0x50, $0x38;
	[tilespmem:$0x1E400] =	vst v63  }
0x9a: {  	s8 =	sadd.s32 s15, s8  }
0x9b: {  	[tilespmem:s17], [sflag:$0x8] =	stream.linear.gather [hbm4b:s8+s7], $0x50, $0x38;
	[tilespmem:$0x1E400] =	vst v63  }
0x9c: {  	_ =	swait.ge [sflag:s18], $0x2800  }
0x9d: {  	[sflag:s18] =	ssyncset.done $0x0  }
0x9e: {  	[sflag:s18] =	ssyncadd.s32 $0xFFFFD800  }
0x9f: {  	_ =	swait.ge [sflag:s19], $0x2800  }
0xa0: {  	[sflag:s19] =	ssyncset.done $0x0  }
0xa1: {  	s7 =	simm.s32 $0x0;
	[sflag:s19] =	ssyncadd.s32 $0xFFFFD800  }
0xa2: {  	s8 =	simm.s32 $0x200;
	v1 =	vld [tilespmem:s7+$0x7800]  }
.LBB2_7:
0xa3: {  	p0 =	sne.s32 s8, $0x9E00;
	v2 =	vld [tilespmem:s7+$0x2800];
	_ =	sdelay $0x3  }
.Ltmp2:
0xa4: {  	(pc) =	sbr.rel @p0 .LBB2_7-.Ltmp2, $3  }
0xa5: {  	v1 =	vadd.f32 v1, v2;
	_ =	sdelay $0x1  }
0xa6: {  	s25 =	sshra.s32 s8, $0x2;
	v2 =	vmax.f32 v1, $0.0e+00  }
0xa7: {  	s8 =	sadd.s32 $0x200, s8;
	v1 =	vld [tilespmem:s25+$0x7800];
	[tilespmem:s7+$0x2800] =	vst v2;
	s7 =	smov.u32 s25  }
0xa8: {  	v2 =	vld [tilespmem:s7+$0x2800];
	_ =	sdelay $0x4  }
0xa9: {  	v1 =	vadd.f32 v1, v2;
	_ =	sdelay $0x1  }
0xaa: {  	v1 =	vmax.f32 v1, $0.0e+00  }
0xab: {  	s25 =	simm.s32 $0xA280;
	[tilespmem:s7+$0x2800] =	vst v1  }
0xac: {  	[spmem:s1] =	stream.indirect.scatter.add.f32 [tilespmem:s13], [sflag:$0x9], $0x80, s25, s10, $0xb8;
	[tilespmem:$0x1E400] =	vst v63  }
0xad: {  	_ =	swait.ge [sflag:s0], $0x2800  }
0xae: {  	[sflag:s0] =	ssyncset.done $0x0  }
0xaf: {  	[sflag:s0] =	ssyncadd.s32 $0xFFFFD800  }
0xb0: {  	s26 =	sadd.s32 $0x2, s21;
	_ =	swait.ge [sflag:s20], $0x50  }
0xb1: {  	s8 =	smul.u32 $0x2800, s26;
	[sflag:s20] =	ssyncset.done $0x0  }
0xb2: {  	[sflag:s20] =	ssyncadd.s32 $0xFFFFFFB0  }
0xb3: {  	s8 =	sshrl.u32 s8, $0x3;
	s7 =	smul.u32 $0x50, s26;
	_ =	swait.ge [sflag:s20], $0x50  }
0xb4: {  	s8 =	sadd.s32 s5, s8;
	[sflag:s20] =	ssyncset.done $0x0  }
0xb5: {  	s8 =	sadd.s32 $0x500, s8;
	s7 =	sshrl.u32 s7, $0x3;
	[sflag:s20] =	ssyncadd.s32 $0xFFFFFFB0  }
0xb6: {  	[tilespmem:s13], [sflag:$0x2] =	stream.indirect.gather [hbm4b:s4+s10], $0x80, s16, s10, $0xb8;
	[tilespmem:$0x1E400] =	vst v63  }
0xb7: {  	s26 =	simm.s32 $0x7800;
	s25 =	simm.s32 $0x0;
	s7 =	sadd.s32 $0x14, s7  }
0xb8: {  	[tilespmem:s26], [sflag:$0x4] =	stream.linear.gather [hbm4b:s8+s25], $0x2800, $0x38;
	[tilespmem:$0x1E400] =	vst v63  }
0xb9: {  	s26 =	sadd.s32 s14, s7  }
0xba: {  	[tilespmem:s3], [sflag:$0x5] =	stream.linear.gather [hbm4b:s26+s25], $0x50, $0x38;
	[tilespmem:$0x1E400] =	vst v63  }
0xbb: {  	s7 =	sadd.s32 s15, s7  }
0xbc: {  	[tilespmem:s6], [sflag:$0x5] =	stream.linear.gather [hbm4b:s7+s25], $0x50, $0x38;
	[tilespmem:$0x1E400] =	vst v63  }
0xbd: {  	_ =	swait.ge [sflag:s29], $0x2800  }
0xbe: {  	[sflag:s29] =	ssyncset.done $0x0  }
0xbf: {  	[sflag:s29] =	ssyncadd.s32 $0xFFFFD800  }
0xc0: {  	_ =	swait.ge [sflag:s30], $0x2800  }
0xc1: {  	[sflag:s30] =	ssyncset.done $0x0  }
0xc2: {  	s7 =	simm.s32 $0x0;
	[sflag:s30] =	ssyncadd.s32 $0xFFFFD800  }
0xc3: {  	s8 =	simm.s32 $0x200;
	v1 =	vld [tilespmem:s7+$0x5000]  }
.LBB2_9:
0xc4: {  	p0 =	sne.s32 s8, $0x9E00;
	v2 =	vld [tilespmem:s7+$0x0];
	_ =	sdelay $0x3  }
.Ltmp3:
0xc5: {  	(pc) =	sbr.rel @p0 .LBB2_9-.Ltmp3, $3  }
0xc6: {  	v1 =	vadd.f32 v1, v2;
	_ =	sdelay $0x1  }
0xc7: {  	s25 =	sshra.s32 s8, $0x2;
	v2 =	vmax.f32 v1, $0.0e+00  }
0xc8: {  	s8 =	sadd.s32 $0x200, s8;
	v1 =	vld [tilespmem:s25+$0x5000];
	[tilespmem:s7+$0x0] =	vst v2;
	s7 =	smov.u32 s25  }
0xc9: {  	v2 =	vld [tilespmem:s7+$0x0];
	_ =	sdelay $0x4  }
0xca: {  	v1 =	vadd.f32 v1, v2;
	_ =	sdelay $0x1  }
0xcb: {  	v1 =	vmax.f32 v1, $0.0e+00  }
0xcc: {  	[tilespmem:s7+$0x0] =	vst v1  }
0xcd: {  	[spmem:s1] =	stream.indirect.scatter.add.f32 [tilespmem:s2], [sflag:$0x9], $0x80, s28, s10, $0xb8;
	[tilespmem:$0x1E400] =	vst v63  }
0xce: {  	_ =	swait.ge [sflag:s0], $0x2800  }
0xcf: {  	[sflag:s0] =	ssyncset.done $0x0  }
0xd0: {  	[sflag:s0] =	ssyncadd.s32 $0xFFFFD800  }
0xd1: {  	_ =	swait.ge [sflag:s9], $0x50  }
0xd2: {  	s7 =	sadd.s32 $0x3, s21;
	[sflag:s9] =	ssyncset.done $0x0  }
0xd3: {  	p0 =	seq.s32 s23, $0x1E;
	s8 =	smul.u32 $0x2800, s7;
	[sflag:s9] =	ssyncadd.s32 $0xFFFFFFB0  }
0xd4: {  	s7 =	smul.u32 @!p0 $0x50, s7;
	_ =	swait.ge [sflag:s9], $0x50  }
0xd5: {  	s8 =	sshrl.u32 s8, $0x3;
	[sflag:s9] =	ssyncset.done $0x0  }
0xd6: {  	s7 =	sshrl.u32 @!p0 s7, $0x3;
	s8 =	sadd.s32 s5, s8;
	[sflag:s9] =	ssyncadd.s32 $0xFFFFFFB0  }
0xd7: {  	[tilespmem:s2], [sflag:$0x1] =	stream.indirect.gather [hbm4b:s4+s10], $0x80, s3, s10, $0xb8;
	[tilespmem:$0x1E400] =	vst v63  }
0xd8: {  	s7 =	sadd.s32 @!p0 $0x14, s7;
	s8 =	sadd.s32 $0x500, s8  }
0xd9: {  	[tilespmem:s11], [sflag:$0x3] =	stream.linear.gather [hbm4b:s8+s2], $0x2800, $0x38;
	[tilespmem:$0x1E400] =	vst v63  }
0xda: {  	s25 =	simm.s32 @!p0 $0xA080;
	s21 =	simm.s32 @!p0 $0x0;
	s8 =	sadd.s32 @!p0 s14, s7  }
0xdb: {  	[tilespmem:s25], [sflag:$0x6] =	stream.linear.gather @!p0 [hbm4b:s8+s21], $0x50, $0x38;
	[tilespmem:$0x1E400] =	vst v63  }
0xdc: {  	s7 =	sadd.s32 @!p0 s15, s7;
	s8 =	simm.s32 @!p0 $0xA280  }
0xdd: {  	[tilespmem:s8], [sflag:$0x6] =	stream.linear.gather @!p0 [hbm4b:s7+s21], $0x50, $0x38;
	[tilespmem:$0x1E400] =	vst v63  }
0xde: {  	_ =	swait.ge [sflag:s18], $0x2800  }
0xdf: {  	[sflag:s18] =	ssyncset.done $0x0  }
0xe0: {  	[sflag:s18] =	ssyncadd.s32 $0xFFFFD800  }
0xe1: {  	_ =	swait.ge [sflag:s19], $0x2800  }
0xe2: {  	[sflag:s19] =	ssyncset.done $0x0  }
0xe3: {  	s7 =	simm.s32 $0x0;
	[sflag:s19] =	ssyncadd.s32 $0xFFFFD800  }
0xe4: {  	s8 =	simm.s32 $0x200;
	v1 =	vld [tilespmem:s7+$0x7800]  }
.LBB2_11:
0xe5: {  	p0 =	sne.s32 s8, $0x9E00;
	v2 =	vld [tilespmem:s7+$0x2800];
	_ =	sdelay $0x3  }
.Ltmp4:
0xe6: {  	(pc) =	sbr.rel @p0 .LBB2_11-.Ltmp4, $3  }
0xe7: {  	v1 =	vadd.f32 v1, v2;
	_ =	sdelay $0x1  }
0xe8: {  	s21 =	sshra.s32 s8, $0x2;
	v2 =	vmax.f32 v1, $0.0e+00  }
0xe9: {  	s8 =	sadd.s32 $0x200, s8;
	v1 =	vld [tilespmem:s21+$0x7800];
	[tilespmem:s7+$0x2800] =	vst v2;
	s7 =	smov.u32 s21  }
0xea: {  	v2 =	vld [tilespmem:s7+$0x2800];
	_ =	sdelay $0x4  }
0xeb: {  	v1 =	vadd.f32 v1, v2  }
0xec: {  	s23 =	sadd.s32 $0x1, s23  }
0xed: {  	p0 =	sne.s32 s23, $0x1F;
	v1 =	vmax.f32 v1, $0.0e+00  }
.Ltmp5:
0xee: {  	[tilespmem:s7+$0x2800] =	vst v1;
	(pc) =	sbr.rel @p0 .LBB2_4-.Ltmp5, $4  }
0xef: {  	[spmem:s1] =	stream.indirect.scatter.add.f32 [tilespmem:s13], [sflag:$0x9], $0x80, s17, s10, $0xb8;
	[tilespmem:$0x1E400] =	vst v63  }
0xf0: {  	_ =	swait.ge [sflag:s0], $0x2800  }
0xf1: {  	[sflag:s0] =	ssyncset.done $0x0  }
0xf2: {  	s26 =	simm.s32 $0xA100;
	[sflag:s0] =	ssyncadd.s32 $0xFFFFD800  }
0xf3: {  	_ =	swait.ge [sflag:s29], $0x2800  }
0xf4: {  	[sflag:s29] =	ssyncset.done $0x0  }
0xf5: {  	[sflag:s29] =	ssyncadd.s32 $0xFFFFD800  }
0xf6: {  	_ =	swait.ge [sflag:s30], $0x2800  }
0xf7: {  	[sflag:s30] =	ssyncset.done $0x0  }
0xf8: {  	s7 =	simm.s32 $0x0;
	[sflag:s30] =	ssyncadd.s32 $0xFFFFD800  }
0xf9: {  	s8 =	simm.s32 $0x200;
	v1 =	vld [tilespmem:s7+$0x5000]  }
.LBB2_14:
0xfa: {  	p0 =	sne.s32 s8, $0x9E00;
	v2 =	vld [tilespmem:s7+$0x0];
	_ =	sdelay $0x3  }
.Ltmp6:
0xfb: {  	(pc) =	sbr.rel @p0 .LBB2_14-.Ltmp6, $3  }
0xfc: {  	v1 =	vadd.f32 v1, v2;
	_ =	sdelay $0x1  }
0xfd: {  	s21 =	sshra.s32 s8, $0x2;
	v2 =	vmax.f32 v1, $0.0e+00  }
0xfe: {  	s8 =	sadd.s32 $0x200, s8;
	v1 =	vld [tilespmem:s21+$0x5000];
	[tilespmem:s7+$0x0] =	vst v2;
	s7 =	smov.u32 s21  }
0xff: {  	v2 =	vld [tilespmem:s7+$0x0];
	_ =	sdelay $0x4  }
0x100: {  	v1 =	vadd.f32 v1, v2;
	_ =	sdelay $0x1  }
0x101: {  	v1 =	vmax.f32 v1, $0.0e+00  }
0x102: {  	[tilespmem:s7+$0x0] =	vst v1  }
0x103: {  	[spmem:s1] =	stream.indirect.scatter.add.f32 [tilespmem:s2], [sflag:$0x9], $0x80, s6, s10, $0xb8;
	[tilespmem:$0x1E400] =	vst v63  }
0x104: {  	_ =	swait.ge [sflag:s0], $0x2800  }
0x105: {  	[sflag:s0] =	ssyncset.done $0x0  }
0x106: {  	[sflag:s0] =	ssyncadd.s32 $0xFFFFD800  }
0x107: {  	s8 =	stileid.u32;
	[bflag:$0x0] =	sbarrier.arrive $0xFFFF  }
0x108: {  	s7 =	sshll.u32 s8, $0x6;
	s23 =	rddreg [dreg:$0xb]  }
0x109: {  	s7 =	sor.u32 $0x1C09, s7;
	s21 =	rddreg [dreg:$0x3];
	s8 =	sshrl.u32 s23, $0x3  }
0x10a: {  	[hbm:s21], [sflag:s7] =	dma.local [spmem:s8], $0x500  }
0x10b: {  	_ =	swait.ge [sflag:s0], $0x500  }
0x10c: {  	[sflag:s0] =	ssyncset.done $0x0;
	s25 =	rddreg [dreg:$0xc]  }
0x10d: {  	s21 =	rddreg [dreg:$0x4];
	[sflag:s0] =	ssyncadd.s32 $0xFFFFFB00;
	s8 =	sshrl.u32 s25, $0x3  }
0x10e: {  	[hbm:s21], [sflag:s7] =	dma.local [spmem:s8], $0x500  }
0x10f: {  	_ =	swait.ge [sflag:s0], $0x500  }
0x110: {  	[sflag:s0] =	ssyncset.done $0x0;
	s21 =	rddreg [dreg:$0xd]  }
0x111: {  	[sflag:s0] =	ssyncadd.s32 $0xFFFFFB00;
	s8 =	sshrl.u32 s21, $0x3;
	s21 =	rddreg [dreg:$0x5]  }
0x112: {  	[hbm:s21], [sflag:s7] =	dma.local [spmem:s8], $0x500  }
0x113: {  	_ =	swait.ge [sflag:s0], $0x500  }
0x114: {  	[sflag:s0] =	ssyncset.done $0x0;
	s21 =	rddreg [dreg:$0xe]  }
0x115: {  	[sflag:s0] =	ssyncadd.s32 $0xFFFFFB00;
	s8 =	sshrl.u32 s21, $0x3;
	s21 =	rddreg [dreg:$0x6]  }
0x116: {  	[hbm:s21], [sflag:s7] =	dma.local [spmem:s8], $0x500  }
0x117: {  	_ =	swait.ge [sflag:s0], $0x500  }
0x118: {  	[sflag:s0] =	ssyncset.done $0x0;
	s21 =	rddreg [dreg:$0xf]  }
0x119: {  	[sflag:s0] =	ssyncadd.s32 $0xFFFFFB00;
	s8 =	sshrl.u32 s21, $0x3;
	s21 =	rddreg [dreg:$0x7]  }
0x11a: {  	[hbm:s21], [sflag:s7] =	dma.local [spmem:s8], $0x500  }
0x11b: {  	_ =	swait.ge [sflag:s0], $0x500  }
0x11c: {  	[sflag:s0] =	ssyncset.done $0x0;
	s21 =	rddreg [dreg:$0x10]  }
0x11d: {  	[sflag:s0] =	ssyncadd.s32 $0xFFFFFB00;
	s8 =	sshrl.u32 s21, $0x3;
	s21 =	rddreg [dreg:$0x8]  }
0x11e: {  	[hbm:s21], [sflag:s7] =	dma.local [spmem:s8], $0x500  }
0x11f: {  	_ =	swait.ge [sflag:s0], $0x500  }
0x120: {  	[sflag:s0] =	ssyncset.done $0x0;
	s21 =	rddreg [dreg:$0x11]  }
0x121: {  	[sflag:s0] =	ssyncadd.s32 $0xFFFFFB00;
	s8 =	sshrl.u32 s21, $0x3;
	s21 =	rddreg [dreg:$0x9]  }
0x122: {  	[hbm:s21], [sflag:s7] =	dma.local [spmem:s8], $0x500  }
0x123: {  	_ =	swait.ge [sflag:s0], $0x500  }
0x124: {  	[sflag:s0] =	ssyncset.done $0x0;
	s21 =	rddreg [dreg:$0x12]  }
0x125: {  	[sflag:s0] =	ssyncadd.s32 $0xFFFFFB00;
	s8 =	sshrl.u32 s21, $0x3;
	s21 =	rddreg [dreg:$0xa]  }
0x126: {  	[hbm:s21], [sflag:s7] =	dma.local [spmem:s8], $0x500  }
0x127: {  	_ =	swait.ge [sflag:s0], $0x500  }
0x128: {  	s7 =	rddreg [dreg:$0x19]  }
0x129: {  	s21 =	rddreg [dreg:$0x18];
	s8 =	sadd.s32 $0x1, s7  }
0x12a: {  	p0 =	sne.s32 s8, s21  }
.Ltmp7:
0x12b: {  	_ = 	snop;
	(pc) =	sbr.rel @p0 .LBB2_1-.Ltmp7, $3  }
0x12c: {  	_ =	sdelay $0x1  }
0x12d: {  	[sflag:s0] =	ssyncset.done $0x0  }
0x12e: {  	[sflag:s0] =	ssyncadd.s32 $0xFFFFFB00  }
0x12f: {  	_ =	sfence.sel $0x180000  }
0x130: {  	[bflag:$0x0] =	sbarrier.arrive $0xFFFF  }
0x131: {  	_ =	strace $0x9000004A  }
0x132: {  	s0 =	stileid.u32;
	[bflag:$0x2] =	sbarrier.arrive $0xFFFF  }
0x133: {  	p0 =	sne.s32 s0, $0x0;
	s0 =	rddreg [dreg:$0x2]  }
0x134: {  	s0 =	sadd.s32 @!p0 $0x100000, s0  }
0x135: {  	[sflag:s0] =	ssyncadd.tile.s32 @!p0 $0x1;
	_ =	shalt  }
.Lfunc_end2:
_tile_overlayer_lowered:
.L_overlay_start_2:
0x136: {  	(tag) =	ssettag $0x2  }
0x137: {  	s0 =	rddreg [dreg:$0x0];
	s2 =	stileid.u32  }
0x138: {  	s1 =	rddreg [dreg:$0x1];
	p0 =	sne.s32 s2, $0x0  }
0x139: {  	s3 =	rddreg [dreg:$0x2];
	[bflag:$0x3] =	sbarrier.arrive $0xFFFF;
	s2 =	simm.s32 @!p0 $0x1C09  }
0x13a: {  	[timem:s3], [sflag:s2] =	dma.local @!p0 [hbm:s0], s1  }
0x13b: {  	s0 =	simm.s32 @!p0 $0x9  }
0x13c: {  	_ =	swait.ge @!p0 [sflag:s0], s1  }
0x13d: {  	s1 =	ssub.s32 @!p0 $0x0, s1;
	[sflag:s0] =	ssyncset.done @!p0 $0x0  }
0x13e: {  	[sflag:s0] =	ssyncadd.s32 @!p0 s1  }
0x13f: {  	[bflag:$0x3] =	sbarrier.arrive $0xFFFF  }
0x140: {  	_ =	shalt  }

// kernel: kernel.7.cloned.1.call-start
scs
__scs_entry_jumppad:
0x0: {  	(pc) =	sbr.rel $0x88, $3  }
0x1: {  	(tag) =	ssettag $0x0;
	lr =	simm.s32 $0x1  }
0x2: {  	[smem:$0x3F90] =	sst lr;
	_ =	strace $0xD0000000  }
0x3: {  	_ = 	snop  }
0x4: {  	_ = 	snop  }
0x5: {  	_ = 	snop  }
0x6: {  	_ = 	snop  }
0x7: {  	_ = 	snop  }
__scs_overlays_trampoline_lowered:
0x8: {  	[smem:$0x3F9F] =	sst s0  }
0x9: {  	[smem:$0x3FA0] =	sst s1  }
0xa: {  	[smem:$0x3FA1] =	sst s2  }
0xb: {  	[smem:$0x3FA2] =	sst s3  }
0xc: {  	[smem:$0x3FA3] =	sst s4  }
0xd: {  	[smem:$0x3FA4] =	sst s5  }
0xe: {  	[smem:$0x3FA5] =	sst s6  }
0xf: {  	[smem:$0x3FA6] =	sst s7  }
0x10: {  	[smem:$0x3FA7] =	sst s8  }
0x11: {  	[smem:$0x3FA8] =	sst s9;
	s0 =	simm.s32 @!p0 $0x0  }
0x12: {  	s1 =	sld [smem:$0x3F8E];
	s0 =	simm.s32 @p0 $0x1  }
0x13: {  	[smem:$0x3FA9] =	sst s0;
	s0 =	simm.s32 @!p1 $0x0  }
0x14: {  	s2 =	sld [smem:$0x3F8D];
	s0 =	simm.s32 @p1 $0x1  }
0x15: {  	[smem:$0x3FAA] =	sst s0;
	s0 =	simm.s32 @!p2 $0x0  }
0x16: {  	s3 =	sld [smem:$0x3FDB];
	s0 =	simm.s32 @p2 $0x1  }
0x17: {  	s4 =	simm.s32 $0x1BF5;
	[smem:$0x3FAC] =	sst s0  }
0x18: {  	s0 =	sld [smem:$0x3F8F];
	_ =	swait.ge [sflag:s4], $0x0  }
0x19: {  	s7 =	sld [smem:$0x3F90]  }
0x1a: {  	s8 =	sadd.s32 $0xFFFFE003, lr  }
0x1b: {  	s9 =	sadd.s32 $0xFFFFFEF7, lr;
	s5 =	simm.s32 $0xFFFFFFFF;
	p2 =	slt.u32 s8, $0xFFFFF086  }
0x1c: {  	p1 =	slt.u32 s9, $0xF7A;
	s5 =	simm.s32 @!p2 $0x0  }
0x1d: {  	s5 =	simm.s32 @p1 $0x1;
	p0 =	seq.s32 s7, s2  }
0x1e: {  	s7 =	smul.u32 @!p0 $0xF7A, s2;
	p2 =	seq.s32 @!p0 s5, $0x0  }
0x1f: {  	s9 =	smul.u32 $0xF7A, s1;
	s8 =	simm.s32 @!p0 $0x1BF5;
	p2 =	por !p2, p0  }
0x20: {  	[sflag:s8] =	ssyncset.s32 @!p0 $0xFFFFF086;
	s6 =	sadd.s32 @!p0 s3, s7;
	s7 =	simm.s32 @!p0 $0x108  }
0x21: {  	s3 =	sadd.s32 s3, s9;
	s6 =	sadd.s32 @!p0 $0x88, s6;
	s7 =	simm.s32 @p2 $0x1082  }
0x22: {  	[simem:s7], [sflag:s8] =	dma.local @!p0 [hbm:s6], $0xF7A  }
0x23: {  	s9 =	sor.u32 $0xD0000000, s2;
	s6 =	simm.s32 $0x108;
	_ =	swait.ge @!p0 [sflag:s8], $0x0  }
0x24: {  	s3 =	sadd.s32 $0x88, s3;
	s6 =	simm.s32 @!p1 $0x1082;
	[sflag:s4] =	ssyncset.s32 $0xFFFFF086  }
0x25: {  	[simem:s6], [sflag:s4] =	dma.local [hbm:s3], $0xF7A  }
0x26: {  	[smem:$0x3F90] =	sst s1;
	(tag) =	ssettag s2;
	_ =	strace s9  }
0x27: {  	s1 =	sld [smem:$0x3FA0]  }
0x28: {  	s2 =	sld [smem:$0x3FA1]  }
0x29: {  	s4 =	sld [smem:$0x3FA3]  }
0x2a: {  	p0 =	seq.s32 s5, $0x0;
	s5 =	sld [smem:$0x3FA4]  }
0x2b: {  	s6 =	sld [smem:$0x3FA5]  }
0x2c: {  	s7 =	sld [smem:$0x3FA6]  }
0x2d: {  	s3 =	simm.s32 $0x108;
	s8 =	sld [smem:$0x3FA7]  }
0x2e: {  	s3 =	simm.s32 @!p0 $0x1082;
	s9 =	sld [smem:$0x3FA8]  }
0x2f: {  	lr =	sadd.s32 s0, s3;
	s0 =	sld [smem:$0x3F9F]  }
0x30: {  	s3 =	sld [smem:$0x3FA2]  }
0x31: {  	[smem:$0x3FAB] =	sst s10  }
0x32: {  	s10 =	sld [smem:$0x3FA9];
	_ =	sdelay $0x3  }
0x33: {  	p0 =	seq.s32 s10, $0x1;
	s10 =	sld [smem:$0x3FAB];
	_ =	sdelay $0x3  }
0x34: {  	[smem:$0x3FAB] =	sst s10  }
0x35: {  	s10 =	sld [smem:$0x3FAA];
	_ =	sdelay $0x3  }
0x36: {  	p1 =	seq.s32 s10, $0x1;
	s10 =	sld [smem:$0x3FAB];
	_ =	sdelay $0x3  }
0x37: {  	[smem:$0x3FAB] =	sst s10  }
0x38: {  	s10 =	sld [smem:$0x3FAC]  }
0x39: {  	_ = 	snop;
	(pc) =	sbr.ind lr, $3  }
0x3a: {  	_ = 	snop  }
0x3b: {  	_ = 	snop  }
0x3c: {  	p2 =	seq.s32 s10, $0x1;
	s10 =	sld [smem:$0x3FAB]  }
0x3d: {  	_ =	shalt  }
0x3e: {  	_ =	shalt  }
0x3f: {  	_ =	shalt  }
0x40: {  	_ =	shalt  }
0x41: {  	_ =	shalt  }
0x42: {  	_ =	shalt  }
0x43: {  	_ =	shalt  }
0x44: {  	_ =	shalt  }
0x45: {  	_ =	shalt  }
0x46: {  	_ =	shalt  }
0x47: {  	_ =	shalt  }
0x48: {  	_ =	shalt  }
0x49: {  	_ =	shalt  }
0x4a: {  	_ =	shalt  }
0x4b: {  	_ =	shalt  }
0x4c: {  	_ =	shalt  }
0x4d: {  	_ =	shalt  }
0x4e: {  	_ =	shalt  }
0x4f: {  	_ =	shalt  }
0x50: {  	_ =	shalt  }
0x51: {  	_ =	shalt  }
0x52: {  	_ =	shalt  }
0x53: {  	_ =	shalt  }
0x54: {  	_ =	shalt  }
0x55: {  	_ =	shalt  }
0x56: {  	_ =	shalt  }
0x57: {  	_ =	shalt  }
0x58: {  	_ =	shalt  }
0x59: {  	_ =	shalt  }
0x5a: {  	_ =	shalt  }
0x5b: {  	_ =	shalt  }
0x5c: {  	_ =	shalt  }
0x5d: {  	_ =	shalt  }
0x5e: {  	_ =	shalt  }
0x5f: {  	_ =	shalt  }
0x60: {  	_ =	shalt  }
0x61: {  	_ =	shalt  }
0x62: {  	_ =	shalt  }
0x63: {  	_ =	shalt  }
0x64: {  	_ =	shalt  }
0x65: {  	_ =	shalt  }
0x66: {  	_ =	shalt  }
0x67: {  	_ =	shalt  }
0x68: {  	_ =	shalt  }
0x69: {  	_ =	shalt  }
0x6a: {  	_ =	shalt  }
0x6b: {  	_ =	shalt  }
0x6c: {  	_ =	shalt  }
0x6d: {  	_ =	shalt  }
0x6e: {  	_ =	shalt  }
0x6f: {  	_ =	shalt  }
0x70: {  	_ =	shalt  }
0x71: {  	_ =	shalt  }
0x72: {  	_ =	shalt  }
0x73: {  	_ =	shalt  }
0x74: {  	_ =	shalt  }
0x75: {  	_ =	shalt  }
0x76: {  	_ =	shalt  }
0x77: {  	_ =	shalt  }
0x78: {  	_ =	shalt  }
0x79: {  	_ =	shalt  }
0x7a: {  	_ =	shalt  }
0x7b: {  	_ =	shalt  }
0x7c: {  	_ =	shalt  }
0x7d: {  	_ =	shalt  }
0x7e: {  	_ =	shalt  }
0x7f: {  	_ =	shalt  }
0x80: {  	_ =	shalt  }
0x81: {  	_ =	shalt  }
0x82: {  	_ =	shalt  }
0x83: {  	_ =	shalt  }
0x84: {  	_ =	shalt  }
0x85: {  	_ =	shalt  }
0x86: {  	_ =	shalt  }
0x87: {  	_ =	shalt  }
.Lfunc_end0:
.L_simem_size_0:
called_computation_lowered:
.L_overlay_start_0:
0x88: {  	s2 =	sld [smem:$0x3FD9]  }
0x89: {  	s3 =	sld [smem:$0x3FFE];
	_ =	sdelay $0x1  }
0x8a: {  	s1 =	srdreg.scid  }
0x8b: {  	s0 =	sand.u32 $0x1, s1  }
0x8c: {  	s17 =	sshll.u32 s0, $0xA;
	s2 =	sadd.s32 s3, s2  }
0x8d: {  	s2 =	sadd.s32 s2, s17  }
0x8e: {  	[smem:$0x3FB7] =	sst s2  }
0x8f: {  	_ = 	snop  }
0x90: {  	s2 =	sld [smem:$0x3FC9];
	(tm) =	ssettm $0x1  }
0x91: {  	s18 =	sld [smem:$0x3FFB];
	_ =	sdelay $0x3  }
0x92: {  	_ =	strace s18  }
0x93: {  	s3 =	sld [smem:$0x3FFC];
	_ =	sdelay $0x3  }
0x94: {  	_ =	strace s3  }
0x95: {  	s3 =	sld [smem:$0x3FFD];
	_ =	sdelay $0x3  }
0x96: {  	_ =	strace s3  }
0x97: {  	_ =	strace $0x8FFFFFFF  }
0x98: {  	s19 =	sld [smem:$0x3FDB];
	_ =	sdelay $0x1  }
0x99: {  	s4 =	simm.s32 $_scs_section_size  }
0x9a: {  	s5 =	simm.s32 $_size__tile_overlayer_lowered;
	s6 =	simm.s32 $_tile_overlayer_lowered  }
0x9b: {  	s22 =	simm.s32 $0x1BFF;
	s21 =	sshll.u32 s6, $0x1;
	s3 =	sadd.s32 s4, s19  }
0x9c: {  	s7 =	simm.s32 $0x0;
	s20 =	sshll.u32 s5, $0x1;
	s5 =	sadd.s32 s21, s3  }
0x9d: {  	[timem:s7], [sflag:s22] =	dma.local [hbm:s5], s20  }
0x9e: {  	_ =	swait.ge [sflag:s22], s20  }
0x9f: {  	s4 =	ssub.s32 $0x0, s20;
	[sflag:s22] =	ssyncset.done $0x0  }
0xa0: {  	[sflag:s22] =	ssyncadd.s32 s4;
	_ =	sdelay $0x1  }
0xa1: {  	s23 =	simm.s32 $0x1B8B  }
0xa2: {  	_ =	swait.ge [sflag:s23], $0x1  }
0xa3: {  	[sflag:s23] =	ssyncset.done $0x0  }
0xa4: {  	s25 =	simm.s32 $0x1B8E;
	s24 =	sld [smem:$0x3FFE];
	[sflag:s23] =	ssyncadd.s32 $0xFFFFFFFF  }
0xa5: {  	s26 =	simm.s32 $execute0_lowered;
	[smem:$0x3FD2] =	sst s25  }
0xa6: {  	s5 =	sshll.u32 s26, $0x1;
	_ =	strace $0x80000046;
	[dreg:$0x1] =	wrdreg $0xFFFFFFFF  }
0xa7: {  	s28 =	simm.s32 $_size_execute0_lowered;
	s3 =	sadd.s32 s3, s5;
	[dreg:$0x0] =	wrdreg $0x0  }
0xa8: {  	s5 =	sshll.u32 s28, $0x1;
	[dreg:$0x2] =	wrdreg s3  }
0xa9: {  	[dreg:$0x3] =	wrdreg s5  }
0xaa: {  	[dreg:$0x4] =	wrdreg $0xC0  }
0xab: {  	_ =	task [dreg:s7], $0x5FFFF  }
0xac: {  	[dreg:$0x1] =	wrdreg $0xFFFFFFFF  }
0xad: {  	[dreg:$0x0] =	wrdreg $0x60  }
0xae: {  	[dreg:$0x2] =	wrdreg s2  }
0xaf: {  	[dreg:$0x3] =	wrdreg s24  }
0xb0: {  	[dreg:$0x4] =	wrdreg $0xA4000  }
0xb1: {  	[dreg:$0x5] =	wrdreg $0x9  }
0xb2: {  	_ =	task.clear_ibuf [dreg:s7], $0x6FFFF;
	_ =	strace $0x90000046  }
0xb3: {  	s29 =	simm.s32 $0x9;
	_ =	strace $0x80000048  }
0xb4: {  	_ =	swait.ge [sflag:s29], $0x1  }
0xb5: {  	[sflag:s29] =	ssyncadd.s32 $0xFFFFFFFF  }
0xb6: {  	_ =	strace $0x90000048  }
0xb7: {  	_ =	sfence  }
0xb8: {  	s30 =	sld [smem:$0x0];
	_ =	sdelay $0x2  }
0xb9: {  	s31 =	sshll.u32 s1, $0xD;
	s1 =	sshrl.u32 s1, $0x2  }
0xba: {  	s3 =	sand.u32 $0x4000, s31;
	s1 =	sadd.s32 s1, s30  }
0xbb: {  	s0 =	sor.u32 s3, s0;
	s1 =	sshll.u32 s1, $0x11  }
0xbc: {  	s0 =	sor.u32 s1, s0  }
0xbd: {  	s0 =	sadd.s32 $0x8F2B, s0  }
0xbe: {  	[sflag:s0] =	ssyncadd.remote.s32 $0x1  }
0xbf: {  	_ =	sfence.sel $0xFFFF  }
0xc0: {  	[dreg:$0x0] =	wrdreg $0xFFFFFFFF;
	(pc) =	sbr.abs _section_cstart, $3  }
0xc1: {  	[dreg:$0x1] =	wrdreg $0xFFFFFFFF  }
0xc2: {  	_ =	task.clear_ibuf [dreg:s7], $0x2FFFF;
	_ =	strace $0x9FFFFFFF  }
0xc3: {  	(tm) =	ssettm $0x7FFFFFFF  }
tec
execute0_lowered:
.L_overlay_start_1:
0x0: {  	(tag) =	ssettag $0x1  }
0x1: {  	s1 =	rddreg [dreg:$0x0]  }
0x2: {  	s3 =	rddreg [dreg:$0x1]  }
0x3: {  	s2 =	rddreg [dreg:$0x2];
	s4 =	simm.s32 $0x0;
	s0 =	srdreg.scid  }
0x4: {  	s20 =	stileid.u32;
	s28 =	simm.s32 $0xA300;
	s29 =	simm.s32 $0x1  }
0x5: {  	s30 =	simm.s32 $0x3;
	s31 =	simm.s32 $0x7;
	[smem:$0x7FF] =	sst s4  }
0x6: {  	s6 =	sand.u32 $0x1, s0;
	s5 =	sadd.s32 $0x4F8200, s3;
	s7 =	smul.u32 $0x280, s20  }
0x7: {  	s8 =	sadd.s32 $0x2600, s3;
	s10 =	smul.u32 $0x50000, s20;
	_ =	strace $0x80000047  }
0x8: {  	s0 =	ssub.s32 $0x2, s6;
	s11 =	smul.u32 $0x2800, s6;
	s6 =	sshll.u32 s6, $0x4  }
0x9: {  	s9 =	sshrl.u32 s0, $0x1;
	s12 =	sadd.s32 $0xA0, s7;
	s13 =	sadd.s32 $0xF0, s7  }
0xa: {  	s16 =	sadd.s32 $0x140, s7;
	s17 =	sadd.s32 $0x190, s7;
	s18 =	sadd.s32 $0x1E0, s7  }
0xb: {  	s6 =	sor.u32 s20, s6;
	s0 =	ssub.s32 s0, s9;
	s9 =	sor.u32 $0x50, s7  }
0xc: {  	s14 =	sadd.s32 s7, s11;
	s7 =	sadd.s32 $0x230, s7;
	s25 =	sadd.s32 s11, s12  }
0xd: {  	s26 =	sadd.s32 s11, s13;
	s19 =	sadd.s32 s11, s16;
	s23 =	sadd.s32 s11, s17  }
0xe: {  	s15 =	sadd.s32 s11, s9;
	s14 =	sshll.u32 s14, $0x4;
	s19 =	sshll.u32 s19, $0x4  }
0xf: {  	s0 =	smax.u32 s0, $0x1;
	s15 =	sshll.u32 s15, $0x4;
	s14 =	sadd.s32 s8, s14  }
0x10: {  	s22 =	sadd.s32 s8, s19;
	s19 =	smul.u32 $0x4E2, s6;
	[dreg:$0x19] =	wrdreg s0  }
0x11: {  	s0 =	simm.s32 $0x9;
	[dreg:$0x4] =	wrdreg s14;
	s24 =	sadd.s32 s8, s15  }
0x12: {  	s14 =	sshll.u32 s25, $0x4;
	s15 =	sshll.u32 s26, $0x4;
	[dreg:$0x8] =	wrdreg s22  }
0x13: {  	s26 =	sshrl.u32 s10, $0x2;
	[dreg:$0x5] =	wrdreg s24;
	s14 =	sadd.s32 s8, s14  }
0x14: {  	s21 =	sadd.s32 s8, s15;
	s24 =	sadd.s32 s11, s18;
	[dreg:$0x6] =	wrdreg s14  }
0x15: {  	s11 =	sadd.s32 s11, s7;
	[dreg:$0x7] =	wrdreg s21;
	s14 =	sshll.u32 s23, $0x4  }
0x16: {  	s15 =	sshll.u32 s24, $0x4;
	s11 =	sshll.u32 s11, $0x4;
	s23 =	sadd.s32 s26, s2  }
0x17: {  	s24 =	smul.u32 $0x7D, s6;
	s14 =	sadd.s32 s8, s14;
	s25 =	sadd.s32 s8, s15  }
0x18: {  	s8 =	sadd.s32 s8, s11;
	s11 =	sshll.u32 s13, $0x7;
	[dreg:$0xc] =	wrdreg s23  }
0x19: {  	s13 =	sshll.u32 s17, $0x7;
	s17 =	smul.u32 $0x2710, s6;
	[dreg:$0x9] =	wrdreg s14  }
0x1a: {  	s15 =	sadd.s32 $0x4E4600, s3;
	s6 =	smul.u32 $0x27100, s6;
	[dreg:$0xa] =	wrdreg s25  }
0x1b: {  	[dreg:$0xb] =	wrdreg s8;
	s14 =	sadd.s32 $0x4EE400, s3;
	s8 =	sshll.u32 s9, $0x7  }
0x1c: {  	s9 =	sshll.u32 s12, $0x7;
	s3 =	sadd.s32 s11, s2;
	s12 =	sshll.u32 s16, $0x7  }
0x1d: {  	s16 =	sshll.u32 s18, $0x7;
	s18 =	sshll.u32 s7, $0x7;
	s7 =	sadd.s32 s15, s19  }
0x1e: {  	s11 =	simm.s32 $0x5000;
	s25 =	sadd.s32 s8, s2;
	[dreg:$0xf] =	wrdreg s3  }
0x1f: {  	s10 =	sadd.s32 s9, s2;
	s3 =	sadd.s32 s12, s2;
	[dreg:$0x15] =	wrdreg s7  }
0x20: {  	s20 =	sshrl.u32 s17, $0x3;
	s21 =	sadd.s32 s14, s19;
	[dreg:$0xe] =	wrdreg s10  }
0x21: {  	s26 =	sadd.s32 s5, s6;
	s6 =	simm.s32 $0xA200;
	[dreg:$0x10] =	wrdreg s3  }
0x22: {  	s9 =	simm.s32 $0x5;
	s12 =	simm.s32 $0x6;
	[dreg:$0x14] =	wrdreg s21  }
0x23: {  	s17 =	simm.s32 $0xA380;
	s19 =	simm.s32 $0x4;
	[dreg:$0x18] =	wrdreg s26  }
0x24: {  	s8 =	simm.s32 $0x0;
	s3 =	sadd.s32 s13, s2;
	[dreg:$0xd] =	wrdreg s25  }
0x25: {  	s10 =	simm.s32 $0x50;
	[dreg:$0x11] =	wrdreg s3;
	s3 =	sadd.s32 s16, s2  }
0x26: {  	s13 =	simm.s32 $0x2800;
	[dreg:$0x12] =	wrdreg s3;
	s3 =	sadd.s32 s18, s2  }
0x27: {  	s26 =	simm.s32 $0xA100;
	[dreg:$0x13] =	wrdreg s3;
	s3 =	sadd.s32 $0xA, s20  }
0x28: {  	s16 =	simm.s32 $0xA180;
	s18 =	simm.s32 $0x2;
	s22 =	sadd.s32 s14, s3  }
0x29: {  	s20 =	simm.s32 $0x8;
	s3 =	sadd.s32 s15, s3;
	[dreg:$0x16] =	wrdreg s22  }
0x2a: {  	v0 =	vimm.f32 $0.0e+00;
	[dreg:$0x17] =	wrdreg s3;
	s3 =	simm.s32 $0xA000;
	s22 =	simm.s32 $0x0  }
.LBB2_1:
0x2b: {  	[dreg:$0x1a] =	wrdreg s8;
	s7 =	simm.s32 $0x0;
	s8 =	simm.s32 $0x200  }
.LBB2_2:
0x2c: {  	p0 =	sne.s32 s8, $0x9E00;
	[tilespmem:s7+$0x70] =	vst v0  }
0x2d: {  	[tilespmem:s7+$0x0] =	vst v0  }
0x2e: {  	[tilespmem:s7+$0x10] =	vst v0  }
.Ltmp0:
0x2f: {  	[tilespmem:s7+$0x20] =	vst v0;
	(pc) =	sbr.rel @p0 .LBB2_2-.Ltmp0, $4  }
0x30: {  	[tilespmem:s7+$0x30] =	vst v0  }
0x31: {  	[tilespmem:s7+$0x40] =	vst v0  }
0x32: {  	[tilespmem:s7+$0x50] =	vst v0  }
0x33: {  	[tilespmem:s7+$0x60] =	vst v0;
	s7 =	sshra.s32 s8, $0x2;
	s8 =	sadd.s32 $0x200, s8  }
0x34: {  	[tilespmem:s7+$0x70] =	vst v0  }
0x35: {  	[tilespmem:s7+$0x0] =	vst v0  }
0x36: {  	[tilespmem:s7+$0x10] =	vst v0  }
0x37: {  	[tilespmem:s7+$0x20] =	vst v0  }
0x38: {  	[tilespmem:s7+$0x30] =	vst v0  }
0x39: {  	[tilespmem:s7+$0x40] =	vst v0  }
0x3a: {  	[tilespmem:s7+$0x50] =	vst v0  }
0x3b: {  	[tilespmem:s7+$0x60] =	vst v0  }
0x3c: {  	[spmem:s23] =	stream.linear.scatter [tilespmem:s22], [sflag:$0x9], $0x2800, $0x38;
	[tilespmem:$0x1E400] =	vst v63  }
0x3d: {  	_ =	swait.ge [sflag:s0], $0x2800  }
0x3e: {  	[sflag:s0] =	ssyncset.done $0x0  }
0x3f: {  	[sflag:s0] =	ssyncadd.s32 $0xFFFFD800  }
0x40: {  	[spmem:s25] =	stream.linear.scatter [tilespmem:s22], [sflag:$0x9], $0x2800, $0x38;
	[tilespmem:$0x1E400] =	vst v63  }
0x41: {  	_ =	swait.ge [sflag:s0], $0x2800  }
0x42: {  	[sflag:s0] =	ssyncset.done $0x0  }
0x43: {  	s25 =	rddreg [dreg:$0xe];
	[sflag:s0] =	ssyncadd.s32 $0xFFFFD800  }
0x44: {  	[spmem:s25] =	stream.linear.scatter [tilespmem:s22], [sflag:$0x9], $0x2800, $0x38;
	[tilespmem:$0x1E400] =	vst v63  }
0x45: {  	_ =	swait.ge [sflag:s0], $0x2800  }
0x46: {  	[sflag:s0] =	ssyncset.done $0x0  }
0x47: {  	s8 =	rddreg [dreg:$0xf];
	[sflag:s0] =	ssyncadd.s32 $0xFFFFD800  }
0x48: {  	[spmem:s8] =	stream.linear.scatter [tilespmem:s22], [sflag:$0x9], $0x2800, $0x38;
	[tilespmem:$0x1E400] =	vst v63  }
0x49: {  	_ =	swait.ge [sflag:s0], $0x2800  }
0x4a: {  	[sflag:s0] =	ssyncset.done $0x0  }
0x4b: {  	s21 =	rddreg [dreg:$0x10];
	[sflag:s0] =	ssyncadd.s32 $0xFFFFD800  }
0x4c: {  	[spmem:s21] =	stream.linear.scatter [tilespmem:s22], [sflag:$0x9], $0x2800, $0x38;
	[tilespmem:$0x1E400] =	vst v63  }
0x4d: {  	_ =	swait.ge [sflag:s0], $0x2800  }
0x4e: {  	[sflag:s0] =	ssyncset.done $0x0  }
0x4f: {  	s23 =	rddreg [dreg:$0x11];
	[sflag:s0] =	ssyncadd.s32 $0xFFFFD800  }
0x50: {  	[spmem:s23] =	stream.linear.scatter [tilespmem:s22], [sflag:$0x9], $0x2800, $0x38;
	[tilespmem:$0x1E400] =	vst v63  }
0x51: {  	_ =	swait.ge [sflag:s0], $0x2800  }
0x52: {  	[sflag:s0] =	ssyncset.done $0x0  }
0x53: {  	s25 =	rddreg [dreg:$0x12];
	[sflag:s0] =	ssyncadd.s32 $0xFFFFD800  }
0x54: {  	[spmem:s25] =	stream.linear.scatter [tilespmem:s22], [sflag:$0x9], $0x2800, $0x38;
	[tilespmem:$0x1E400] =	vst v63  }
0x55: {  	_ =	swait.ge [sflag:s0], $0x2800  }
0x56: {  	[sflag:s0] =	ssyncset.done $0x0  }
0x57: {  	s8 =	rddreg [dreg:$0x13];
	[sflag:s0] =	ssyncadd.s32 $0xFFFFD800  }
0x58: {  	[spmem:s8] =	stream.linear.scatter [tilespmem:s22], [sflag:$0x9], $0x2800, $0x38;
	[tilespmem:$0x1E400] =	vst v63  }
0x59: {  	_ =	swait.ge [sflag:s0], $0x2800  }
0x5a: {  	[sflag:s0] =	ssyncset.done $0x0  }
0x5b: {  	[sflag:s0] =	ssyncadd.s32 $0xFFFFD800  }
0x5c: {  	[bflag:$0x0] =	sbarrier.arrive $0xFFFF  }
0x5d: {  	s21 =	rddreg [dreg:$0x14]  }
0x5e: {  	[tilespmem:s3], [sflag:$0x5] =	stream.linear.gather [hbm4b:s21+s22], $0x50, $0x38;
	[tilespmem:$0x1E400] =	vst v63  }
0x5f: {  	s23 =	rddreg [dreg:$0x15]  }
0x60: {  	[tilespmem:s6], [sflag:$0x5] =	stream.linear.gather [hbm4b:s23+s22], $0x50, $0x38;
	[tilespmem:$0x1E400] =	vst v63  }
0x61: {  	s8 =	simm.s32 $0xA080;
	s25 =	rddreg [dreg:$0x16]  }
0x62: {  	[tilespmem:s8], [sflag:$0x6] =	stream.linear.gather [hbm4b:s25+s22], $0x50, $0x38;
	[tilespmem:$0x1E400] =	vst v63  }
0x63: {  	s21 =	rddreg [dreg:$0x17];
	s23 =	simm.s32 $0xA280  }
0x64: {  	[tilespmem:s23], [sflag:$0x6] =	stream.linear.gather [hbm4b:s21+s22], $0x50, $0x38;
	[tilespmem:$0x1E400] =	vst v63  }
0x65: {  	_ =	swait.ge [sflag:s9], $0x50  }
0x66: {  	[sflag:s9] =	ssyncset.done $0x0  }
0x67: {  	[sflag:s9] =	ssyncadd.s32 $0xFFFFFFB0  }
0x68: {  	_ =	swait.ge [sflag:s9], $0x50  }
0x69: {  	[sflag:s9] =	ssyncset.done $0x0  }
0x6a: {  	[sflag:s9] =	ssyncadd.s32 $0xFFFFFFB0  }
0x6b: {  	[tilespmem:s22], [sflag:$0x1] =	stream.indirect.gather [hbm4b:s1+s10], $0x80, s3, s10, $0xb8;
	[tilespmem:$0x1E400] =	vst v63  }
0x6c: {  	s23 =	simm.s32 $0x0;
	s25 =	rddreg [dreg:$0x18]  }
0x6d: {  	[tilespmem:s11], [sflag:$0x3] =	stream.linear.gather [hbm4b:s25+s22], $0x2800, $0x38;
	[tilespmem:$0x1E400] =	vst v63  }
.LBB2_4:
0x6e: {  	_ =	swait.ge [sflag:s12], $0x50;
	s21 =	sshll.u32 s23, $0x2  }
0x6f: {  	[sflag:s12] =	ssyncset.done $0x0;
	s7 =	sadd.s32 s24, s21  }
0x70: {  	[sflag:s12] =	ssyncadd.s32 $0xFFFFFFB0;
	s8 =	smul.u32 $0x2800, s7  }
0x71: {  	s7 =	smul.u32 $0x50, s7;
	_ =	swait.ge [sflag:s12], $0x50  }
0x72: {  	s25 =	simm.s32 $0xA080;
	[sflag:s12] =	ssyncset.done $0x0;
	s8 =	sshrl.u32 s8, $0x3  }
0x73: {  	s7 =	sshrl.u32 s7, $0x3;
	[sflag:s12] =	ssyncadd.s32 $0xFFFFFFB0;
	s8 =	sadd.s32 s5, s8  }
0x74: {  	[tilespmem:s13], [sflag:$0x2] =	stream.indirect.gather [hbm4b:s1+s10], $0x80, s25, s10, $0xb8;
	[tilespmem:$0x1E400] =	vst v63  }
0x75: {  	s7 =	sadd.s32 $0x14, s7;
	s8 =	sadd.s32 $0x500, s8;
	s25 =	simm.s32 $0x7800  }
0x76: {  	[tilespmem:s25], [sflag:$0x4] =	stream.linear.gather [hbm4b:s8+s22], $0x2800, $0x38;
	[tilespmem:$0x1E400] =	vst v63  }
0x77: {  	s25 =	sadd.s32 s14, s7  }
0x78: {  	[tilespmem:s26], [sflag:$0x7] =	stream.linear.gather [hbm4b:s25+s22], $0x50, $0x38;
	[tilespmem:$0x1E400] =	vst v63  }
0x79: {  	s7 =	sadd.s32 s15, s7  }
0x7a: {  	[tilespmem:s28], [sflag:$0x7] =	stream.linear.gather [hbm4b:s7+s22], $0x50, $0x38;
	[tilespmem:$0x1E400] =	vst v63  }
0x7b: {  	_ =	swait.ge [sflag:s29], $0x2800  }
0x7c: {  	[sflag:s29] =	ssyncset.done $0x0  }
0x7d: {  	[sflag:s29] =	ssyncadd.s32 $0xFFFFD800  }
0x7e: {  	_ =	swait.ge [sflag:s30], $0x2800  }
0x7f: {  	[sflag:s30] =	ssyncset.done $0x0  }
0x80: {  	s7 =	simm.s32 $0x0;
	[sflag:s30] =	ssyncadd.s32 $0xFFFFD800  }
0x81: {  	v7 =	vld [tilespmem:s7+$0x5000]  }
0x82: {  	v12 =	vld [tilespmem:s7+$0x5010]  }
0x83: {  	v6 =	vld [tilespmem:s7+$0x5020]  }
0x84: {  	v5 =	vld [tilespmem:s7+$0x5030]  }
0x85: {  	v4 =	vld [tilespmem:s7+$0x5040]  }
0x86: {  	v3 =	vld [tilespmem:s7+$0x5050]  }
0x87: {  	v2 =	vld [tilespmem:s7+$0x5060]  }
0x88: {  	v1 =	vld [tilespmem:s7+$0x5070]  }
0x89: {  	v13 =	vld [tilespmem:s7+$0x0]  }
0x8a: {  	v14 =	vld [tilespmem:s7+$0x10]  }
0x8b: {  	v11 =	vld [tilespmem:s7+$0x20]  }
0x8c: {  	v10 =	vld [tilespmem:s7+$0x30]  }
0x8d: {  	v9 =	vld [tilespmem:s7+$0x40]  }
0x8e: {  	v8 =	vld [tilespmem:s7+$0x50];
	v13 =	vadd.f32 v7, v13  }
0x8f: {  	s8 =	simm.s32 $0x200;
	v12 =	vadd.f32 v12, v14;
	v7 =	vld [tilespmem:s7+$0x60]  }
.LBB2_5:
0x90: {  	s25 =	sshra.s32 s8, $0x2;
	p0 =	sne.s32 s8, $0x9E00;
	v13 =	vmax.f32 v13, $0.0e+00;
	v6 =	vadd.f32 v6, v11;
	v11 =	vld [tilespmem:s7+$0x70]  }
0x91: {  	v14 =	vld [tilespmem:s25+$0x5000];
	[tilespmem:s7+$0x0] =	vst v13;
	v12 =	vmax.f32 v12, $0.0e+00;
	v5 =	vadd.f32 v5, v10  }
0x92: {  	v15 =	vld [tilespmem:s25+$0x5010];
	[tilespmem:s7+$0x10] =	vst v12;
	v10 =	vmax.f32 v6, $0.0e+00;
	v4 =	vadd.f32 v4, v9  }
0x93: {  	v6 =	vld [tilespmem:s25+$0x5020];
	[tilespmem:s7+$0x20] =	vst v10;
	v9 =	vmax.f32 v5, $0.0e+00;
	v3 =	vadd.f32 v3, v8  }
0x94: {  	v5 =	vld [tilespmem:s25+$0x5030];
	[tilespmem:s7+$0x30] =	vst v9;
	v8 =	vmax.f32 v4, $0.0e+00;
	v2 =	vadd.f32 v2, v7  }
0x95: {  	v4 =	vld [tilespmem:s25+$0x5040];
	[tilespmem:s7+$0x40] =	vst v8;
	v7 =	vmax.f32 v3, $0.0e+00;
	v1 =	vadd.f32 v1, v11  }
0x96: {  	v3 =	vld [tilespmem:s25+$0x5050];
	[tilespmem:s7+$0x50] =	vst v7;
	v7 =	vmax.f32 v2, $0.0e+00  }
0x97: {  	v2 =	vld [tilespmem:s25+$0x5060];
	[tilespmem:s7+$0x60] =	vst v7;
	v7 =	vmax.f32 v1, $0.0e+00  }
0x98: {  	v1 =	vld [tilespmem:s25+$0x5070];
	[tilespmem:s7+$0x70] =	vst v7;
	s7 =	smov.u32 s25  }
0x99: {  	v7 =	vld [tilespmem:s7+$0x0]  }
0x9a: {  	v12 =	vld [tilespmem:s7+$0x10]  }
.Ltmp1:
0x9b: {  	v11 =	vld [tilespmem:s7+$0x20];
	(pc) =	sbr.rel @p0 .LBB2_5-.Ltmp1, $4  }
0x9c: {  	v10 =	vld [tilespmem:s7+$0x30]  }
0x9d: {  	v9 =	vld [tilespmem:s7+$0x40]  }
0x9e: {  	v13 =	vadd.f32 v14, v7;
	v8 =	vld [tilespmem:s7+$0x50]  }
0x9f: {  	s8 =	sadd.s32 $0x200, s8;
	v12 =	vadd.f32 v15, v12;
	v7 =	vld [tilespmem:s7+$0x60]  }
0xa0: {  	v13 =	vmax.f32 v13, $0.0e+00;
	v6 =	vadd.f32 v6, v11;
	v11 =	vld [tilespmem:s7+$0x70]  }
0xa1: {  	[tilespmem:s7+$0x0] =	vst v13;
	v12 =	vmax.f32 v12, $0.0e+00;
	v5 =	vadd.f32 v5, v10  }
0xa2: {  	[tilespmem:s7+$0x10] =	vst v12;
	v6 =	vmax.f32 v6, $0.0e+00;
	v4 =	vadd.f32 v4, v9  }
0xa3: {  	[tilespmem:s7+$0x20] =	vst v6;
	v5 =	vmax.f32 v5, $0.0e+00;
	v3 =	vadd.f32 v3, v8  }
0xa4: {  	[tilespmem:s7+$0x30] =	vst v5;
	v4 =	vmax.f32 v4, $0.0e+00;
	v2 =	vadd.f32 v2, v7  }
0xa5: {  	[tilespmem:s7+$0x40] =	vst v4;
	v3 =	vmax.f32 v3, $0.0e+00;
	v1 =	vadd.f32 v1, v11  }
0xa6: {  	[tilespmem:s7+$0x50] =	vst v3;
	v2 =	vmax.f32 v2, $0.0e+00  }
0xa7: {  	[tilespmem:s7+$0x60] =	vst v2;
	v1 =	vmax.f32 v1, $0.0e+00  }
0xa8: {  	[tilespmem:s7+$0x70] =	vst v1;
	s7 =	simm.s32 $0x0  }
0xa9: {  	[spmem:s2] =	stream.indirect.scatter.add.f32 [tilespmem:s7], [sflag:$0x9], $0x80, s6, s10, $0xb8;
	[tilespmem:$0x1E400] =	vst v63  }
0xaa: {  	_ =	swait.ge [sflag:s0], $0x2800  }
0xab: {  	[sflag:s0] =	ssyncset.done $0x0  }
0xac: {  	[sflag:s0] =	ssyncadd.s32 $0xFFFFD800  }
0xad: {  	s21 =	sadd.s32 s21, s24;
	_ =	swait.ge [sflag:s31], $0x50  }
0xae: {  	s8 =	sadd.s32 $0x1, s21;
	[sflag:s31] =	ssyncset.done $0x0  }
0xaf: {  	s25 =	smul.u32 $0x2800, s8;
	[sflag:s31] =	ssyncadd.s32 $0xFFFFFFB0  }
0xb0: {  	s8 =	smul.u32 $0x50, s8;
	_ =	swait.ge [sflag:s31], $0x50  }
0xb1: {  	s25 =	sshrl.u32 s25, $0x3;
	[sflag:s31] =	ssyncset.done $0x0  }
0xb2: {  	s8 =	sshrl.u32 s8, $0x3;
	s25 =	sadd.s32 s5, s25;
	[sflag:s31] =	ssyncadd.s32 $0xFFFFFFB0  }
0xb3: {  	[tilespmem:s7], [sflag:$0x1] =	stream.indirect.gather [hbm4b:s1+s10], $0x80, s26, s10, $0xb8;
	[tilespmem:$0x1E400] =	vst v63  }
0xb4: {  	s8 =	sadd.s32 $0x14, s8;
	s25 =	sadd.s32 $0x500, s25  }
0xb5: {  	[tilespmem:s11], [sflag:$0x3] =	stream.linear.gather [hbm4b:s25+s7], $0x2800, $0x38;
	[tilespmem:$0x1E400] =	vst v63  }
0xb6: {  	s26 =	sadd.s32 s14, s8  }
0xb7: {  	[tilespmem:s16], [sflag:$0x8] =	stream.linear.gather [hbm4b:s26+s7], $0x50, $0x38;
	[tilespmem:$0x1E400] =	vst v63  }
0xb8: {  	s8 =	sadd.s32 s15, s8  }
0xb9: {  	[tilespmem:s17], [sflag:$0x8] =	stream.linear.gather [hbm4b:s8+s7], $0x50, $0x38;
	[tilespmem:$0x1E400] =	vst v63  }
0xba: {  	_ =	swait.ge [sflag:s18], $0x2800  }
0xbb: {  	[sflag:s18] =	ssyncset.done $0x0  }
0xbc: {  	[sflag:s18] =	ssyncadd.s32 $0xFFFFD800  }
0xbd: {  	_ =	swait.ge [sflag:s19], $0x2800  }
0xbe: {  	[sflag:s19] =	ssyncset.done $0x0  }
0xbf: {  	s7 =	simm.s32 $0x0;
	[sflag:s19] =	ssyncadd.s32 $0xFFFFD800  }
0xc0: {  	v7 =	vld [tilespmem:s7+$0x7800]  }
0xc1: {  	v12 =	vld [tilespmem:s7+$0x7810]  }
0xc2: {  	v6 =	vld [tilespmem:s7+$0x7820]  }
0xc3: {  	v5 =	vld [tilespmem:s7+$0x7830]  }
0xc4: {  	v4 =	vld [tilespmem:s7+$0x7840]  }
0xc5: {  	v3 =	vld [tilespmem:s7+$0x7850]  }
0xc6: {  	v2 =	vld [tilespmem:s7+$0x7860]  }
0xc7: {  	v1 =	vld [tilespmem:s7+$0x7870]  }
0xc8: {  	v13 =	vld [tilespmem:s7+$0x2800]  }
0xc9: {  	v14 =	vld [tilespmem:s7+$0x2810]  }
0xca: {  	v11 =	vld [tilespmem:s7+$0x2820]  }
0xcb: {  	v10 =	vld [tilespmem:s7+$0x2830]  }
0xcc: {  	v9 =	vld [tilespmem:s7+$0x2840]  }
0xcd: {  	v8 =	vld [tilespmem:s7+$0x2850];
	v13 =	vadd.f32 v7, v13  }
0xce: {  	s8 =	simm.s32 $0x200;
	v12 =	vadd.f32 v12, v14;
	v7 =	vld [tilespmem:s7+$0x2860]  }
.LBB2_7:
0xcf: {  	s25 =	sshra.s32 s8, $0x2;
	p0 =	sne.s32 s8, $0x9E00;
	v13 =	vmax.f32 v13, $0.0e+00;
	v6 =	vadd.f32 v6, v11;
	v11 =	vld [tilespmem:s7+$0x2870]  }
0xd0: {  	v14 =	vld [tilespmem:s25+$0x7800];
	[tilespmem:s7+$0x2800] =	vst v13;
	v12 =	vmax.f32 v12, $0.0e+00;
	v5 =	vadd.f32 v5, v10  }
0xd1: {  	v15 =	vld [tilespmem:s25+$0x7810];
	[tilespmem:s7+$0x2810] =	vst v12;
	v10 =	vmax.f32 v6, $0.0e+00;
	v4 =	vadd.f32 v4, v9  }
0xd2: {  	v6 =	vld [tilespmem:s25+$0x7820];
	[tilespmem:s7+$0x2820] =	vst v10;
	v9 =	vmax.f32 v5, $0.0e+00;
	v3 =	vadd.f32 v3, v8  }
0xd3: {  	v5 =	vld [tilespmem:s25+$0x7830];
	[tilespmem:s7+$0x2830] =	vst v9;
	v8 =	vmax.f32 v4, $0.0e+00;
	v2 =	vadd.f32 v2, v7  }
0xd4: {  	v4 =	vld [tilespmem:s25+$0x7840];
	[tilespmem:s7+$0x2840] =	vst v8;
	v7 =	vmax.f32 v3, $0.0e+00;
	v1 =	vadd.f32 v1, v11  }
0xd5: {  	v3 =	vld [tilespmem:s25+$0x7850];
	[tilespmem:s7+$0x2850] =	vst v7;
	v7 =	vmax.f32 v2, $0.0e+00  }
0xd6: {  	v2 =	vld [tilespmem:s25+$0x7860];
	[tilespmem:s7+$0x2860] =	vst v7;
	v7 =	vmax.f32 v1, $0.0e+00  }
0xd7: {  	v1 =	vld [tilespmem:s25+$0x7870];
	[tilespmem:s7+$0x2870] =	vst v7;
	s7 =	smov.u32 s25  }
0xd8: {  	v7 =	vld [tilespmem:s7+$0x2800]  }
0xd9: {  	v12 =	vld [tilespmem:s7+$0x2810]  }
.Ltmp2:
0xda: {  	v11 =	vld [tilespmem:s7+$0x2820];
	(pc) =	sbr.rel @p0 .LBB2_7-.Ltmp2, $4  }
0xdb: {  	v10 =	vld [tilespmem:s7+$0x2830]  }
0xdc: {  	v9 =	vld [tilespmem:s7+$0x2840]  }
0xdd: {  	v13 =	vadd.f32 v14, v7;
	v8 =	vld [tilespmem:s7+$0x2850]  }
0xde: {  	s8 =	sadd.s32 $0x200, s8;
	v12 =	vadd.f32 v15, v12;
	v7 =	vld [tilespmem:s7+$0x2860]  }
0xdf: {  	v13 =	vmax.f32 v13, $0.0e+00;
	v6 =	vadd.f32 v6, v11;
	v11 =	vld [tilespmem:s7+$0x2870]  }
0xe0: {  	[tilespmem:s7+$0x2800] =	vst v13;
	v12 =	vmax.f32 v12, $0.0e+00;
	v5 =	vadd.f32 v5, v10  }
0xe1: {  	[tilespmem:s7+$0x2810] =	vst v12;
	v6 =	vmax.f32 v6, $0.0e+00;
	v4 =	vadd.f32 v4, v9  }
0xe2: {  	[tilespmem:s7+$0x2820] =	vst v6;
	v5 =	vmax.f32 v5, $0.0e+00;
	v3 =	vadd.f32 v3, v8  }
0xe3: {  	[tilespmem:s7+$0x2830] =	vst v5;
	v4 =	vmax.f32 v4, $0.0e+00;
	v2 =	vadd.f32 v2, v7  }
0xe4: {  	[tilespmem:s7+$0x2840] =	vst v4;
	v3 =	vmax.f32 v3, $0.0e+00;
	v1 =	vadd.f32 v1, v11  }
0xe5: {  	[tilespmem:s7+$0x2850] =	vst v3;
	v2 =	vmax.f32 v2, $0.0e+00  }
0xe6: {  	[tilespmem:s7+$0x2860] =	vst v2;
	v1 =	vmax.f32 v1, $0.0e+00  }
0xe7: {  	s25 =	simm.s32 $0xA280;
	[tilespmem:s7+$0x2870] =	vst v1  }
0xe8: {  	[spmem:s2] =	stream.indirect.scatter.add.f32 [tilespmem:s13], [sflag:$0x9], $0x80, s25, s10, $0xb8;
	[tilespmem:$0x1E400] =	vst v63  }
0xe9: {  	_ =	swait.ge [sflag:s0], $0x2800  }
0xea: {  	[sflag:s0] =	ssyncset.done $0x0  }
0xeb: {  	[sflag:s0] =	ssyncadd.s32 $0xFFFFD800  }
0xec: {  	s26 =	sadd.s32 $0x2, s21;
	_ =	swait.ge [sflag:s20], $0x50  }
0xed: {  	s8 =	smul.u32 $0x2800, s26;
	[sflag:s20] =	ssyncset.done $0x0  }
0xee: {  	[sflag:s20] =	ssyncadd.s32 $0xFFFFFFB0  }
0xef: {  	s8 =	sshrl.u32 s8, $0x3;
	s7 =	smul.u32 $0x50, s26;
	_ =	swait.ge [sflag:s20], $0x50  }
0xf0: {  	s8 =	sadd.s32 s5, s8;
	[sflag:s20] =	ssyncset.done $0x0  }
0xf1: {  	s8 =	sadd.s32 $0x500, s8;
	s7 =	sshrl.u32 s7, $0x3;
	[sflag:s20] =	ssyncadd.s32 $0xFFFFFFB0  }
0xf2: {  	[tilespmem:s13], [sflag:$0x2] =	stream.indirect.gather [hbm4b:s1+s10], $0x80, s16, s10, $0xb8;
	[tilespmem:$0x1E400] =	vst v63  }
0xf3: {  	s26 =	simm.s32 $0x7800;
	s25 =	simm.s32 $0x0;
	s7 =	sadd.s32 $0x14, s7  }
0xf4: {  	[tilespmem:s26], [sflag:$0x4] =	stream.linear.gather [hbm4b:s8+s25], $0x2800, $0x38;
	[tilespmem:$0x1E400] =	vst v63  }
0xf5: {  	s26 =	sadd.s32 s14, s7  }
0xf6: {  	[tilespmem:s3], [sflag:$0x5] =	stream.linear.gather [hbm4b:s26+s25], $0x50, $0x38;
	[tilespmem:$0x1E400] =	vst v63  }
0xf7: {  	s7 =	sadd.s32 s15, s7  }
0xf8: {  	[tilespmem:s6], [sflag:$0x5] =	stream.linear.gather [hbm4b:s7+s25], $0x50, $0x38;
	[tilespmem:$0x1E400] =	vst v63  }
0xf9: {  	_ =	swait.ge [sflag:s29], $0x2800  }
0xfa: {  	[sflag:s29] =	ssyncset.done $0x0  }
0xfb: {  	[sflag:s29] =	ssyncadd.s32 $0xFFFFD800  }
0xfc: {  	_ =	swait.ge [sflag:s30], $0x2800  }
0xfd: {  	[sflag:s30] =	ssyncset.done $0x0  }
0xfe: {  	s7 =	simm.s32 $0x0;
	[sflag:s30] =	ssyncadd.s32 $0xFFFFD800  }
0xff: {  	v7 =	vld [tilespmem:s7+$0x5000]  }
0x100: {  	v12 =	vld [tilespmem:s7+$0x5010]  }
0x101: {  	v6 =	vld [tilespmem:s7+$0x5020]  }
0x102: {  	v5 =	vld [tilespmem:s7+$0x5030]  }
0x103: {  	v4 =	vld [tilespmem:s7+$0x5040]  }
0x104: {  	v3 =	vld [tilespmem:s7+$0x5050]  }
0x105: {  	v2 =	vld [tilespmem:s7+$0x5060]  }
0x106: {  	v1 =	vld [tilespmem:s7+$0x5070]  }
0x107: {  	v13 =	vld [tilespmem:s7+$0x0]  }
0x108: {  	v14 =	vld [tilespmem:s7+$0x10]  }
0x109: {  	v11 =	vld [tilespmem:s7+$0x20]  }
0x10a: {  	v10 =	vld [tilespmem:s7+$0x30]  }
0x10b: {  	v9 =	vld [tilespmem:s7+$0x40]  }
0x10c: {  	v8 =	vld [tilespmem:s7+$0x50];
	v13 =	vadd.f32 v7, v13  }
0x10d: {  	s8 =	simm.s32 $0x200;
	v12 =	vadd.f32 v12, v14;
	v7 =	vld [tilespmem:s7+$0x60]  }
.LBB2_9:
0x10e: {  	s25 =	sshra.s32 s8, $0x2;
	p0 =	sne.s32 s8, $0x9E00;
	v13 =	vmax.f32 v13, $0.0e+00;
	v6 =	vadd.f32 v6, v11;
	v11 =	vld [tilespmem:s7+$0x70]  }
0x10f: {  	v14 =	vld [tilespmem:s25+$0x5000];
	[tilespmem:s7+$0x0] =	vst v13;
	v12 =	vmax.f32 v12, $0.0e+00;
	v5 =	vadd.f32 v5, v10  }
0x110: {  	v15 =	vld [tilespmem:s25+$0x5010];
	[tilespmem:s7+$0x10] =	vst v12;
	v10 =	vmax.f32 v6, $0.0e+00;
	v4 =	vadd.f32 v4, v9  }
0x111: {  	v6 =	vld [tilespmem:s25+$0x5020];
	[tilespmem:s7+$0x20] =	vst v10;
	v9 =	vmax.f32 v5, $0.0e+00;
	v3 =	vadd.f32 v3, v8  }
0x112: {  	v5 =	vld [tilespmem:s25+$0x5030];
	[tilespmem:s7+$0x30] =	vst v9;
	v8 =	vmax.f32 v4, $0.0e+00;
	v2 =	vadd.f32 v2, v7  }
0x113: {  	v4 =	vld [tilespmem:s25+$0x5040];
	[tilespmem:s7+$0x40] =	vst v8;
	v7 =	vmax.f32 v3, $0.0e+00;
	v1 =	vadd.f32 v1, v11  }
0x114: {  	v3 =	vld [tilespmem:s25+$0x5050];
	[tilespmem:s7+$0x50] =	vst v7;
	v7 =	vmax.f32 v2, $0.0e+00  }
0x115: {  	v2 =	vld [tilespmem:s25+$0x5060];
	[tilespmem:s7+$0x60] =	vst v7;
	v7 =	vmax.f32 v1, $0.0e+00  }
0x116: {  	v1 =	vld [tilespmem:s25+$0x5070];
	[tilespmem:s7+$0x70] =	vst v7;
	s7 =	smov.u32 s25  }
0x117: {  	v7 =	vld [tilespmem:s7+$0x0]  }
0x118: {  	v12 =	vld [tilespmem:s7+$0x10]  }
.Ltmp3:
0x119: {  	v11 =	vld [tilespmem:s7+$0x20];
	(pc) =	sbr.rel @p0 .LBB2_9-.Ltmp3, $4  }
0x11a: {  	v10 =	vld [tilespmem:s7+$0x30]  }
0x11b: {  	v9 =	vld [tilespmem:s7+$0x40]  }
0x11c: {  	v13 =	vadd.f32 v14, v7;
	v8 =	vld [tilespmem:s7+$0x50]  }
0x11d: {  	s8 =	sadd.s32 $0x200, s8;
	v12 =	vadd.f32 v15, v12;
	v7 =	vld [tilespmem:s7+$0x60]  }
0x11e: {  	v13 =	vmax.f32 v13, $0.0e+00;
	v6 =	vadd.f32 v6, v11;
	v11 =	vld [tilespmem:s7+$0x70]  }
0x11f: {  	[tilespmem:s7+$0x0] =	vst v13;
	v12 =	vmax.f32 v12, $0.0e+00;
	v5 =	vadd.f32 v5, v10  }
0x120: {  	[tilespmem:s7+$0x10] =	vst v12;
	v6 =	vmax.f32 v6, $0.0e+00;
	v4 =	vadd.f32 v4, v9  }
0x121: {  	[tilespmem:s7+$0x20] =	vst v6;
	v5 =	vmax.f32 v5, $0.0e+00;
	v3 =	vadd.f32 v3, v8  }
0x122: {  	[tilespmem:s7+$0x30] =	vst v5;
	v4 =	vmax.f32 v4, $0.0e+00;
	v2 =	vadd.f32 v2, v7  }
0x123: {  	[tilespmem:s7+$0x40] =	vst v4;
	v3 =	vmax.f32 v3, $0.0e+00;
	v1 =	vadd.f32 v1, v11  }
0x124: {  	[tilespmem:s7+$0x50] =	vst v3;
	v2 =	vmax.f32 v2, $0.0e+00  }
0x125: {  	[tilespmem:s7+$0x60] =	vst v2;
	v1 =	vmax.f32 v1, $0.0e+00  }
0x126: {  	[tilespmem:s7+$0x70] =	vst v1  }
0x127: {  	[spmem:s2] =	stream.indirect.scatter.add.f32 [tilespmem:s4], [sflag:$0x9], $0x80, s28, s10, $0xb8;
	[tilespmem:$0x1E400] =	vst v63  }
0x128: {  	_ =	swait.ge [sflag:s0], $0x2800  }
0x129: {  	[sflag:s0] =	ssyncset.done $0x0  }
0x12a: {  	[sflag:s0] =	ssyncadd.s32 $0xFFFFD800  }
0x12b: {  	_ =	swait.ge [sflag:s9], $0x50  }
0x12c: {  	s7 =	sadd.s32 $0x3, s21;
	[sflag:s9] =	ssyncset.done $0x0  }
0x12d: {  	p0 =	seq.s32 s23, $0x1E;
	s8 =	smul.u32 $0x2800, s7;
	[sflag:s9] =	ssyncadd.s32 $0xFFFFFFB0  }
0x12e: {  	s7 =	smul.u32 @!p0 $0x50, s7;
	_ =	swait.ge [sflag:s9], $0x50  }
0x12f: {  	s8 =	sshrl.u32 s8, $0x3;
	[sflag:s9] =	ssyncset.done $0x0  }
0x130: {  	s7 =	sshrl.u32 @!p0 s7, $0x3;
	s8 =	sadd.s32 s5, s8;
	[sflag:s9] =	ssyncadd.s32 $0xFFFFFFB0  }
0x131: {  	[tilespmem:s4], [sflag:$0x1] =	stream.indirect.gather [hbm4b:s1+s10], $0x80, s3, s10, $0xb8;
	[tilespmem:$0x1E400] =	vst v63  }
0x132: {  	s7 =	sadd.s32 @!p0 $0x14, s7;
	s8 =	sadd.s32 $0x500, s8  }
0x133: {  	[tilespmem:s11], [sflag:$0x3] =	stream.linear.gather [hbm4b:s8+s4], $0x2800, $0x38;
	[tilespmem:$0x1E400] =	vst v63  }
0x134: {  	s25 =	simm.s32 @!p0 $0xA080;
	s21 =	simm.s32 @!p0 $0x0;
	s8 =	sadd.s32 @!p0 s14, s7  }
0x135: {  	[tilespmem:s25], [sflag:$0x6] =	stream.linear.gather @!p0 [hbm4b:s8+s21], $0x50, $0x38;
	[tilespmem:$0x1E400] =	vst v63  }
0x136: {  	s7 =	sadd.s32 @!p0 s15, s7;
	s8 =	simm.s32 @!p0 $0xA280  }
0x137: {  	[tilespmem:s8], [sflag:$0x6] =	stream.linear.gather @!p0 [hbm4b:s7+s21], $0x50, $0x38;
	[tilespmem:$0x1E400] =	vst v63  }
0x138: {  	_ =	swait.ge [sflag:s18], $0x2800  }
0x139: {  	[sflag:s18] =	ssyncset.done $0x0  }
0x13a: {  	[sflag:s18] =	ssyncadd.s32 $0xFFFFD800  }
0x13b: {  	_ =	swait.ge [sflag:s19], $0x2800  }
0x13c: {  	[sflag:s19] =	ssyncset.done $0x0  }
0x13d: {  	s7 =	simm.s32 $0x0;
	[sflag:s19] =	ssyncadd.s32 $0xFFFFD800  }
0x13e: {  	v7 =	vld [tilespmem:s7+$0x7800]  }
0x13f: {  	v12 =	vld [tilespmem:s7+$0x7810]  }
0x140: {  	v6 =	vld [tilespmem:s7+$0x7820]  }
0x141: {  	v5 =	vld [tilespmem:s7+$0x7830]  }
0x142: {  	v4 =	vld [tilespmem:s7+$0x7840]  }
0x143: {  	v3 =	vld [tilespmem:s7+$0x7850]  }
0x144: {  	v2 =	vld [tilespmem:s7+$0x7860]  }
0x145: {  	v1 =	vld [tilespmem:s7+$0x7870]  }
0x146: {  	v13 =	vld [tilespmem:s7+$0x2800]  }
0x147: {  	v14 =	vld [tilespmem:s7+$0x2810]  }
0x148: {  	v11 =	vld [tilespmem:s7+$0x2820]  }
0x149: {  	v10 =	vld [tilespmem:s7+$0x2830]  }
0x14a: {  	v9 =	vld [tilespmem:s7+$0x2840]  }
0x14b: {  	v8 =	vld [tilespmem:s7+$0x2850];
	v13 =	vadd.f32 v7, v13  }
0x14c: {  	s8 =	simm.s32 $0x200;
	v12 =	vadd.f32 v12, v14;
	v7 =	vld [tilespmem:s7+$0x2860]  }
.LBB2_11:
0x14d: {  	s21 =	sshra.s32 s8, $0x2;
	p0 =	sne.s32 s8, $0x9E00;
	v13 =	vmax.f32 v13, $0.0e+00;
	v6 =	vadd.f32 v6, v11;
	v11 =	vld [tilespmem:s7+$0x2870]  }
0x14e: {  	v14 =	vld [tilespmem:s21+$0x7800];
	[tilespmem:s7+$0x2800] =	vst v13;
	v12 =	vmax.f32 v12, $0.0e+00;
	v5 =	vadd.f32 v5, v10  }
0x14f: {  	v15 =	vld [tilespmem:s21+$0x7810];
	[tilespmem:s7+$0x2810] =	vst v12;
	v10 =	vmax.f32 v6, $0.0e+00;
	v4 =	vadd.f32 v4, v9  }
0x150: {  	v6 =	vld [tilespmem:s21+$0x7820];
	[tilespmem:s7+$0x2820] =	vst v10;
	v9 =	vmax.f32 v5, $0.0e+00;
	v3 =	vadd.f32 v3, v8  }
0x151: {  	v5 =	vld [tilespmem:s21+$0x7830];
	[tilespmem:s7+$0x2830] =	vst v9;
	v8 =	vmax.f32 v4, $0.0e+00;
	v2 =	vadd.f32 v2, v7  }
0x152: {  	v4 =	vld [tilespmem:s21+$0x7840];
	[tilespmem:s7+$0x2840] =	vst v8;
	v7 =	vmax.f32 v3, $0.0e+00;
	v1 =	vadd.f32 v1, v11  }
0x153: {  	v3 =	vld [tilespmem:s21+$0x7850];
	[tilespmem:s7+$0x2850] =	vst v7;
	v7 =	vmax.f32 v2, $0.0e+00  }
0x154: {  	v2 =	vld [tilespmem:s21+$0x7860];
	[tilespmem:s7+$0x2860] =	vst v7;
	v7 =	vmax.f32 v1, $0.0e+00  }
0x155: {  	v1 =	vld [tilespmem:s21+$0x7870];
	[tilespmem:s7+$0x2870] =	vst v7;
	s7 =	smov.u32 s21  }
0x156: {  	v7 =	vld [tilespmem:s7+$0x2800]  }
0x157: {  	v12 =	vld [tilespmem:s7+$0x2810]  }
.Ltmp4:
0x158: {  	v11 =	vld [tilespmem:s7+$0x2820];
	(pc) =	sbr.rel @p0 .LBB2_11-.Ltmp4, $4  }
0x159: {  	v10 =	vld [tilespmem:s7+$0x2830]  }
0x15a: {  	v9 =	vld [tilespmem:s7+$0x2840]  }
0x15b: {  	v13 =	vadd.f32 v14, v7;
	v8 =	vld [tilespmem:s7+$0x2850]  }
0x15c: {  	s8 =	sadd.s32 $0x200, s8;
	v12 =	vadd.f32 v15, v12;
	v7 =	vld [tilespmem:s7+$0x2860]  }
0x15d: {  	v13 =	vmax.f32 v13, $0.0e+00;
	v6 =	vadd.f32 v6, v11;
	v63 =	vld [tilespmem:s7+$0x2870]  }
0x15e: {  	[tilespmem:s7+$0x2800] =	vst v13;
	v12 =	vmax.f32 v12, $0.0e+00;
	v5 =	vadd.f32 v5, v10  }
0x15f: {  	[tilespmem:s7+$0x2810] =	vst v12;
	v6 =	vmax.f32 v6, $0.0e+00;
	v4 =	vadd.f32 v4, v9  }
0x160: {  	[tilespmem:s7+$0x2820] =	vst v6;
	v5 =	vmax.f32 v5, $0.0e+00;
	v3 =	vadd.f32 v3, v8  }
0x161: {  	[tilespmem:s7+$0x2830] =	vst v5;
	v4 =	vmax.f32 v4, $0.0e+00;
	v2 =	vadd.f32 v2, v7  }
0x162: {  	[tilespmem:s7+$0x2840] =	vst v4;
	v3 =	vmax.f32 v3, $0.0e+00;
	v1 =	vadd.f32 v1, v63  }
0x163: {  	s23 =	sadd.s32 $0x1, s23;
	[tilespmem:s7+$0x2850] =	vst v3;
	v2 =	vmax.f32 v2, $0.0e+00  }
0x164: {  	p0 =	sne.s32 s23, $0x1F;
	[tilespmem:s7+$0x2860] =	vst v2;
	v1 =	vmax.f32 v1, $0.0e+00  }
.Ltmp5:
0x165: {  	[tilespmem:s7+$0x2870] =	vst v1;
	(pc) =	sbr.rel @p0 .LBB2_4-.Ltmp5, $4  }
0x166: {  	[spmem:s2] =	stream.indirect.scatter.add.f32 [tilespmem:s13], [sflag:$0x9], $0x80, s17, s10, $0xb8;
	[tilespmem:$0x1E400] =	vst v63  }
0x167: {  	_ =	swait.ge [sflag:s0], $0x2800  }
0x168: {  	[sflag:s0] =	ssyncset.done $0x0  }
0x169: {  	s26 =	simm.s32 $0xA100;
	[sflag:s0] =	ssyncadd.s32 $0xFFFFD800  }
0x16a: {  	_ =	swait.ge [sflag:s29], $0x2800  }
0x16b: {  	[sflag:s29] =	ssyncset.done $0x0  }
0x16c: {  	[sflag:s29] =	ssyncadd.s32 $0xFFFFD800  }
0x16d: {  	_ =	swait.ge [sflag:s30], $0x2800  }
0x16e: {  	[sflag:s30] =	ssyncset.done $0x0  }
0x16f: {  	s7 =	simm.s32 $0x0;
	[sflag:s30] =	ssyncadd.s32 $0xFFFFD800  }
0x170: {  	v7 =	vld [tilespmem:s7+$0x5000]  }
0x171: {  	v12 =	vld [tilespmem:s7+$0x5010]  }
0x172: {  	v6 =	vld [tilespmem:s7+$0x5020]  }
0x173: {  	v5 =	vld [tilespmem:s7+$0x5030]  }
0x174: {  	v4 =	vld [tilespmem:s7+$0x5040]  }
0x175: {  	v3 =	vld [tilespmem:s7+$0x5050]  }
0x176: {  	v2 =	vld [tilespmem:s7+$0x5060]  }
0x177: {  	v1 =	vld [tilespmem:s7+$0x5070]  }
0x178: {  	v13 =	vld [tilespmem:s7+$0x0]  }
0x179: {  	v14 =	vld [tilespmem:s7+$0x10]  }
0x17a: {  	v11 =	vld [tilespmem:s7+$0x20]  }
0x17b: {  	v10 =	vld [tilespmem:s7+$0x30]  }
0x17c: {  	v9 =	vld [tilespmem:s7+$0x40]  }
0x17d: {  	v8 =	vld [tilespmem:s7+$0x50];
	v13 =	vadd.f32 v7, v13  }
0x17e: {  	s8 =	simm.s32 $0x200;
	v12 =	vadd.f32 v12, v14;
	v7 =	vld [tilespmem:s7+$0x60]  }
.LBB2_14:
0x17f: {  	s21 =	sshra.s32 s8, $0x2;
	p0 =	sne.s32 s8, $0x9E00;
	v13 =	vmax.f32 v13, $0.0e+00;
	v6 =	vadd.f32 v6, v11;
	v11 =	vld [tilespmem:s7+$0x70]  }
0x180: {  	v14 =	vld [tilespmem:s21+$0x5000];
	[tilespmem:s7+$0x0] =	vst v13;
	v12 =	vmax.f32 v12, $0.0e+00;
	v5 =	vadd.f32 v5, v10  }
0x181: {  	v15 =	vld [tilespmem:s21+$0x5010];
	[tilespmem:s7+$0x10] =	vst v12;
	v10 =	vmax.f32 v6, $0.0e+00;
	v4 =	vadd.f32 v4, v9  }
0x182: {  	v6 =	vld [tilespmem:s21+$0x5020];
	[tilespmem:s7+$0x20] =	vst v10;
	v9 =	vmax.f32 v5, $0.0e+00;
	v3 =	vadd.f32 v3, v8  }
0x183: {  	v5 =	vld [tilespmem:s21+$0x5030];
	[tilespmem:s7+$0x30] =	vst v9;
	v8 =	vmax.f32 v4, $0.0e+00;
	v2 =	vadd.f32 v2, v7  }
0x184: {  	v4 =	vld [tilespmem:s21+$0x5040];
	[tilespmem:s7+$0x40] =	vst v8;
	v7 =	vmax.f32 v3, $0.0e+00;
	v1 =	vadd.f32 v1, v11  }
0x185: {  	v3 =	vld [tilespmem:s21+$0x5050];
	[tilespmem:s7+$0x50] =	vst v7;
	v7 =	vmax.f32 v2, $0.0e+00  }
0x186: {  	v2 =	vld [tilespmem:s21+$0x5060];
	[tilespmem:s7+$0x60] =	vst v7;
	v7 =	vmax.f32 v1, $0.0e+00  }
0x187: {  	v1 =	vld [tilespmem:s21+$0x5070];
	[tilespmem:s7+$0x70] =	vst v7;
	s7 =	smov.u32 s21  }
0x188: {  	v7 =	vld [tilespmem:s7+$0x0]  }
0x189: {  	v12 =	vld [tilespmem:s7+$0x10]  }
.Ltmp6:
0x18a: {  	v11 =	vld [tilespmem:s7+$0x20];
	(pc) =	sbr.rel @p0 .LBB2_14-.Ltmp6, $4  }
0x18b: {  	v10 =	vld [tilespmem:s7+$0x30]  }
0x18c: {  	v9 =	vld [tilespmem:s7+$0x40]  }
0x18d: {  	v13 =	vadd.f32 v14, v7;
	v8 =	vld [tilespmem:s7+$0x50]  }
0x18e: {  	s8 =	sadd.s32 $0x200, s8;
	v12 =	vadd.f32 v15, v12;
	v7 =	vld [tilespmem:s7+$0x60]  }
0x18f: {  	v13 =	vmax.f32 v13, $0.0e+00;
	v6 =	vadd.f32 v6, v11;
	v63 =	vld [tilespmem:s7+$0x70]  }
0x190: {  	[tilespmem:s7+$0x0] =	vst v13;
	v12 =	vmax.f32 v12, $0.0e+00;
	v5 =	vadd.f32 v5, v10  }
0x191: {  	[tilespmem:s7+$0x10] =	vst v12;
	v6 =	vmax.f32 v6, $0.0e+00;
	v4 =	vadd.f32 v4, v9  }
0x192: {  	[tilespmem:s7+$0x20] =	vst v6;
	v5 =	vmax.f32 v5, $0.0e+00;
	v3 =	vadd.f32 v3, v8  }
0x193: {  	[tilespmem:s7+$0x30] =	vst v5;
	v4 =	vmax.f32 v4, $0.0e+00;
	v2 =	vadd.f32 v2, v7  }
0x194: {  	[tilespmem:s7+$0x40] =	vst v4;
	v3 =	vmax.f32 v3, $0.0e+00;
	v1 =	vadd.f32 v1, v63  }
0x195: {  	[tilespmem:s7+$0x50] =	vst v3;
	v2 =	vmax.f32 v2, $0.0e+00  }
0x196: {  	[tilespmem:s7+$0x60] =	vst v2;
	v1 =	vmax.f32 v1, $0.0e+00  }
0x197: {  	[tilespmem:s7+$0x70] =	vst v1  }
0x198: {  	[spmem:s2] =	stream.indirect.scatter.add.f32 [tilespmem:s4], [sflag:$0x9], $0x80, s6, s10, $0xb8;
	[tilespmem:$0x1E400] =	vst v63  }
0x199: {  	_ =	swait.ge [sflag:s0], $0x2800  }
0x19a: {  	[sflag:s0] =	ssyncset.done $0x0  }
0x19b: {  	[sflag:s0] =	ssyncadd.s32 $0xFFFFD800  }
0x19c: {  	s8 =	stileid.u32;
	[bflag:$0x0] =	sbarrier.arrive $0xFFFF  }
0x19d: {  	s7 =	sshll.u32 s8, $0x6;
	s23 =	rddreg [dreg:$0xc]  }
0x19e: {  	s7 =	sor.u32 $0x1C09, s7;
	s21 =	rddreg [dreg:$0x4];
	s8 =	sshrl.u32 s23, $0x3  }
0x19f: {  	[hbm:s21], [sflag:s7] =	dma.local [spmem:s8], $0x500  }
0x1a0: {  	_ =	swait.ge [sflag:s0], $0x500  }
0x1a1: {  	[sflag:s0] =	ssyncset.done $0x0;
	s25 =	rddreg [dreg:$0xd]  }
0x1a2: {  	s21 =	rddreg [dreg:$0x5];
	[sflag:s0] =	ssyncadd.s32 $0xFFFFFB00;
	s8 =	sshrl.u32 s25, $0x3  }
0x1a3: {  	[hbm:s21], [sflag:s7] =	dma.local [spmem:s8], $0x500  }
0x1a4: {  	_ =	swait.ge [sflag:s0], $0x500  }
0x1a5: {  	[sflag:s0] =	ssyncset.done $0x0;
	s21 =	rddreg [dreg:$0xe]  }
0x1a6: {  	[sflag:s0] =	ssyncadd.s32 $0xFFFFFB00;
	s8 =	sshrl.u32 s21, $0x3;
	s21 =	rddreg [dreg:$0x6]  }
0x1a7: {  	[hbm:s21], [sflag:s7] =	dma.local [spmem:s8], $0x500  }
0x1a8: {  	_ =	swait.ge [sflag:s0], $0x500  }
0x1a9: {  	[sflag:s0] =	ssyncset.done $0x0;
	s21 =	rddreg [dreg:$0xf]  }
0x1aa: {  	[sflag:s0] =	ssyncadd.s32 $0xFFFFFB00;
	s8 =	sshrl.u32 s21, $0x3;
	s21 =	rddreg [dreg:$0x7]  }
0x1ab: {  	[hbm:s21], [sflag:s7] =	dma.local [spmem:s8], $0x500  }
0x1ac: {  	_ =	swait.ge [sflag:s0], $0x500  }
0x1ad: {  	[sflag:s0] =	ssyncset.done $0x0;
	s21 =	rddreg [dreg:$0x10]  }
0x1ae: {  	[sflag:s0] =	ssyncadd.s32 $0xFFFFFB00;
	s8 =	sshrl.u32 s21, $0x3;
	s21 =	rddreg [dreg:$0x8]  }
0x1af: {  	[hbm:s21], [sflag:s7] =	dma.local [spmem:s8], $0x500  }
0x1b0: {  	_ =	swait.ge [sflag:s0], $0x500  }
0x1b1: {  	[sflag:s0] =	ssyncset.done $0x0;
	s21 =	rddreg [dreg:$0x11]  }
0x1b2: {  	[sflag:s0] =	ssyncadd.s32 $0xFFFFFB00;
	s8 =	sshrl.u32 s21, $0x3;
	s21 =	rddreg [dreg:$0x9]  }
0x1b3: {  	[hbm:s21], [sflag:s7] =	dma.local [spmem:s8], $0x500  }
0x1b4: {  	_ =	swait.ge [sflag:s0], $0x500  }
0x1b5: {  	[sflag:s0] =	ssyncset.done $0x0;
	s21 =	rddreg [dreg:$0x12]  }
0x1b6: {  	[sflag:s0] =	ssyncadd.s32 $0xFFFFFB00;
	s8 =	sshrl.u32 s21, $0x3;
	s21 =	rddreg [dreg:$0xa]  }
0x1b7: {  	[hbm:s21], [sflag:s7] =	dma.local [spmem:s8], $0x500  }
0x1b8: {  	_ =	swait.ge [sflag:s0], $0x500  }
0x1b9: {  	[sflag:s0] =	ssyncset.done $0x0;
	s21 =	rddreg [dreg:$0x13]  }
0x1ba: {  	[sflag:s0] =	ssyncadd.s32 $0xFFFFFB00;
	s8 =	sshrl.u32 s21, $0x3;
	s21 =	rddreg [dreg:$0xb]  }
0x1bb: {  	[hbm:s21], [sflag:s7] =	dma.local [spmem:s8], $0x500  }
0x1bc: {  	_ =	swait.ge [sflag:s0], $0x500  }
0x1bd: {  	s7 =	rddreg [dreg:$0x1a]  }
0x1be: {  	s21 =	rddreg [dreg:$0x19];
	s8 =	sadd.s32 $0x1, s7  }
0x1bf: {  	p0 =	sne.s32 s8, s21  }
.Ltmp7:
0x1c0: {  	_ = 	snop;
	(pc) =	sbr.rel @p0 .LBB2_1-.Ltmp7, $3  }
0x1c1: {  	_ =	sdelay $0x1  }
0x1c2: {  	[sflag:s0] =	ssyncset.done $0x0  }
0x1c3: {  	[sflag:s0] =	ssyncadd.s32 $0xFFFFFB00  }
0x1c4: {  	_ =	sfence.sel $0x180000  }
0x1c5: {  	[bflag:$0x0] =	sbarrier.arrive $0xFFFF  }
0x1c6: {  	_ =	strace $0x90000047  }
0x1c7: {  	s0 =	stileid.u32;
	[bflag:$0x2] =	sbarrier.arrive $0xFFFF  }
0x1c8: {  	p0 =	sne.s32 s0, $0x0;
	s0 =	rddreg [dreg:$0x3]  }
0x1c9: {  	s0 =	sadd.s32 @!p0 $0x100000, s0  }
0x1ca: {  	[sflag:s0] =	ssyncadd.tile.s32 @!p0 $0x1;
	_ =	shalt  }
.Lfunc_end2:
_tile_overlayer_lowered:
.L_overlay_start_2:
0x1cb: {  	(tag) =	ssettag $0x2  }
0x1cc: {  	s0 =	rddreg [dreg:$0x0];
	s2 =	stileid.u32  }
0x1cd: {  	s1 =	rddreg [dreg:$0x1];
	p0 =	sne.s32 s2, $0x0  }
0x1ce: {  	s3 =	rddreg [dreg:$0x2];
	[bflag:$0x3] =	sbarrier.arrive $0xFFFF;
	s2 =	simm.s32 @!p0 $0x1C09  }
0x1cf: {  	[timem:s3], [sflag:s2] =	dma.local @!p0 [hbm:s0], s1  }
0x1d0: {  	s0 =	simm.s32 @!p0 $0x9  }
0x1d1: {  	_ =	swait.ge @!p0 [sflag:s0], s1  }
0x1d2: {  	s1 =	ssub.s32 @!p0 $0x0, s1;
	[sflag:s0] =	ssyncset.done @!p0 $0x0  }
0x1d3: {  	[sflag:s0] =	ssyncadd.s32 @!p0 s1  }
0x1d4: {  	[bflag:$0x3] =	sbarrier.arrive $0xFFFF  }
0x1d5: {  	_ =	shalt  }

</sc_bundles>
